<compile_context>
chip_gen: v7x
topology: tpu7x:2x2x1
jax: 0.10.2.dev20260603
libtpu: 0.0.44.dev20260713+nightly
codegen_flags: <defaults>
</compile_context>

<pallas_src>
import math
from functools import partial

import numpy as np
import jax
import jax.numpy as jnp
from jax import lax
from jax.experimental import pallas as pl
from jax.experimental.pallas import tpu as pltpu
from jax.experimental.pallas import tpu_sc as plsc

HID = 256
NL = 5
NFD = 7
PH = 16
OH = 2
N = 100
E = 9900

NP = 128
EP = 10240
NW = 32
NET = EP // NW
SCH = 160
NSC = NET // SCH
GW = HID + 128
SW = HID + 128
BLK = 1024

_F32 = jnp.float32


def _pe_row99():
    pos = np.float32(99.0) + 1.0
    div = np.exp(np.arange(0, HID, 2, dtype=np.float32) * -(math.log(10000.0) / HID))
    row = np.zeros((1, HID), dtype=np.float32)
    row[0, 0::2] = np.sin(pos * div)
    row[0, 1::2] = np.cos(pos * div)
    return jnp.asarray(row)


def _dot(a, b):
    return jax.lax.dot_general(a, b, (((1,), (0,)), ((), ())),
                               preferred_element_type=_F32)


def _dotT(a, b):
    return jax.lax.dot_general(a, b, (((0,), (0,)), ((), ())),
                               preferred_element_type=_F32)


def _silu(v):
    return v * (1.0 / (1.0 + jnp.exp(-v)))


def _mish_(v):
    sp = jnp.maximum(v, 0.0) + jnp.log(1.0 + jnp.exp(-jnp.abs(v)))
    return v * jnp.tanh(sp)



def _prep_body(xf, cf, Wemb, bemb, pe99, hv_out, m_out):
    hv_out[...] = _dot(xf[...], Wemb[...]) + bemb[...] + pe99[...]
    rmask = (lax.broadcasted_iota(jnp.int32, (NP, 1), 0) < N).astype(_F32)
    m_out[...] = jnp.sum(_mish_(cf[...]) * rmask, axis=0, keepdims=True) / float(N)


def _nodeA_body(hv, xv, m, condWl, condBl, Wal, Wbl, Whl, be1l, w_e, b_e,
                hvf_out, Tr_out, Tc_out, u_out, v0_out):
    emb = _dot(m[...], condWl[...]) + condBl[...]
    hvf = emb[:, :HID] * hv[...] + emb[:, HID:]
    hvf_out[...] = hvf
    xvv = xv[...]
    Tr_out[...] = jnp.concatenate([_dot(hvf, Wal[...]), xvv], axis=1)
    Tc_out[...] = jnp.concatenate([_dot(hvf, Wbl[...]), xvv], axis=1)
    u_out[...] = _dot(w_e[...], Whl[...])
    v0_out[...] = _dot(b_e[...], Whl[...]) + be1l[...]


def _edge_body(zr, zc, ea, rowc, wrl, u, v0, We2l, be2l, Wc1l, bc1l, wc2l,
               acc_out):
    zrv = zr[...]
    zcv = zc[...]
    cd = zrv[:, HID:] - zcv[:, HID:]
    radial = jnp.sum(cd * cd, axis=1, keepdims=True)
    cdn = cd / (jnp.sqrt(radial) + 1e-8)
    z1 = zrv[:, :HID] + zcv[:, :HID] + radial * wrl[...] + ea[...] * u[...] + v0[...]
    t = _silu(z1)
    ef = _silu(_dot(t, We2l[...]) + be2l[...])
    c = _silu(_dot(ef, Wc1l[...]) + bc1l[...])
    cm = jnp.sum(c * wc2l[...], axis=1, keepdims=True)
    e3 = (lax.broadcasted_iota(jnp.int32, (BLK, 128), 1) == 3).astype(_F32)
    pay = jnp.concatenate([ef, cdn * cm + e3], axis=1)
    P = (rowc[...] == lax.broadcasted_iota(jnp.int32, (BLK, NP), 1)).astype(_F32)

    @pl.when(pl.program_id(0) == 0)
    def _init():
        acc_out[...] = jnp.zeros((NP, SW), _F32)

    acc_out[...] += _dotT(P, pay)


def _nodeB_body(hvf, xv, acc, Wn1l, bn1l, Wn2l, bn2l, hv_out, xv_out):
    a = acc[...]
    aggh = a[:, :HID]
    Sraw = a[:, HID:]
    cnt = jnp.maximum(Sraw[:, 3:4], 1.0)
    S = Sraw * (lax.broadcasted_iota(jnp.int32, (NP, 128), 1) != 3).astype(_F32)
    xv_out[...] = xv[...] + S / cnt
    hvf_v = hvf[...]
    nin = jnp.concatenate([hvf_v, aggh], axis=1)
    h_out = _dot(_silu(_dot(nin, Wn1l[...]) + bn1l[...]), Wn2l[...]) + bn2l[...]
    hv_out[...] = hvf_v + h_out


def _head_body(hv, Wp1, bp1, Wp2, bp2, Wp3, bp3, pred_out):
    rmask = (lax.broadcasted_iota(jnp.int32, (NP, 1), 0) < N).astype(_F32)
    g = _dotT(rmask, hv[...]) / float(N)
    h99 = hv[N - 1:N, :]
    cat = jnp.concatenate([g, h99], axis=1)
    h1 = jnp.maximum(_dot(cat, Wp1[...]) + bp1[...], 0.0)
    h2 = jnp.maximum(_dot(h1, Wp2[...]) + bp2[...], 0.0)
    pred_out[...] = _dot(h2, Wp3[...]) + bp3[...]


def _tc_call(body, out_shapes):
    return pl.pallas_call(
        body,
        out_shape=tuple(jax.ShapeDtypeStruct(s, _F32) for s in out_shapes))



_SC_CACHE = {}


def _sc_gather(Tr, Tc, rowi, coli):
    if "gather" not in _SC_CACHE:
        mesh = plsc.VectorSubcoreMesh(core_axis_name="c", subcore_axis_name="s")

        @partial(pl.kernel, mesh=mesh,
                 out_type=(jax.ShapeDtypeStruct((EP, GW), _F32),
                           jax.ShapeDtypeStruct((EP, GW), _F32)),
                 scratch_types=[pltpu.VMEM((SCH,), jnp.int32),
                                pltpu.VMEM((SCH,), jnp.int32),
                                pltpu.VMEM((SCH, GW), _F32),
                                pltpu.VMEM((SCH, GW), _F32),
                                pltpu.SemaphoreType.DMA,
                                pltpu.SemaphoreType.DMA])
        def gk(Tr, Tc, rowi, coli, outR, outC, ridx, cidx, bufR, bufC,
               semR, semC):
            wid = lax.axis_index("s") * 2 + lax.axis_index("c")
            base = wid * NET

            def chunk(ci, carry):
                off = base + ci * SCH
                pltpu.sync_copy(rowi.at[pl.ds(off, SCH)], ridx)
                pltpu.sync_copy(coli.at[pl.ds(off, SCH)], cidx)
                cpR = pltpu.async_copy(Tr.at[ridx], bufR, semR)
                cpC = pltpu.async_copy(Tc.at[cidx], bufC, semC)
                cpR.wait()
                cpC.wait()
                pltpu.sync_copy(bufR, outR.at[pl.ds(off, SCH)])
                pltpu.sync_copy(bufC, outC.at[pl.ds(off, SCH)])
                return carry

            lax.fori_loop(0, NSC, chunk, 0)

        _SC_CACHE["gather"] = gk
    return _SC_CACHE["gather"](Tr, Tc, rowi, coli)



def _pad_rows(a, rows):
    return jnp.pad(a, ((0, rows - a.shape[0]), (0, 0)))


_EDGE_GRID = pl.pallas_call


@jax.jit
def kernel(x, edge_index, edge_attr, x_coord, cond, params):
    p = params
    xf = _pad_rows(x.reshape(N, -1).astype(_F32), NP)
    cf = jnp.pad(cond.reshape(N, -1).astype(_F32), ((0, NP - N), (0, 8 - 3 * OH)))
    row = jnp.pad(edge_index[0].astype(jnp.int32), (0, EP - E),
                  constant_values=NP - 1)
    col = jnp.pad(edge_index[1].astype(jnp.int32), (0, EP - E),
                  constant_values=NP - 1)
    ea = jnp.pad(edge_attr.reshape(E, 1).astype(_F32), ((0, EP - E), (0, 0)))
    row2d = row.reshape(EP, 1)
    xv = jnp.pad(x_coord.astype(_F32), ((0, NP - N), (0, 128 - 3)))

    lyr = p['layers']
    condW = jnp.pad(p['cond_W'], ((0, 0), (0, 8 - 3 * OH), (0, 0)))
    condB = p['cond_b'].reshape(NL, 1, 2 * HID)
    w_e = p['edge_emb_W'].reshape(1, HID)
    b_e = p['edge_emb_b'].reshape(1, HID)

    hv, m = _tc_call(_prep_body, [(NP, HID), (1, 8)])(
        xf, cf, p['node_emb_W'], p['node_emb_b'].reshape(1, HID), _pe_row99())


    edge_call = pl.pallas_call(
        _edge_body,
        grid=(EP // BLK,),
        in_specs=[
            pl.BlockSpec((BLK, GW), lambda i: (i, 0)),
            pl.BlockSpec((BLK, GW), lambda i: (i, 0)),
            pl.BlockSpec((BLK, 1), lambda i: (i, 0)),
            pl.BlockSpec((BLK, 1), lambda i: (i, 0)),
            pl.BlockSpec((1, HID), lambda i: (0, 0)),
            pl.BlockSpec((1, HID), lambda i: (0, 0)),
            pl.BlockSpec((1, HID), lambda i: (0, 0)),
            pl.BlockSpec((HID, HID), lambda i: (0, 0)),
            pl.BlockSpec((1, HID), lambda i: (0, 0)),
            pl.BlockSpec((HID, HID), lambda i: (0, 0)),
            pl.BlockSpec((1, HID), lambda i: (0, 0)),
            pl.BlockSpec((1, HID), lambda i: (0, 0)),
        ],
        out_specs=pl.BlockSpec((NP, SW), lambda i: (0, 0)),
        out_shape=jax.ShapeDtypeStruct((NP, SW), _F32),
    )

    for l in range(NL):
        q = lyr[l]
        hvf, Tr, Tc, u, v0 = _tc_call(
            _nodeA_body, [(NP, HID), (NP, GW), (NP, GW), (1, HID), (1, HID)])(
            hv, xv, m, condW[l], condB[l],
            q['We1'][:HID], q['We1'][HID:2 * HID], q['We1'][2 * HID + 1:],
            q['be1'].reshape(1, HID), w_e, b_e)

        ZR, ZC = _sc_gather(Tr, Tc, row, col)

        acc = edge_call(ZR, ZC, ea, row2d,
                        q['We1'][2 * HID:2 * HID + 1], u, v0,
                        q['We2'], q['be2'].reshape(1, HID),
                        q['Wc1'], q['bc1'].reshape(1, HID),
                        q['Wc2'].reshape(1, HID))

        hv, xv = _tc_call(_nodeB_body, [(NP, HID), (NP, 128)])(
            hvf, xv, acc, q['Wn1'], q['bn1'].reshape(1, HID),
            q['Wn2'], q['bn2'].reshape(1, HID))

    pred = _tc_call(_head_body, [(1, NFD * PH)])(
        hv, p['Wp1'], p['bp1'].reshape(1, HID),
        p['Wp2'], p['bp2'].reshape(1, HID),
        p['Wp3'], p['bp3'].reshape(1, NFD * PH))[0]

    return pred.reshape(PH, NFD), xv[:N, :3]

# --- scband reference (transcript-rebuilt; emitter-appended) ---
"""Pipeline reference for scband-econditional-graph-denoising-network-75857712382447 (READ-ONLY COPY).

The authoritative reference and input builder live on the scoring server;
editing this copy changes nothing except your own understanding.
"""

import jax, jax.numpy as jnp
import numpy as np
import math

HID = 256
NL = 5
NFD = 7
PH = 16
OH = 2
N = 100
E = 9900


def _mish(v):
    return v * jnp.tanh(jax.nn.softplus(v))


def _make_pe(length, hidden):
    pos = np.arange(length, dtype=np.float32)[:, None] + 1.0
    div = np.exp(np.arange(0, hidden, 2, dtype=np.float32) * -(math.log(10000.0) / hidden))
    pe = np.zeros((length, hidden), dtype=np.float32)
    pe[:, 0::2] = np.sin(pos * div)
    pe[:, 1::2] = np.cos(pos * div)
    return jnp.asarray(pe)


def _lin(key, i, o, scale=0.05):
    return jax.random.normal(key, (i, o), dtype=jnp.float32) * scale


def setup_inputs(seed: int = 0):
    key = jax.random.key(seed)
    ks = jax.random.split(key, 32)
    x = jax.random.normal(ks[0], (N, PH, NFD), dtype=jnp.float32)
    edge_index = jax.random.randint(ks[1], (2, E), 0, N)
    edge_attr = jax.random.normal(ks[2], (E, 1), dtype=jnp.float32)
    x_coord = jax.random.normal(ks[3], (N, 3), dtype=jnp.float32)
    cond = jax.random.normal(ks[4], (N, OH, 3), dtype=jnp.float32)
    p = {}
    p['node_emb_W'] = _lin(ks[5], NFD * PH, HID)
    p['node_emb_b'] = jnp.zeros((HID,), jnp.float32)
    p['edge_emb_W'] = _lin(ks[6], 1, HID)
    p['edge_emb_b'] = jnp.zeros((HID,), jnp.float32)
    p['cond_W'] = jax.random.normal(ks[7], (NL, 3 * OH, 2 * HID), dtype=jnp.float32) * 0.05
    p['cond_b'] = jnp.zeros((NL, 2 * HID), jnp.float32)
    layers = []
    for l in range(NL):
        kk = jax.random.split(ks[8 + l], 8)
        layers.append({
            'We1': _lin(kk[0], 2 * HID + 1 + HID, HID), 'be1': jnp.zeros((HID,), jnp.float32),
            'We2': _lin(kk[1], HID, HID), 'be2': jnp.zeros((HID,), jnp.float32),
            'Wn1': _lin(kk[2], 2 * HID, HID), 'bn1': jnp.zeros((HID,), jnp.float32),
            'Wn2': _lin(kk[3], HID, HID), 'bn2': jnp.zeros((HID,), jnp.float32),
            'Wc1': _lin(kk[4], HID, HID), 'bc1': jnp.zeros((HID,), jnp.float32),
            'Wc2': _lin(kk[5], HID, 1, 0.001),
        })
    p['layers'] = layers
    p['Wp1'] = _lin(ks[20], 2 * HID, HID)
    p['bp1'] = jnp.zeros((HID,), jnp.float32)
    p['Wp2'] = _lin(ks[21], HID, HID)
    p['bp2'] = jnp.zeros((HID,), jnp.float32)
    p['Wp3'] = _lin(ks[22], HID, NFD * PH)
    p['bp3'] = jnp.zeros((NFD * PH,), jnp.float32)
    return {'x': x, 'edge_index': edge_index, 'edge_attr': edge_attr, 'x_coord': x_coord, 'cond': cond, 'params': p}


def _forward(x, edge_index, edge_attr, x_coord, cond, params):
    xf = x.reshape(x.shape[0], -1)
    condf = cond.reshape(cond.shape[0], -1)
    n_nodes = xf.shape[0]
    h_v = xf @ params['node_emb_W'] + params['node_emb_b']
    h_e = edge_attr.reshape(-1, 1) @ params['edge_emb_W'] + params['edge_emb_b']
    pe = _make_pe(100, HID)
    h_v = h_v + pe[n_nodes - 1]
    x_v = x_coord
    row = edge_index[0]
    col = edge_index[1]
    for l in range(NL):
        p = params['layers'][l]
        embed = _mish(condf) @ params['cond_W'][l] + params['cond_b'][l]
        embed = jnp.mean(embed, axis=0).reshape(1, 2, HID)
        scale = embed[:, 0, :]
        bias = embed[:, 1, :]
        h_v = scale * h_v + bias
        # E_GCL layer (normalize=True, residual=True, coords_agg='mean')
        coord_diff = x_v[row] - x_v[col]
        radial = jnp.sum(coord_diff ** 2, axis=1, keepdims=True)
        norm = jax.lax.stop_gradient(jnp.sqrt(radial)) + 1e-8
        coord_diff = coord_diff / norm
        e_in = jnp.concatenate([h_v[row], h_v[col], radial, h_e], axis=1)
        ef = jax.nn.silu(e_in @ p['We1'] + p['be1'])
        ef = jax.nn.silu(ef @ p['We2'] + p['be2'])
        cm = jax.nn.silu(ef @ p['Wc1'] + p['bc1']) @ p['Wc2']
        trans = coord_diff * cm
        seg_sum = jax.ops.segment_sum(trans, row, num_segments=n_nodes)
        cnt = jax.ops.segment_sum(jnp.ones((trans.shape[0], 1), jnp.float32), row, num_segments=n_nodes)
        agg = seg_sum / jnp.clip(cnt, 1.0, None)
        x_v = x_v + agg
        agg_h = jax.ops.segment_sum(ef, row, num_segments=n_nodes)
        nin = jnp.concatenate([h_v, agg_h], axis=1)
        h_out = jax.nn.silu(nin @ p['Wn1'] + p['bn1']) @ p['Wn2'] + p['bn2']
        h_v = h_v + h_out
    g = jnp.mean(h_v, axis=0)
    g = jnp.tile(g[None, :], (h_v.shape[0], 1))
    np_in = jnp.concatenate([g, h_v], axis=1)
    h1 = jax.nn.relu(np_in @ params['Wp1'] + params['bp1'])
    h2 = jax.nn.relu(h1 @ params['Wp2'] + params['bp2'])
    node_pred = h2 @ params['Wp3'] + params['bp3']
    node_pred = node_pred[h_v.shape[0] - 1].reshape(PH, NFD)
    return node_pred, x_v


def reference(x, edge_index, edge_attr, x_coord, cond, params):
    return _forward(x, edge_index, edge_attr, x_coord, cond, params)

if __name__ == "__main__":
    import jax
    _d = setup_inputs()
    print(jax.jit(kernel)(*tuple(_d.values())))

</pallas_src>

<mosaic_0001>
#map = affine_map<(d0, d1) -> (0, 0)>
#map1 = affine_map<(d0, d1) -> (0)>
module attributes {stable_mosaic.version = 14 : i64} {
  func.func @gk(%arg0: i32, %arg1: i32, %arg2: memref<128x384xf32, #tpu.memory_space<hbm>>, %arg3: memref<128x384xf32, #tpu.memory_space<hbm>>, %arg4: memref<10240xi32, #tpu.memory_space<hbm>>, %arg5: memref<10240xi32, #tpu.memory_space<hbm>>, %arg6: memref<10240x384xf32, #tpu.memory_space<hbm>>, %arg7: memref<10240x384xf32, #tpu.memory_space<hbm>>, %arg8: memref<160xi32, #tpu.memory_space<vmem>>, %arg9: memref<160xi32, #tpu.memory_space<vmem>>, %arg10: memref<160x384xf32, #tpu.memory_space<vmem>>, %arg11: memref<160x384xf32, #tpu.memory_space<vmem>>, %arg12: memref<!tpu.dma_semaphore, #tpu.memory_space<semaphore_mem>>, %arg13: memref<!tpu.dma_semaphore, #tpu.memory_space<semaphore_mem>>) attributes {dimension_semantics = [#tpu.dimension_semantics<core_parallel>, #tpu.dimension_semantics<subcore_parallel>], iteration_bounds = array<i64: 2, 16>, scalar_prefetch = 0 : i64, scratch_operands = 6 : i64, tpu.core_type = #tpu.core_type<sc_vector_subcore>, window_params = [{transform_indices = #map}, {transform_indices = #map}, {transform_indices = #map1}, {transform_indices = #map1}, {transform_indices = #map}, {transform_indices = #map}]} {
    %mul3A = arith.constant 2 : i32
    %mul3A_0 = arith.muli %arg1, %mul3A : i32
    %add3A = arith.addi %mul3A_0, %arg0 : i32
    %mul3A_1 = arith.constant 320 : i32
    %mul3A_2 = arith.muli %add3A, %mul3A_1 : i32
    %scan3A = arith.constant 0 : i32
    %scan3A_3 = arith.constant 0 : i32
    %scan3A_4 = arith.constant 2 : i32
    %scan3A_5 = arith.addi %scan3A_3, %scan3A_4 : i32
    %scan3A_6 = arith.constant 1 : i32
    scf.for %scan3A_8 = %scan3A_3 to %scan3A_5 step %scan3A_6  : i32 {
      %mul3A_9 = arith.constant 160 : i32
      %mul3A_10 = arith.muli %scan3A_8, %mul3A_9 : i32
      %add3A_11 = arith.addi %mul3A_2, %mul3A_10 : i32
      "tpu.region"() ({
        %run_scoped3A = tpu.sem_alloc : memref<!tpu.dma_semaphore, #tpu.memory_space<semaphore_mem>>
        %dma_start3A_22 = tpu.memref_slice %arg4[%add3A_11] : memref<10240xi32, #tpu.memory_space<hbm>> -> memref<160xi32, #tpu.memory_space<hbm>>
        %dma_start3A_23 = tpu.memref_slice %arg4[%add3A_11] : memref<10240xi32, #tpu.memory_space<hbm>> -> memref<160xi32, #tpu.memory_space<hbm>>
        tpu.enqueue_dma source(%dma_start3A_23 : memref<160xi32, #tpu.memory_space<hbm>>) target(%arg8 : memref<160xi32, #tpu.memory_space<vmem>>) target_semaphore(%run_scoped3A : memref<!tpu.dma_semaphore, #tpu.memory_space<semaphore_mem>>)
        %dma_wait3A_24 = tpu.memref_slice %arg4[%add3A_11] : memref<10240xi32, #tpu.memory_space<hbm>> -> memref<160xi32, #tpu.memory_space<hbm>>
        %dma_wait3A_25 = tpu.memref_slice %arg4[%add3A_11] : memref<10240xi32, #tpu.memory_space<hbm>> -> memref<160xi32, #tpu.memory_space<hbm>>
        tpu.wait_dma2 semaphore(%run_scoped3A : memref<!tpu.dma_semaphore, #tpu.memory_space<semaphore_mem>>) src(%dma_wait3A_25 : memref<160xi32, #tpu.memory_space<hbm>>) dst(%arg8 : memref<160xi32, #tpu.memory_space<vmem>>)
        tpu.yield
      }) : () -> ()
      "tpu.region"() ({
        %run_scoped3A = tpu.sem_alloc : memref<!tpu.dma_semaphore, #tpu.memory_space<semaphore_mem>>
        %dma_start3A_22 = tpu.memref_slice %arg5[%add3A_11] : memref<10240xi32, #tpu.memory_space<hbm>> -> memref<160xi32, #tpu.memory_space<hbm>>
        %dma_start3A_23 = tpu.memref_slice %arg5[%add3A_11] : memref<10240xi32, #tpu.memory_space<hbm>> -> memref<160xi32, #tpu.memory_space<hbm>>
        tpu.enqueue_dma source(%dma_start3A_23 : memref<160xi32, #tpu.memory_space<hbm>>) target(%arg9 : memref<160xi32, #tpu.memory_space<vmem>>) target_semaphore(%run_scoped3A : memref<!tpu.dma_semaphore, #tpu.memory_space<semaphore_mem>>)
        %dma_wait3A_24 = tpu.memref_slice %arg5[%add3A_11] : memref<10240xi32, #tpu.memory_space<hbm>> -> memref<160xi32, #tpu.memory_space<hbm>>
        %dma_wait3A_25 = tpu.memref_slice %arg5[%add3A_11] : memref<10240xi32, #tpu.memory_space<hbm>> -> memref<160xi32, #tpu.memory_space<hbm>>
        tpu.wait_dma2 semaphore(%run_scoped3A : memref<!tpu.dma_semaphore, #tpu.memory_space<semaphore_mem>>) src(%dma_wait3A_25 : memref<160xi32, #tpu.memory_space<hbm>>) dst(%arg9 : memref<160xi32, #tpu.memory_space<vmem>>)
        tpu.yield
      }) : () -> ()
      %dma_start3A = arith.constant 0 : i32
      %dma_start3A_12 = arith.constant 0 : i32
      %dma_start3A_13 = tpu.memref_slice %arg2[%dma_start3A, %dma_start3A_12] : memref<128x384xf32, #tpu.memory_space<hbm>> -> memref<128x384xf32, #tpu.memory_space<hbm>>
      tpu.enqueue_indirect_dma source(%dma_start3A_13 : memref<128x384xf32, #tpu.memory_space<hbm>>) target(%arg10 : memref<160x384xf32, #tpu.memory_space<vmem>>) offsets(%arg8 : memref<160xi32, #tpu.memory_space<vmem>>) semaphore(%arg12 : memref<!tpu.dma_semaphore, #tpu.memory_space<semaphore_mem>>)
      %dma_start3A_14 = arith.constant 0 : i32
      %dma_start3A_15 = arith.constant 0 : i32
      %dma_start3A_16 = tpu.memref_slice %arg3[%dma_start3A_14, %dma_start3A_15] : memref<128x384xf32, #tpu.memory_space<hbm>> -> memref<128x384xf32, #tpu.memory_space<hbm>>
      tpu.enqueue_indirect_dma source(%dma_start3A_16 : memref<128x384xf32, #tpu.memory_space<hbm>>) target(%arg11 : memref<160x384xf32, #tpu.memory_space<vmem>>) offsets(%arg9 : memref<160xi32, #tpu.memory_space<vmem>>) semaphore(%arg13 : memref<!tpu.dma_semaphore, #tpu.memory_space<semaphore_mem>>)
      %dma_wait3A = arith.constant 0 : i32
      %dma_wait3A_17 = arith.constant 0 : i32
      %dma_wait3A_18 = tpu.memref_slice %arg2[%dma_wait3A, %dma_wait3A_17] : memref<128x384xf32, #tpu.memory_space<hbm>> -> memref<128x384xf32, #tpu.memory_space<hbm>>
      tpu.wait_indirect_dma semaphore(%arg12 : memref<!tpu.dma_semaphore, #tpu.memory_space<semaphore_mem>>) src(%dma_wait3A_18 : memref<128x384xf32, #tpu.memory_space<hbm>>) dst(%arg10 : memref<160x384xf32, #tpu.memory_space<vmem>>)
      %dma_wait3A_19 = arith.constant 0 : i32
      %dma_wait3A_20 = arith.constant 0 : i32
      %dma_wait3A_21 = tpu.memref_slice %arg3[%dma_wait3A_19, %dma_wait3A_20] : memref<128x384xf32, #tpu.memory_space<hbm>> -> memref<128x384xf32, #tpu.memory_space<hbm>>
      tpu.wait_indirect_dma semaphore(%arg13 : memref<!tpu.dma_semaphore, #tpu.memory_space<semaphore_mem>>) src(%dma_wait3A_21 : memref<128x384xf32, #tpu.memory_space<hbm>>) dst(%arg11 : memref<160x384xf32, #tpu.memory_space<vmem>>)
      "tpu.region"() ({
        %run_scoped3A = tpu.sem_alloc : memref<!tpu.dma_semaphore, #tpu.memory_space<semaphore_mem>>
        %dma_start3A_22 = arith.constant 0 : i32
        %dma_start3A_23 = tpu.memref_slice %arg6[%add3A_11, %dma_start3A_22] : memref<10240x384xf32, #tpu.memory_space<hbm>> -> memref<160x384xf32, #tpu.memory_space<hbm>>
        %dma_start3A_24 = arith.constant 0 : i32
        %dma_start3A_25 = tpu.memref_slice %arg6[%add3A_11, %dma_start3A_24] : memref<10240x384xf32, #tpu.memory_space<hbm>> -> memref<160x384xf32, #tpu.memory_space<hbm>>
        tpu.enqueue_dma source(%arg10 : memref<160x384xf32, #tpu.memory_space<vmem>>) target(%dma_start3A_25 : memref<160x384xf32, #tpu.memory_space<hbm>>) target_semaphore(%run_scoped3A : memref<!tpu.dma_semaphore, #tpu.memory_space<semaphore_mem>>)
        %dma_wait3A_26 = arith.constant 0 : i32
        %dma_wait3A_27 = tpu.memref_slice %arg6[%add3A_11, %dma_wait3A_26] : memref<10240x384xf32, #tpu.memory_space<hbm>> -> memref<160x384xf32, #tpu.memory_space<hbm>>
        %dma_wait3A_28 = arith.constant 0 : i32
        %dma_wait3A_29 = tpu.memref_slice %arg6[%add3A_11, %dma_wait3A_28] : memref<10240x384xf32, #tpu.memory_space<hbm>> -> memref<160x384xf32, #tpu.memory_space<hbm>>
        tpu.wait_dma2 semaphore(%run_scoped3A : memref<!tpu.dma_semaphore, #tpu.memory_space<semaphore_mem>>) src(%arg10 : memref<160x384xf32, #tpu.memory_space<vmem>>) dst(%dma_wait3A_29 : memref<160x384xf32, #tpu.memory_space<hbm>>)
        tpu.yield
      }) : () -> ()
      "tpu.region"() ({
        %run_scoped3A = tpu.sem_alloc : memref<!tpu.dma_semaphore, #tpu.memory_space<semaphore_mem>>
        %dma_start3A_22 = arith.constant 0 : i32
        %dma_start3A_23 = tpu.memref_slice %arg7[%add3A_11, %dma_start3A_22] : memref<10240x384xf32, #tpu.memory_space<hbm>> -> memref<160x384xf32, #tpu.memory_space<hbm>>
        %dma_start3A_24 = arith.constant 0 : i32
        %dma_start3A_25 = tpu.memref_slice %arg7[%add3A_11, %dma_start3A_24] : memref<10240x384xf32, #tpu.memory_space<hbm>> -> memref<160x384xf32, #tpu.memory_space<hbm>>
        tpu.enqueue_dma source(%arg11 : memref<160x384xf32, #tpu.memory_space<vmem>>) target(%dma_start3A_25 : memref<160x384xf32, #tpu.memory_space<hbm>>) target_semaphore(%run_scoped3A : memref<!tpu.dma_semaphore, #tpu.memory_space<semaphore_mem>>)
        %dma_wait3A_26 = arith.constant 0 : i32
        %dma_wait3A_27 = tpu.memref_slice %arg7[%add3A_11, %dma_wait3A_26] : memref<10240x384xf32, #tpu.memory_space<hbm>> -> memref<160x384xf32, #tpu.memory_space<hbm>>
        %dma_wait3A_28 = arith.constant 0 : i32
        %dma_wait3A_29 = tpu.memref_slice %arg7[%add3A_11, %dma_wait3A_28] : memref<10240x384xf32, #tpu.memory_space<hbm>> -> memref<160x384xf32, #tpu.memory_space<hbm>>
        tpu.wait_dma2 semaphore(%run_scoped3A : memref<!tpu.dma_semaphore, #tpu.memory_space<semaphore_mem>>) src(%arg11 : memref<160x384xf32, #tpu.memory_space<vmem>>) dst(%dma_wait3A_29 : memref<160x384xf32, #tpu.memory_space<hbm>>)
        tpu.yield
      }) : () -> ()
    }
    %scan3A_7 = arith.constant 2 : i32
    return
  }
}

#map = affine_map<(d0, d1) -> (0, 0)>
#map1 = affine_map<(d0, d1) -> (0)>
module attributes {stable_mosaic.version = 14 : i64} {
  func.func @gk(%arg0: i32, %arg1: i32, %arg2: memref<128x384xf32, #tpu.memory_space<hbm>>, %arg3: memref<128x384xf32, #tpu.memory_space<hbm>>, %arg4: memref<10240xi32, #tpu.memory_space<hbm>>, %arg5: memref<10240xi32, #tpu.memory_space<hbm>>, %arg6: memref<10240x384xf32, #tpu.memory_space<hbm>>, %arg7: memref<10240x384xf32, #tpu.memory_space<hbm>>, %arg8: memref<160xi32, #tpu.memory_space<vmem>>, %arg9: memref<160xi32, #tpu.memory_space<vmem>>, %arg10: memref<160x384xf32, #tpu.memory_space<vmem>>, %arg11: memref<160x384xf32, #tpu.memory_space<vmem>>, %arg12: memref<!tpu.dma_semaphore, #tpu.memory_space<semaphore_mem>>, %arg13: memref<!tpu.dma_semaphore, #tpu.memory_space<semaphore_mem>>) attributes {dimension_semantics = [#tpu.dimension_semantics<core_parallel>, #tpu.dimension_semantics<subcore_parallel>], iteration_bounds = array<i64: 2, 16>, scalar_prefetch = 0 : i64, scratch_operands = 6 : i64, tpu.core_type = #tpu.core_type<sc_vector_subcore>, window_params = [{transform_indices = #map}, {transform_indices = #map}, {transform_indices = #map1}, {transform_indices = #map1}, {transform_indices = #map}, {transform_indices = #map}]} {
    %mul3A = arith.constant 2 : i32
    %mul3A_0 = arith.muli %arg1, %mul3A : i32
    %add3A = arith.addi %mul3A_0, %arg0 : i32
    %mul3A_1 = arith.constant 320 : i32
    %mul3A_2 = arith.muli %add3A, %mul3A_1 : i32
    %scan3A = arith.constant 0 : i32
    %scan3A_3 = arith.constant 0 : i32
    %scan3A_4 = arith.constant 2 : i32
    %scan3A_5 = arith.addi %scan3A_3, %scan3A_4 : i32
    %scan3A_6 = arith.constant 1 : i32
    scf.for %scan3A_8 = %scan3A_3 to %scan3A_5 step %scan3A_6  : i32 {
      %mul3A_9 = arith.constant 160 : i32
      %mul3A_10 = arith.muli %scan3A_8, %mul3A_9 : i32
      %add3A_11 = arith.addi %mul3A_2, %mul3A_10 : i32
      "tpu.region"() ({
        %run_scoped3A = tpu.sem_alloc : memref<!tpu.dma_semaphore, #tpu.memory_space<semaphore_mem>>
        %dma_start3A_22 = tpu.memref_slice %arg4[%add3A_11] : memref<10240xi32, #tpu.memory_space<hbm>> -> memref<160xi32, #tpu.memory_space<hbm>>
        %dma_start3A_23 = tpu.memref_slice %arg4[%add3A_11] : memref<10240xi32, #tpu.memory_space<hbm>> -> memref<160xi32, #tpu.memory_space<hbm>>
        tpu.enqueue_dma source(%dma_start3A_23 : memref<160xi32, #tpu.memory_space<hbm>>) target(%arg8 : memref<160xi32, #tpu.memory_space<vmem>>) target_semaphore(%run_scoped3A : memref<!tpu.dma_semaphore, #tpu.memory_space<semaphore_mem>>)
        %dma_wait3A_24 = tpu.memref_slice %arg4[%add3A_11] : memref<10240xi32, #tpu.memory_space<hbm>> -> memref<160xi32, #tpu.memory_space<hbm>>
        %dma_wait3A_25 = tpu.memref_slice %arg4[%add3A_11] : memref<10240xi32, #tpu.memory_space<hbm>> -> memref<160xi32, #tpu.memory_space<hbm>>
        tpu.wait_dma2 semaphore(%run_scoped3A : memref<!tpu.dma_semaphore, #tpu.memory_space<semaphore_mem>>) src(%dma_wait3A_25 : memref<160xi32, #tpu.memory_space<hbm>>) dst(%arg8 : memref<160xi32, #tpu.memory_space<vmem>>)
        tpu.yield
      }) : () -> ()
      "tpu.region"() ({
        %run_scoped3A = tpu.sem_alloc : memref<!tpu.dma_semaphore, #tpu.memory_space<semaphore_mem>>
        %dma_start3A_22 = tpu.memref_slice %arg5[%add3A_11] : memref<10240xi32, #tpu.memory_space<hbm>> -> memref<160xi32, #tpu.memory_space<hbm>>
        %dma_start3A_23 = tpu.memref_slice %arg5[%add3A_11] : memref<10240xi32, #tpu.memory_space<hbm>> -> memref<160xi32, #tpu.memory_space<hbm>>
        tpu.enqueue_dma source(%dma_start3A_23 : memref<160xi32, #tpu.memory_space<hbm>>) target(%arg9 : memref<160xi32, #tpu.memory_space<vmem>>) target_semaphore(%run_scoped3A : memref<!tpu.dma_semaphore, #tpu.memory_space<semaphore_mem>>)
        %dma_wait3A_24 = tpu.memref_slice %arg5[%add3A_11] : memref<10240xi32, #tpu.memory_space<hbm>> -> memref<160xi32, #tpu.memory_space<hbm>>
        %dma_wait3A_25 = tpu.memref_slice %arg5[%add3A_11] : memref<10240xi32, #tpu.memory_space<hbm>> -> memref<160xi32, #tpu.memory_space<hbm>>
        tpu.wait_dma2 semaphore(%run_scoped3A : memref<!tpu.dma_semaphore, #tpu.memory_space<semaphore_mem>>) src(%dma_wait3A_25 : memref<160xi32, #tpu.memory_space<hbm>>) dst(%arg9 : memref<160xi32, #tpu.memory_space<vmem>>)
        tpu.yield
      }) : () -> ()
      %dma_start3A = arith.constant 0 : i32
      %dma_start3A_12 = arith.constant 0 : i32
      %dma_start3A_13 = tpu.memref_slice %arg2[%dma_start3A, %dma_start3A_12] : memref<128x384xf32, #tpu.memory_space<hbm>> -> memref<128x384xf32, #tpu.memory_space<hbm>>
      tpu.enqueue_indirect_dma source(%dma_start3A_13 : memref<128x384xf32, #tpu.memory_space<hbm>>) target(%arg10 : memref<160x384xf32, #tpu.memory_space<vmem>>) offsets(%arg8 : memref<160xi32, #tpu.memory_space<vmem>>) semaphore(%arg12 : memref<!tpu.dma_semaphore, #tpu.memory_space<semaphore_mem>>)
      %dma_start3A_14 = arith.constant 0 : i32
      %dma_start3A_15 = arith.constant 0 : i32
      %dma_start3A_16 = tpu.memref_slice %arg3[%dma_start3A_14, %dma_start3A_15] : memref<128x384xf32, #tpu.memory_space<hbm>> -> memref<128x384xf32, #tpu.memory_space<hbm>>
      tpu.enqueue_indirect_dma source(%dma_start3A_16 : memref<128x384xf32, #tpu.memory_space<hbm>>) target(%arg11 : memref<160x384xf32, #tpu.memory_space<vmem>>) offsets(%arg9 : memref<160xi32, #tpu.memory_space<vmem>>) semaphore(%arg13 : memref<!tpu.dma_semaphore, #tpu.memory_space<semaphore_mem>>)
      %dma_wait3A = arith.constant 0 : i32
      %dma_wait3A_17 = arith.constant 0 : i32
      %dma_wait3A_18 = tpu.memref_slice %arg2[%dma_wait3A, %dma_wait3A_17] : memref<128x384xf32, #tpu.memory_space<hbm>> -> memref<128x384xf32, #tpu.memory_space<hbm>>
      tpu.wait_indirect_dma semaphore(%arg12 : memref<!tpu.dma_semaphore, #tpu.memory_space<semaphore_mem>>) src(%dma_wait3A_18 : memref<128x384xf32, #tpu.memory_space<hbm>>) dst(%arg10 : memref<160x384xf32, #tpu.memory_space<vmem>>)
      %dma_wait3A_19 = arith.constant 0 : i32
      %dma_wait3A_20 = arith.constant 0 : i32
      %dma_wait3A_21 = tpu.memref_slice %arg3[%dma_wait3A_19, %dma_wait3A_20] : memref<128x384xf32, #tpu.memory_space<hbm>> -> memref<128x384xf32, #tpu.memory_space<hbm>>
      tpu.wait_indirect_dma semaphore(%arg13 : memref<!tpu.dma_semaphore, #tpu.memory_space<semaphore_mem>>) src(%dma_wait3A_21 : memref<128x384xf32, #tpu.memory_space<hbm>>) dst(%arg11 : memref<160x384xf32, #tpu.memory_space<vmem>>)
      "tpu.region"() ({
        %run_scoped3A = tpu.sem_alloc : memref<!tpu.dma_semaphore, #tpu.memory_space<semaphore_mem>>
        %dma_start3A_22 = arith.constant 0 : i32
        %dma_start3A_23 = tpu.memref_slice %arg6[%add3A_11, %dma_start3A_22] : memref<10240x384xf32, #tpu.memory_space<hbm>> -> memref<160x384xf32, #tpu.memory_space<hbm>>
        %dma_start3A_24 = arith.constant 0 : i32
        %dma_start3A_25 = tpu.memref_slice %arg6[%add3A_11, %dma_start3A_24] : memref<10240x384xf32, #tpu.memory_space<hbm>> -> memref<160x384xf32, #tpu.memory_space<hbm>>
        tpu.enqueue_dma source(%arg10 : memref<160x384xf32, #tpu.memory_space<vmem>>) target(%dma_start3A_25 : memref<160x384xf32, #tpu.memory_space<hbm>>) target_semaphore(%run_scoped3A : memref<!tpu.dma_semaphore, #tpu.memory_space<semaphore_mem>>)
        %dma_wait3A_26 = arith.constant 0 : i32
        %dma_wait3A_27 = tpu.memref_slice %arg6[%add3A_11, %dma_wait3A_26] : memref<10240x384xf32, #tpu.memory_space<hbm>> -> memref<160x384xf32, #tpu.memory_space<hbm>>
        %dma_wait3A_28 = arith.constant 0 : i32
        %dma_wait3A_29 = tpu.memref_slice %arg6[%add3A_11, %dma_wait3A_28] : memref<10240x384xf32, #tpu.memory_space<hbm>> -> memref<160x384xf32, #tpu.memory_space<hbm>>
        tpu.wait_dma2 semaphore(%run_scoped3A : memref<!tpu.dma_semaphore, #tpu.memory_space<semaphore_mem>>) src(%arg10 : memref<160x384xf32, #tpu.memory_space<vmem>>) dst(%dma_wait3A_29 : memref<160x384xf32, #tpu.memory_space<hbm>>)
        tpu.yield
      }) : () -> ()
      "tpu.region"() ({
        %run_scoped3A = tpu.sem_alloc : memref<!tpu.dma_semaphore, #tpu.memory_space<semaphore_mem>>
        %dma_start3A_22 = arith.constant 0 : i32
        %dma_start3A_23 = tpu.memref_slice %arg7[%add3A_11, %dma_start3A_22] : memref<10240x384xf32, #tpu.memory_space<hbm>> -> memref<160x384xf32, #tpu.memory_space<hbm>>
        %dma_start3A_24 = arith.constant 0 : i32
        %dma_start3A_25 = tpu.memref_slice %arg7[%add3A_11, %dma_start3A_24] : memref<10240x384xf32, #tpu.memory_space<hbm>> -> memref<160x384xf32, #tpu.memory_space<hbm>>
        tpu.enqueue_dma source(%arg11 : memref<160x384xf32, #tpu.memory_space<vmem>>) target(%dma_start3A_25 : memref<160x384xf32, #tpu.memory_space<hbm>>) target_semaphore(%run_scoped3A : memref<!tpu.dma_semaphore, #tpu.memory_space<semaphore_mem>>)
        %dma_wait3A_26 = arith.constant 0 : i32
        %dma_wait3A_27 = tpu.memref_slice %arg7[%add3A_11, %dma_wait3A_26] : memref<10240x384xf32, #tpu.memory_space<hbm>> -> memref<160x384xf32, #tpu.memory_space<hbm>>
        %dma_wait3A_28 = arith.constant 0 : i32
        %dma_wait3A_29 = tpu.memref_slice %arg7[%add3A_11, %dma_wait3A_28] : memref<10240x384xf32, #tpu.memory_space<hbm>> -> memref<160x384xf32, #tpu.memory_space<hbm>>
        tpu.wait_dma2 semaphore(%run_scoped3A : memref<!tpu.dma_semaphore, #tpu.memory_space<semaphore_mem>>) src(%arg11 : memref<160x384xf32, #tpu.memory_space<vmem>>) dst(%dma_wait3A_29 : memref<160x384xf32, #tpu.memory_space<hbm>>)
        tpu.yield
      }) : () -> ()
    }
    %scan3A_7 = arith.constant 2 : i32
    return
  }
}

#map = affine_map<(d0, d1) -> (0, 0)>
#map1 = affine_map<(d0, d1) -> (0)>
module attributes {stable_mosaic.version = 14 : i64} {
  func.func @gk(%arg0: i32, %arg1: i32, %arg2: memref<128x384xf32, #tpu.memory_space<hbm>>, %arg3: memref<128x384xf32, #tpu.memory_space<hbm>>, %arg4: memref<10240xi32, #tpu.memory_space<hbm>>, %arg5: memref<10240xi32, #tpu.memory_space<hbm>>, %arg6: memref<10240x384xf32, #tpu.memory_space<hbm>>, %arg7: memref<10240x384xf32, #tpu.memory_space<hbm>>, %arg8: memref<160xi32, #tpu.memory_space<vmem>>, %arg9: memref<160xi32, #tpu.memory_space<vmem>>, %arg10: memref<160x384xf32, #tpu.memory_space<vmem>>, %arg11: memref<160x384xf32, #tpu.memory_space<vmem>>, %arg12: memref<!tpu.dma_semaphore, #tpu.memory_space<semaphore_mem>>, %arg13: memref<!tpu.dma_semaphore, #tpu.memory_space<semaphore_mem>>) attributes {dimension_semantics = [#tpu.dimension_semantics<core_parallel>, #tpu.dimension_semantics<subcore_parallel>], iteration_bounds = array<i64: 2, 16>, scalar_prefetch = 0 : i64, scratch_operands = 6 : i64, tpu.core_type = #tpu.core_type<sc_vector_subcore>, window_params = [{transform_indices = #map}, {transform_indices = #map}, {transform_indices = #map1}, {transform_indices = #map1}, {transform_indices = #map}, {transform_indices = #map}]} {
    %mul3A = arith.constant 2 : i32
    %mul3A_0 = arith.muli %arg1, %mul3A : i32
    %add3A = arith.addi %mul3A_0, %arg0 : i32
    %mul3A_1 = arith.constant 320 : i32
    %mul3A_2 = arith.muli %add3A, %mul3A_1 : i32
    %scan3A = arith.constant 0 : i32
    %scan3A_3 = arith.constant 0 : i32
    %scan3A_4 = arith.constant 2 : i32
    %scan3A_5 = arith.addi %scan3A_3, %scan3A_4 : i32
    %scan3A_6 = arith.constant 1 : i32
    scf.for %scan3A_8 = %scan3A_3 to %scan3A_5 step %scan3A_6  : i32 {
      %mul3A_9 = arith.constant 160 : i32
      %mul3A_10 = arith.muli %scan3A_8, %mul3A_9 : i32
      %add3A_11 = arith.addi %mul3A_2, %mul3A_10 : i32
      "tpu.region"() ({
        %run_scoped3A = tpu.sem_alloc : memref<!tpu.dma_semaphore, #tpu.memory_space<semaphore_mem>>
        %dma_start3A_22 = tpu.memref_slice %arg4[%add3A_11] : memref<10240xi32, #tpu.memory_space<hbm>> -> memref<160xi32, #tpu.memory_space<hbm>>
        %dma_start3A_23 = tpu.memref_slice %arg4[%add3A_11] : memref<10240xi32, #tpu.memory_space<hbm>> -> memref<160xi32, #tpu.memory_space<hbm>>
        tpu.enqueue_dma source(%dma_start3A_23 : memref<160xi32, #tpu.memory_space<hbm>>) target(%arg8 : memref<160xi32, #tpu.memory_space<vmem>>) target_semaphore(%run_scoped3A : memref<!tpu.dma_semaphore, #tpu.memory_space<semaphore_mem>>)
        %dma_wait3A_24 = tpu.memref_slice %arg4[%add3A_11] : memref<10240xi32, #tpu.memory_space<hbm>> -> memref<160xi32, #tpu.memory_space<hbm>>
        %dma_wait3A_25 = tpu.memref_slice %arg4[%add3A_11] : memref<10240xi32, #tpu.memory_space<hbm>> -> memref<160xi32, #tpu.memory_space<hbm>>
        tpu.wait_dma2 semaphore(%run_scoped3A : memref<!tpu.dma_semaphore, #tpu.memory_space<semaphore_mem>>) src(%dma_wait3A_25 : memref<160xi32, #tpu.memory_space<hbm>>) dst(%arg8 : memref<160xi32, #tpu.memory_space<vmem>>)
        tpu.yield
      }) : () -> ()
      "tpu.region"() ({
        %run_scoped3A = tpu.sem_alloc : memref<!tpu.dma_semaphore, #tpu.memory_space<semaphore_mem>>
        %dma_start3A_22 = tpu.memref_slice %arg5[%add3A_11] : memref<10240xi32, #tpu.memory_space<hbm>> -> memref<160xi32, #tpu.memory_space<hbm>>
        %dma_start3A_23 = tpu.memref_slice %arg5[%add3A_11] : memref<10240xi32, #tpu.memory_space<hbm>> -> memref<160xi32, #tpu.memory_space<hbm>>
        tpu.enqueue_dma source(%dma_start3A_23 : memref<160xi32, #tpu.memory_space<hbm>>) target(%arg9 : memref<160xi32, #tpu.memory_space<vmem>>) target_semaphore(%run_scoped3A : memref<!tpu.dma_semaphore, #tpu.memory_space<semaphore_mem>>)
        %dma_wait3A_24 = tpu.memref_slice %arg5[%add3A_11] : memref<10240xi32, #tpu.memory_space<hbm>> -> memref<160xi32, #tpu.memory_space<hbm>>
        %dma_wait3A_25 = tpu.memref_slice %arg5[%add3A_11] : memref<10240xi32, #tpu.memory_space<hbm>> -> memref<160xi32, #tpu.memory_space<hbm>>
        tpu.wait_dma2 semaphore(%run_scoped3A : memref<!tpu.dma_semaphore, #tpu.memory_space<semaphore_mem>>) src(%dma_wait3A_25 : memref<160xi32, #tpu.memory_space<hbm>>) dst(%arg9 : memref<160xi32, #tpu.memory_space<vmem>>)
        tpu.yield
      }) : () -> ()
      %dma_start3A = arith.constant 0 : i32
      %dma_start3A_12 = arith.constant 0 : i32
      %dma_start3A_13 = tpu.memref_slice %arg2[%dma_start3A, %dma_start3A_12] : memref<128x384xf32, #tpu.memory_space<hbm>> -> memref<128x384xf32, #tpu.memory_space<hbm>>
      tpu.enqueue_indirect_dma source(%dma_start3A_13 : memref<128x384xf32, #tpu.memory_space<hbm>>) target(%arg10 : memref<160x384xf32, #tpu.memory_space<vmem>>) offsets(%arg8 : memref<160xi32, #tpu.memory_space<vmem>>) semaphore(%arg12 : memref<!tpu.dma_semaphore, #tpu.memory_space<semaphore_mem>>)
      %dma_start3A_14 = arith.constant 0 : i32
      %dma_start3A_15 = arith.constant 0 : i32
      %dma_start3A_16 = tpu.memref_slice %arg3[%dma_start3A_14, %dma_start3A_15] : memref<128x384xf32, #tpu.memory_space<hbm>> -> memref<128x384xf32, #tpu.memory_space<hbm>>
      tpu.enqueue_indirect_dma source(%dma_start3A_16 : memref<128x384xf32, #tpu.memory_space<hbm>>) target(%arg11 : memref<160x384xf32, #tpu.memory_space<vmem>>) offsets(%arg9 : memref<160xi32, #tpu.memory_space<vmem>>) semaphore(%arg13 : memref<!tpu.dma_semaphore, #tpu.memory_space<semaphore_mem>>)
      %dma_wait3A = arith.constant 0 : i32
      %dma_wait3A_17 = arith.constant 0 : i32
      %dma_wait3A_18 = tpu.memref_slice %arg2[%dma_wait3A, %dma_wait3A_17] : memref<128x384xf32, #tpu.memory_space<hbm>> -> memref<128x384xf32, #tpu.memory_space<hbm>>
      tpu.wait_indirect_dma semaphore(%arg12 : memref<!tpu.dma_semaphore, #tpu.memory_space<semaphore_mem>>) src(%dma_wait3A_18 : memref<128x384xf32, #tpu.memory_space<hbm>>) dst(%arg10 : memref<160x384xf32, #tpu.memory_space<vmem>>)
      %dma_wait3A_19 = arith.constant 0 : i32
      %dma_wait3A_20 = arith.constant 0 : i32
      %dma_wait3A_21 = tpu.memref_slice %arg3[%dma_wait3A_19, %dma_wait3A_20] : memref<128x384xf32, #tpu.memory_space<hbm>> -> memref<128x384xf32, #tpu.memory_space<hbm>>
      tpu.wait_indirect_dma semaphore(%arg13 : memref<!tpu.dma_semaphore, #tpu.memory_space<semaphore_mem>>) src(%dma_wait3A_21 : memref<128x384xf32, #tpu.memory_space<hbm>>) dst(%arg11 : memref<160x384xf32, #tpu.memory_space<vmem>>)
      "tpu.region"() ({
        %run_scoped3A = tpu.sem_alloc : memref<!tpu.dma_semaphore, #tpu.memory_space<semaphore_mem>>
        %dma_start3A_22 = arith.constant 0 : i32
        %dma_start3A_23 = tpu.memref_slice %arg6[%add3A_11, %dma_start3A_22] : memref<10240x384xf32, #tpu.memory_space<hbm>> -> memref<160x384xf32, #tpu.memory_space<hbm>>
        %dma_start3A_24 = arith.constant 0 : i32
        %dma_start3A_25 = tpu.memref_slice %arg6[%add3A_11, %dma_start3A_24] : memref<10240x384xf32, #tpu.memory_space<hbm>> -> memref<160x384xf32, #tpu.memory_space<hbm>>
        tpu.enqueue_dma source(%arg10 : memref<160x384xf32, #tpu.memory_space<vmem>>) target(%dma_start3A_25 : memref<160x384xf32, #tpu.memory_space<hbm>>) target_semaphore(%run_scoped3A : memref<!tpu.dma_semaphore, #tpu.memory_space<semaphore_mem>>)
        %dma_wait3A_26 = arith.constant 0 : i32
        %dma_wait3A_27 = tpu.memref_slice %arg6[%add3A_11, %dma_wait3A_26] : memref<10240x384xf32, #tpu.memory_space<hbm>> -> memref<160x384xf32, #tpu.memory_space<hbm>>
        %dma_wait3A_28 = arith.constant 0 : i32
        %dma_wait3A_29 = tpu.memref_slice %arg6[%add3A_11, %dma_wait3A_28] : memref<10240x384xf32, #tpu.memory_space<hbm>> -> memref<160x384xf32, #tpu.memory_space<hbm>>
        tpu.wait_dma2 semaphore(%run_scoped3A : memref<!tpu.dma_semaphore, #tpu.memory_space<semaphore_mem>>) src(%arg10 : memref<160x384xf32, #tpu.memory_space<vmem>>) dst(%dma_wait3A_29 : memref<160x384xf32, #tpu.memory_space<hbm>>)
        tpu.yield
      }) : () -> ()
      "tpu.region"() ({
        %run_scoped3A = tpu.sem_alloc : memref<!tpu.dma_semaphore, #tpu.memory_space<semaphore_mem>>
        %dma_start3A_22 = arith.constant 0 : i32
        %dma_start3A_23 = tpu.memref_slice %arg7[%add3A_11, %dma_start3A_22] : memref<10240x384xf32, #tpu.memory_space<hbm>> -> memref<160x384xf32, #tpu.memory_space<hbm>>
        %dma_start3A_24 = arith.constant 0 : i32
        %dma_start3A_25 = tpu.memref_slice %arg7[%add3A_11, %dma_start3A_24] : memref<10240x384xf32, #tpu.memory_space<hbm>> -> memref<160x384xf32, #tpu.memory_space<hbm>>
        tpu.enqueue_dma source(%arg11 : memref<160x384xf32, #tpu.memory_space<vmem>>) target(%dma_start3A_25 : memref<160x384xf32, #tpu.memory_space<hbm>>) target_semaphore(%run_scoped3A : memref<!tpu.dma_semaphore, #tpu.memory_space<semaphore_mem>>)
        %dma_wait3A_26 = arith.constant 0 : i32
        %dma_wait3A_27 = tpu.memref_slice %arg7[%add3A_11, %dma_wait3A_26] : memref<10240x384xf32, #tpu.memory_space<hbm>> -> memref<160x384xf32, #tpu.memory_space<hbm>>
        %dma_wait3A_28 = arith.constant 0 : i32
        %dma_wait3A_29 = tpu.memref_slice %arg7[%add3A_11, %dma_wait3A_28] : memref<10240x384xf32, #tpu.memory_space<hbm>> -> memref<160x384xf32, #tpu.memory_space<hbm>>
        tpu.wait_dma2 semaphore(%run_scoped3A : memref<!tpu.dma_semaphore, #tpu.memory_space<semaphore_mem>>) src(%arg11 : memref<160x384xf32, #tpu.memory_space<vmem>>) dst(%dma_wait3A_29 : memref<160x384xf32, #tpu.memory_space<hbm>>)
        tpu.yield
      }) : () -> ()
    }
    %scan3A_7 = arith.constant 2 : i32
    return
  }
}

#map = affine_map<(d0, d1) -> (0, 0)>
#map1 = affine_map<(d0, d1) -> (0)>
module attributes {stable_mosaic.version = 14 : i64} {
  func.func @gk(%arg0: i32, %arg1: i32, %arg2: memref<128x384xf32, #tpu.memory_space<hbm>>, %arg3: memref<128x384xf32, #tpu.memory_space<hbm>>, %arg4: memref<10240xi32, #tpu.memory_space<hbm>>, %arg5: memref<10240xi32, #tpu.memory_space<hbm>>, %arg6: memref<10240x384xf32, #tpu.memory_space<hbm>>, %arg7: memref<10240x384xf32, #tpu.memory_space<hbm>>, %arg8: memref<160xi32, #tpu.memory_space<vmem>>, %arg9: memref<160xi32, #tpu.memory_space<vmem>>, %arg10: memref<160x384xf32, #tpu.memory_space<vmem>>, %arg11: memref<160x384xf32, #tpu.memory_space<vmem>>, %arg12: memref<!tpu.dma_semaphore, #tpu.memory_space<semaphore_mem>>, %arg13: memref<!tpu.dma_semaphore, #tpu.memory_space<semaphore_mem>>) attributes {dimension_semantics = [#tpu.dimension_semantics<core_parallel>, #tpu.dimension_semantics<subcore_parallel>], iteration_bounds = array<i64: 2, 16>, scalar_prefetch = 0 : i64, scratch_operands = 6 : i64, tpu.core_type = #tpu.core_type<sc_vector_subcore>, window_params = [{transform_indices = #map}, {transform_indices = #map}, {transform_indices = #map1}, {transform_indices = #map1}, {transform_indices = #map}, {transform_indices = #map}]} {
    %mul3A = arith.constant 2 : i32
    %mul3A_0 = arith.muli %arg1, %mul3A : i32
    %add3A = arith.addi %mul3A_0, %arg0 : i32
    %mul3A_1 = arith.constant 320 : i32
    %mul3A_2 = arith.muli %add3A, %mul3A_1 : i32
    %scan3A = arith.constant 0 : i32
    %scan3A_3 = arith.constant 0 : i32
    %scan3A_4 = arith.constant 2 : i32
    %scan3A_5 = arith.addi %scan3A_3, %scan3A_4 : i32
    %scan3A_6 = arith.constant 1 : i32
    scf.for %scan3A_8 = %scan3A_3 to %scan3A_5 step %scan3A_6  : i32 {
      %mul3A_9 = arith.constant 160 : i32
      %mul3A_10 = arith.muli %scan3A_8, %mul3A_9 : i32
      %add3A_11 = arith.addi %mul3A_2, %mul3A_10 : i32
      "tpu.region"() ({
        %run_scoped3A = tpu.sem_alloc : memref<!tpu.dma_semaphore, #tpu.memory_space<semaphore_mem>>
        %dma_start3A_22 = tpu.memref_slice %arg4[%add3A_11] : memref<10240xi32, #tpu.memory_space<hbm>> -> memref<160xi32, #tpu.memory_space<hbm>>
        %dma_start3A_23 = tpu.memref_slice %arg4[%add3A_11] : memref<10240xi32, #tpu.memory_space<hbm>> -> memref<160xi32, #tpu.memory_space<hbm>>
        tpu.enqueue_dma source(%dma_start3A_23 : memref<160xi32, #tpu.memory_space<hbm>>) target(%arg8 : memref<160xi32, #tpu.memory_space<vmem>>) target_semaphore(%run_scoped3A : memref<!tpu.dma_semaphore, #tpu.memory_space<semaphore_mem>>)
        %dma_wait3A_24 = tpu.memref_slice %arg4[%add3A_11] : memref<10240xi32, #tpu.memory_space<hbm>> -> memref<160xi32, #tpu.memory_space<hbm>>
        %dma_wait3A_25 = tpu.memref_slice %arg4[%add3A_11] : memref<10240xi32, #tpu.memory_space<hbm>> -> memref<160xi32, #tpu.memory_space<hbm>>
        tpu.wait_dma2 semaphore(%run_scoped3A : memref<!tpu.dma_semaphore, #tpu.memory_space<semaphore_mem>>) src(%dma_wait3A_25 : memref<160xi32, #tpu.memory_space<hbm>>) dst(%arg8 : memref<160xi32, #tpu.memory_space<vmem>>)
        tpu.yield
      }) : () -> ()
      "tpu.region"() ({
        %run_scoped3A = tpu.sem_alloc : memref<!tpu.dma_semaphore, #tpu.memory_space<semaphore_mem>>
        %dma_start3A_22 = tpu.memref_slice %arg5[%add3A_11] : memref<10240xi32, #tpu.memory_space<hbm>> -> memref<160xi32, #tpu.memory_space<hbm>>
        %dma_start3A_23 = tpu.memref_slice %arg5[%add3A_11] : memref<10240xi32, #tpu.memory_space<hbm>> -> memref<160xi32, #tpu.memory_space<hbm>>
        tpu.enqueue_dma source(%dma_start3A_23 : memref<160xi32, #tpu.memory_space<hbm>>) target(%arg9 : memref<160xi32, #tpu.memory_space<vmem>>) target_semaphore(%run_scoped3A : memref<!tpu.dma_semaphore, #tpu.memory_space<semaphore_mem>>)
        %dma_wait3A_24 = tpu.memref_slice %arg5[%add3A_11] : memref<10240xi32, #tpu.memory_space<hbm>> -> memref<160xi32, #tpu.memory_space<hbm>>
        %dma_wait3A_25 = tpu.memref_slice %arg5[%add3A_11] : memref<10240xi32, #tpu.memory_space<hbm>> -> memref<160xi32, #tpu.memory_space<hbm>>
        tpu.wait_dma2 semaphore(%run_scoped3A : memref<!tpu.dma_semaphore, #tpu.memory_space<semaphore_mem>>) src(%dma_wait3A_25 : memref<160xi32, #tpu.memory_space<hbm>>) dst(%arg9 : memref<160xi32, #tpu.memory_space<vmem>>)
        tpu.yield
      }) : () -> ()
      %dma_start3A = arith.constant 0 : i32
      %dma_start3A_12 = arith.constant 0 : i32
      %dma_start3A_13 = tpu.memref_slice %arg2[%dma_start3A, %dma_start3A_12] : memref<128x384xf32, #tpu.memory_space<hbm>> -> memref<128x384xf32, #tpu.memory_space<hbm>>
      tpu.enqueue_indirect_dma source(%dma_start3A_13 : memref<128x384xf32, #tpu.memory_space<hbm>>) target(%arg10 : memref<160x384xf32, #tpu.memory_space<vmem>>) offsets(%arg8 : memref<160xi32, #tpu.memory_space<vmem>>) semaphore(%arg12 : memref<!tpu.dma_semaphore, #tpu.memory_space<semaphore_mem>>)
      %dma_start3A_14 = arith.constant 0 : i32
      %dma_start3A_15 = arith.constant 0 : i32
      %dma_start3A_16 = tpu.memref_slice %arg3[%dma_start3A_14, %dma_start3A_15] : memref<128x384xf32, #tpu.memory_space<hbm>> -> memref<128x384xf32, #tpu.memory_space<hbm>>
      tpu.enqueue_indirect_dma source(%dma_start3A_16 : memref<128x384xf32, #tpu.memory_space<hbm>>) target(%arg11 : memref<160x384xf32, #tpu.memory_space<vmem>>) offsets(%arg9 : memref<160xi32, #tpu.memory_space<vmem>>) semaphore(%arg13 : memref<!tpu.dma_semaphore, #tpu.memory_space<semaphore_mem>>)
      %dma_wait3A = arith.constant 0 : i32
      %dma_wait3A_17 = arith.constant 0 : i32
      %dma_wait3A_18 = tpu.memref_slice %arg2[%dma_wait3A, %dma_wait3A_17] : memref<128x384xf32, #tpu.memory_space<hbm>> -> memref<128x384xf32, #tpu.memory_space<hbm>>
      tpu.wait_indirect_dma semaphore(%arg12 : memref<!tpu.dma_semaphore, #tpu.memory_space<semaphore_mem>>) src(%dma_wait3A_18 : memref<128x384xf32, #tpu.memory_space<hbm>>) dst(%arg10 : memref<160x384xf32, #tpu.memory_space<vmem>>)
      %dma_wait3A_19 = arith.constant 0 : i32
      %dma_wait3A_20 = arith.constant 0 : i32
      %dma_wait3A_21 = tpu.memref_slice %arg3[%dma_wait3A_19, %dma_wait3A_20] : memref<128x384xf32, #tpu.memory_space<hbm>> -> memref<128x384xf32, #tpu.memory_space<hbm>>
      tpu.wait_indirect_dma semaphore(%arg13 : memref<!tpu.dma_semaphore, #tpu.memory_space<semaphore_mem>>) src(%dma_wait3A_21 : memref<128x384xf32, #tpu.memory_space<hbm>>) dst(%arg11 : memref<160x384xf32, #tpu.memory_space<vmem>>)
      "tpu.region"() ({
        %run_scoped3A = tpu.sem_alloc : memref<!tpu.dma_semaphore, #tpu.memory_space<semaphore_mem>>
        %dma_start3A_22 = arith.constant 0 : i32
        %dma_start3A_23 = tpu.memref_slice %arg6[%add3A_11, %dma_start3A_22] : memref<10240x384xf32, #tpu.memory_space<hbm>> -> memref<160x384xf32, #tpu.memory_space<hbm>>
        %dma_start3A_24 = arith.constant 0 : i32
        %dma_start3A_25 = tpu.memref_slice %arg6[%add3A_11, %dma_start3A_24] : memref<10240x384xf32, #tpu.memory_space<hbm>> -> memref<160x384xf32, #tpu.memory_space<hbm>>
        tpu.enqueue_dma source(%arg10 : memref<160x384xf32, #tpu.memory_space<vmem>>) target(%dma_start3A_25 : memref<160x384xf32, #tpu.memory_space<hbm>>) target_semaphore(%run_scoped3A : memref<!tpu.dma_semaphore, #tpu.memory_space<semaphore_mem>>)
        %dma_wait3A_26 = arith.constant 0 : i32
        %dma_wait3A_27 = tpu.memref_slice %arg6[%add3A_11, %dma_wait3A_26] : memref<10240x384xf32, #tpu.memory_space<hbm>> -> memref<160x384xf32, #tpu.memory_space<hbm>>
        %dma_wait3A_28 = arith.constant 0 : i32
        %dma_wait3A_29 = tpu.memref_slice %arg6[%add3A_11, %dma_wait3A_28] : memref<10240x384xf32, #tpu.memory_space<hbm>> -> memref<160x384xf32, #tpu.memory_space<hbm>>
        tpu.wait_dma2 semaphore(%run_scoped3A : memref<!tpu.dma_semaphore, #tpu.memory_space<semaphore_mem>>) src(%arg10 : memref<160x384xf32, #tpu.memory_space<vmem>>) dst(%dma_wait3A_29 : memref<160x384xf32, #tpu.memory_space<hbm>>)
        tpu.yield
      }) : () -> ()
      "tpu.region"() ({
        %run_scoped3A = tpu.sem_alloc : memref<!tpu.dma_semaphore, #tpu.memory_space<semaphore_mem>>
        %dma_start3A_22 = arith.constant 0 : i32
        %dma_start3A_23 = tpu.memref_slice %arg7[%add3A_11, %dma_start3A_22] : memref<10240x384xf32, #tpu.memory_space<hbm>> -> memref<160x384xf32, #tpu.memory_space<hbm>>
        %dma_start3A_24 = arith.constant 0 : i32
        %dma_start3A_25 = tpu.memref_slice %arg7[%add3A_11, %dma_start3A_24] : memref<10240x384xf32, #tpu.memory_space<hbm>> -> memref<160x384xf32, #tpu.memory_space<hbm>>
        tpu.enqueue_dma source(%arg11 : memref<160x384xf32, #tpu.memory_space<vmem>>) target(%dma_start3A_25 : memref<160x384xf32, #tpu.memory_space<hbm>>) target_semaphore(%run_scoped3A : memref<!tpu.dma_semaphore, #tpu.memory_space<semaphore_mem>>)
        %dma_wait3A_26 = arith.constant 0 : i32
        %dma_wait3A_27 = tpu.memref_slice %arg7[%add3A_11, %dma_wait3A_26] : memref<10240x384xf32, #tpu.memory_space<hbm>> -> memref<160x384xf32, #tpu.memory_space<hbm>>
        %dma_wait3A_28 = arith.constant 0 : i32
        %dma_wait3A_29 = tpu.memref_slice %arg7[%add3A_11, %dma_wait3A_28] : memref<10240x384xf32, #tpu.memory_space<hbm>> -> memref<160x384xf32, #tpu.memory_space<hbm>>
        tpu.wait_dma2 semaphore(%run_scoped3A : memref<!tpu.dma_semaphore, #tpu.memory_space<semaphore_mem>>) src(%arg11 : memref<160x384xf32, #tpu.memory_space<vmem>>) dst(%dma_wait3A_29 : memref<160x384xf32, #tpu.memory_space<hbm>>)
        tpu.yield
      }) : () -> ()
    }
    %scan3A_7 = arith.constant 2 : i32
    return
  }
}

#map = affine_map<(d0, d1) -> (0, 0)>
#map1 = affine_map<(d0, d1) -> (0)>
module attributes {stable_mosaic.version = 14 : i64} {
  func.func @gk(%arg0: i32, %arg1: i32, %arg2: memref<128x384xf32, #tpu.memory_space<hbm>>, %arg3: memref<128x384xf32, #tpu.memory_space<hbm>>, %arg4: memref<10240xi32, #tpu.memory_space<hbm>>, %arg5: memref<10240xi32, #tpu.memory_space<hbm>>, %arg6: memref<10240x384xf32, #tpu.memory_space<hbm>>, %arg7: memref<10240x384xf32, #tpu.memory_space<hbm>>, %arg8: memref<160xi32, #tpu.memory_space<vmem>>, %arg9: memref<160xi32, #tpu.memory_space<vmem>>, %arg10: memref<160x384xf32, #tpu.memory_space<vmem>>, %arg11: memref<160x384xf32, #tpu.memory_space<vmem>>, %arg12: memref<!tpu.dma_semaphore, #tpu.memory_space<semaphore_mem>>, %arg13: memref<!tpu.dma_semaphore, #tpu.memory_space<semaphore_mem>>) attributes {dimension_semantics = [#tpu.dimension_semantics<core_parallel>, #tpu.dimension_semantics<subcore_parallel>], iteration_bounds = array<i64: 2, 16>, scalar_prefetch = 0 : i64, scratch_operands = 6 : i64, tpu.core_type = #tpu.core_type<sc_vector_subcore>, window_params = [{transform_indices = #map}, {transform_indices = #map}, {transform_indices = #map1}, {transform_indices = #map1}, {transform_indices = #map}, {transform_indices = #map}]} {
    %mul3A = arith.constant 2 : i32
    %mul3A_0 = arith.muli %arg1, %mul3A : i32
    %add3A = arith.addi %mul3A_0, %arg0 : i32
    %mul3A_1 = arith.constant 320 : i32
    %mul3A_2 = arith.muli %add3A, %mul3A_1 : i32
    %scan3A = arith.constant 0 : i32
    %scan3A_3 = arith.constant 0 : i32
    %scan3A_4 = arith.constant 2 : i32
    %scan3A_5 = arith.addi %scan3A_3, %scan3A_4 : i32
    %scan3A_6 = arith.constant 1 : i32
    scf.for %scan3A_8 = %scan3A_3 to %scan3A_5 step %scan3A_6  : i32 {
      %mul3A_9 = arith.constant 160 : i32
      %mul3A_10 = arith.muli %scan3A_8, %mul3A_9 : i32
      %add3A_11 = arith.addi %mul3A_2, %mul3A_10 : i32
      "tpu.region"() ({
        %run_scoped3A = tpu.sem_alloc : memref<!tpu.dma_semaphore, #tpu.memory_space<semaphore_mem>>
        %dma_start3A_22 = tpu.memref_slice %arg4[%add3A_11] : memref<10240xi32, #tpu.memory_space<hbm>> -> memref<160xi32, #tpu.memory_space<hbm>>
        %dma_start3A_23 = tpu.memref_slice %arg4[%add3A_11] : memref<10240xi32, #tpu.memory_space<hbm>> -> memref<160xi32, #tpu.memory_space<hbm>>
        tpu.enqueue_dma source(%dma_start3A_23 : memref<160xi32, #tpu.memory_space<hbm>>) target(%arg8 : memref<160xi32, #tpu.memory_space<vmem>>) target_semaphore(%run_scoped3A : memref<!tpu.dma_semaphore, #tpu.memory_space<semaphore_mem>>)
        %dma_wait3A_24 = tpu.memref_slice %arg4[%add3A_11] : memref<10240xi32, #tpu.memory_space<hbm>> -> memref<160xi32, #tpu.memory_space<hbm>>
        %dma_wait3A_25 = tpu.memref_slice %arg4[%add3A_11] : memref<10240xi32, #tpu.memory_space<hbm>> -> memref<160xi32, #tpu.memory_space<hbm>>
        tpu.wait_dma2 semaphore(%run_scoped3A : memref<!tpu.dma_semaphore, #tpu.memory_space<semaphore_mem>>) src(%dma_wait3A_25 : memref<160xi32, #tpu.memory_space<hbm>>) dst(%arg8 : memref<160xi32, #tpu.memory_space<vmem>>)
        tpu.yield
      }) : () -> ()
      "tpu.region"() ({
        %run_scoped3A = tpu.sem_alloc : memref<!tpu.dma_semaphore, #tpu.memory_space<semaphore_mem>>
        %dma_start3A_22 = tpu.memref_slice %arg5[%add3A_11] : memref<10240xi32, #tpu.memory_space<hbm>> -> memref<160xi32, #tpu.memory_space<hbm>>
        %dma_start3A_23 = tpu.memref_slice %arg5[%add3A_11] : memref<10240xi32, #tpu.memory_space<hbm>> -> memref<160xi32, #tpu.memory_space<hbm>>
        tpu.enqueue_dma source(%dma_start3A_23 : memref<160xi32, #tpu.memory_space<hbm>>) target(%arg9 : memref<160xi32, #tpu.memory_space<vmem>>) target_semaphore(%run_scoped3A : memref<!tpu.dma_semaphore, #tpu.memory_space<semaphore_mem>>)
        %dma_wait3A_24 = tpu.memref_slice %arg5[%add3A_11] : memref<10240xi32, #tpu.memory_space<hbm>> -> memref<160xi32, #tpu.memory_space<hbm>>
        %dma_wait3A_25 = tpu.memref_slice %arg5[%add3A_11] : memref<10240xi32, #tpu.memory_space<hbm>> -> memref<160xi32, #tpu.memory_space<hbm>>
        tpu.wait_dma2 semaphore(%run_scoped3A : memref<!tpu.dma_semaphore, #tpu.memory_space<semaphore_mem>>) src(%dma_wait3A_25 : memref<160xi32, #tpu.memory_space<hbm>>) dst(%arg9 : memref<160xi32, #tpu.memory_space<vmem>>)
        tpu.yield
      }) : () -> ()
      %dma_start3A = arith.constant 0 : i32
      %dma_start3A_12 = arith.constant 0 : i32
      %dma_start3A_13 = tpu.memref_slice %arg2[%dma_start3A, %dma_start3A_12] : memref<128x384xf32, #tpu.memory_space<hbm>> -> memref<128x384xf32, #tpu.memory_space<hbm>>
      tpu.enqueue_indirect_dma source(%dma_start3A_13 : memref<128x384xf32, #tpu.memory_space<hbm>>) target(%arg10 : memref<160x384xf32, #tpu.memory_space<vmem>>) offsets(%arg8 : memref<160xi32, #tpu.memory_space<vmem>>) semaphore(%arg12 : memref<!tpu.dma_semaphore, #tpu.memory_space<semaphore_mem>>)
      %dma_start3A_14 = arith.constant 0 : i32
      %dma_start3A_15 = arith.constant 0 : i32
      %dma_start3A_16 = tpu.memref_slice %arg3[%dma_start3A_14, %dma_start3A_15] : memref<128x384xf32, #tpu.memory_space<hbm>> -> memref<128x384xf32, #tpu.memory_space<hbm>>
      tpu.enqueue_indirect_dma source(%dma_start3A_16 : memref<128x384xf32, #tpu.memory_space<hbm>>) target(%arg11 : memref<160x384xf32, #tpu.memory_space<vmem>>) offsets(%arg9 : memref<160xi32, #tpu.memory_space<vmem>>) semaphore(%arg13 : memref<!tpu.dma_semaphore, #tpu.memory_space<semaphore_mem>>)
      %dma_wait3A = arith.constant 0 : i32
      %dma_wait3A_17 = arith.constant 0 : i32
      %dma_wait3A_18 = tpu.memref_slice %arg2[%dma_wait3A, %dma_wait3A_17] : memref<128x384xf32, #tpu.memory_space<hbm>> -> memref<128x384xf32, #tpu.memory_space<hbm>>
      tpu.wait_indirect_dma semaphore(%arg12 : memref<!tpu.dma_semaphore, #tpu.memory_space<semaphore_mem>>) src(%dma_wait3A_18 : memref<128x384xf32, #tpu.memory_space<hbm>>) dst(%arg10 : memref<160x384xf32, #tpu.memory_space<vmem>>)
      %dma_wait3A_19 = arith.constant 0 : i32
      %dma_wait3A_20 = arith.constant 0 : i32
      %dma_wait3A_21 = tpu.memref_slice %arg3[%dma_wait3A_19, %dma_wait3A_20] : memref<128x384xf32, #tpu.memory_space<hbm>> -> memref<128x384xf32, #tpu.memory_space<hbm>>
      tpu.wait_indirect_dma semaphore(%arg13 : memref<!tpu.dma_semaphore, #tpu.memory_space<semaphore_mem>>) src(%dma_wait3A_21 : memref<128x384xf32, #tpu.memory_space<hbm>>) dst(%arg11 : memref<160x384xf32, #tpu.memory_space<vmem>>)
      "tpu.region"() ({
        %run_scoped3A = tpu.sem_alloc : memref<!tpu.dma_semaphore, #tpu.memory_space<semaphore_mem>>
        %dma_start3A_22 = arith.constant 0 : i32
        %dma_start3A_23 = tpu.memref_slice %arg6[%add3A_11, %dma_start3A_22] : memref<10240x384xf32, #tpu.memory_space<hbm>> -> memref<160x384xf32, #tpu.memory_space<hbm>>
        %dma_start3A_24 = arith.constant 0 : i32
        %dma_start3A_25 = tpu.memref_slice %arg6[%add3A_11, %dma_start3A_24] : memref<10240x384xf32, #tpu.memory_space<hbm>> -> memref<160x384xf32, #tpu.memory_space<hbm>>
        tpu.enqueue_dma source(%arg10 : memref<160x384xf32, #tpu.memory_space<vmem>>) target(%dma_start3A_25 : memref<160x384xf32, #tpu.memory_space<hbm>>) target_semaphore(%run_scoped3A : memref<!tpu.dma_semaphore, #tpu.memory_space<semaphore_mem>>)
        %dma_wait3A_26 = arith.constant 0 : i32
        %dma_wait3A_27 = tpu.memref_slice %arg6[%add3A_11, %dma_wait3A_26] : memref<10240x384xf32, #tpu.memory_space<hbm>> -> memref<160x384xf32, #tpu.memory_space<hbm>>
        %dma_wait3A_28 = arith.constant 0 : i32
        %dma_wait3A_29 = tpu.memref_slice %arg6[%add3A_11, %dma_wait3A_28] : memref<10240x384xf32, #tpu.memory_space<hbm>> -> memref<160x384xf32, #tpu.memory_space<hbm>>
        tpu.wait_dma2 semaphore(%run_scoped3A : memref<!tpu.dma_semaphore, #tpu.memory_space<semaphore_mem>>) src(%arg10 : memref<160x384xf32, #tpu.memory_space<vmem>>) dst(%dma_wait3A_29 : memref<160x384xf32, #tpu.memory_space<hbm>>)
        tpu.yield
      }) : () -> ()
      "tpu.region"() ({
        %run_scoped3A = tpu.sem_alloc : memref<!tpu.dma_semaphore, #tpu.memory_space<semaphore_mem>>
        %dma_start3A_22 = arith.constant 0 : i32
        %dma_start3A_23 = tpu.memref_slice %arg7[%add3A_11, %dma_start3A_22] : memref<10240x384xf32, #tpu.memory_space<hbm>> -> memref<160x384xf32, #tpu.memory_space<hbm>>
        %dma_start3A_24 = arith.constant 0 : i32
        %dma_start3A_25 = tpu.memref_slice %arg7[%add3A_11, %dma_start3A_24] : memref<10240x384xf32, #tpu.memory_space<hbm>> -> memref<160x384xf32, #tpu.memory_space<hbm>>
        tpu.enqueue_dma source(%arg11 : memref<160x384xf32, #tpu.memory_space<vmem>>) target(%dma_start3A_25 : memref<160x384xf32, #tpu.memory_space<hbm>>) target_semaphore(%run_scoped3A : memref<!tpu.dma_semaphore, #tpu.memory_space<semaphore_mem>>)
        %dma_wait3A_26 = arith.constant 0 : i32
        %dma_wait3A_27 = tpu.memref_slice %arg7[%add3A_11, %dma_wait3A_26] : memref<10240x384xf32, #tpu.memory_space<hbm>> -> memref<160x384xf32, #tpu.memory_space<hbm>>
        %dma_wait3A_28 = arith.constant 0 : i32
        %dma_wait3A_29 = tpu.memref_slice %arg7[%add3A_11, %dma_wait3A_28] : memref<10240x384xf32, #tpu.memory_space<hbm>> -> memref<160x384xf32, #tpu.memory_space<hbm>>
        tpu.wait_dma2 semaphore(%run_scoped3A : memref<!tpu.dma_semaphore, #tpu.memory_space<semaphore_mem>>) src(%arg11 : memref<160x384xf32, #tpu.memory_space<vmem>>) dst(%dma_wait3A_29 : memref<160x384xf32, #tpu.memory_space<hbm>>)
        tpu.yield
      }) : () -> ()
    }
    %scan3A_7 = arith.constant 2 : i32
    return
  }
}

module attributes {stable_mosaic.version = 14 : i64} {
  func.func @_nodeA_body(%arg0: memref<128x256xf32, #tpu.memory_space<vmem>>, %arg1: memref<128x128xf32, #tpu.memory_space<vmem>>, %arg2: memref<1x8xf32, #tpu.memory_space<vmem>>, %arg3: memref<8x512xf32, #tpu.memory_space<vmem>>, %arg4: memref<1x512xf32, #tpu.memory_space<vmem>>, %arg5: memref<256x256xf32, #tpu.memory_space<vmem>>, %arg6: memref<256x256xf32, #tpu.memory_space<vmem>>, %arg7: memref<256x256xf32, #tpu.memory_space<vmem>>, %arg8: memref<1x256xf32, #tpu.memory_space<vmem>>, %arg9: memref<1x256xf32, #tpu.memory_space<vmem>>, %arg10: memref<1x256xf32, #tpu.memory_space<vmem>>, %arg11: memref<128x256xf32, #tpu.memory_space<vmem>>, %arg12: memref<128x384xf32, #tpu.memory_space<vmem>>, %arg13: memref<128x384xf32, #tpu.memory_space<vmem>>, %arg14: memref<1x256xf32, #tpu.memory_space<vmem>>, %arg15: memref<1x256xf32, #tpu.memory_space<vmem>>) attributes {dimension_semantics = [], scalar_prefetch = 0 : i64, scratch_operands = 0 : i64, tpu.core_type = #tpu.core_type<tc>} {
    %get3A = arith.constant 0 : index
    %get3A_0 = arith.constant 0 : index
    %get3A_1 = vector.load %arg2[%get3A, %get3A_0] : memref<1x8xf32, #tpu.memory_space<vmem>>, vector<1x8xf32>
    %get3A_2 = arith.constant 0 : index
    %get3A_3 = arith.constant 0 : index
    %get3A_4 = vector.load %arg3[%get3A_2, %get3A_3] : memref<8x512xf32, #tpu.memory_space<vmem>>, vector<8x512xf32>
    %dot_general3A = arith.constant dense<0.000000e+00> : vector<1x512xf32>
    %dot_general3A_5 = tpu.matmul %get3A_1, %get3A_4, %dot_general3A {dimension_numbers = #tpu.dot_dimension_numbers<[1], [0], [0], [1], [0, 0, 1, 1], [], []>, transpose_lhs_hint = false} : vector<1x8xf32>, vector<8x512xf32>, vector<1x512xf32> -> vector<1x512xf32>
    %get3A_6 = arith.constant 0 : index
    %get3A_7 = arith.constant 0 : index
    %get3A_8 = vector.load %arg4[%get3A_6, %get3A_7] : memref<1x512xf32, #tpu.memory_space<vmem>>, vector<1x512xf32>
    %add3A = arith.addf %dot_general3A_5, %get3A_8 : vector<1x512xf32>
    %slice3A = vector.extract_strided_slice %add3A {offsets = [0, 0], sizes = [1, 256], strides = [1, 1]} : vector<1x512xf32> to vector<1x256xf32>
    %get3A_9 = arith.constant 0 : index
    %get3A_10 = arith.constant 0 : index
    %get3A_11 = vector.load %arg0[%get3A_9, %get3A_10] : memref<128x256xf32, #tpu.memory_space<vmem>>, vector<128x256xf32>
    %mul3A = vector.broadcast %slice3A : vector<1x256xf32> to vector<128x256xf32>
    %mul3A_12 = arith.mulf %mul3A, %get3A_11 : vector<128x256xf32>
    %slice3A_13 = vector.extract_strided_slice %add3A {offsets = [0, 256], sizes = [1, 256], strides = [1, 1]} : vector<1x512xf32> to vector<1x256xf32>
    %add3A_14 = vector.broadcast %slice3A_13 : vector<1x256xf32> to vector<128x256xf32>
    %add3A_15 = arith.addf %mul3A_12, %add3A_14 : vector<128x256xf32>
    %swap3A = arith.constant 0 : index
    %swap3A_16 = arith.constant 0 : index
    %swap3A_17 = vector.load %arg11[%swap3A, %swap3A_16] : memref<128x256xf32, #tpu.memory_space<vmem>>, vector<128x256xf32>
    tpu.vector_store %arg11[%swap3A, %swap3A_16], %add3A_15 {strides = array<i32>} : memref<128x256xf32, #tpu.memory_space<vmem>>, vector<128x256xf32>,
    %get3A_18 = arith.constant 0 : index
    %get3A_19 = arith.constant 0 : index
    %get3A_20 = vector.load %arg1[%get3A_18, %get3A_19] : memref<128x128xf32, #tpu.memory_space<vmem>>, vector<128x128xf32>
    %get3A_21 = arith.constant 0 : index
    %get3A_22 = arith.constant 0 : index
    %get3A_23 = vector.load %arg5[%get3A_21, %get3A_22] : memref<256x256xf32, #tpu.memory_space<vmem>>, vector<256x256xf32>
    %dot_general3A_24 = arith.constant dense<0.000000e+00> : vector<128x256xf32>
    %dot_general3A_25 = tpu.matmul %add3A_15, %get3A_23, %dot_general3A_24 {dimension_numbers = #tpu.dot_dimension_numbers<[1], [0], [0], [1], [0, 0, 1, 1], [], []>, transpose_lhs_hint = false} : vector<128x256xf32>, vector<256x256xf32>, vector<128x256xf32> -> vector<128x256xf32>
    %concatenate3A = tpu.concatenate %dot_general3A_25, %get3A_20 in 1 : vector<128x256xf32>, vector<128x128xf32> -> vector<128x384xf32>
    %swap3A_26 = arith.constant 0 : index
    %swap3A_27 = arith.constant 0 : index
    %swap3A_28 = vector.load %arg12[%swap3A_26, %swap3A_27] : memref<128x384xf32, #tpu.memory_space<vmem>>, vector<128x384xf32>
    tpu.vector_store %arg12[%swap3A_26, %swap3A_27], %concatenate3A {strides = array<i32>} : memref<128x384xf32, #tpu.memory_space<vmem>>, vector<128x384xf32>,
    %get3A_29 = arith.constant 0 : index
    %get3A_30 = arith.constant 0 : index
    %get3A_31 = vector.load %arg6[%get3A_29, %get3A_30] : memref<256x256xf32, #tpu.memory_space<vmem>>, vector<256x256xf32>
    %dot_general3A_32 = arith.constant dense<0.000000e+00> : vector<128x256xf32>
    %dot_general3A_33 = tpu.matmul %add3A_15, %get3A_31, %dot_general3A_32 {dimension_numbers = #tpu.dot_dimension_numbers<[1], [0], [0], [1], [0, 0, 1, 1], [], []>, transpose_lhs_hint = false} : vector<128x256xf32>, vector<256x256xf32>, vector<128x256xf32> -> vector<128x256xf32>
    %concatenate3A_34 = tpu.concatenate %dot_general3A_33, %get3A_20 in 1 : vector<128x256xf32>, vector<128x128xf32> -> vector<128x384xf32>
    %swap3A_35 = arith.constant 0 : index
    %swap3A_36 = arith.constant 0 : index
    %swap3A_37 = vector.load %arg13[%swap3A_35, %swap3A_36] : memref<128x384xf32, #tpu.memory_space<vmem>>, vector<128x384xf32>
    tpu.vector_store %arg13[%swap3A_35, %swap3A_36], %concatenate3A_34 {strides = array<i32>} : memref<128x384xf32, #tpu.memory_space<vmem>>, vector<128x384xf32>,
    %get3A_38 = arith.constant 0 : index
    %get3A_39 = arith.constant 0 : index
    %get3A_40 = vector.load %arg9[%get3A_38, %get3A_39] : memref<1x256xf32, #tpu.memory_space<vmem>>, vector<1x256xf32>
    %get3A_41 = arith.constant 0 : index
    %get3A_42 = arith.constant 0 : index
    %get3A_43 = vector.load %arg7[%get3A_41, %get3A_42] : memref<256x256xf32, #tpu.memory_space<vmem>>, vector<256x256xf32>
    %dot_general3A_44 = arith.constant dense<0.000000e+00> : vector<1x256xf32>
    %dot_general3A_45 = tpu.matmul %get3A_40, %get3A_43, %dot_general3A_44 {dimension_numbers = #tpu.dot_dimension_numbers<[1], [0], [0], [1], [0, 0, 1, 1], [], []>, transpose_lhs_hint = false} : vector<1x256xf32>, vector<256x256xf32>, vector<1x256xf32> -> vector<1x256xf32>
    %swap3A_46 = arith.constant 0 : index
    %swap3A_47 = arith.constant 0 : index
    %swap3A_48 = vector.load %arg14[%swap3A_46, %swap3A_47] : memref<1x256xf32, #tpu.memory_space<vmem>>, vector<1x256xf32>
    tpu.vector_store %arg14[%swap3A_46, %swap3A_47], %dot_general3A_45 {strides = array<i32>} : memref<1x256xf32, #tpu.memory_space<vmem>>, vector<1x256xf32>,
    %get3A_49 = arith.constant 0 : index
    %get3A_50 = arith.constant 0 : index
    %get3A_51 = vector.load %arg10[%get3A_49, %get3A_50] : memref<1x256xf32, #tpu.memory_space<vmem>>, vector<1x256xf32>
    %get3A_52 = arith.constant 0 : index
    %get3A_53 = arith.constant 0 : index
    %get3A_54 = vector.load %arg7[%get3A_52, %get3A_53] : memref<256x256xf32, #tpu.memory_space<vmem>>, vector<256x256xf32>
    %dot_general3A_55 = arith.constant dense<0.000000e+00> : vector<1x256xf32>
    %dot_general3A_56 = tpu.matmul %get3A_51, %get3A_54, %dot_general3A_55 {dimension_numbers = #tpu.dot_dimension_numbers<[1], [0], [0], [1], [0, 0, 1, 1], [], []>, transpose_lhs_hint = false} : vector<1x256xf32>, vector<256x256xf32>, vector<1x256xf32> -> vector<1x256xf32>
    %get3A_57 = arith.constant 0 : index
    %get3A_58 = arith.constant 0 : index
    %get3A_59 = vector.load %arg8[%get3A_57, %get3A_58] : memref<1x256xf32, #tpu.memory_space<vmem>>, vector<1x256xf32>
    %add3A_60 = arith.addf %dot_general3A_56, %get3A_59 : vector<1x256xf32>
    %swap3A_61 = arith.constant 0 : index
    %swap3A_62 = arith.constant 0 : index
    %swap3A_63 = vector.load %arg15[%swap3A_61, %swap3A_62] : memref<1x256xf32, #tpu.memory_space<vmem>>, vector<1x256xf32>
    tpu.vector_store %arg15[%swap3A_61, %swap3A_62], %add3A_60 {strides = array<i32>} : memref<1x256xf32, #tpu.memory_space<vmem>>, vector<1x256xf32>,
    return
  }
}

module attributes {stable_mosaic.version = 14 : i64} {
  func.func @_prep_body(%arg0: memref<128x112xf32, #tpu.memory_space<vmem>>, %arg1: memref<128x8xf32, #tpu.memory_space<vmem>>, %arg2: memref<112x256xf32, #tpu.memory_space<vmem>>, %arg3: memref<1x256xf32, #tpu.memory_space<vmem>>, %arg4: memref<1x256xf32, #tpu.memory_space<vmem>>, %arg5: memref<128x256xf32, #tpu.memory_space<vmem>>, %arg6: memref<1x8xf32, #tpu.memory_space<vmem>>) attributes {dimension_semantics = [], scalar_prefetch = 0 : i64, scratch_operands = 0 : i64, tpu.core_type = #tpu.core_type<tc>} {
    %get3A = arith.constant 0 : index
    %get3A_0 = arith.constant 0 : index
    %get3A_1 = vector.load %arg0[%get3A, %get3A_0] : memref<128x112xf32, #tpu.memory_space<vmem>>, vector<128x112xf32>
    %get3A_2 = arith.constant 0 : index
    %get3A_3 = arith.constant 0 : index
    %get3A_4 = vector.load %arg2[%get3A_2, %get3A_3] : memref<112x256xf32, #tpu.memory_space<vmem>>, vector<112x256xf32>
    %dot_general3A = arith.constant dense<0.000000e+00> : vector<128x256xf32>
    %dot_general3A_5 = tpu.matmul %get3A_1, %get3A_4, %dot_general3A {dimension_numbers = #tpu.dot_dimension_numbers<[1], [0], [0], [1], [0, 0, 1, 1], [], []>, transpose_lhs_hint = false} : vector<128x112xf32>, vector<112x256xf32>, vector<128x256xf32> -> vector<128x256xf32>
    %get3A_6 = arith.constant 0 : index
    %get3A_7 = arith.constant 0 : index
    %get3A_8 = vector.load %arg3[%get3A_6, %get3A_7] : memref<1x256xf32, #tpu.memory_space<vmem>>, vector<1x256xf32>
    %add3A = vector.broadcast %get3A_8 : vector<1x256xf32> to vector<128x256xf32>
    %add3A_9 = arith.addf %dot_general3A_5, %add3A : vector<128x256xf32>
    %get3A_10 = arith.constant 0 : index
    %get3A_11 = arith.constant 0 : index
    %get3A_12 = vector.load %arg4[%get3A_10, %get3A_11] : memref<1x256xf32, #tpu.memory_space<vmem>>, vector<1x256xf32>
    %add3A_13 = vector.broadcast %get3A_12 : vector<1x256xf32> to vector<128x256xf32>
    %add3A_14 = arith.addf %add3A_9, %add3A_13 : vector<128x256xf32>
    %swap3A = arith.constant 0 : index
    %swap3A_15 = arith.constant 0 : index
    %swap3A_16 = vector.load %arg5[%swap3A, %swap3A_15] : memref<128x256xf32, #tpu.memory_space<vmem>>, vector<128x256xf32>
    tpu.vector_store %arg5[%swap3A, %swap3A_15], %add3A_14 {strides = array<i32>} : memref<128x256xf32, #tpu.memory_space<vmem>>, vector<128x256xf32>,
    %iota3A = tpu.iota {dimensions = array<i32: 0>} : vector<128x1xi32>
    %lt3A = arith.constant 100 : i32
    %lt3A_17 = vector.broadcast %lt3A : i32 to vector<128x1xi32>
    %lt3A_18 = arith.cmpi slt, %iota3A, %lt3A_17 : vector<128x1xi32>
    %convert_element_type3A = arith.extui %lt3A_18 : vector<128x1xi1> to vector<128x1xi32>
    %convert_element_type3A_19 = arith.sitofp %convert_element_type3A : vector<128x1xi32> to vector<128x1xf32>
    %get3A_20 = arith.constant 0 : index
    %get3A_21 = arith.constant 0 : index
    %get3A_22 = vector.load %arg1[%get3A_20, %get3A_21] : memref<128x8xf32, #tpu.memory_space<vmem>>, vector<128x8xf32>
    %max3A = arith.constant 0.000000e+00 : f32
    %max3A_23 = vector.broadcast %max3A : f32 to vector<128x8xf32>
    %max3A_24 = arith.maximumf %get3A_22, %max3A_23 : vector<128x8xf32>
    %abs3A = math.absf %get3A_22 : vector<128x8xf32>
    %neg3A = arith.constant 0.000000e+00 : f32
    %neg3A_25 = vector.broadcast %neg3A : f32 to vector<128x8xf32>
    %neg3A_26 = arith.subf %neg3A_25, %abs3A : vector<128x8xf32>
    %exp3A = math.exp %neg3A_26 : vector<128x8xf32>
    %add3A_27 = arith.constant 1.000000e+00 : f32
    %add3A_28 = vector.broadcast %add3A_27 : f32 to vector<128x8xf32>
    %add3A_29 = arith.addf %add3A_28, %exp3A : vector<128x8xf32>
    %log3A = math.log %add3A_29 : vector<128x8xf32>
    %add3A_30 = arith.addf %max3A_24, %log3A : vector<128x8xf32>
    %tanh3A = math.tanh %add3A_30 : vector<128x8xf32>
    %mul3A = arith.mulf %get3A_22, %tanh3A : vector<128x8xf32>
    %mul3A_31 = vector.broadcast %convert_element_type3A_19 : vector<128x1xf32> to vector<128x8xf32>
    %mul3A_32 = arith.mulf %mul3A, %mul3A_31 : vector<128x8xf32>
    %reduce_sum3A = arith.constant dense<0.000000e+00> : vector<8xf32>
    %reduce_sum3A_33 = vector.multi_reduction <add>, %mul3A_32, %reduce_sum3A [0] : vector<128x8xf32> to vector<8xf32>
    %broadcast_in_dim3A = vector.shape_cast %reduce_sum3A_33 : vector<8xf32> to vector<1x8xf32>
    %div3A = arith.constant 1.000000e+02 : f32
    %div3A_34 = vector.broadcast %div3A : f32 to vector<1x8xf32>
    %div3A_35 = arith.divf %broadcast_in_dim3A, %div3A_34 : vector<1x8xf32>
    %swap3A_36 = arith.constant 0 : index
    %swap3A_37 = arith.constant 0 : index
    %swap3A_38 = vector.load %arg6[%swap3A_36, %swap3A_37] : memref<1x8xf32, #tpu.memory_space<vmem>>, vector<1x8xf32>
    tpu.vector_store %arg6[%swap3A_36, %swap3A_37], %div3A_35 {strides = array<i32>} : memref<1x8xf32, #tpu.memory_space<vmem>>, vector<1x8xf32>,
    return
  }
}

module attributes {stable_mosaic.version = 14 : i64} {
  func.func @_nodeB_body(%arg0: memref<128x256xf32, #tpu.memory_space<vmem>>, %arg1: memref<128x128xf32, #tpu.memory_space<vmem>>, %arg2: memref<128x384xf32, #tpu.memory_space<vmem>>, %arg3: memref<512x256xf32, #tpu.memory_space<vmem>>, %arg4: memref<1x256xf32, #tpu.memory_space<vmem>>, %arg5: memref<256x256xf32, #tpu.memory_space<vmem>>, %arg6: memref<1x256xf32, #tpu.memory_space<vmem>>, %arg7: memref<128x256xf32, #tpu.memory_space<vmem>>, %arg8: memref<128x128xf32, #tpu.memory_space<vmem>>) attributes {dimension_semantics = [], scalar_prefetch = 0 : i64, scratch_operands = 0 : i64, tpu.core_type = #tpu.core_type<tc>} {
    %get3A = arith.constant 0 : index
    %get3A_0 = arith.constant 0 : index
    %get3A_1 = vector.load %arg2[%get3A, %get3A_0] : memref<128x384xf32, #tpu.memory_space<vmem>>, vector<128x384xf32>
    %slice3A = vector.extract_strided_slice %get3A_1 {offsets = [0, 0], sizes = [128, 256], strides = [1, 1]} : vector<128x384xf32> to vector<128x256xf32>
    %slice3A_2 = vector.extract_strided_slice %get3A_1 {offsets = [0, 256], sizes = [128, 128], strides = [1, 1]} : vector<128x384xf32> to vector<128x128xf32>
    %slice3A_3 = vector.extract_strided_slice %slice3A_2 {offsets = [0, 3], sizes = [128, 1], strides = [1, 1]} : vector<128x128xf32> to vector<128x1xf32>
    %max3A = arith.constant 1.000000e+00 : f32
    %max3A_4 = vector.broadcast %max3A : f32 to vector<128x1xf32>
    %max3A_5 = arith.maximumf %slice3A_3, %max3A_4 : vector<128x1xf32>
    %iota3A = tpu.iota {dimensions = array<i32: 1>} : vector<128x128xi32>
    %ne3A = arith.constant 3 : i32
    %ne3A_6 = vector.broadcast %ne3A : i32 to vector<128x128xi32>
    %ne3A_7 = arith.cmpi ne, %iota3A, %ne3A_6 : vector<128x128xi32>
    %convert_element_type3A = arith.extui %ne3A_7 : vector<128x128xi1> to vector<128x128xi32>
    %convert_element_type3A_8 = arith.sitofp %convert_element_type3A : vector<128x128xi32> to vector<128x128xf32>
    %mul3A = arith.mulf %slice3A_2, %convert_element_type3A_8 : vector<128x128xf32>
    %get3A_9 = arith.constant 0 : index
    %get3A_10 = arith.constant 0 : index
    %get3A_11 = vector.load %arg1[%get3A_9, %get3A_10] : memref<128x128xf32, #tpu.memory_space<vmem>>, vector<128x128xf32>
    %div3A = vector.broadcast %max3A_5 : vector<128x1xf32> to vector<128x128xf32>
    %div3A_12 = arith.divf %mul3A, %div3A : vector<128x128xf32>
    %add3A = arith.addf %get3A_11, %div3A_12 : vector<128x128xf32>
    %swap3A = arith.constant 0 : index
    %swap3A_13 = arith.constant 0 : index
    %swap3A_14 = vector.load %arg8[%swap3A, %swap3A_13] : memref<128x128xf32, #tpu.memory_space<vmem>>, vector<128x128xf32>
    tpu.vector_store %arg8[%swap3A, %swap3A_13], %add3A {strides = array<i32>} : memref<128x128xf32, #tpu.memory_space<vmem>>, vector<128x128xf32>,
    %get3A_15 = arith.constant 0 : index
    %get3A_16 = arith.constant 0 : index
    %get3A_17 = vector.load %arg0[%get3A_15, %get3A_16] : memref<128x256xf32, #tpu.memory_space<vmem>>, vector<128x256xf32>
    %concatenate3A = tpu.concatenate %get3A_17, %slice3A in 1 : vector<128x256xf32>, vector<128x256xf32> -> vector<128x512xf32>
    %get3A_18 = arith.constant 0 : index
    %get3A_19 = arith.constant 0 : index
    %get3A_20 = vector.load %arg3[%get3A_18, %get3A_19] : memref<512x256xf32, #tpu.memory_space<vmem>>, vector<512x256xf32>
    %dot_general3A = arith.constant dense<0.000000e+00> : vector<128x256xf32>
    %dot_general3A_21 = tpu.matmul %concatenate3A, %get3A_20, %dot_general3A {dimension_numbers = #tpu.dot_dimension_numbers<[1], [0], [0], [1], [0, 0, 1, 1], [], []>, transpose_lhs_hint = false} : vector<128x512xf32>, vector<512x256xf32>, vector<128x256xf32> -> vector<128x256xf32>
    %get3A_22 = arith.constant 0 : index
    %get3A_23 = arith.constant 0 : index
    %get3A_24 = vector.load %arg4[%get3A_22, %get3A_23] : memref<1x256xf32, #tpu.memory_space<vmem>>, vector<1x256xf32>
    %add3A_25 = vector.broadcast %get3A_24 : vector<1x256xf32> to vector<128x256xf32>
    %add3A_26 = arith.addf %dot_general3A_21, %add3A_25 : vector<128x256xf32>
    %neg3A = arith.constant 0.000000e+00 : f32
    %neg3A_27 = vector.broadcast %neg3A : f32 to vector<128x256xf32>
    %neg3A_28 = arith.subf %neg3A_27, %add3A_26 : vector<128x256xf32>
    %exp3A = math.exp %neg3A_28 : vector<128x256xf32>
    %add3A_29 = arith.constant 1.000000e+00 : f32
    %add3A_30 = vector.broadcast %add3A_29 : f32 to vector<128x256xf32>
    %add3A_31 = arith.addf %add3A_30, %exp3A : vector<128x256xf32>
    %div3A_32 = arith.constant 1.000000e+00 : f32
    %div3A_33 = vector.broadcast %div3A_32 : f32 to vector<128x256xf32>
    %div3A_34 = arith.divf %div3A_33, %add3A_31 : vector<128x256xf32>
    %mul3A_35 = arith.mulf %add3A_26, %div3A_34 : vector<128x256xf32>
    %get3A_36 = arith.constant 0 : index
    %get3A_37 = arith.constant 0 : index
    %get3A_38 = vector.load %arg5[%get3A_36, %get3A_37] : memref<256x256xf32, #tpu.memory_space<vmem>>, vector<256x256xf32>
    %dot_general3A_39 = arith.constant dense<0.000000e+00> : vector<128x256xf32>
    %dot_general3A_40 = tpu.matmul %mul3A_35, %get3A_38, %dot_general3A_39 {dimension_numbers = #tpu.dot_dimension_numbers<[1], [0], [0], [1], [0, 0, 1, 1], [], []>, transpose_lhs_hint = false} : vector<128x256xf32>, vector<256x256xf32>, vector<128x256xf32> -> vector<128x256xf32>
    %get3A_41 = arith.constant 0 : index
    %get3A_42 = arith.constant 0 : index
    %get3A_43 = vector.load %arg6[%get3A_41, %get3A_42] : memref<1x256xf32, #tpu.memory_space<vmem>>, vector<1x256xf32>
    %add3A_44 = vector.broadcast %get3A_43 : vector<1x256xf32> to vector<128x256xf32>
    %add3A_45 = arith.addf %dot_general3A_40, %add3A_44 : vector<128x256xf32>
    %add3A_46 = arith.addf %get3A_17, %add3A_45 : vector<128x256xf32>
    %swap3A_47 = arith.constant 0 : index
    %swap3A_48 = arith.constant 0 : index
    %swap3A_49 = vector.load %arg7[%swap3A_47, %swap3A_48] : memref<128x256xf32, #tpu.memory_space<vmem>>, vector<128x256xf32>
    tpu.vector_store %arg7[%swap3A_47, %swap3A_48], %add3A_46 {strides = array<i32>} : memref<128x256xf32, #tpu.memory_space<vmem>>, vector<128x256xf32>,
    return
  }
}

module attributes {stable_mosaic.version = 14 : i64} {
  func.func @_edge_body(%arg0: i32, %arg1: memref<1024x384xf32, #tpu.memory_space<vmem>>, %arg2: memref<1024x384xf32, #tpu.memory_space<vmem>>, %arg3: memref<1024x1xf32, #tpu.memory_space<vmem>>, %arg4: memref<1024x1xi32, #tpu.memory_space<vmem>>, %arg5: memref<1x256xf32, #tpu.memory_space<vmem>>, %arg6: memref<1x256xf32, #tpu.memory_space<vmem>>, %arg7: memref<1x256xf32, #tpu.memory_space<vmem>>, %arg8: memref<256x256xf32, #tpu.memory_space<vmem>>, %arg9: memref<1x256xf32, #tpu.memory_space<vmem>>, %arg10: memref<256x256xf32, #tpu.memory_space<vmem>>, %arg11: memref<1x256xf32, #tpu.memory_space<vmem>>, %arg12: memref<1x256xf32, #tpu.memory_space<vmem>>, %arg13: memref<128x384xf32, #tpu.memory_space<vmem>>) attributes {dimension_semantics = [#tpu.dimension_semantics<arbitrary>], iteration_bounds = array<i64: 10>, scalar_prefetch = 0 : i64, scratch_operands = 0 : i64, tpu.core_type = #tpu.core_type<tc>, window_params = [{transform_indices = @transform_0, window_bounds = array<i64: 1024, 384>}, {transform_indices = @transform_1, window_bounds = array<i64: 1024, 384>}, {transform_indices = @transform_2, window_bounds = array<i64: 1024, 1>}, {transform_indices = @transform_3, window_bounds = array<i64: 1024, 1>}, {pipeline_mode = #tpu.pipeline_mode<synchronous>, transform_indices = @transform_4, window_bounds = array<i64: 1, 256>}, {pipeline_mode = #tpu.pipeline_mode<synchronous>, transform_indices = @transform_5, window_bounds = array<i64: 1, 256>}, {pipeline_mode = #tpu.pipeline_mode<synchronous>, transform_indices = @transform_6, window_bounds = array<i64: 1, 256>}, {pipeline_mode = #tpu.pipeline_mode<synchronous>, transform_indices = @transform_7, window_bounds = array<i64: 256, 256>}, {pipeline_mode = #tpu.pipeline_mode<synchronous>, transform_indices = @transform_8, window_bounds = array<i64: 1, 256>}, {pipeline_mode = #tpu.pipeline_mode<synchronous>, transform_indices = @transform_9, window_bounds = array<i64: 256, 256>}, {pipeline_mode = #tpu.pipeline_mode<synchronous>, transform_indices = @transform_10, window_bounds = array<i64: 1, 256>}, {pipeline_mode = #tpu.pipeline_mode<synchronous>, transform_indices = @transform_11, window_bounds = array<i64: 1, 256>}, {pipeline_mode = #tpu.pipeline_mode<synchronous>, transform_indices = @transform_12, window_bounds = array<i64: 128, 384>}]} {
    %get3A = arith.constant 0 : index
    %get3A_0 = arith.constant 0 : index
    %get3A_1 = vector.load %arg1[%get3A, %get3A_0] : memref<1024x384xf32, #tpu.memory_space<vmem>>, vector<1024x384xf32>
    %get3A_2 = arith.constant 0 : index
    %get3A_3 = arith.constant 0 : index
    %get3A_4 = vector.load %arg2[%get3A_2, %get3A_3] : memref<1024x384xf32, #tpu.memory_space<vmem>>, vector<1024x384xf32>
    %slice3A = vector.extract_strided_slice %get3A_1 {offsets = [0, 256], sizes = [1024, 128], strides = [1, 1]} : vector<1024x384xf32> to vector<1024x128xf32>
    %slice3A_5 = vector.extract_strided_slice %get3A_4 {offsets = [0, 256], sizes = [1024, 128], strides = [1, 1]} : vector<1024x384xf32> to vector<1024x128xf32>
    %sub3A = arith.subf %slice3A, %slice3A_5 : vector<1024x128xf32>
    %mul3A = arith.mulf %sub3A, %sub3A : vector<1024x128xf32>
    %reduce_sum3A = arith.constant dense<0.000000e+00> : vector<1024xf32>
    %reduce_sum3A_6 = vector.multi_reduction <add>, %mul3A, %reduce_sum3A [1] : vector<1024x128xf32> to vector<1024xf32>
    %broadcast_in_dim3A = vector.shape_cast %reduce_sum3A_6 : vector<1024xf32> to vector<1024x1xf32>
    %sqrt3A = math.sqrt %broadcast_in_dim3A : vector<1024x1xf32>
    %add3A = arith.constant 9.99999993E-9 : f32
    %add3A_7 = vector.broadcast %add3A : f32 to vector<1024x1xf32>
    %add3A_8 = arith.addf %sqrt3A, %add3A_7 : vector<1024x1xf32>
    %div3A = vector.broadcast %add3A_8 : vector<1024x1xf32> to vector<1024x128xf32>
    %div3A_9 = arith.divf %sub3A, %div3A : vector<1024x128xf32>
    %slice3A_10 = vector.extract_strided_slice %get3A_1 {offsets = [0, 0], sizes = [1024, 256], strides = [1, 1]} : vector<1024x384xf32> to vector<1024x256xf32>
    %slice3A_11 = vector.extract_strided_slice %get3A_4 {offsets = [0, 0], sizes = [1024, 256], strides = [1, 1]} : vector<1024x384xf32> to vector<1024x256xf32>
    %add3A_12 = arith.addf %slice3A_10, %slice3A_11 : vector<1024x256xf32>
    %get3A_13 = arith.constant 0 : index
    %get3A_14 = arith.constant 0 : index
    %get3A_15 = vector.load %arg5[%get3A_13, %get3A_14] : memref<1x256xf32, #tpu.memory_space<vmem>>, vector<1x256xf32>
    %mul3A_16 = vector.broadcast %broadcast_in_dim3A : vector<1024x1xf32> to vector<1024x256xf32>
    %mul3A_17 = vector.broadcast %get3A_15 : vector<1x256xf32> to vector<1024x256xf32>
    %mul3A_18 = arith.mulf %mul3A_16, %mul3A_17 : vector<1024x256xf32>
    %add3A_19 = arith.addf %add3A_12, %mul3A_18 : vector<1024x256xf32>
    %get3A_20 = arith.constant 0 : index
    %get3A_21 = arith.constant 0 : index
    %get3A_22 = vector.load %arg3[%get3A_20, %get3A_21] : memref<1024x1xf32, #tpu.memory_space<vmem>>, vector<1024x1xf32>
    %get3A_23 = arith.constant 0 : index
    %get3A_24 = arith.constant 0 : index
    %get3A_25 = vector.load %arg6[%get3A_23, %get3A_24] : memref<1x256xf32, #tpu.memory_space<vmem>>, vector<1x256xf32>
    %mul3A_26 = vector.broadcast %get3A_22 : vector<1024x1xf32> to vector<1024x256xf32>
    %mul3A_27 = vector.broadcast %get3A_25 : vector<1x256xf32> to vector<1024x256xf32>
    %mul3A_28 = arith.mulf %mul3A_26, %mul3A_27 : vector<1024x256xf32>
    %add3A_29 = arith.addf %add3A_19, %mul3A_28 : vector<1024x256xf32>
    %get3A_30 = arith.constant 0 : index
    %get3A_31 = arith.constant 0 : index
    %get3A_32 = vector.load %arg7[%get3A_30, %get3A_31] : memref<1x256xf32, #tpu.memory_space<vmem>>, vector<1x256xf32>
    %add3A_33 = vector.broadcast %get3A_32 : vector<1x256xf32> to vector<1024x256xf32>
    %add3A_34 = arith.addf %add3A_29, %add3A_33 : vector<1024x256xf32>
    %neg3A = arith.constant 0.000000e+00 : f32
    %neg3A_35 = vector.broadcast %neg3A : f32 to vector<1024x256xf32>
    %neg3A_36 = arith.subf %neg3A_35, %add3A_34 : vector<1024x256xf32>
    %exp3A = math.exp %neg3A_36 : vector<1024x256xf32>
    %add3A_37 = arith.constant 1.000000e+00 : f32
    %add3A_38 = vector.broadcast %add3A_37 : f32 to vector<1024x256xf32>
    %add3A_39 = arith.addf %add3A_38, %exp3A : vector<1024x256xf32>
    %div3A_40 = arith.constant 1.000000e+00 : f32
    %div3A_41 = vector.broadcast %div3A_40 : f32 to vector<1024x256xf32>
    %div3A_42 = arith.divf %div3A_41, %add3A_39 : vector<1024x256xf32>
    %mul3A_43 = arith.mulf %add3A_34, %div3A_42 : vector<1024x256xf32>
    %get3A_44 = arith.constant 0 : index
    %get3A_45 = arith.constant 0 : index
    %get3A_46 = vector.load %arg8[%get3A_44, %get3A_45] : memref<256x256xf32, #tpu.memory_space<vmem>>, vector<256x256xf32>
    %dot_general3A = arith.constant dense<0.000000e+00> : vector<1024x256xf32>
    %dot_general3A_47 = tpu.matmul %mul3A_43, %get3A_46, %dot_general3A {dimension_numbers = #tpu.dot_dimension_numbers<[1], [0], [0], [1], [0, 0, 1, 1], [], []>, transpose_lhs_hint = false} : vector<1024x256xf32>, vector<256x256xf32>, vector<1024x256xf32> -> vector<1024x256xf32>
    %get3A_48 = arith.constant 0 : index
    %get3A_49 = arith.constant 0 : index
    %get3A_50 = vector.load %arg9[%get3A_48, %get3A_49] : memref<1x256xf32, #tpu.memory_space<vmem>>, vector<1x256xf32>
    %add3A_51 = vector.broadcast %get3A_50 : vector<1x256xf32> to vector<1024x256xf32>
    %add3A_52 = arith.addf %dot_general3A_47, %add3A_51 : vector<1024x256xf32>
    %neg3A_53 = arith.constant 0.000000e+00 : f32
    %neg3A_54 = vector.broadcast %neg3A_53 : f32 to vector<1024x256xf32>
    %neg3A_55 = arith.subf %neg3A_54, %add3A_52 : vector<1024x256xf32>
    %exp3A_56 = math.exp %neg3A_55 : vector<1024x256xf32>
    %add3A_57 = arith.constant 1.000000e+00 : f32
    %add3A_58 = vector.broadcast %add3A_57 : f32 to vector<1024x256xf32>
    %add3A_59 = arith.addf %add3A_58, %exp3A_56 : vector<1024x256xf32>
    %div3A_60 = arith.constant 1.000000e+00 : f32
    %div3A_61 = vector.broadcast %div3A_60 : f32 to vector<1024x256xf32>
    %div3A_62 = arith.divf %div3A_61, %add3A_59 : vector<1024x256xf32>
    %mul3A_63 = arith.mulf %add3A_52, %div3A_62 : vector<1024x256xf32>
    %get3A_64 = arith.constant 0 : index
    %get3A_65 = arith.constant 0 : index
    %get3A_66 = vector.load %arg10[%get3A_64, %get3A_65] : memref<256x256xf32, #tpu.memory_space<vmem>>, vector<256x256xf32>
    %dot_general3A_67 = arith.constant dense<0.000000e+00> : vector<1024x256xf32>
    %dot_general3A_68 = tpu.matmul %mul3A_63, %get3A_66, %dot_general3A_67 {dimension_numbers = #tpu.dot_dimension_numbers<[1], [0], [0], [1], [0, 0, 1, 1], [], []>, transpose_lhs_hint = false} : vector<1024x256xf32>, vector<256x256xf32>, vector<1024x256xf32> -> vector<1024x256xf32>
    %get3A_69 = arith.constant 0 : index
    %get3A_70 = arith.constant 0 : index
    %get3A_71 = vector.load %arg11[%get3A_69, %get3A_70] : memref<1x256xf32, #tpu.memory_space<vmem>>, vector<1x256xf32>
    %add3A_72 = vector.broadcast %get3A_71 : vector<1x256xf32> to vector<1024x256xf32>
    %add3A_73 = arith.addf %dot_general3A_68, %add3A_72 : vector<1024x256xf32>
    %neg3A_74 = arith.constant 0.000000e+00 : f32
    %neg3A_75 = vector.broadcast %neg3A_74 : f32 to vector<1024x256xf32>
    %neg3A_76 = arith.subf %neg3A_75, %add3A_73 : vector<1024x256xf32>
    %exp3A_77 = math.exp %neg3A_76 : vector<1024x256xf32>
    %add3A_78 = arith.constant 1.000000e+00 : f32
    %add3A_79 = vector.broadcast %add3A_78 : f32 to vector<1024x256xf32>
    %add3A_80 = arith.addf %add3A_79, %exp3A_77 : vector<1024x256xf32>
    %div3A_81 = arith.constant 1.000000e+00 : f32
    %div3A_82 = vector.broadcast %div3A_81 : f32 to vector<1024x256xf32>
    %div3A_83 = arith.divf %div3A_82, %add3A_80 : vector<1024x256xf32>
    %mul3A_84 = arith.mulf %add3A_73, %div3A_83 : vector<1024x256xf32>
    %get3A_85 = arith.constant 0 : index
    %get3A_86 = arith.constant 0 : index
    %get3A_87 = vector.load %arg12[%get3A_85, %get3A_86] : memref<1x256xf32, #tpu.memory_space<vmem>>, vector<1x256xf32>
    %mul3A_88 = vector.broadcast %get3A_87 : vector<1x256xf32> to vector<1024x256xf32>
    %mul3A_89 = arith.mulf %mul3A_84, %mul3A_88 : vector<1024x256xf32>
    %reduce_sum3A_90 = arith.constant dense<0.000000e+00> : vector<1024xf32>
    %reduce_sum3A_91 = vector.multi_reduction <add>, %mul3A_89, %reduce_sum3A_90 [1] : vector<1024x256xf32> to vector<1024xf32>
    %broadcast_in_dim3A_92 = vector.shape_cast %reduce_sum3A_91 : vector<1024xf32> to vector<1024x1xf32>
    %iota3A = tpu.iota {dimensions = array<i32: 1>} : vector<1024x128xi32>
    %eq3A = arith.constant 3 : i32
    %eq3A_93 = vector.broadcast %eq3A : i32 to vector<1024x128xi32>
    %eq3A_94 = arith.cmpi eq, %iota3A, %eq3A_93 : vector<1024x128xi32>
    %convert_element_type3A = arith.extui %eq3A_94 : vector<1024x128xi1> to vector<1024x128xi32>
    %convert_element_type3A_95 = arith.sitofp %convert_element_type3A : vector<1024x128xi32> to vector<1024x128xf32>
    %mul3A_96 = vector.broadcast %broadcast_in_dim3A_92 : vector<1024x1xf32> to vector<1024x128xf32>
    %mul3A_97 = arith.mulf %div3A_9, %mul3A_96 : vector<1024x128xf32>
    %add3A_98 = arith.addf %mul3A_97, %convert_element_type3A_95 : vector<1024x128xf32>
    %concatenate3A = tpu.concatenate %mul3A_63, %add3A_98 in 1 : vector<1024x256xf32>, vector<1024x128xf32> -> vector<1024x384xf32>
    %get3A_99 = arith.constant 0 : index
    %get3A_100 = arith.constant 0 : index
    %get3A_101 = vector.load %arg4[%get3A_99, %get3A_100] : memref<1024x1xi32, #tpu.memory_space<vmem>>, vector<1024x1xi32>
    %iota3A_102 = tpu.iota {dimensions = array<i32: 1>} : vector<1024x128xi32>
    %eq3A_103 = vector.broadcast %get3A_101 : vector<1024x1xi32> to vector<1024x128xi32>
    %eq3A_104 = arith.cmpi eq, %eq3A_103, %iota3A_102 : vector<1024x128xi32>
    %convert_element_type3A_105 = arith.extui %eq3A_104 : vector<1024x128xi1> to vector<1024x128xi32>
    %convert_element_type3A_106 = arith.sitofp %convert_element_type3A_105 : vector<1024x128xi32> to vector<1024x128xf32>
    %eq3A_107 = arith.constant 0 : i32
    %eq3A_108 = arith.cmpi eq, %arg0, %eq3A_107 : i32
    %convert_element_type3A_109 = arith.extui %eq3A_108 : i1 to i32
    %cond3A = arith.constant 0 : i32
    %cond3A_110 = arith.cmpi ne, %convert_element_type3A_109, %cond3A : i32
    scf.if %cond3A_110 {
      %broadcast_in_dim3A_119 = arith.constant 0.000000e+00 : f32
      %broadcast_in_dim3A_120 = vector.broadcast %broadcast_in_dim3A_119 : f32 to vector<128x384xf32>
      %swap3A_121 = arith.constant 0 : index
      %swap3A_122 = arith.constant 0 : index
      %swap3A_123 = vector.load %arg13[%swap3A_121, %swap3A_122] : memref<128x384xf32, #tpu.memory_space<vmem>>, vector<128x384xf32>
      tpu.vector_store %arg13[%swap3A_121, %swap3A_122], %broadcast_in_dim3A_120 {strides = array<i32>} : memref<128x384xf32, #tpu.memory_space<vmem>>, vector<128x384xf32>,
    } else {
    }
    %get3A_111 = arith.constant 0 : index
    %get3A_112 = arith.constant 0 : index
    %get3A_113 = vector.load %arg13[%get3A_111, %get3A_112] : memref<128x384xf32, #tpu.memory_space<vmem>>, vector<128x384xf32>
    %dot_general3A_114 = arith.constant dense<0.000000e+00> : vector<128x384xf32>
    %dot_general3A_115 = tpu.matmul %convert_element_type3A_106, %concatenate3A, %dot_general3A_114 {dimension_numbers = #tpu.dot_dimension_numbers<[0], [0], [1], [1], [0, 1, 1, 1], [], []>, transpose_lhs_hint = false} : vector<1024x128xf32>, vector<1024x384xf32>, vector<128x384xf32> -> vector<128x384xf32>
    %add3A_116 = arith.addf %get3A_113, %dot_general3A_115 : vector<128x384xf32>
    %swap3A = arith.constant 0 : index
    %swap3A_117 = arith.constant 0 : index
    %swap3A_118 = vector.load %arg13[%swap3A, %swap3A_117] : memref<128x384xf32, #tpu.memory_space<vmem>>, vector<128x384xf32>
    tpu.vector_store %arg13[%swap3A, %swap3A_117], %add3A_116 {strides = array<i32>} : memref<128x384xf32, #tpu.memory_space<vmem>>, vector<128x384xf32>,
    return
  }
  func.func @transform_0(%arg0: i32) -> (i32, i32) {
    %c0_i32 = arith.constant 0 : i32
    %c0_i32_0 = arith.constant 0 : i32
    return %arg0, %c0_i32 : i32, i32
  }
  func.func @transform_1(%arg0: i32) -> (i32, i32) {
    %c0_i32 = arith.constant 0 : i32
    %c0_i32_0 = arith.constant 0 : i32
    return %arg0, %c0_i32 : i32, i32
  }
  func.func @transform_2(%arg0: i32) -> (i32, i32) {
    %c0_i32 = arith.constant 0 : i32
    %c0_i32_0 = arith.constant 0 : i32
    return %arg0, %c0_i32 : i32, i32
  }
  func.func @transform_3(%arg0: i32) -> (i32, i32) {
    %c0_i32 = arith.constant 0 : i32
    %c0_i32_0 = arith.constant 0 : i32
    return %arg0, %c0_i32 : i32, i32
  }
  func.func @transform_4(%arg0: i32) -> (i32, i32) {
    %c0_i32 = arith.constant 0 : i32
    %c0_i32_0 = arith.constant 0 : i32
    %c0_i32_1 = arith.constant 0 : i32
    return %c0_i32, %c0_i32_0 : i32, i32
  }
  func.func @transform_5(%arg0: i32) -> (i32, i32) {
    %c0_i32 = arith.constant 0 : i32
    %c0_i32_0 = arith.constant 0 : i32
    %c0_i32_1 = arith.constant 0 : i32
    return %c0_i32, %c0_i32_0 : i32, i32
  }
  func.func @transform_6(%arg0: i32) -> (i32, i32) {
    %c0_i32 = arith.constant 0 : i32
    %c0_i32_0 = arith.constant 0 : i32
    %c0_i32_1 = arith.constant 0 : i32
    return %c0_i32, %c0_i32_0 : i32, i32
  }
  func.func @transform_7(%arg0: i32) -> (i32, i32) {
    %c0_i32 = arith.constant 0 : i32
    %c0_i32_0 = arith.constant 0 : i32
    %c0_i32_1 = arith.constant 0 : i32
    return %c0_i32, %c0_i32_0 : i32, i32
  }
  func.func @transform_8(%arg0: i32) -> (i32, i32) {
    %c0_i32 = arith.constant 0 : i32
    %c0_i32_0 = arith.constant 0 : i32
    %c0_i32_1 = arith.constant 0 : i32
    return %c0_i32, %c0_i32_0 : i32, i32
  }
  func.func @transform_9(%arg0: i32) -> (i32, i32) {
    %c0_i32 = arith.constant 0 : i32
    %c0_i32_0 = arith.constant 0 : i32
    %c0_i32_1 = arith.constant 0 : i32
    return %c0_i32, %c0_i32_0 : i32, i32
  }
  func.func @transform_10(%arg0: i32) -> (i32, i32) {
    %c0_i32 = arith.constant 0 : i32
    %c0_i32_0 = arith.constant 0 : i32
    %c0_i32_1 = arith.constant 0 : i32
    return %c0_i32, %c0_i32_0 : i32, i32
  }
  func.func @transform_11(%arg0: i32) -> (i32, i32) {
    %c0_i32 = arith.constant 0 : i32
    %c0_i32_0 = arith.constant 0 : i32
    %c0_i32_1 = arith.constant 0 : i32
    return %c0_i32, %c0_i32_0 : i32, i32
  }
  func.func @transform_12(%arg0: i32) -> (i32, i32) {
    %c0_i32 = arith.constant 0 : i32
    %c0_i32_0 = arith.constant 0 : i32
    %c0_i32_1 = arith.constant 0 : i32
    return %c0_i32, %c0_i32_0 : i32, i32
  }
}

module attributes {stable_mosaic.version = 14 : i64} {
  func.func @_head_body(%arg0: memref<128x256xf32, #tpu.memory_space<vmem>>, %arg1: memref<512x256xf32, #tpu.memory_space<vmem>>, %arg2: memref<1x256xf32, #tpu.memory_space<vmem>>, %arg3: memref<256x256xf32, #tpu.memory_space<vmem>>, %arg4: memref<1x256xf32, #tpu.memory_space<vmem>>, %arg5: memref<256x112xf32, #tpu.memory_space<vmem>>, %arg6: memref<1x112xf32, #tpu.memory_space<vmem>>, %arg7: memref<1x112xf32, #tpu.memory_space<vmem>>) attributes {dimension_semantics = [], scalar_prefetch = 0 : i64, scratch_operands = 0 : i64, tpu.core_type = #tpu.core_type<tc>} {
    %iota3A = tpu.iota {dimensions = array<i32: 0>} : vector<128x1xi32>
    %lt3A = arith.constant 100 : i32
    %lt3A_0 = vector.broadcast %lt3A : i32 to vector<128x1xi32>
    %lt3A_1 = arith.cmpi slt, %iota3A, %lt3A_0 : vector<128x1xi32>
    %convert_element_type3A = arith.extui %lt3A_1 : vector<128x1xi1> to vector<128x1xi32>
    %convert_element_type3A_2 = arith.sitofp %convert_element_type3A : vector<128x1xi32> to vector<128x1xf32>
    %get3A = arith.constant 0 : index
    %get3A_3 = arith.constant 0 : index
    %get3A_4 = vector.load %arg0[%get3A, %get3A_3] : memref<128x256xf32, #tpu.memory_space<vmem>>, vector<128x256xf32>
    %dot_general3A = arith.constant dense<0.000000e+00> : vector<1x256xf32>
    %dot_general3A_5 = tpu.matmul %convert_element_type3A_2, %get3A_4, %dot_general3A {dimension_numbers = #tpu.dot_dimension_numbers<[0], [0], [1], [1], [0, 1, 1, 1], [], []>, transpose_lhs_hint = false} : vector<128x1xf32>, vector<128x256xf32>, vector<1x256xf32> -> vector<1x256xf32>
    %div3A = arith.constant 1.000000e+02 : f32
    %div3A_6 = vector.broadcast %div3A : f32 to vector<1x256xf32>
    %div3A_7 = arith.divf %dot_general3A_5, %div3A_6 : vector<1x256xf32>
    %get3A_8 = arith.constant 99 : index
    %get3A_9 = arith.constant 0 : index
    %get3A_10 = vector.load %arg0[%get3A_8, %get3A_9] : memref<128x256xf32, #tpu.memory_space<vmem>>, vector<1x256xf32>
    %concatenate3A = tpu.concatenate %div3A_7, %get3A_10 in 1 : vector<1x256xf32>, vector<1x256xf32> -> vector<1x512xf32>
    %get3A_11 = arith.constant 0 : index
    %get3A_12 = arith.constant 0 : index
    %get3A_13 = vector.load %arg1[%get3A_11, %get3A_12] : memref<512x256xf32, #tpu.memory_space<vmem>>, vector<512x256xf32>
    %dot_general3A_14 = arith.constant dense<0.000000e+00> : vector<1x256xf32>
    %dot_general3A_15 = tpu.matmul %concatenate3A, %get3A_13, %dot_general3A_14 {dimension_numbers = #tpu.dot_dimension_numbers<[1], [0], [0], [1], [0, 0, 1, 1], [], []>, transpose_lhs_hint = false} : vector<1x512xf32>, vector<512x256xf32>, vector<1x256xf32> -> vector<1x256xf32>
    %get3A_16 = arith.constant 0 : index
    %get3A_17 = arith.constant 0 : index
    %get3A_18 = vector.load %arg2[%get3A_16, %get3A_17] : memref<1x256xf32, #tpu.memory_space<vmem>>, vector<1x256xf32>
    %add3A = arith.addf %dot_general3A_15, %get3A_18 : vector<1x256xf32>
    %max3A = arith.constant 0.000000e+00 : f32
    %max3A_19 = vector.broadcast %max3A : f32 to vector<1x256xf32>
    %max3A_20 = arith.maximumf %add3A, %max3A_19 : vector<1x256xf32>
    %get3A_21 = arith.constant 0 : index
    %get3A_22 = arith.constant 0 : index
    %get3A_23 = vector.load %arg3[%get3A_21, %get3A_22] : memref<256x256xf32, #tpu.memory_space<vmem>>, vector<256x256xf32>
    %dot_general3A_24 = arith.constant dense<0.000000e+00> : vector<1x256xf32>
    %dot_general3A_25 = tpu.matmul %max3A_20, %get3A_23, %dot_general3A_24 {dimension_numbers = #tpu.dot_dimension_numbers<[1], [0], [0], [1], [0, 0, 1, 1], [], []>, transpose_lhs_hint = false} : vector<1x256xf32>, vector<256x256xf32>, vector<1x256xf32> -> vector<1x256xf32>
    %get3A_26 = arith.constant 0 : index
    %get3A_27 = arith.constant 0 : index
    %get3A_28 = vector.load %arg4[%get3A_26, %get3A_27] : memref<1x256xf32, #tpu.memory_space<vmem>>, vector<1x256xf32>
    %add3A_29 = arith.addf %dot_general3A_25, %get3A_28 : vector<1x256xf32>
    %max3A_30 = arith.constant 0.000000e+00 : f32
    %max3A_31 = vector.broadcast %max3A_30 : f32 to vector<1x256xf32>
    %max3A_32 = arith.maximumf %add3A_29, %max3A_31 : vector<1x256xf32>
    %get3A_33 = arith.constant 0 : index
    %get3A_34 = arith.constant 0 : index
    %get3A_35 = vector.load %arg5[%get3A_33, %get3A_34] : memref<256x112xf32, #tpu.memory_space<vmem>>, vector<256x112xf32>
    %dot_general3A_36 = arith.constant dense<0.000000e+00> : vector<1x112xf32>
    %dot_general3A_37 = tpu.matmul %max3A_32, %get3A_35, %dot_general3A_36 {dimension_numbers = #tpu.dot_dimension_numbers<[1], [0], [0], [1], [0, 0, 1, 1], [], []>, transpose_lhs_hint = false} : vector<1x256xf32>, vector<256x112xf32>, vector<1x112xf32> -> vector<1x112xf32>
    %get3A_38 = arith.constant 0 : index
    %get3A_39 = arith.constant 0 : index
    %get3A_40 = vector.load %arg6[%get3A_38, %get3A_39] : memref<1x112xf32, #tpu.memory_space<vmem>>, vector<1x112xf32>
    %add3A_41 = arith.addf %dot_general3A_37, %get3A_40 : vector<1x112xf32>
    %swap3A = arith.constant 0 : index
    %swap3A_42 = arith.constant 0 : index
    %swap3A_43 = vector.load %arg7[%swap3A, %swap3A_42] : memref<1x112xf32, #tpu.memory_space<vmem>>, vector<1x112xf32>
    tpu.vector_store %arg7[%swap3A, %swap3A_42], %add3A_41 {strides = array<i32>} : memref<1x112xf32, #tpu.memory_space<vmem>>, vector<1x112xf32>,
    return
  }
}

</mosaic_0001>

<sc_bundles>
// kernel: kernel.24.cloned.1.call-start
scs
__scs_entry_jumppad:
0x0: {  	(pc) =	sbr.rel $0x88, $3  }
0x1: {  	(tag) =	ssettag $0x0;
	lr =	simm.s32 $0x1  }
0x2: {  	[smem:$0x3F59] =	sst lr;
	_ =	strace $0xD0000000  }
0x3: {  	_ = 	snop  }
0x4: {  	_ = 	snop  }
0x5: {  	_ = 	snop  }
0x6: {  	_ = 	snop  }
0x7: {  	_ = 	snop  }
__scs_overlays_trampoline_lowered:
0x8: {  	[smem:$0x3F68] =	sst s0  }
0x9: {  	[smem:$0x3F69] =	sst s1  }
0xa: {  	[smem:$0x3F6A] =	sst s2  }
0xb: {  	[smem:$0x3F6B] =	sst s3  }
0xc: {  	[smem:$0x3F6C] =	sst s4  }
0xd: {  	[smem:$0x3F6D] =	sst s5  }
0xe: {  	[smem:$0x3F6E] =	sst s6  }
0xf: {  	[smem:$0x3F6F] =	sst s7  }
0x10: {  	[smem:$0x3F70] =	sst s8  }
0x11: {  	[smem:$0x3F71] =	sst s9;
	s0 =	simm.s32 @!p0 $0x0  }
0x12: {  	s1 =	sld [smem:$0x3F57];
	s0 =	simm.s32 @p0 $0x1  }
0x13: {  	[smem:$0x3F72] =	sst s0;
	s0 =	simm.s32 @!p1 $0x0  }
0x14: {  	s2 =	sld [smem:$0x3F56];
	s0 =	simm.s32 @p1 $0x1  }
0x15: {  	[smem:$0x3F73] =	sst s0;
	s0 =	simm.s32 @!p2 $0x0  }
0x16: {  	s3 =	sld [smem:$0x3FDB];
	s0 =	simm.s32 @p2 $0x1  }
0x17: {  	s4 =	simm.s32 $0x1BF5;
	[smem:$0x3F75] =	sst s0  }
0x18: {  	s0 =	sld [smem:$0x3F58];
	_ =	swait.ge [sflag:s4], $0x0  }
0x19: {  	s7 =	sld [smem:$0x3F59]  }
0x1a: {  	s8 =	sadd.s32 $0xFFFFE003, lr  }
0x1b: {  	s9 =	sadd.s32 $0xFFFFFEF7, lr;
	s5 =	simm.s32 $0xFFFFFFFF;
	p2 =	slt.u32 s8, $0xFFFFF086  }
0x1c: {  	p1 =	slt.u32 s9, $0xF7A;
	s5 =	simm.s32 @!p2 $0x0  }
0x1d: {  	s5 =	simm.s32 @p1 $0x1;
	p0 =	seq.s32 s7, s2  }
0x1e: {  	s7 =	smul.u32 @!p0 $0xF7A, s2;
	p2 =	seq.s32 @!p0 s5, $0x0  }
0x1f: {  	s9 =	smul.u32 $0xF7A, s1;
	s8 =	simm.s32 @!p0 $0x1BF5;
	p2 =	por !p2, p0  }
0x20: {  	[sflag:s8] =	ssyncset.s32 @!p0 $0xFFFFF086;
	s6 =	sadd.s32 @!p0 s3, s7;
	s7 =	simm.s32 @!p0 $0x108  }
0x21: {  	s3 =	sadd.s32 s3, s9;
	s6 =	sadd.s32 @!p0 $0x88, s6;
	s7 =	simm.s32 @p2 $0x1082  }
0x22: {  	[simem:s7], [sflag:s8] =	dma.local @!p0 [hbm:s6], $0xF7A  }
0x23: {  	s9 =	sor.u32 $0xD0000000, s2;
	s6 =	simm.s32 $0x108;
	_ =	swait.ge @!p0 [sflag:s8], $0x0  }
0x24: {  	s3 =	sadd.s32 $0x88, s3;
	s6 =	simm.s32 @!p1 $0x1082;
	[sflag:s4] =	ssyncset.s32 $0xFFFFF086  }
0x25: {  	[simem:s6], [sflag:s4] =	dma.local [hbm:s3], $0xF7A  }
0x26: {  	[smem:$0x3F59] =	sst s1;
	(tag) =	ssettag s2;
	_ =	strace s9  }
0x27: {  	s1 =	sld [smem:$0x3F69]  }
0x28: {  	s2 =	sld [smem:$0x3F6A]  }
0x29: {  	s4 =	sld [smem:$0x3F6C]  }
0x2a: {  	p0 =	seq.s32 s5, $0x0;
	s5 =	sld [smem:$0x3F6D]  }
0x2b: {  	s6 =	sld [smem:$0x3F6E]  }
0x2c: {  	s7 =	sld [smem:$0x3F6F]  }
0x2d: {  	s3 =	simm.s32 $0x108;
	s8 =	sld [smem:$0x3F70]  }
0x2e: {  	s3 =	simm.s32 @!p0 $0x1082;
	s9 =	sld [smem:$0x3F71]  }
0x2f: {  	lr =	sadd.s32 s0, s3;
	s0 =	sld [smem:$0x3F68]  }
0x30: {  	s3 =	sld [smem:$0x3F6B]  }
0x31: {  	[smem:$0x3F74] =	sst s10  }
0x32: {  	s10 =	sld [smem:$0x3F72];
	_ =	sdelay $0x3  }
0x33: {  	p0 =	seq.s32 s10, $0x1;
	s10 =	sld [smem:$0x3F74];
	_ =	sdelay $0x3  }
0x34: {  	[smem:$0x3F74] =	sst s10  }
0x35: {  	s10 =	sld [smem:$0x3F73];
	_ =	sdelay $0x3  }
0x36: {  	p1 =	seq.s32 s10, $0x1;
	s10 =	sld [smem:$0x3F74];
	_ =	sdelay $0x3  }
0x37: {  	[smem:$0x3F74] =	sst s10  }
0x38: {  	s10 =	sld [smem:$0x3F75]  }
0x39: {  	_ = 	snop;
	(pc) =	sbr.ind lr, $3  }
0x3a: {  	_ = 	snop  }
0x3b: {  	_ = 	snop  }
0x3c: {  	p2 =	seq.s32 s10, $0x1;
	s10 =	sld [smem:$0x3F74]  }
0x3d: {  	_ =	shalt  }
0x3e: {  	_ =	shalt  }
0x3f: {  	_ =	shalt  }
0x40: {  	_ =	shalt  }
0x41: {  	_ =	shalt  }
0x42: {  	_ =	shalt  }
0x43: {  	_ =	shalt  }
0x44: {  	_ =	shalt  }
0x45: {  	_ =	shalt  }
0x46: {  	_ =	shalt  }
0x47: {  	_ =	shalt  }
0x48: {  	_ =	shalt  }
0x49: {  	_ =	shalt  }
0x4a: {  	_ =	shalt  }
0x4b: {  	_ =	shalt  }
0x4c: {  	_ =	shalt  }
0x4d: {  	_ =	shalt  }
0x4e: {  	_ =	shalt  }
0x4f: {  	_ =	shalt  }
0x50: {  	_ =	shalt  }
0x51: {  	_ =	shalt  }
0x52: {  	_ =	shalt  }
0x53: {  	_ =	shalt  }
0x54: {  	_ =	shalt  }
0x55: {  	_ =	shalt  }
0x56: {  	_ =	shalt  }
0x57: {  	_ =	shalt  }
0x58: {  	_ =	shalt  }
0x59: {  	_ =	shalt  }
0x5a: {  	_ =	shalt  }
0x5b: {  	_ =	shalt  }
0x5c: {  	_ =	shalt  }
0x5d: {  	_ =	shalt  }
0x5e: {  	_ =	shalt  }
0x5f: {  	_ =	shalt  }
0x60: {  	_ =	shalt  }
0x61: {  	_ =	shalt  }
0x62: {  	_ =	shalt  }
0x63: {  	_ =	shalt  }
0x64: {  	_ =	shalt  }
0x65: {  	_ =	shalt  }
0x66: {  	_ =	shalt  }
0x67: {  	_ =	shalt  }
0x68: {  	_ =	shalt  }
0x69: {  	_ =	shalt  }
0x6a: {  	_ =	shalt  }
0x6b: {  	_ =	shalt  }
0x6c: {  	_ =	shalt  }
0x6d: {  	_ =	shalt  }
0x6e: {  	_ =	shalt  }
0x6f: {  	_ =	shalt  }
0x70: {  	_ =	shalt  }
0x71: {  	_ =	shalt  }
0x72: {  	_ =	shalt  }
0x73: {  	_ =	shalt  }
0x74: {  	_ =	shalt  }
0x75: {  	_ =	shalt  }
0x76: {  	_ =	shalt  }
0x77: {  	_ =	shalt  }
0x78: {  	_ =	shalt  }
0x79: {  	_ =	shalt  }
0x7a: {  	_ =	shalt  }
0x7b: {  	_ =	shalt  }
0x7c: {  	_ =	shalt  }
0x7d: {  	_ =	shalt  }
0x7e: {  	_ =	shalt  }
0x7f: {  	_ =	shalt  }
0x80: {  	_ =	shalt  }
0x81: {  	_ =	shalt  }
0x82: {  	_ =	shalt  }
0x83: {  	_ =	shalt  }
0x84: {  	_ =	shalt  }
0x85: {  	_ =	shalt  }
0x86: {  	_ =	shalt  }
0x87: {  	_ =	shalt  }
.Lfunc_end0:
.L_simem_size_0:
called_computation_lowered:
.L_overlay_start_0:
0x88: {  	s2 =	sld [smem:$0x3FD9]  }
0x89: {  	s3 =	sld [smem:$0x3FFE];
	_ =	sdelay $0x1  }
0x8a: {  	s1 =	srdreg.scid  }
0x8b: {  	s0 =	sand.u32 $0x1, s1  }
0x8c: {  	s16 =	sshll.u32 s0, $0xA;
	s2 =	sadd.s32 s3, s2  }
0x8d: {  	s2 =	sadd.s32 s2, s16  }
0x8e: {  	[smem:$0x3F80] =	sst s2  }
0x8f: {  	_ = 	snop  }
0x90: {  	(tm) =	ssettm $0x1  }
0x91: {  	s17 =	sld [smem:$0x3FFB];
	_ =	sdelay $0x3  }
0x92: {  	_ =	strace s17  }
0x93: {  	s2 =	sld [smem:$0x3FFC];
	_ =	sdelay $0x3  }
0x94: {  	_ =	strace s2  }
0x95: {  	s2 =	sld [smem:$0x3FFD];
	_ =	sdelay $0x3  }
0x96: {  	_ =	strace s2  }
0x97: {  	_ =	strace $0x8FFFFFFF  }
0x98: {  	s18 =	sld [smem:$0x3FDB];
	_ =	sdelay $0x1  }
0x99: {  	s19 =	simm.s32 $_scs_section_size  }
0x9a: {  	s4 =	simm.s32 $_size__tile_overlayer_lowered;
	s5 =	simm.s32 $_tile_overlayer_lowered  }
0x9b: {  	s22 =	simm.s32 $0x1BFF;
	s21 =	sshll.u32 s5, $0x1;
	s2 =	sadd.s32 s19, s18  }
0x9c: {  	s6 =	simm.s32 $0x0;
	s20 =	sshll.u32 s4, $0x1;
	s4 =	sadd.s32 s21, s2  }
0x9d: {  	[timem:s6], [sflag:s22] =	dma.local [hbm:s4], s20  }
0x9e: {  	_ =	swait.ge [sflag:s22], s20  }
0x9f: {  	s3 =	ssub.s32 $0x0, s20;
	[sflag:s22] =	ssyncset.done $0x0  }
0xa0: {  	[sflag:s22] =	ssyncadd.s32 s3;
	_ =	sdelay $0x1  }
0xa1: {  	s23 =	simm.s32 $0x1B8B  }
0xa2: {  	_ =	swait.ge [sflag:s23], $0x1  }
0xa3: {  	[sflag:s23] =	ssyncset.done $0x0  }
0xa4: {  	s25 =	simm.s32 $0x1B8E;
	s24 =	sld [smem:$0x3FFE];
	[sflag:s23] =	ssyncadd.s32 $0xFFFFFFFF  }
0xa5: {  	s26 =	simm.s32 $execute0_lowered;
	[smem:$0x3FD2] =	sst s25  }
0xa6: {  	s4 =	sshll.u32 s26, $0x1;
	_ =	strace $0x80000046;
	[dreg:$0x1] =	wrdreg $0xFFFFFFFF  }
0xa7: {  	s28 =	simm.s32 $_size_execute0_lowered;
	s2 =	sadd.s32 s2, s4;
	[dreg:$0x0] =	wrdreg $0x0  }
0xa8: {  	s4 =	sshll.u32 s28, $0x1;
	[dreg:$0x2] =	wrdreg s2  }
0xa9: {  	[dreg:$0x3] =	wrdreg s4  }
0xaa: {  	[dreg:$0x4] =	wrdreg $0xC0  }
0xab: {  	_ =	task [dreg:s6], $0x5FFFF  }
0xac: {  	[dreg:$0x1] =	wrdreg $0xFFFFFFFF  }
0xad: {  	[dreg:$0x0] =	wrdreg $0x60  }
0xae: {  	[dreg:$0x2] =	wrdreg s24  }
0xaf: {  	[dreg:$0x3] =	wrdreg $0x9  }
0xb0: {  	_ =	task.clear_ibuf [dreg:s6], $0x4FFFF;
	_ =	strace $0x90000046  }
0xb1: {  	s29 =	simm.s32 $0x9;
	_ =	strace $0x80000048  }
0xb2: {  	_ =	swait.ge [sflag:s29], $0x1  }
0xb3: {  	[sflag:s29] =	ssyncadd.s32 $0xFFFFFFFF  }
0xb4: {  	_ =	strace $0x90000048  }
0xb5: {  	_ =	sfence  }
0xb6: {  	s30 =	sld [smem:$0x0];
	_ =	sdelay $0x2  }
0xb7: {  	s31 =	sshll.u32 s1, $0xD;
	s1 =	sshrl.u32 s1, $0x2  }
0xb8: {  	s3 =	sand.u32 $0x4000, s31;
	s1 =	sadd.s32 s1, s30  }
0xb9: {  	s0 =	sor.u32 s3, s0;
	s1 =	sshll.u32 s1, $0x11  }
0xba: {  	s0 =	sor.u32 s1, s0  }
0xbb: {  	s0 =	sadd.s32 $0x8F2B, s0  }
0xbc: {  	[sflag:s0] =	ssyncadd.remote.s32 $0x1  }
0xbd: {  	_ =	sfence.sel $0xFFFF  }
0xbe: {  	[dreg:$0x0] =	wrdreg $0xFFFFFFFF;
	(pc) =	sbr.abs _section_cstart, $3  }
0xbf: {  	[dreg:$0x1] =	wrdreg $0xFFFFFFFF  }
0xc0: {  	_ =	task.clear_ibuf [dreg:s6], $0x2FFFF;
	_ =	strace $0x9FFFFFFF  }
0xc1: {  	(tm) =	ssettm $0x7FFFFFFF  }
tec
execute0_lowered:
.L_overlay_start_1:
0x0: {  	(tag) =	ssettag $0x1  }
0x1: {  	s0 =	rddreg [dreg:$0x0];
	s1 =	simm.s32 $0x0  }
0x2: {  	s3 =	srdreg.scid;
	s8 =	stileid.u32;
	s13 =	simm.s32 $0x3  }
0x3: {  	s15 =	simm.s32 $0x200;
	s17 =	simm.s32 $0xF200;
	s21 =	simm.s32 $0x1  }
0x4: {  	s22 =	simm.s32 $0x2;
	s16 =	simm.s32 $0x19600;
	s18 =	simm.s32 $0x19A00  }
0x5: {  	s19 =	simm.s32 $0x1A200;
	s20 =	simm.s32 $0x1A600;
	s25 =	simm.s32 $0x1AE00  }
0x6: {  	s28 =	simm.s32 $0x1BA00;
	s29 =	simm.s32 $0x1BE00;
	s30 =	simm.s32 $0x1C600  }
0x7: {  	s31 =	simm.s32 $0x1CA00;
	[smem:$0x7FF] =	sst s1;
	s2 =	sadd.s32 $0xE600, s0  }
0x8: {  	s4 =	sadd.s32 $0xFE00, s0;
	s5 =	sadd.s32 $0xDA00, s0;
	s6 =	sadd.s32 $0xE000, s0  }
0x9: {  	s3 =	sand.u32 $0x1, s3;
	s7 =	sadd.s32 $0x11600, s0;
	s10 =	sshll.u32 s8, $0x1  }
0xa: {  	s8 =	sadd.s32 $0x89600, s0;
	_ =	strace $0x80000047;
	s9 =	ssub.s32 $0x2, s3  }
0xb: {  	s3 =	sor.u32 s3, s10;
	s10 =	sadd.s32 $0xE700, s0;
	s11 =	sshrl.u32 s9, $0x1  }
0xc: {  	v2 =	vlaneseq.u32;
	s12 =	ssub.s32 s9, s11;
	s9 =	smul.u32 $0x140, s3;
	s11 =	sadd.s32 $0xFF00, s0  }
0xd: {  	vm0 =	vmmov $0xffff;
	vm1 =	vmmov $0xff;
	v1 =	vshrl.u32 v2, $0x3;
	s0 =	simm.s32 $0x0;
	s3 =	simm.s32 $0x1D600;
	s26 =	smax.u32 s12, $0x1  }
0xe: {  	v0 =	vand.u32 $0x7, v2;
	v2 =	vor.u32 $0x8, v2;
	v1 =	vmul.u32 $0x8, v1;
	s12 =	simm.s32 $0x1DE00;
	[dreg:$0x2] =	wrdreg s26;
	s26 =	simm.s32 $0x1B200  }
.LBB2_1:
0xf: {  	[dreg:$0x3] =	wrdreg s0  }
0x10: {  	p0 =	por $0x1, $0x1;
	s23 =	simm.s32 $0x0;
	s0 =	simm.s32 $0x1D200  }
.LBB2_2:
0x11: {  	s23 =	sadd.s32 s9, s23  }
0x12: {  	s23 =	sshrl.u32 s23, $0x3  }
0x13: {  	s24 =	sadd.s32 s5, s23  }
0x14: {  	[tilespmem:s1], [sflag:$0x3] =	stream.linear.gather [hbm4b:s24+s1], $0xA0, $0x38;
	[tilespmem:$0x1E200] =	vst v63  }
0x15: {  	_ =	swait.ge [sflag:s13], $0xA0  }
0x16: {  	[sflag:s13] =	ssyncset.done $0x0  }
0x17: {  	s14 =	simm.s32 $0x100;
	s24 =	sadd.s32 s6, s23;
	[sflag:s13] =	ssyncadd.s32 $0xFFFFFF60  }
0x18: {  	[tilespmem:s14], [sflag:$0x3] =	stream.linear.gather [hbm4b:s24+s1], $0xA0, $0x38;
	[tilespmem:$0x1E200] =	vst v63  }
0x19: {  	_ =	swait.ge [sflag:s13], $0xA0  }
0x1a: {  	[sflag:s13] =	ssyncset.done $0x0  }
0x1b: {  	[sflag:s13] =	ssyncadd.s32 $0xFFFFFF60  }
0x1c: {  	v3 =	vld [tilespmem:$0x0];
	_ =	sdelay $0x4  }
0x1d: {  	v4 =	vshrl.u32 v3, $0x3  }
0x1e: {  	v4 =	vmul.u32 $0x18, v4  }
0x1f: {  	v3 =	vand.u32 $0x7, v3  }
0x20: {  	v3 =	vor.u32 v3, v4  }
0x21: {  	v4 =	vperm.xlane v3, v0;
	_ =	sdelay $0x1  }
0x22: {  	v4 =	vadd.s32 v1, v4;
	_ =	sdelay $0x1  }
0x23: {  	v3 =	vperm.xlane v3, v2;
	_ =	sdelay $0x1  }
0x24: {  	v3 =	vadd.s32 v1, v3  }
0x25: {  	[tilespmem:s15], [sflag:$0x1] =	stream.indirect_vreg.gather [hbm4b:s2+s1], $0x80, v4, vm0, $0xb8;
	[tilespmem:$0x1E200] =	vst v63  }
0x26: {  	s24 =	simm.s32 $0xA00  }
0x27: {  	[tilespmem:s24], [sflag:$0x1] =	stream.indirect_vreg.gather [hbm4b:s10+s1], $0x80, v4, vm1, $0xb8;
	[tilespmem:$0x1E200] =	vst v63  }
0x28: {  	s24 =	simm.s32 $0xE00  }
0x29: {  	[tilespmem:s24], [sflag:$0x1] =	stream.indirect_vreg.gather [hbm4b:s2+s1], $0x80, v3, vm0, $0xb8;
	[tilespmem:$0x1E200] =	vst v63  }
0x2a: {  	s24 =	simm.s32 $0x1600  }
0x2b: {  	[tilespmem:s24], [sflag:$0x1] =	stream.indirect_vreg.gather [hbm4b:s10+s1], $0x80, v3, vm1, $0xb8;
	[tilespmem:$0x1E200] =	vst v63  }
0x2c: {  	v3 =	vld [tilespmem:$0x10];
	_ =	sdelay $0x4  }
0x2d: {  	v45 =	vshrl.u32 v3, $0x3  }
0x2e: {  	v4 =	vmul.u32 $0x18, v45  }
0x2f: {  	v3 =	vand.u32 $0x7, v3  }
0x30: {  	v3 =	vor.u32 v3, v4  }
0x31: {  	v4 =	vperm.xlane v3, v0;
	_ =	sdelay $0x1  }
0x32: {  	v4 =	vadd.s32 v1, v4;
	_ =	sdelay $0x1  }
0x33: {  	v3 =	vperm.xlane v3, v2;
	_ =	sdelay $0x1  }
0x34: {  	s24 =	simm.s32 $0x1A00;
	v3 =	vadd.s32 v1, v3  }
0x35: {  	[tilespmem:s24], [sflag:$0x1] =	stream.indirect_vreg.gather [hbm4b:s2+s1], $0x80, v4, vm0, $0xb8;
	[tilespmem:$0x1E200] =	vst v63  }
0x36: {  	s24 =	simm.s32 $0x2200  }
0x37: {  	[tilespmem:s24], [sflag:$0x1] =	stream.indirect_vreg.gather [hbm4b:s10+s1], $0x80, v4, vm1, $0xb8;
	[tilespmem:$0x1E200] =	vst v63  }
0x38: {  	s24 =	simm.s32 $0x2600  }
0x39: {  	[tilespmem:s24], [sflag:$0x1] =	stream.indirect_vreg.gather [hbm4b:s2+s1], $0x80, v3, vm0, $0xb8;
	[tilespmem:$0x1E200] =	vst v63  }
0x3a: {  	s24 =	simm.s32 $0x2E00  }
0x3b: {  	[tilespmem:s24], [sflag:$0x1] =	stream.indirect_vreg.gather [hbm4b:s10+s1], $0x80, v3, vm1, $0xb8;
	[tilespmem:$0x1E200] =	vst v63  }
0x3c: {  	v3 =	vld [tilespmem:$0x20];
	_ =	sdelay $0x4  }
0x3d: {  	v46 =	vshrl.u32 v3, $0x3  }
0x3e: {  	v4 =	vmul.u32 $0x18, v46  }
0x3f: {  	v3 =	vand.u32 $0x7, v3  }
0x40: {  	v3 =	vor.u32 v3, v4  }
0x41: {  	v4 =	vperm.xlane v3, v0;
	_ =	sdelay $0x1  }
0x42: {  	v4 =	vadd.s32 v1, v4;
	_ =	sdelay $0x1  }
0x43: {  	v3 =	vperm.xlane v3, v2;
	_ =	sdelay $0x1  }
0x44: {  	s24 =	simm.s32 $0x3200;
	v3 =	vadd.s32 v1, v3  }
0x45: {  	[tilespmem:s24], [sflag:$0x1] =	stream.indirect_vreg.gather [hbm4b:s2+s1], $0x80, v4, vm0, $0xb8;
	[tilespmem:$0x1E200] =	vst v63  }
0x46: {  	s24 =	simm.s32 $0x3A00  }
0x47: {  	[tilespmem:s24], [sflag:$0x1] =	stream.indirect_vreg.gather [hbm4b:s10+s1], $0x80, v4, vm1, $0xb8;
	[tilespmem:$0x1E200] =	vst v63  }
0x48: {  	s24 =	simm.s32 $0x3E00  }
0x49: {  	[tilespmem:s24], [sflag:$0x1] =	stream.indirect_vreg.gather [hbm4b:s2+s1], $0x80, v3, vm0, $0xb8;
	[tilespmem:$0x1E200] =	vst v63  }
0x4a: {  	s24 =	simm.s32 $0x4600  }
0x4b: {  	[tilespmem:s24], [sflag:$0x1] =	stream.indirect_vreg.gather [hbm4b:s10+s1], $0x80, v3, vm1, $0xb8;
	[tilespmem:$0x1E200] =	vst v63  }
0x4c: {  	v3 =	vld [tilespmem:$0x30];
	_ =	sdelay $0x4  }
0x4d: {  	v47 =	vshrl.u32 v3, $0x3  }
0x4e: {  	v4 =	vmul.u32 $0x18, v47  }
0x4f: {  	v3 =	vand.u32 $0x7, v3  }
0x50: {  	v3 =	vor.u32 v3, v4  }
0x51: {  	v4 =	vperm.xlane v3, v0;
	_ =	sdelay $0x1  }
0x52: {  	v4 =	vadd.s32 v1, v4;
	_ =	sdelay $0x1  }
0x53: {  	v3 =	vperm.xlane v3, v2;
	_ =	sdelay $0x1  }
0x54: {  	s24 =	simm.s32 $0x4A00;
	v3 =	vadd.s32 v1, v3  }
0x55: {  	[tilespmem:s24], [sflag:$0x1] =	stream.indirect_vreg.gather [hbm4b:s2+s1], $0x80, v4, vm0, $0xb8;
	[tilespmem:$0x1E200] =	vst v63  }
0x56: {  	s24 =	simm.s32 $0x5200  }
0x57: {  	[tilespmem:s24], [sflag:$0x1] =	stream.indirect_vreg.gather [hbm4b:s10+s1], $0x80, v4, vm1, $0xb8;
	[tilespmem:$0x1E200] =	vst v63  }
0x58: {  	s24 =	simm.s32 $0x5600  }
0x59: {  	[tilespmem:s24], [sflag:$0x1] =	stream.indirect_vreg.gather [hbm4b:s2+s1], $0x80, v3, vm0, $0xb8;
	[tilespmem:$0x1E200] =	vst v63  }
0x5a: {  	s24 =	simm.s32 $0x5E00  }
0x5b: {  	[tilespmem:s24], [sflag:$0x1] =	stream.indirect_vreg.gather [hbm4b:s10+s1], $0x80, v3, vm1, $0xb8;
	[tilespmem:$0x1E200] =	vst v63  }
0x5c: {  	v3 =	vld [tilespmem:$0x40];
	_ =	sdelay $0x4  }
0x5d: {  	v48 =	vshrl.u32 v3, $0x3  }
0x5e: {  	v4 =	vmul.u32 $0x18, v48  }
0x5f: {  	v3 =	vand.u32 $0x7, v3  }
0x60: {  	v3 =	vor.u32 v3, v4  }
0x61: {  	v4 =	vperm.xlane v3, v0;
	_ =	sdelay $0x1  }
0x62: {  	v4 =	vadd.s32 v1, v4;
	_ =	sdelay $0x1  }
0x63: {  	v3 =	vperm.xlane v3, v2;
	_ =	sdelay $0x1  }
0x64: {  	s24 =	simm.s32 $0x6200;
	v3 =	vadd.s32 v1, v3  }
0x65: {  	[tilespmem:s24], [sflag:$0x1] =	stream.indirect_vreg.gather [hbm4b:s2+s1], $0x80, v4, vm0, $0xb8;
	[tilespmem:$0x1E200] =	vst v63  }
0x66: {  	s24 =	simm.s32 $0x6A00  }
0x67: {  	[tilespmem:s24], [sflag:$0x1] =	stream.indirect_vreg.gather [hbm4b:s10+s1], $0x80, v4, vm1, $0xb8;
	[tilespmem:$0x1E200] =	vst v63  }
0x68: {  	s24 =	simm.s32 $0x6E00  }
0x69: {  	[tilespmem:s24], [sflag:$0x1] =	stream.indirect_vreg.gather [hbm4b:s2+s1], $0x80, v3, vm0, $0xb8;
	[tilespmem:$0x1E200] =	vst v63  }
0x6a: {  	s24 =	simm.s32 $0x7600  }
0x6b: {  	[tilespmem:s24], [sflag:$0x1] =	stream.indirect_vreg.gather [hbm4b:s10+s1], $0x80, v3, vm1, $0xb8;
	[tilespmem:$0x1E200] =	vst v63  }
0x6c: {  	v3 =	vld [tilespmem:$0x50];
	_ =	sdelay $0x4  }
0x6d: {  	v49 =	vshrl.u32 v3, $0x3  }
0x6e: {  	v4 =	vmul.u32 $0x18, v49  }
0x6f: {  	v3 =	vand.u32 $0x7, v3  }
0x70: {  	v3 =	vor.u32 v3, v4  }
0x71: {  	v4 =	vperm.xlane v3, v0;
	_ =	sdelay $0x1  }
0x72: {  	v4 =	vadd.s32 v1, v4;
	_ =	sdelay $0x1  }
0x73: {  	v3 =	vperm.xlane v3, v2;
	_ =	sdelay $0x1  }
0x74: {  	s24 =	simm.s32 $0x7A00;
	v3 =	vadd.s32 v1, v3  }
0x75: {  	[tilespmem:s24], [sflag:$0x1] =	stream.indirect_vreg.gather [hbm4b:s2+s1], $0x80, v4, vm0, $0xb8;
	[tilespmem:$0x1E200] =	vst v63  }
0x76: {  	s24 =	simm.s32 $0x8200  }
0x77: {  	[tilespmem:s24], [sflag:$0x1] =	stream.indirect_vreg.gather [hbm4b:s10+s1], $0x80, v4, vm1, $0xb8;
	[tilespmem:$0x1E200] =	vst v63  }
0x78: {  	s24 =	simm.s32 $0x8600  }
0x79: {  	[tilespmem:s24], [sflag:$0x1] =	stream.indirect_vreg.gather [hbm4b:s2+s1], $0x80, v3, vm0, $0xb8;
	[tilespmem:$0x1E200] =	vst v63  }
0x7a: {  	s24 =	simm.s32 $0x8E00  }
0x7b: {  	[tilespmem:s24], [sflag:$0x1] =	stream.indirect_vreg.gather [hbm4b:s10+s1], $0x80, v3, vm1, $0xb8;
	[tilespmem:$0x1E200] =	vst v63  }
0x7c: {  	v3 =	vld [tilespmem:$0x60];
	_ =	sdelay $0x4  }
0x7d: {  	v50 =	vshrl.u32 v3, $0x3  }
0x7e: {  	v4 =	vmul.u32 $0x18, v50  }
0x7f: {  	v3 =	vand.u32 $0x7, v3  }
0x80: {  	v3 =	vor.u32 v3, v4  }
0x81: {  	v4 =	vperm.xlane v3, v0;
	_ =	sdelay $0x1  }
0x82: {  	v4 =	vadd.s32 v1, v4;
	_ =	sdelay $0x1  }
0x83: {  	v3 =	vperm.xlane v3, v2;
	_ =	sdelay $0x1  }
0x84: {  	s24 =	simm.s32 $0x9200;
	v3 =	vadd.s32 v1, v3  }
0x85: {  	[tilespmem:s24], [sflag:$0x1] =	stream.indirect_vreg.gather [hbm4b:s2+s1], $0x80, v4, vm0, $0xb8;
	[tilespmem:$0x1E200] =	vst v63  }
0x86: {  	s24 =	simm.s32 $0x9A00  }
0x87: {  	[tilespmem:s24], [sflag:$0x1] =	stream.indirect_vreg.gather [hbm4b:s10+s1], $0x80, v4, vm1, $0xb8;
	[tilespmem:$0x1E200] =	vst v63  }
0x88: {  	s24 =	simm.s32 $0x9E00  }
0x89: {  	[tilespmem:s24], [sflag:$0x1] =	stream.indirect_vreg.gather [hbm4b:s2+s1], $0x80, v3, vm0, $0xb8;
	[tilespmem:$0x1E200] =	vst v63  }
0x8a: {  	s24 =	simm.s32 $0xA600  }
0x8b: {  	[tilespmem:s24], [sflag:$0x1] =	stream.indirect_vreg.gather [hbm4b:s10+s1], $0x80, v3, vm1, $0xb8;
	[tilespmem:$0x1E200] =	vst v63  }
0x8c: {  	v3 =	vld [tilespmem:$0x70];
	_ =	sdelay $0x4  }
0x8d: {  	v51 =	vshrl.u32 v3, $0x3  }
0x8e: {  	v4 =	vmul.u32 $0x18, v51  }
0x8f: {  	v3 =	vand.u32 $0x7, v3  }
0x90: {  	v3 =	vor.u32 v3, v4  }
0x91: {  	v4 =	vperm.xlane v3, v0;
	_ =	sdelay $0x1  }
0x92: {  	v4 =	vadd.s32 v1, v4;
	_ =	sdelay $0x1  }
0x93: {  	v3 =	vperm.xlane v3, v2;
	_ =	sdelay $0x1  }
0x94: {  	s24 =	simm.s32 $0xAA00;
	v3 =	vadd.s32 v1, v3  }
0x95: {  	[tilespmem:s24], [sflag:$0x1] =	stream.indirect_vreg.gather [hbm4b:s2+s1], $0x80, v4, vm0, $0xb8;
	[tilespmem:$0x1E200] =	vst v63  }
0x96: {  	s24 =	simm.s32 $0xB200  }
0x97: {  	[tilespmem:s24], [sflag:$0x1] =	stream.indirect_vreg.gather [hbm4b:s10+s1], $0x80, v4, vm1, $0xb8;
	[tilespmem:$0x1E200] =	vst v63  }
0x98: {  	s24 =	simm.s32 $0xB600  }
0x99: {  	[tilespmem:s24], [sflag:$0x1] =	stream.indirect_vreg.gather [hbm4b:s2+s1], $0x80, v3, vm0, $0xb8;
	[tilespmem:$0x1E200] =	vst v63  }
0x9a: {  	s24 =	simm.s32 $0xBE00  }
0x9b: {  	[tilespmem:s24], [sflag:$0x1] =	stream.indirect_vreg.gather [hbm4b:s10+s1], $0x80, v3, vm1, $0xb8;
	[tilespmem:$0x1E200] =	vst v63  }
0x9c: {  	v3 =	vld [tilespmem:$0x80];
	_ =	sdelay $0x4  }
0x9d: {  	v52 =	vshrl.u32 v3, $0x3  }
0x9e: {  	v4 =	vmul.u32 $0x18, v52  }
0x9f: {  	v3 =	vand.u32 $0x7, v3  }
0xa0: {  	v3 =	vor.u32 v3, v4  }
0xa1: {  	v4 =	vperm.xlane v3, v0;
	_ =	sdelay $0x1  }
0xa2: {  	v4 =	vadd.s32 v1, v4;
	_ =	sdelay $0x1  }
0xa3: {  	v3 =	vperm.xlane v3, v2;
	_ =	sdelay $0x1  }
0xa4: {  	s24 =	simm.s32 $0xC200;
	v3 =	vadd.s32 v1, v3  }
0xa5: {  	[tilespmem:s24], [sflag:$0x1] =	stream.indirect_vreg.gather [hbm4b:s2+s1], $0x80, v4, vm0, $0xb8;
	[tilespmem:$0x1E200] =	vst v63  }
0xa6: {  	s24 =	simm.s32 $0xCA00  }
0xa7: {  	[tilespmem:s24], [sflag:$0x1] =	stream.indirect_vreg.gather [hbm4b:s10+s1], $0x80, v4, vm1, $0xb8;
	[tilespmem:$0x1E200] =	vst v63  }
0xa8: {  	s24 =	simm.s32 $0xCE00  }
0xa9: {  	[tilespmem:s24], [sflag:$0x1] =	stream.indirect_vreg.gather [hbm4b:s2+s1], $0x80, v3, vm0, $0xb8;
	[tilespmem:$0x1E200] =	vst v63  }
0xaa: {  	s24 =	simm.s32 $0xD600  }
0xab: {  	[tilespmem:s24], [sflag:$0x1] =	stream.indirect_vreg.gather [hbm4b:s10+s1], $0x80, v3, vm1, $0xb8;
	[tilespmem:$0x1E200] =	vst v63  }
0xac: {  	v3 =	vld [tilespmem:$0x90];
	_ =	sdelay $0x4  }
0xad: {  	v53 =	vshrl.u32 v3, $0x3  }
0xae: {  	v4 =	vmul.u32 $0x18, v53  }
0xaf: {  	v3 =	vand.u32 $0x7, v3  }
0xb0: {  	v3 =	vor.u32 v3, v4  }
0xb1: {  	v4 =	vperm.xlane v3, v0;
	_ =	sdelay $0x1  }
0xb2: {  	v4 =	vadd.s32 v1, v4;
	_ =	sdelay $0x1  }
0xb3: {  	v3 =	vperm.xlane v3, v2;
	_ =	sdelay $0x1  }
0xb4: {  	s24 =	simm.s32 $0xDA00;
	v3 =	vadd.s32 v1, v3  }
0xb5: {  	[tilespmem:s24], [sflag:$0x1] =	stream.indirect_vreg.gather [hbm4b:s2+s1], $0x80, v4, vm0, $0xb8;
	[tilespmem:$0x1E200] =	vst v63  }
0xb6: {  	s24 =	simm.s32 $0xE200  }
0xb7: {  	[tilespmem:s24], [sflag:$0x1] =	stream.indirect_vreg.gather [hbm4b:s10+s1], $0x80, v4, vm1, $0xb8;
	[tilespmem:$0x1E200] =	vst v63  }
0xb8: {  	s24 =	simm.s32 $0xE600  }
0xb9: {  	[tilespmem:s24], [sflag:$0x1] =	stream.indirect_vreg.gather [hbm4b:s2+s1], $0x80, v3, vm0, $0xb8;
	[tilespmem:$0x1E200] =	vst v63  }
0xba: {  	s24 =	simm.s32 $0xEE00  }
0xbb: {  	[tilespmem:s24], [sflag:$0x1] =	stream.indirect_vreg.gather [hbm4b:s10+s1], $0x80, v3, vm1, $0xb8;
	[tilespmem:$0x1E200] =	vst v63  }
0xbc: {  	v3 =	vld [tilespmem:$0x100];
	_ =	sdelay $0x4  }
0xbd: {  	v54 =	vshrl.u32 v3, $0x3  }
0xbe: {  	v4 =	vmul.u32 $0x18, v54  }
0xbf: {  	v3 =	vand.u32 $0x7, v3  }
0xc0: {  	v3 =	vor.u32 v3, v4  }
0xc1: {  	v4 =	vperm.xlane v3, v0;
	_ =	sdelay $0x1  }
0xc2: {  	v4 =	vadd.s32 v1, v4;
	_ =	sdelay $0x1  }
0xc3: {  	v3 =	vperm.xlane v3, v2;
	_ =	sdelay $0x1  }
0xc4: {  	v3 =	vadd.s32 v1, v3  }
0xc5: {  	[tilespmem:s17], [sflag:$0x2] =	stream.indirect_vreg.gather [hbm4b:s4+s1], $0x80, v4, vm0, $0xb8;
	[tilespmem:$0x1E200] =	vst v63  }
0xc6: {  	s24 =	simm.s32 $0xFA00  }
0xc7: {  	[tilespmem:s24], [sflag:$0x2] =	stream.indirect_vreg.gather [hbm4b:s11+s1], $0x80, v4, vm1, $0xb8;
	[tilespmem:$0x1E200] =	vst v63  }
0xc8: {  	s24 =	simm.s32 $0xFE00  }
0xc9: {  	[tilespmem:s24], [sflag:$0x2] =	stream.indirect_vreg.gather [hbm4b:s4+s1], $0x80, v3, vm0, $0xb8;
	[tilespmem:$0x1E200] =	vst v63  }
0xca: {  	s24 =	simm.s32 $0x10600  }
0xcb: {  	[tilespmem:s24], [sflag:$0x2] =	stream.indirect_vreg.gather [hbm4b:s11+s1], $0x80, v3, vm1, $0xb8;
	[tilespmem:$0x1E200] =	vst v63  }
0xcc: {  	v3 =	vld [tilespmem:$0x110];
	_ =	sdelay $0x4  }
0xcd: {  	v55 =	vshrl.u32 v3, $0x3  }
0xce: {  	v4 =	vmul.u32 $0x18, v55  }
0xcf: {  	v3 =	vand.u32 $0x7, v3  }
0xd0: {  	v3 =	vor.u32 v3, v4  }
0xd1: {  	v4 =	vperm.xlane v3, v0;
	_ =	sdelay $0x1  }
0xd2: {  	v4 =	vadd.s32 v1, v4;
	_ =	sdelay $0x1  }
0xd3: {  	v3 =	vperm.xlane v3, v2;
	_ =	sdelay $0x1  }
0xd4: {  	s24 =	simm.s32 $0x10A00;
	v3 =	vadd.s32 v1, v3  }
0xd5: {  	[tilespmem:s24], [sflag:$0x2] =	stream.indirect_vreg.gather [hbm4b:s4+s1], $0x80, v4, vm0, $0xb8;
	[tilespmem:$0x1E200] =	vst v63  }
0xd6: {  	s24 =	simm.s32 $0x11200  }
0xd7: {  	[tilespmem:s24], [sflag:$0x2] =	stream.indirect_vreg.gather [hbm4b:s11+s1], $0x80, v4, vm1, $0xb8;
	[tilespmem:$0x1E200] =	vst v63  }
0xd8: {  	s24 =	simm.s32 $0x11600  }
0xd9: {  	[tilespmem:s24], [sflag:$0x2] =	stream.indirect_vreg.gather [hbm4b:s4+s1], $0x80, v3, vm0, $0xb8;
	[tilespmem:$0x1E200] =	vst v63  }
0xda: {  	s24 =	simm.s32 $0x11E00  }
0xdb: {  	[tilespmem:s24], [sflag:$0x2] =	stream.indirect_vreg.gather [hbm4b:s11+s1], $0x80, v3, vm1, $0xb8;
	[tilespmem:$0x1E200] =	vst v63  }
0xdc: {  	v3 =	vld [tilespmem:$0x120];
	_ =	sdelay $0x4  }
0xdd: {  	v56 =	vshrl.u32 v3, $0x3  }
0xde: {  	v4 =	vmul.u32 $0x18, v56  }
0xdf: {  	v3 =	vand.u32 $0x7, v3  }
0xe0: {  	v3 =	vor.u32 v3, v4  }
0xe1: {  	v4 =	vperm.xlane v3, v0;
	_ =	sdelay $0x1  }
0xe2: {  	v4 =	vadd.s32 v1, v4;
	_ =	sdelay $0x1  }
0xe3: {  	v3 =	vperm.xlane v3, v2;
	_ =	sdelay $0x1  }
0xe4: {  	s24 =	simm.s32 $0x12200;
	v3 =	vadd.s32 v1, v3  }
0xe5: {  	[tilespmem:s24], [sflag:$0x2] =	stream.indirect_vreg.gather [hbm4b:s4+s1], $0x80, v4, vm0, $0xb8;
	[tilespmem:$0x1E200] =	vst v63  }
0xe6: {  	s24 =	simm.s32 $0x12A00  }
0xe7: {  	[tilespmem:s24], [sflag:$0x2] =	stream.indirect_vreg.gather [hbm4b:s11+s1], $0x80, v4, vm1, $0xb8;
	[tilespmem:$0x1E200] =	vst v63  }
0xe8: {  	s24 =	simm.s32 $0x12E00  }
0xe9: {  	[tilespmem:s24], [sflag:$0x2] =	stream.indirect_vreg.gather [hbm4b:s4+s1], $0x80, v3, vm0, $0xb8;
	[tilespmem:$0x1E200] =	vst v63  }
0xea: {  	s24 =	simm.s32 $0x13600  }
0xeb: {  	[tilespmem:s24], [sflag:$0x2] =	stream.indirect_vreg.gather [hbm4b:s11+s1], $0x80, v3, vm1, $0xb8;
	[tilespmem:$0x1E200] =	vst v63  }
0xec: {  	v3 =	vld [tilespmem:$0x130];
	_ =	sdelay $0x4  }
0xed: {  	v57 =	vshrl.u32 v3, $0x3  }
0xee: {  	v4 =	vmul.u32 $0x18, v57  }
0xef: {  	v3 =	vand.u32 $0x7, v3  }
0xf0: {  	v3 =	vor.u32 v3, v4  }
0xf1: {  	v4 =	vperm.xlane v3, v0;
	_ =	sdelay $0x1  }
0xf2: {  	v4 =	vadd.s32 v1, v4;
	_ =	sdelay $0x1  }
0xf3: {  	v3 =	vperm.xlane v3, v2;
	_ =	sdelay $0x1  }
0xf4: {  	s24 =	simm.s32 $0x13A00;
	v3 =	vadd.s32 v1, v3  }
0xf5: {  	[tilespmem:s24], [sflag:$0x2] =	stream.indirect_vreg.gather [hbm4b:s4+s1], $0x80, v4, vm0, $0xb8;
	[tilespmem:$0x1E200] =	vst v63  }
0xf6: {  	s24 =	simm.s32 $0x14200  }
0xf7: {  	[tilespmem:s24], [sflag:$0x2] =	stream.indirect_vreg.gather [hbm4b:s11+s1], $0x80, v4, vm1, $0xb8;
	[tilespmem:$0x1E200] =	vst v63  }
0xf8: {  	s24 =	simm.s32 $0x14600  }
0xf9: {  	[tilespmem:s24], [sflag:$0x2] =	stream.indirect_vreg.gather [hbm4b:s4+s1], $0x80, v3, vm0, $0xb8;
	[tilespmem:$0x1E200] =	vst v63  }
0xfa: {  	s24 =	simm.s32 $0x14E00  }
0xfb: {  	[tilespmem:s24], [sflag:$0x2] =	stream.indirect_vreg.gather [hbm4b:s11+s1], $0x80, v3, vm1, $0xb8;
	[tilespmem:$0x1E200] =	vst v63  }
0xfc: {  	v3 =	vld [tilespmem:$0x140];
	_ =	sdelay $0x4  }
0xfd: {  	v58 =	vshrl.u32 v3, $0x3  }
0xfe: {  	v4 =	vmul.u32 $0x18, v58  }
0xff: {  	v3 =	vand.u32 $0x7, v3  }
0x100: {  	v3 =	vor.u32 v3, v4  }
0x101: {  	v4 =	vperm.xlane v3, v0;
	_ =	sdelay $0x1  }
0x102: {  	v4 =	vadd.s32 v1, v4;
	_ =	sdelay $0x1  }
0x103: {  	v3 =	vperm.xlane v3, v2;
	_ =	sdelay $0x1  }
0x104: {  	s24 =	simm.s32 $0x15200;
	v3 =	vadd.s32 v1, v3  }
0x105: {  	[tilespmem:s24], [sflag:$0x2] =	stream.indirect_vreg.gather [hbm4b:s4+s1], $0x80, v4, vm0, $0xb8;
	[tilespmem:$0x1E200] =	vst v63  }
0x106: {  	s24 =	simm.s32 $0x15A00  }
0x107: {  	[tilespmem:s24], [sflag:$0x2] =	stream.indirect_vreg.gather [hbm4b:s11+s1], $0x80, v4, vm1, $0xb8;
	[tilespmem:$0x1E200] =	vst v63  }
0x108: {  	s24 =	simm.s32 $0x15E00  }
0x109: {  	[tilespmem:s24], [sflag:$0x2] =	stream.indirect_vreg.gather [hbm4b:s4+s1], $0x80, v3, vm0, $0xb8;
	[tilespmem:$0x1E200] =	vst v63  }
0x10a: {  	s24 =	simm.s32 $0x16600  }
0x10b: {  	[tilespmem:s24], [sflag:$0x2] =	stream.indirect_vreg.gather [hbm4b:s11+s1], $0x80, v3, vm1, $0xb8;
	[tilespmem:$0x1E200] =	vst v63  }
0x10c: {  	v3 =	vld [tilespmem:$0x150];
	_ =	sdelay $0x4  }
0x10d: {  	v59 =	vshrl.u32 v3, $0x3  }
0x10e: {  	v4 =	vmul.u32 $0x18, v59  }
0x10f: {  	v3 =	vand.u32 $0x7, v3  }
0x110: {  	v3 =	vor.u32 v3, v4  }
0x111: {  	v4 =	vperm.xlane v3, v0;
	_ =	sdelay $0x1  }
0x112: {  	v4 =	vadd.s32 v1, v4;
	_ =	sdelay $0x1  }
0x113: {  	v3 =	vperm.xlane v3, v2;
	_ =	sdelay $0x1  }
0x114: {  	s24 =	simm.s32 $0x16A00;
	v3 =	vadd.s32 v1, v3  }
0x115: {  	[tilespmem:s24], [sflag:$0x2] =	stream.indirect_vreg.gather [hbm4b:s4+s1], $0x80, v4, vm0, $0xb8;
	[tilespmem:$0x1E200] =	vst v63  }
0x116: {  	s24 =	simm.s32 $0x17200  }
0x117: {  	[tilespmem:s24], [sflag:$0x2] =	stream.indirect_vreg.gather [hbm4b:s11+s1], $0x80, v4, vm1, $0xb8;
	[tilespmem:$0x1E200] =	vst v63  }
0x118: {  	s24 =	simm.s32 $0x17600  }
0x119: {  	[tilespmem:s24], [sflag:$0x2] =	stream.indirect_vreg.gather [hbm4b:s4+s1], $0x80, v3, vm0, $0xb8;
	[tilespmem:$0x1E200] =	vst v63  }
0x11a: {  	s24 =	simm.s32 $0x17E00  }
0x11b: {  	[tilespmem:s24], [sflag:$0x2] =	stream.indirect_vreg.gather [hbm4b:s11+s1], $0x80, v3, vm1, $0xb8;
	[tilespmem:$0x1E200] =	vst v63  }
0x11c: {  	v3 =	vld [tilespmem:$0x160];
	_ =	sdelay $0x4  }
0x11d: {  	v60 =	vshrl.u32 v3, $0x3  }
0x11e: {  	v4 =	vmul.u32 $0x18, v60  }
0x11f: {  	v3 =	vand.u32 $0x7, v3  }
0x120: {  	v3 =	vor.u32 v3, v4  }
0x121: {  	v4 =	vperm.xlane v3, v0;
	_ =	sdelay $0x1  }
0x122: {  	v4 =	vadd.s32 v1, v4;
	_ =	sdelay $0x1  }
0x123: {  	v3 =	vperm.xlane v3, v2;
	_ =	sdelay $0x1  }
0x124: {  	s24 =	simm.s32 $0x18200;
	v3 =	vadd.s32 v1, v3  }
0x125: {  	[tilespmem:s24], [sflag:$0x2] =	stream.indirect_vreg.gather [hbm4b:s4+s1], $0x80, v4, vm0, $0xb8;
	[tilespmem:$0x1E200] =	vst v63  }
0x126: {  	s24 =	simm.s32 $0x18A00  }
0x127: {  	[tilespmem:s24], [sflag:$0x2] =	stream.indirect_vreg.gather [hbm4b:s11+s1], $0x80, v4, vm1, $0xb8;
	[tilespmem:$0x1E200] =	vst v63  }
0x128: {  	s24 =	simm.s32 $0x18E00  }
0x129: {  	[tilespmem:s24], [sflag:$0x2] =	stream.indirect_vreg.gather [hbm4b:s4+s1], $0x80, v3, vm0, $0xb8;
	[tilespmem:$0x1E200] =	vst v63  }
0x12a: {  	_ = 	snop  }
0x12b: {  	[tilespmem:s16], [sflag:$0x2] =	stream.indirect_vreg.gather [hbm4b:s11+s1], $0x80, v3, vm1, $0xb8;
	[tilespmem:$0x1E200] =	vst v63  }
0x12c: {  	v3 =	vld [tilespmem:$0x170];
	_ =	sdelay $0x4  }
0x12d: {  	v61 =	vshrl.u32 v3, $0x3  }
0x12e: {  	v4 =	vmul.u32 $0x18, v61  }
0x12f: {  	v3 =	vand.u32 $0x7, v3  }
0x130: {  	v3 =	vor.u32 v3, v4  }
0x131: {  	v4 =	vperm.xlane v3, v0;
	_ =	sdelay $0x1  }
0x132: {  	v4 =	vadd.s32 v1, v4;
	_ =	sdelay $0x1  }
0x133: {  	v3 =	vperm.xlane v3, v2;
	_ =	sdelay $0x1  }
0x134: {  	v3 =	vadd.s32 v1, v3  }
0x135: {  	[tilespmem:s18], [sflag:$0x2] =	stream.indirect_vreg.gather [hbm4b:s4+s1], $0x80, v4, vm0, $0xb8;
	[tilespmem:$0x1E200] =	vst v63  }
0x136: {  	_ = 	snop  }
0x137: {  	[tilespmem:s19], [sflag:$0x2] =	stream.indirect_vreg.gather [hbm4b:s11+s1], $0x80, v4, vm1, $0xb8;
	[tilespmem:$0x1E200] =	vst v63  }
0x138: {  	_ = 	snop  }
0x139: {  	[tilespmem:s20], [sflag:$0x2] =	stream.indirect_vreg.gather [hbm4b:s4+s1], $0x80, v3, vm0, $0xb8;
	[tilespmem:$0x1E200] =	vst v63  }
0x13a: {  	_ = 	snop  }
0x13b: {  	[tilespmem:s25], [sflag:$0x2] =	stream.indirect_vreg.gather [hbm4b:s11+s1], $0x80, v3, vm1, $0xb8;
	[tilespmem:$0x1E200] =	vst v63  }
0x13c: {  	v3 =	vld [tilespmem:$0x180];
	_ =	sdelay $0x4  }
0x13d: {  	v62 =	vshrl.u32 v3, $0x3  }
0x13e: {  	v4 =	vmul.u32 $0x18, v62  }
0x13f: {  	v3 =	vand.u32 $0x7, v3  }
0x140: {  	v3 =	vor.u32 v3, v4  }
0x141: {  	v4 =	vperm.xlane v3, v0;
	_ =	sdelay $0x1  }
0x142: {  	v4 =	vadd.s32 v1, v4;
	_ =	sdelay $0x1  }
0x143: {  	v3 =	vperm.xlane v3, v2;
	_ =	sdelay $0x1  }
0x144: {  	v3 =	vadd.s32 v1, v3  }
0x145: {  	[tilespmem:s26], [sflag:$0x2] =	stream.indirect_vreg.gather [hbm4b:s4+s1], $0x80, v4, vm0, $0xb8;
	[tilespmem:$0x1E200] =	vst v63  }
0x146: {  	_ = 	snop  }
0x147: {  	[tilespmem:s28], [sflag:$0x2] =	stream.indirect_vreg.gather [hbm4b:s11+s1], $0x80, v4, vm1, $0xb8;
	[tilespmem:$0x1E200] =	vst v63  }
0x148: {  	_ = 	snop  }
0x149: {  	[tilespmem:s29], [sflag:$0x2] =	stream.indirect_vreg.gather [hbm4b:s4+s1], $0x80, v3, vm0, $0xb8;
	[tilespmem:$0x1E200] =	vst v63  }
0x14a: {  	_ = 	snop  }
0x14b: {  	[tilespmem:s30], [sflag:$0x2] =	stream.indirect_vreg.gather [hbm4b:s11+s1], $0x80, v3, vm1, $0xb8;
	[tilespmem:$0x1E200] =	vst v63  }
0x14c: {  	v3 =	vld [tilespmem:$0x190];
	_ =	sdelay $0x4  }
0x14d: {  	v63 =	vshrl.u32 v3, $0x3  }
0x14e: {  	v4 =	vmul.u32 $0x18, v63  }
0x14f: {  	v3 =	vand.u32 $0x7, v3  }
0x150: {  	v3 =	vor.u32 v3, v4  }
0x151: {  	v4 =	vperm.xlane v3, v0;
	_ =	sdelay $0x1  }
0x152: {  	v4 =	vadd.s32 v1, v4;
	_ =	sdelay $0x1  }
0x153: {  	v3 =	vperm.xlane v3, v2;
	_ =	sdelay $0x1  }
0x154: {  	v3 =	vadd.s32 v1, v3  }
0x155: {  	[tilespmem:s31], [sflag:$0x2] =	stream.indirect_vreg.gather [hbm4b:s4+s1], $0x80, v4, vm0, $0xb8;
	[tilespmem:$0x1E200] =	vst v63  }
0x156: {  	_ = 	snop  }
0x157: {  	[tilespmem:s0], [sflag:$0x2] =	stream.indirect_vreg.gather [hbm4b:s11+s1], $0x80, v4, vm1, $0xb8;
	[tilespmem:$0x1E200] =	vst v63  }
0x158: {  	_ = 	snop  }
0x159: {  	[tilespmem:s3], [sflag:$0x2] =	stream.indirect_vreg.gather [hbm4b:s4+s1], $0x80, v3, vm0, $0xb8;
	[tilespmem:$0x1E200] =	vst v63  }
0x15a: {  	_ = 	snop  }
0x15b: {  	[tilespmem:s12], [sflag:$0x2] =	stream.indirect_vreg.gather [hbm4b:s11+s1], $0x80, v3, vm1, $0xb8;
	[tilespmem:$0x1E200] =	vst v63  }
0x15c: {  	_ =	swait.ge [sflag:s21], $0xF000  }
0x15d: {  	[sflag:s21] =	ssyncset.done $0x0  }
0x15e: {  	[sflag:s21] =	ssyncadd.s32 $0xFFFF1000  }
0x15f: {  	s23 =	smul.u32 $0x180, s23;
	_ =	swait.ge [sflag:s22], $0xF000  }
0x160: {  	[sflag:s22] =	ssyncset.done $0x0  }
0x161: {  	s14 =	sadd.s32 s7, s23;
	[sflag:s22] =	ssyncadd.s32 $0xFFFF1000  }
0x162: {  	[hbm4b:s14+s1] =	stream.linear.scatter [tilespmem:s15], [sflag:$0x3], $0xF000, $0x38;
	[tilespmem:$0x1E200] =	vst v63  }
0x163: {  	_ =	swait.ge [sflag:s13], $0xF000  }
0x164: {  	p1 =	por p0, p0;
	[sflag:s13] =	ssyncset.done $0x0  }
.Ltmp0:
0x165: {  	s23 =	sadd.s32 s8, s23;
	[sflag:s13] =	ssyncadd.s32 $0xFFFF1000;
	(pc) =	sbr.rel @p1 .LBB2_2-.Ltmp0, $4  }
0x166: {  	[hbm4b:s23+s1] =	stream.linear.scatter [tilespmem:s17], [sflag:$0x3], $0xF000, $0x38;
	[tilespmem:$0x1E200] =	vst v63  }
0x167: {  	_ =	swait.ge [sflag:s13], $0xF000  }
0x168: {  	[sflag:s13] =	ssyncset.done $0x0  }
0x169: {  	p0 =	por $0x0, $0x0;
	s23 =	simm.s32 $0xA0;
	[sflag:s13] =	ssyncadd.s32 $0xFFFF1000  }
0x16a: {  	s0 =	rddreg [dreg:$0x3]  }
0x16b: {  	s23 =	rddreg [dreg:$0x2];
	s0 =	sadd.s32 $0x1, s0  }
0x16c: {  	p0 =	sne.s32 s0, s23  }
.Ltmp1:
0x16d: {  	_ = 	snop;
	(pc) =	sbr.rel @p0 .LBB2_1-.Ltmp1, $1  }
0x16e: {  	_ =	sdelay $0x3  }
0x16f: {  	_ =	sfence.sel $0x180000  }
0x170: {  	[bflag:$0x0] =	sbarrier.arrive $0xFFFF  }
0x171: {  	_ =	strace $0x90000047  }
0x172: {  	s0 =	stileid.u32;
	[bflag:$0x2] =	sbarrier.arrive $0xFFFF  }
0x173: {  	p0 =	sne.s32 s0, $0x0;
	s0 =	rddreg [dreg:$0x1]  }
0x174: {  	s0 =	sadd.s32 @!p0 $0x100000, s0  }
0x175: {  	[sflag:s0] =	ssyncadd.tile.s32 @!p0 $0x1;
	_ =	shalt  }
.Lfunc_end2:
_tile_overlayer_lowered:
.L_overlay_start_2:
0x176: {  	(tag) =	ssettag $0x2  }
0x177: {  	s0 =	rddreg [dreg:$0x0];
	s2 =	stileid.u32  }
0x178: {  	s1 =	rddreg [dreg:$0x1];
	p0 =	sne.s32 s2, $0x0  }
0x179: {  	s3 =	rddreg [dreg:$0x2];
	[bflag:$0x3] =	sbarrier.arrive $0xFFFF;
	s2 =	simm.s32 @!p0 $0x1C03  }
0x17a: {  	[timem:s3], [sflag:s2] =	dma.local @!p0 [hbm:s0], s1  }
0x17b: {  	s0 =	simm.s32 @!p0 $0x3  }
0x17c: {  	_ =	swait.ge @!p0 [sflag:s0], s1  }
0x17d: {  	s1 =	ssub.s32 @!p0 $0x0, s1;
	[sflag:s0] =	ssyncset.done @!p0 $0x0  }
0x17e: {  	[sflag:s0] =	ssyncadd.s32 @!p0 s1  }
0x17f: {  	[bflag:$0x3] =	sbarrier.arrive $0xFFFF  }
0x180: {  	_ =	shalt  }

// kernel: kernel.27.cloned.1.call-start
scs
__scs_entry_jumppad:
0x0: {  	(pc) =	sbr.rel $0x88, $3  }
0x1: {  	(tag) =	ssettag $0x0;
	lr =	simm.s32 $0x1  }
0x2: {  	[smem:$0x3F59] =	sst lr;
	_ =	strace $0xD0000000  }
0x3: {  	_ = 	snop  }
0x4: {  	_ = 	snop  }
0x5: {  	_ = 	snop  }
0x6: {  	_ = 	snop  }
0x7: {  	_ = 	snop  }
__scs_overlays_trampoline_lowered:
0x8: {  	[smem:$0x3F68] =	sst s0  }
0x9: {  	[smem:$0x3F69] =	sst s1  }
0xa: {  	[smem:$0x3F6A] =	sst s2  }
0xb: {  	[smem:$0x3F6B] =	sst s3  }
0xc: {  	[smem:$0x3F6C] =	sst s4  }
0xd: {  	[smem:$0x3F6D] =	sst s5  }
0xe: {  	[smem:$0x3F6E] =	sst s6  }
0xf: {  	[smem:$0x3F6F] =	sst s7  }
0x10: {  	[smem:$0x3F70] =	sst s8  }
0x11: {  	[smem:$0x3F71] =	sst s9;
	s0 =	simm.s32 @!p0 $0x0  }
0x12: {  	s1 =	sld [smem:$0x3F57];
	s0 =	simm.s32 @p0 $0x1  }
0x13: {  	[smem:$0x3F72] =	sst s0;
	s0 =	simm.s32 @!p1 $0x0  }
0x14: {  	s2 =	sld [smem:$0x3F56];
	s0 =	simm.s32 @p1 $0x1  }
0x15: {  	[smem:$0x3F73] =	sst s0;
	s0 =	simm.s32 @!p2 $0x0  }
0x16: {  	s3 =	sld [smem:$0x3FDB];
	s0 =	simm.s32 @p2 $0x1  }
0x17: {  	s4 =	simm.s32 $0x1BF5;
	[smem:$0x3F75] =	sst s0  }
0x18: {  	s0 =	sld [smem:$0x3F58];
	_ =	swait.ge [sflag:s4], $0x0  }
0x19: {  	s7 =	sld [smem:$0x3F59]  }
0x1a: {  	s8 =	sadd.s32 $0xFFFFE003, lr  }
0x1b: {  	s9 =	sadd.s32 $0xFFFFFEF7, lr;
	s5 =	simm.s32 $0xFFFFFFFF;
	p2 =	slt.u32 s8, $0xFFFFF086  }
0x1c: {  	p1 =	slt.u32 s9, $0xF7A;
	s5 =	simm.s32 @!p2 $0x0  }
0x1d: {  	s5 =	simm.s32 @p1 $0x1;
	p0 =	seq.s32 s7, s2  }
0x1e: {  	s7 =	smul.u32 @!p0 $0xF7A, s2;
	p2 =	seq.s32 @!p0 s5, $0x0  }
0x1f: {  	s9 =	smul.u32 $0xF7A, s1;
	s8 =	simm.s32 @!p0 $0x1BF5;
	p2 =	por !p2, p0  }
0x20: {  	[sflag:s8] =	ssyncset.s32 @!p0 $0xFFFFF086;
	s6 =	sadd.s32 @!p0 s3, s7;
	s7 =	simm.s32 @!p0 $0x108  }
0x21: {  	s3 =	sadd.s32 s3, s9;
	s6 =	sadd.s32 @!p0 $0x88, s6;
	s7 =	simm.s32 @p2 $0x1082  }
0x22: {  	[simem:s7], [sflag:s8] =	dma.local @!p0 [hbm:s6], $0xF7A  }
0x23: {  	s9 =	sor.u32 $0xD0000000, s2;
	s6 =	simm.s32 $0x108;
	_ =	swait.ge @!p0 [sflag:s8], $0x0  }
0x24: {  	s3 =	sadd.s32 $0x88, s3;
	s6 =	simm.s32 @!p1 $0x1082;
	[sflag:s4] =	ssyncset.s32 $0xFFFFF086  }
0x25: {  	[simem:s6], [sflag:s4] =	dma.local [hbm:s3], $0xF7A  }
0x26: {  	[smem:$0x3F59] =	sst s1;
	(tag) =	ssettag s2;
	_ =	strace s9  }
0x27: {  	s1 =	sld [smem:$0x3F69]  }
0x28: {  	s2 =	sld [smem:$0x3F6A]  }
0x29: {  	s4 =	sld [smem:$0x3F6C]  }
0x2a: {  	p0 =	seq.s32 s5, $0x0;
	s5 =	sld [smem:$0x3F6D]  }
0x2b: {  	s6 =	sld [smem:$0x3F6E]  }
0x2c: {  	s7 =	sld [smem:$0x3F6F]  }
0x2d: {  	s3 =	simm.s32 $0x108;
	s8 =	sld [smem:$0x3F70]  }
0x2e: {  	s3 =	simm.s32 @!p0 $0x1082;
	s9 =	sld [smem:$0x3F71]  }
0x2f: {  	lr =	sadd.s32 s0, s3;
	s0 =	sld [smem:$0x3F68]  }
0x30: {  	s3 =	sld [smem:$0x3F6B]  }
0x31: {  	[smem:$0x3F74] =	sst s10  }
0x32: {  	s10 =	sld [smem:$0x3F72];
	_ =	sdelay $0x3  }
0x33: {  	p0 =	seq.s32 s10, $0x1;
	s10 =	sld [smem:$0x3F74];
	_ =	sdelay $0x3  }
0x34: {  	[smem:$0x3F74] =	sst s10  }
0x35: {  	s10 =	sld [smem:$0x3F73];
	_ =	sdelay $0x3  }
0x36: {  	p1 =	seq.s32 s10, $0x1;
	s10 =	sld [smem:$0x3F74];
	_ =	sdelay $0x3  }
0x37: {  	[smem:$0x3F74] =	sst s10  }
0x38: {  	s10 =	sld [smem:$0x3F75]  }
0x39: {  	_ = 	snop;
	(pc) =	sbr.ind lr, $3  }
0x3a: {  	_ = 	snop  }
0x3b: {  	_ = 	snop  }
0x3c: {  	p2 =	seq.s32 s10, $0x1;
	s10 =	sld [smem:$0x3F74]  }
0x3d: {  	_ =	shalt  }
0x3e: {  	_ =	shalt  }
0x3f: {  	_ =	shalt  }
0x40: {  	_ =	shalt  }
0x41: {  	_ =	shalt  }
0x42: {  	_ =	shalt  }
0x43: {  	_ =	shalt  }
0x44: {  	_ =	shalt  }
0x45: {  	_ =	shalt  }
0x46: {  	_ =	shalt  }
0x47: {  	_ =	shalt  }
0x48: {  	_ =	shalt  }
0x49: {  	_ =	shalt  }
0x4a: {  	_ =	shalt  }
0x4b: {  	_ =	shalt  }
0x4c: {  	_ =	shalt  }
0x4d: {  	_ =	shalt  }
0x4e: {  	_ =	shalt  }
0x4f: {  	_ =	shalt  }
0x50: {  	_ =	shalt  }
0x51: {  	_ =	shalt  }
0x52: {  	_ =	shalt  }
0x53: {  	_ =	shalt  }
0x54: {  	_ =	shalt  }
0x55: {  	_ =	shalt  }
0x56: {  	_ =	shalt  }
0x57: {  	_ =	shalt  }
0x58: {  	_ =	shalt  }
0x59: {  	_ =	shalt  }
0x5a: {  	_ =	shalt  }
0x5b: {  	_ =	shalt  }
0x5c: {  	_ =	shalt  }
0x5d: {  	_ =	shalt  }
0x5e: {  	_ =	shalt  }
0x5f: {  	_ =	shalt  }
0x60: {  	_ =	shalt  }
0x61: {  	_ =	shalt  }
0x62: {  	_ =	shalt  }
0x63: {  	_ =	shalt  }
0x64: {  	_ =	shalt  }
0x65: {  	_ =	shalt  }
0x66: {  	_ =	shalt  }
0x67: {  	_ =	shalt  }
0x68: {  	_ =	shalt  }
0x69: {  	_ =	shalt  }
0x6a: {  	_ =	shalt  }
0x6b: {  	_ =	shalt  }
0x6c: {  	_ =	shalt  }
0x6d: {  	_ =	shalt  }
0x6e: {  	_ =	shalt  }
0x6f: {  	_ =	shalt  }
0x70: {  	_ =	shalt  }
0x71: {  	_ =	shalt  }
0x72: {  	_ =	shalt  }
0x73: {  	_ =	shalt  }
0x74: {  	_ =	shalt  }
0x75: {  	_ =	shalt  }
0x76: {  	_ =	shalt  }
0x77: {  	_ =	shalt  }
0x78: {  	_ =	shalt  }
0x79: {  	_ =	shalt  }
0x7a: {  	_ =	shalt  }
0x7b: {  	_ =	shalt  }
0x7c: {  	_ =	shalt  }
0x7d: {  	_ =	shalt  }
0x7e: {  	_ =	shalt  }
0x7f: {  	_ =	shalt  }
0x80: {  	_ =	shalt  }
0x81: {  	_ =	shalt  }
0x82: {  	_ =	shalt  }
0x83: {  	_ =	shalt  }
0x84: {  	_ =	shalt  }
0x85: {  	_ =	shalt  }
0x86: {  	_ =	shalt  }
0x87: {  	_ =	shalt  }
.Lfunc_end0:
.L_simem_size_0:
called_computation.1_lowered:
.L_overlay_start_0:
0x88: {  	s2 =	sld [smem:$0x3FD9]  }
0x89: {  	s3 =	sld [smem:$0x3FFE];
	_ =	sdelay $0x1  }
0x8a: {  	s1 =	srdreg.scid  }
0x8b: {  	s0 =	sand.u32 $0x1, s1  }
0x8c: {  	s16 =	sshll.u32 s0, $0xA;
	s2 =	sadd.s32 s3, s2  }
0x8d: {  	s2 =	sadd.s32 s2, s16  }
0x8e: {  	[smem:$0x3F80] =	sst s2  }
0x8f: {  	_ = 	snop  }
0x90: {  	(tm) =	ssettm $0x1  }
0x91: {  	s17 =	sld [smem:$0x3FFB];
	_ =	sdelay $0x3  }
0x92: {  	_ =	strace s17  }
0x93: {  	s2 =	sld [smem:$0x3FFC];
	_ =	sdelay $0x3  }
0x94: {  	_ =	strace s2  }
0x95: {  	s2 =	sld [smem:$0x3FFD];
	_ =	sdelay $0x3  }
0x96: {  	_ =	strace s2  }
0x97: {  	_ =	strace $0x8FFFFFFF  }
0x98: {  	s18 =	sld [smem:$0x3FDB];
	_ =	sdelay $0x1  }
0x99: {  	s19 =	simm.s32 $_scs_section_size  }
0x9a: {  	s4 =	simm.s32 $_size__tile_overlayer_lowered;
	s5 =	simm.s32 $_tile_overlayer_lowered  }
0x9b: {  	s22 =	simm.s32 $0x1BFF;
	s21 =	sshll.u32 s5, $0x1;
	s2 =	sadd.s32 s19, s18  }
0x9c: {  	s6 =	simm.s32 $0x0;
	s20 =	sshll.u32 s4, $0x1;
	s4 =	sadd.s32 s21, s2  }
0x9d: {  	[timem:s6], [sflag:s22] =	dma.local [hbm:s4], s20  }
0x9e: {  	_ =	swait.ge [sflag:s22], s20  }
0x9f: {  	s3 =	ssub.s32 $0x0, s20;
	[sflag:s22] =	ssyncset.done $0x0  }
0xa0: {  	[sflag:s22] =	ssyncadd.s32 s3;
	_ =	sdelay $0x1  }
0xa1: {  	s23 =	simm.s32 $0x1B8B  }
0xa2: {  	_ =	swait.ge [sflag:s23], $0x1  }
0xa3: {  	[sflag:s23] =	ssyncset.done $0x0  }
0xa4: {  	s25 =	simm.s32 $0x1B8E;
	s24 =	sld [smem:$0x3FFE];
	[sflag:s23] =	ssyncadd.s32 $0xFFFFFFFF  }
0xa5: {  	s26 =	simm.s32 $execute0_lowered;
	[smem:$0x3FD2] =	sst s25  }
0xa6: {  	s4 =	sshll.u32 s26, $0x1;
	_ =	strace $0x80000049;
	[dreg:$0x1] =	wrdreg $0xFFFFFFFF  }
0xa7: {  	s28 =	simm.s32 $_size_execute0_lowered;
	s2 =	sadd.s32 s2, s4;
	[dreg:$0x0] =	wrdreg $0x0  }
0xa8: {  	s4 =	sshll.u32 s28, $0x1;
	[dreg:$0x2] =	wrdreg s2  }
0xa9: {  	[dreg:$0x3] =	wrdreg s4  }
0xaa: {  	[dreg:$0x4] =	wrdreg $0xC0  }
0xab: {  	_ =	task [dreg:s6], $0x5FFFF  }
0xac: {  	[dreg:$0x1] =	wrdreg $0xFFFFFFFF  }
0xad: {  	[dreg:$0x0] =	wrdreg $0x60  }
0xae: {  	[dreg:$0x2] =	wrdreg s24  }
0xaf: {  	[dreg:$0x3] =	wrdreg $0x9  }
0xb0: {  	_ =	task.clear_ibuf [dreg:s6], $0x4FFFF;
	_ =	strace $0x90000049  }
0xb1: {  	s29 =	simm.s32 $0x9;
	_ =	strace $0x8000004B  }
0xb2: {  	_ =	swait.ge [sflag:s29], $0x1  }
0xb3: {  	[sflag:s29] =	ssyncadd.s32 $0xFFFFFFFF  }
0xb4: {  	_ =	strace $0x9000004B  }
0xb5: {  	_ =	sfence  }
0xb6: {  	s30 =	sld [smem:$0x0];
	_ =	sdelay $0x2  }
0xb7: {  	s31 =	sshll.u32 s1, $0xD;
	s1 =	sshrl.u32 s1, $0x2  }
0xb8: {  	s3 =	sand.u32 $0x4000, s31;
	s1 =	sadd.s32 s1, s30  }
0xb9: {  	s0 =	sor.u32 s3, s0;
	s1 =	sshll.u32 s1, $0x11  }
0xba: {  	s0 =	sor.u32 s1, s0  }
0xbb: {  	s0 =	sadd.s32 $0x8F2B, s0  }
0xbc: {  	[sflag:s0] =	ssyncadd.remote.s32 $0x1  }
0xbd: {  	_ =	sfence.sel $0xFFFF  }
0xbe: {  	[dreg:$0x0] =	wrdreg $0xFFFFFFFF;
	(pc) =	sbr.abs _section_cstart, $3  }
0xbf: {  	[dreg:$0x1] =	wrdreg $0xFFFFFFFF  }
0xc0: {  	_ =	task.clear_ibuf [dreg:s6], $0x2FFFF;
	_ =	strace $0x9FFFFFFF  }
0xc1: {  	(tm) =	ssettm $0x7FFFFFFF  }
tec
execute0_lowered:
.L_overlay_start_1:
0x0: {  	(tag) =	ssettag $0x1  }
0x1: {  	s0 =	rddreg [dreg:$0x0];
	s1 =	simm.s32 $0x0  }
0x2: {  	s3 =	srdreg.scid;
	s8 =	stileid.u32;
	s13 =	simm.s32 $0x3  }
0x3: {  	s15 =	simm.s32 $0x200;
	s17 =	simm.s32 $0xF200;
	s21 =	simm.s32 $0x1  }
0x4: {  	s22 =	simm.s32 $0x2;
	s16 =	simm.s32 $0x19600;
	s18 =	simm.s32 $0x19A00  }
0x5: {  	s19 =	simm.s32 $0x1A200;
	s20 =	simm.s32 $0x1A600;
	s25 =	simm.s32 $0x1AE00  }
0x6: {  	s28 =	simm.s32 $0x1BA00;
	s29 =	simm.s32 $0x1BE00;
	s30 =	simm.s32 $0x1C600  }
0x7: {  	s31 =	simm.s32 $0x1CA00;
	[smem:$0x7FF] =	sst s1;
	s2 =	sadd.s32 $0xE600, s0  }
0x8: {  	s4 =	sadd.s32 $0xFE00, s0;
	s5 =	sadd.s32 $0xDA00, s0;
	s6 =	sadd.s32 $0xE000, s0  }
0x9: {  	s3 =	sand.u32 $0x1, s3;
	s7 =	sadd.s32 $0x11600, s0;
	s10 =	sshll.u32 s8, $0x1  }
0xa: {  	s8 =	sadd.s32 $0x89600, s0;
	_ =	strace $0x8000004A;
	s9 =	ssub.s32 $0x2, s3  }
0xb: {  	s3 =	sor.u32 s3, s10;
	s10 =	sadd.s32 $0xE700, s0;
	s11 =	sshrl.u32 s9, $0x1  }
0xc: {  	v2 =	vlaneseq.u32;
	s12 =	ssub.s32 s9, s11;
	s9 =	smul.u32 $0x140, s3;
	s11 =	sadd.s32 $0xFF00, s0  }
0xd: {  	vm0 =	vmmov $0xffff;
	vm1 =	vmmov $0xff;
	v1 =	vshrl.u32 v2, $0x3;
	s0 =	simm.s32 $0x0;
	s3 =	simm.s32 $0x1D600;
	s26 =	smax.u32 s12, $0x1  }
0xe: {  	v0 =	vand.u32 $0x7, v2;
	v2 =	vor.u32 $0x8, v2;
	v1 =	vmul.u32 $0x8, v1;
	s12 =	simm.s32 $0x1DE00;
	[dreg:$0x2] =	wrdreg s26;
	s26 =	simm.s32 $0x1B200  }
.LBB2_1:
0xf: {  	[dreg:$0x3] =	wrdreg s0  }
0x10: {  	p0 =	por $0x1, $0x1;
	s23 =	simm.s32 $0x0;
	s0 =	simm.s32 $0x1D200  }
.LBB2_2:
0x11: {  	s23 =	sadd.s32 s9, s23  }
0x12: {  	s23 =	sshrl.u32 s23, $0x3  }
0x13: {  	s24 =	sadd.s32 s5, s23  }
0x14: {  	[tilespmem:s1], [sflag:$0x3] =	stream.linear.gather [hbm4b:s24+s1], $0xA0, $0x38;
	[tilespmem:$0x1E200] =	vst v63  }
0x15: {  	_ =	swait.ge [sflag:s13], $0xA0  }
0x16: {  	[sflag:s13] =	ssyncset.done $0x0  }
0x17: {  	s14 =	simm.s32 $0x100;
	s24 =	sadd.s32 s6, s23;
	[sflag:s13] =	ssyncadd.s32 $0xFFFFFF60  }
0x18: {  	[tilespmem:s14], [sflag:$0x3] =	stream.linear.gather [hbm4b:s24+s1], $0xA0, $0x38;
	[tilespmem:$0x1E200] =	vst v63  }
0x19: {  	_ =	swait.ge [sflag:s13], $0xA0  }
0x1a: {  	[sflag:s13] =	ssyncset.done $0x0  }
0x1b: {  	[sflag:s13] =	ssyncadd.s32 $0xFFFFFF60  }
0x1c: {  	v3 =	vld [tilespmem:$0x0];
	_ =	sdelay $0x4  }
0x1d: {  	v4 =	vshrl.u32 v3, $0x3  }
0x1e: {  	v4 =	vmul.u32 $0x18, v4  }
0x1f: {  	v3 =	vand.u32 $0x7, v3  }
0x20: {  	v3 =	vor.u32 v3, v4  }
0x21: {  	v4 =	vperm.xlane v3, v0;
	_ =	sdelay $0x1  }
0x22: {  	v4 =	vadd.s32 v1, v4;
	_ =	sdelay $0x1  }
0x23: {  	v3 =	vperm.xlane v3, v2;
	_ =	sdelay $0x1  }
0x24: {  	v3 =	vadd.s32 v1, v3  }
0x25: {  	[tilespmem:s15], [sflag:$0x1] =	stream.indirect_vreg.gather [hbm4b:s2+s1], $0x80, v4, vm0, $0xb8;
	[tilespmem:$0x1E200] =	vst v63  }
0x26: {  	s24 =	simm.s32 $0xA00  }
0x27: {  	[tilespmem:s24], [sflag:$0x1] =	stream.indirect_vreg.gather [hbm4b:s10+s1], $0x80, v4, vm1, $0xb8;
	[tilespmem:$0x1E200] =	vst v63  }
0x28: {  	s24 =	simm.s32 $0xE00  }
0x29: {  	[tilespmem:s24], [sflag:$0x1] =	stream.indirect_vreg.gather [hbm4b:s2+s1], $0x80, v3, vm0, $0xb8;
	[tilespmem:$0x1E200] =	vst v63  }
0x2a: {  	s24 =	simm.s32 $0x1600  }
0x2b: {  	[tilespmem:s24], [sflag:$0x1] =	stream.indirect_vreg.gather [hbm4b:s10+s1], $0x80, v3, vm1, $0xb8;
	[tilespmem:$0x1E200] =	vst v63  }
0x2c: {  	v3 =	vld [tilespmem:$0x10];
	_ =	sdelay $0x4  }
0x2d: {  	v45 =	vshrl.u32 v3, $0x3  }
0x2e: {  	v4 =	vmul.u32 $0x18, v45  }
0x2f: {  	v3 =	vand.u32 $0x7, v3  }
0x30: {  	v3 =	vor.u32 v3, v4  }
0x31: {  	v4 =	vperm.xlane v3, v0;
	_ =	sdelay $0x1  }
0x32: {  	v4 =	vadd.s32 v1, v4;
	_ =	sdelay $0x1  }
0x33: {  	v3 =	vperm.xlane v3, v2;
	_ =	sdelay $0x1  }
0x34: {  	s24 =	simm.s32 $0x1A00;
	v3 =	vadd.s32 v1, v3  }
0x35: {  	[tilespmem:s24], [sflag:$0x1] =	stream.indirect_vreg.gather [hbm4b:s2+s1], $0x80, v4, vm0, $0xb8;
	[tilespmem:$0x1E200] =	vst v63  }
0x36: {  	s24 =	simm.s32 $0x2200  }
0x37: {  	[tilespmem:s24], [sflag:$0x1] =	stream.indirect_vreg.gather [hbm4b:s10+s1], $0x80, v4, vm1, $0xb8;
	[tilespmem:$0x1E200] =	vst v63  }
0x38: {  	s24 =	simm.s32 $0x2600  }
0x39: {  	[tilespmem:s24], [sflag:$0x1] =	stream.indirect_vreg.gather [hbm4b:s2+s1], $0x80, v3, vm0, $0xb8;
	[tilespmem:$0x1E200] =	vst v63  }
0x3a: {  	s24 =	simm.s32 $0x2E00  }
0x3b: {  	[tilespmem:s24], [sflag:$0x1] =	stream.indirect_vreg.gather [hbm4b:s10+s1], $0x80, v3, vm1, $0xb8;
	[tilespmem:$0x1E200] =	vst v63  }
0x3c: {  	v3 =	vld [tilespmem:$0x20];
	_ =	sdelay $0x4  }
0x3d: {  	v46 =	vshrl.u32 v3, $0x3  }
0x3e: {  	v4 =	vmul.u32 $0x18, v46  }
0x3f: {  	v3 =	vand.u32 $0x7, v3  }
0x40: {  	v3 =	vor.u32 v3, v4  }
0x41: {  	v4 =	vperm.xlane v3, v0;
	_ =	sdelay $0x1  }
0x42: {  	v4 =	vadd.s32 v1, v4;
	_ =	sdelay $0x1  }
0x43: {  	v3 =	vperm.xlane v3, v2;
	_ =	sdelay $0x1  }
0x44: {  	s24 =	simm.s32 $0x3200;
	v3 =	vadd.s32 v1, v3  }
0x45: {  	[tilespmem:s24], [sflag:$0x1] =	stream.indirect_vreg.gather [hbm4b:s2+s1], $0x80, v4, vm0, $0xb8;
	[tilespmem:$0x1E200] =	vst v63  }
0x46: {  	s24 =	simm.s32 $0x3A00  }
0x47: {  	[tilespmem:s24], [sflag:$0x1] =	stream.indirect_vreg.gather [hbm4b:s10+s1], $0x80, v4, vm1, $0xb8;
	[tilespmem:$0x1E200] =	vst v63  }
0x48: {  	s24 =	simm.s32 $0x3E00  }
0x49: {  	[tilespmem:s24], [sflag:$0x1] =	stream.indirect_vreg.gather [hbm4b:s2+s1], $0x80, v3, vm0, $0xb8;
	[tilespmem:$0x1E200] =	vst v63  }
0x4a: {  	s24 =	simm.s32 $0x4600  }
0x4b: {  	[tilespmem:s24], [sflag:$0x1] =	stream.indirect_vreg.gather [hbm4b:s10+s1], $0x80, v3, vm1, $0xb8;
	[tilespmem:$0x1E200] =	vst v63  }
0x4c: {  	v3 =	vld [tilespmem:$0x30];
	_ =	sdelay $0x4  }
0x4d: {  	v47 =	vshrl.u32 v3, $0x3  }
0x4e: {  	v4 =	vmul.u32 $0x18, v47  }
0x4f: {  	v3 =	vand.u32 $0x7, v3  }
0x50: {  	v3 =	vor.u32 v3, v4  }
0x51: {  	v4 =	vperm.xlane v3, v0;
	_ =	sdelay $0x1  }
0x52: {  	v4 =	vadd.s32 v1, v4;
	_ =	sdelay $0x1  }
0x53: {  	v3 =	vperm.xlane v3, v2;
	_ =	sdelay $0x1  }
0x54: {  	s24 =	simm.s32 $0x4A00;
	v3 =	vadd.s32 v1, v3  }
0x55: {  	[tilespmem:s24], [sflag:$0x1] =	stream.indirect_vreg.gather [hbm4b:s2+s1], $0x80, v4, vm0, $0xb8;
	[tilespmem:$0x1E200] =	vst v63  }
0x56: {  	s24 =	simm.s32 $0x5200  }
0x57: {  	[tilespmem:s24], [sflag:$0x1] =	stream.indirect_vreg.gather [hbm4b:s10+s1], $0x80, v4, vm1, $0xb8;
	[tilespmem:$0x1E200] =	vst v63  }
0x58: {  	s24 =	simm.s32 $0x5600  }
0x59: {  	[tilespmem:s24], [sflag:$0x1] =	stream.indirect_vreg.gather [hbm4b:s2+s1], $0x80, v3, vm0, $0xb8;
	[tilespmem:$0x1E200] =	vst v63  }
0x5a: {  	s24 =	simm.s32 $0x5E00  }
0x5b: {  	[tilespmem:s24], [sflag:$0x1] =	stream.indirect_vreg.gather [hbm4b:s10+s1], $0x80, v3, vm1, $0xb8;
	[tilespmem:$0x1E200] =	vst v63  }
0x5c: {  	v3 =	vld [tilespmem:$0x40];
	_ =	sdelay $0x4  }
0x5d: {  	v48 =	vshrl.u32 v3, $0x3  }
0x5e: {  	v4 =	vmul.u32 $0x18, v48  }
0x5f: {  	v3 =	vand.u32 $0x7, v3  }
0x60: {  	v3 =	vor.u32 v3, v4  }
0x61: {  	v4 =	vperm.xlane v3, v0;
	_ =	sdelay $0x1  }
0x62: {  	v4 =	vadd.s32 v1, v4;
	_ =	sdelay $0x1  }
0x63: {  	v3 =	vperm.xlane v3, v2;
	_ =	sdelay $0x1  }
0x64: {  	s24 =	simm.s32 $0x6200;
	v3 =	vadd.s32 v1, v3  }
0x65: {  	[tilespmem:s24], [sflag:$0x1] =	stream.indirect_vreg.gather [hbm4b:s2+s1], $0x80, v4, vm0, $0xb8;
	[tilespmem:$0x1E200] =	vst v63  }
0x66: {  	s24 =	simm.s32 $0x6A00  }
0x67: {  	[tilespmem:s24], [sflag:$0x1] =	stream.indirect_vreg.gather [hbm4b:s10+s1], $0x80, v4, vm1, $0xb8;
	[tilespmem:$0x1E200] =	vst v63  }
0x68: {  	s24 =	simm.s32 $0x6E00  }
0x69: {  	[tilespmem:s24], [sflag:$0x1] =	stream.indirect_vreg.gather [hbm4b:s2+s1], $0x80, v3, vm0, $0xb8;
	[tilespmem:$0x1E200] =	vst v63  }
0x6a: {  	s24 =	simm.s32 $0x7600  }
0x6b: {  	[tilespmem:s24], [sflag:$0x1] =	stream.indirect_vreg.gather [hbm4b:s10+s1], $0x80, v3, vm1, $0xb8;
	[tilespmem:$0x1E200] =	vst v63  }
0x6c: {  	v3 =	vld [tilespmem:$0x50];
	_ =	sdelay $0x4  }
0x6d: {  	v49 =	vshrl.u32 v3, $0x3  }
0x6e: {  	v4 =	vmul.u32 $0x18, v49  }
0x6f: {  	v3 =	vand.u32 $0x7, v3  }
0x70: {  	v3 =	vor.u32 v3, v4  }
0x71: {  	v4 =	vperm.xlane v3, v0;
	_ =	sdelay $0x1  }
0x72: {  	v4 =	vadd.s32 v1, v4;
	_ =	sdelay $0x1  }
0x73: {  	v3 =	vperm.xlane v3, v2;
	_ =	sdelay $0x1  }
0x74: {  	s24 =	simm.s32 $0x7A00;
	v3 =	vadd.s32 v1, v3  }
0x75: {  	[tilespmem:s24], [sflag:$0x1] =	stream.indirect_vreg.gather [hbm4b:s2+s1], $0x80, v4, vm0, $0xb8;
	[tilespmem:$0x1E200] =	vst v63  }
0x76: {  	s24 =	simm.s32 $0x8200  }
0x77: {  	[tilespmem:s24], [sflag:$0x1] =	stream.indirect_vreg.gather [hbm4b:s10+s1], $0x80, v4, vm1, $0xb8;
	[tilespmem:$0x1E200] =	vst v63  }
0x78: {  	s24 =	simm.s32 $0x8600  }
0x79: {  	[tilespmem:s24], [sflag:$0x1] =	stream.indirect_vreg.gather [hbm4b:s2+s1], $0x80, v3, vm0, $0xb8;
	[tilespmem:$0x1E200] =	vst v63  }
0x7a: {  	s24 =	simm.s32 $0x8E00  }
0x7b: {  	[tilespmem:s24], [sflag:$0x1] =	stream.indirect_vreg.gather [hbm4b:s10+s1], $0x80, v3, vm1, $0xb8;
	[tilespmem:$0x1E200] =	vst v63  }
0x7c: {  	v3 =	vld [tilespmem:$0x60];
	_ =	sdelay $0x4  }
0x7d: {  	v50 =	vshrl.u32 v3, $0x3  }
0x7e: {  	v4 =	vmul.u32 $0x18, v50  }
0x7f: {  	v3 =	vand.u32 $0x7, v3  }
0x80: {  	v3 =	vor.u32 v3, v4  }
0x81: {  	v4 =	vperm.xlane v3, v0;
	_ =	sdelay $0x1  }
0x82: {  	v4 =	vadd.s32 v1, v4;
	_ =	sdelay $0x1  }
0x83: {  	v3 =	vperm.xlane v3, v2;
	_ =	sdelay $0x1  }
0x84: {  	s24 =	simm.s32 $0x9200;
	v3 =	vadd.s32 v1, v3  }
0x85: {  	[tilespmem:s24], [sflag:$0x1] =	stream.indirect_vreg.gather [hbm4b:s2+s1], $0x80, v4, vm0, $0xb8;
	[tilespmem:$0x1E200] =	vst v63  }
0x86: {  	s24 =	simm.s32 $0x9A00  }
0x87: {  	[tilespmem:s24], [sflag:$0x1] =	stream.indirect_vreg.gather [hbm4b:s10+s1], $0x80, v4, vm1, $0xb8;
	[tilespmem:$0x1E200] =	vst v63  }
0x88: {  	s24 =	simm.s32 $0x9E00  }
0x89: {  	[tilespmem:s24], [sflag:$0x1] =	stream.indirect_vreg.gather [hbm4b:s2+s1], $0x80, v3, vm0, $0xb8;
	[tilespmem:$0x1E200] =	vst v63  }
0x8a: {  	s24 =	simm.s32 $0xA600  }
0x8b: {  	[tilespmem:s24], [sflag:$0x1] =	stream.indirect_vreg.gather [hbm4b:s10+s1], $0x80, v3, vm1, $0xb8;
	[tilespmem:$0x1E200] =	vst v63  }
0x8c: {  	v3 =	vld [tilespmem:$0x70];
	_ =	sdelay $0x4  }
0x8d: {  	v51 =	vshrl.u32 v3, $0x3  }
0x8e: {  	v4 =	vmul.u32 $0x18, v51  }
0x8f: {  	v3 =	vand.u32 $0x7, v3  }
0x90: {  	v3 =	vor.u32 v3, v4  }
0x91: {  	v4 =	vperm.xlane v3, v0;
	_ =	sdelay $0x1  }
0x92: {  	v4 =	vadd.s32 v1, v4;
	_ =	sdelay $0x1  }
0x93: {  	v3 =	vperm.xlane v3, v2;
	_ =	sdelay $0x1  }
0x94: {  	s24 =	simm.s32 $0xAA00;
	v3 =	vadd.s32 v1, v3  }
0x95: {  	[tilespmem:s24], [sflag:$0x1] =	stream.indirect_vreg.gather [hbm4b:s2+s1], $0x80, v4, vm0, $0xb8;
	[tilespmem:$0x1E200] =	vst v63  }
0x96: {  	s24 =	simm.s32 $0xB200  }
0x97: {  	[tilespmem:s24], [sflag:$0x1] =	stream.indirect_vreg.gather [hbm4b:s10+s1], $0x80, v4, vm1, $0xb8;
	[tilespmem:$0x1E200] =	vst v63  }
0x98: {  	s24 =	simm.s32 $0xB600  }
0x99: {  	[tilespmem:s24], [sflag:$0x1] =	stream.indirect_vreg.gather [hbm4b:s2+s1], $0x80, v3, vm0, $0xb8;
	[tilespmem:$0x1E200] =	vst v63  }
0x9a: {  	s24 =	simm.s32 $0xBE00  }
0x9b: {  	[tilespmem:s24], [sflag:$0x1] =	stream.indirect_vreg.gather [hbm4b:s10+s1], $0x80, v3, vm1, $0xb8;
	[tilespmem:$0x1E200] =	vst v63  }
0x9c: {  	v3 =	vld [tilespmem:$0x80];
	_ =	sdelay $0x4  }
0x9d: {  	v52 =	vshrl.u32 v3, $0x3  }
0x9e: {  	v4 =	vmul.u32 $0x18, v52  }
0x9f: {  	v3 =	vand.u32 $0x7, v3  }
0xa0: {  	v3 =	vor.u32 v3, v4  }
0xa1: {  	v4 =	vperm.xlane v3, v0;
	_ =	sdelay $0x1  }
0xa2: {  	v4 =	vadd.s32 v1, v4;
	_ =	sdelay $0x1  }
0xa3: {  	v3 =	vperm.xlane v3, v2;
	_ =	sdelay $0x1  }
0xa4: {  	s24 =	simm.s32 $0xC200;
	v3 =	vadd.s32 v1, v3  }
0xa5: {  	[tilespmem:s24], [sflag:$0x1] =	stream.indirect_vreg.gather [hbm4b:s2+s1], $0x80, v4, vm0, $0xb8;
	[tilespmem:$0x1E200] =	vst v63  }
0xa6: {  	s24 =	simm.s32 $0xCA00  }
0xa7: {  	[tilespmem:s24], [sflag:$0x1] =	stream.indirect_vreg.gather [hbm4b:s10+s1], $0x80, v4, vm1, $0xb8;
	[tilespmem:$0x1E200] =	vst v63  }
0xa8: {  	s24 =	simm.s32 $0xCE00  }
0xa9: {  	[tilespmem:s24], [sflag:$0x1] =	stream.indirect_vreg.gather [hbm4b:s2+s1], $0x80, v3, vm0, $0xb8;
	[tilespmem:$0x1E200] =	vst v63  }
0xaa: {  	s24 =	simm.s32 $0xD600  }
0xab: {  	[tilespmem:s24], [sflag:$0x1] =	stream.indirect_vreg.gather [hbm4b:s10+s1], $0x80, v3, vm1, $0xb8;
	[tilespmem:$0x1E200] =	vst v63  }
0xac: {  	v3 =	vld [tilespmem:$0x90];
	_ =	sdelay $0x4  }
0xad: {  	v53 =	vshrl.u32 v3, $0x3  }
0xae: {  	v4 =	vmul.u32 $0x18, v53  }
0xaf: {  	v3 =	vand.u32 $0x7, v3  }
0xb0: {  	v3 =	vor.u32 v3, v4  }
0xb1: {  	v4 =	vperm.xlane v3, v0;
	_ =	sdelay $0x1  }
0xb2: {  	v4 =	vadd.s32 v1, v4;
	_ =	sdelay $0x1  }
0xb3: {  	v3 =	vperm.xlane v3, v2;
	_ =	sdelay $0x1  }
0xb4: {  	s24 =	simm.s32 $0xDA00;
	v3 =	vadd.s32 v1, v3  }
0xb5: {  	[tilespmem:s24], [sflag:$0x1] =	stream.indirect_vreg.gather [hbm4b:s2+s1], $0x80, v4, vm0, $0xb8;
	[tilespmem:$0x1E200] =	vst v63  }
0xb6: {  	s24 =	simm.s32 $0xE200  }
0xb7: {  	[tilespmem:s24], [sflag:$0x1] =	stream.indirect_vreg.gather [hbm4b:s10+s1], $0x80, v4, vm1, $0xb8;
	[tilespmem:$0x1E200] =	vst v63  }
0xb8: {  	s24 =	simm.s32 $0xE600  }
0xb9: {  	[tilespmem:s24], [sflag:$0x1] =	stream.indirect_vreg.gather [hbm4b:s2+s1], $0x80, v3, vm0, $0xb8;
	[tilespmem:$0x1E200] =	vst v63  }
0xba: {  	s24 =	simm.s32 $0xEE00  }
0xbb: {  	[tilespmem:s24], [sflag:$0x1] =	stream.indirect_vreg.gather [hbm4b:s10+s1], $0x80, v3, vm1, $0xb8;
	[tilespmem:$0x1E200] =	vst v63  }
0xbc: {  	v3 =	vld [tilespmem:$0x100];
	_ =	sdelay $0x4  }
0xbd: {  	v54 =	vshrl.u32 v3, $0x3  }
0xbe: {  	v4 =	vmul.u32 $0x18, v54  }
0xbf: {  	v3 =	vand.u32 $0x7, v3  }
0xc0: {  	v3 =	vor.u32 v3, v4  }
0xc1: {  	v4 =	vperm.xlane v3, v0;
	_ =	sdelay $0x1  }
0xc2: {  	v4 =	vadd.s32 v1, v4;
	_ =	sdelay $0x1  }
0xc3: {  	v3 =	vperm.xlane v3, v2;
	_ =	sdelay $0x1  }
0xc4: {  	v3 =	vadd.s32 v1, v3  }
0xc5: {  	[tilespmem:s17], [sflag:$0x2] =	stream.indirect_vreg.gather [hbm4b:s4+s1], $0x80, v4, vm0, $0xb8;
	[tilespmem:$0x1E200] =	vst v63  }
0xc6: {  	s24 =	simm.s32 $0xFA00  }
0xc7: {  	[tilespmem:s24], [sflag:$0x2] =	stream.indirect_vreg.gather [hbm4b:s11+s1], $0x80, v4, vm1, $0xb8;
	[tilespmem:$0x1E200] =	vst v63  }
0xc8: {  	s24 =	simm.s32 $0xFE00  }
0xc9: {  	[tilespmem:s24], [sflag:$0x2] =	stream.indirect_vreg.gather [hbm4b:s4+s1], $0x80, v3, vm0, $0xb8;
	[tilespmem:$0x1E200] =	vst v63  }
0xca: {  	s24 =	simm.s32 $0x10600  }
0xcb: {  	[tilespmem:s24], [sflag:$0x2] =	stream.indirect_vreg.gather [hbm4b:s11+s1], $0x80, v3, vm1, $0xb8;
	[tilespmem:$0x1E200] =	vst v63  }
0xcc: {  	v3 =	vld [tilespmem:$0x110];
	_ =	sdelay $0x4  }
0xcd: {  	v55 =	vshrl.u32 v3, $0x3  }
0xce: {  	v4 =	vmul.u32 $0x18, v55  }
0xcf: {  	v3 =	vand.u32 $0x7, v3  }
0xd0: {  	v3 =	vor.u32 v3, v4  }
0xd1: {  	v4 =	vperm.xlane v3, v0;
	_ =	sdelay $0x1  }
0xd2: {  	v4 =	vadd.s32 v1, v4;
	_ =	sdelay $0x1  }
0xd3: {  	v3 =	vperm.xlane v3, v2;
	_ =	sdelay $0x1  }
0xd4: {  	s24 =	simm.s32 $0x10A00;
	v3 =	vadd.s32 v1, v3  }
0xd5: {  	[tilespmem:s24], [sflag:$0x2] =	stream.indirect_vreg.gather [hbm4b:s4+s1], $0x80, v4, vm0, $0xb8;
	[tilespmem:$0x1E200] =	vst v63  }
0xd6: {  	s24 =	simm.s32 $0x11200  }
0xd7: {  	[tilespmem:s24], [sflag:$0x2] =	stream.indirect_vreg.gather [hbm4b:s11+s1], $0x80, v4, vm1, $0xb8;
	[tilespmem:$0x1E200] =	vst v63  }
0xd8: {  	s24 =	simm.s32 $0x11600  }
0xd9: {  	[tilespmem:s24], [sflag:$0x2] =	stream.indirect_vreg.gather [hbm4b:s4+s1], $0x80, v3, vm0, $0xb8;
	[tilespmem:$0x1E200] =	vst v63  }
0xda: {  	s24 =	simm.s32 $0x11E00  }
0xdb: {  	[tilespmem:s24], [sflag:$0x2] =	stream.indirect_vreg.gather [hbm4b:s11+s1], $0x80, v3, vm1, $0xb8;
	[tilespmem:$0x1E200] =	vst v63  }
0xdc: {  	v3 =	vld [tilespmem:$0x120];
	_ =	sdelay $0x4  }
0xdd: {  	v56 =	vshrl.u32 v3, $0x3  }
0xde: {  	v4 =	vmul.u32 $0x18, v56  }
0xdf: {  	v3 =	vand.u32 $0x7, v3  }
0xe0: {  	v3 =	vor.u32 v3, v4  }
0xe1: {  	v4 =	vperm.xlane v3, v0;
	_ =	sdelay $0x1  }
0xe2: {  	v4 =	vadd.s32 v1, v4;
	_ =	sdelay $0x1  }
0xe3: {  	v3 =	vperm.xlane v3, v2;
	_ =	sdelay $0x1  }
0xe4: {  	s24 =	simm.s32 $0x12200;
	v3 =	vadd.s32 v1, v3  }
0xe5: {  	[tilespmem:s24], [sflag:$0x2] =	stream.indirect_vreg.gather [hbm4b:s4+s1], $0x80, v4, vm0, $0xb8;
	[tilespmem:$0x1E200] =	vst v63  }
0xe6: {  	s24 =	simm.s32 $0x12A00  }
0xe7: {  	[tilespmem:s24], [sflag:$0x2] =	stream.indirect_vreg.gather [hbm4b:s11+s1], $0x80, v4, vm1, $0xb8;
	[tilespmem:$0x1E200] =	vst v63  }
0xe8: {  	s24 =	simm.s32 $0x12E00  }
0xe9: {  	[tilespmem:s24], [sflag:$0x2] =	stream.indirect_vreg.gather [hbm4b:s4+s1], $0x80, v3, vm0, $0xb8;
	[tilespmem:$0x1E200] =	vst v63  }
0xea: {  	s24 =	simm.s32 $0x13600  }
0xeb: {  	[tilespmem:s24], [sflag:$0x2] =	stream.indirect_vreg.gather [hbm4b:s11+s1], $0x80, v3, vm1, $0xb8;
	[tilespmem:$0x1E200] =	vst v63  }
0xec: {  	v3 =	vld [tilespmem:$0x130];
	_ =	sdelay $0x4  }
0xed: {  	v57 =	vshrl.u32 v3, $0x3  }
0xee: {  	v4 =	vmul.u32 $0x18, v57  }
0xef: {  	v3 =	vand.u32 $0x7, v3  }
0xf0: {  	v3 =	vor.u32 v3, v4  }
0xf1: {  	v4 =	vperm.xlane v3, v0;
	_ =	sdelay $0x1  }
0xf2: {  	v4 =	vadd.s32 v1, v4;
	_ =	sdelay $0x1  }
0xf3: {  	v3 =	vperm.xlane v3, v2;
	_ =	sdelay $0x1  }
0xf4: {  	s24 =	simm.s32 $0x13A00;
	v3 =	vadd.s32 v1, v3  }
0xf5: {  	[tilespmem:s24], [sflag:$0x2] =	stream.indirect_vreg.gather [hbm4b:s4+s1], $0x80, v4, vm0, $0xb8;
	[tilespmem:$0x1E200] =	vst v63  }
0xf6: {  	s24 =	simm.s32 $0x14200  }
0xf7: {  	[tilespmem:s24], [sflag:$0x2] =	stream.indirect_vreg.gather [hbm4b:s11+s1], $0x80, v4, vm1, $0xb8;
	[tilespmem:$0x1E200] =	vst v63  }
0xf8: {  	s24 =	simm.s32 $0x14600  }
0xf9: {  	[tilespmem:s24], [sflag:$0x2] =	stream.indirect_vreg.gather [hbm4b:s4+s1], $0x80, v3, vm0, $0xb8;
	[tilespmem:$0x1E200] =	vst v63  }
0xfa: {  	s24 =	simm.s32 $0x14E00  }
0xfb: {  	[tilespmem:s24], [sflag:$0x2] =	stream.indirect_vreg.gather [hbm4b:s11+s1], $0x80, v3, vm1, $0xb8;
	[tilespmem:$0x1E200] =	vst v63  }
0xfc: {  	v3 =	vld [tilespmem:$0x140];
	_ =	sdelay $0x4  }
0xfd: {  	v58 =	vshrl.u32 v3, $0x3  }
0xfe: {  	v4 =	vmul.u32 $0x18, v58  }
0xff: {  	v3 =	vand.u32 $0x7, v3  }
0x100: {  	v3 =	vor.u32 v3, v4  }
0x101: {  	v4 =	vperm.xlane v3, v0;
	_ =	sdelay $0x1  }
0x102: {  	v4 =	vadd.s32 v1, v4;
	_ =	sdelay $0x1  }
0x103: {  	v3 =	vperm.xlane v3, v2;
	_ =	sdelay $0x1  }
0x104: {  	s24 =	simm.s32 $0x15200;
	v3 =	vadd.s32 v1, v3  }
0x105: {  	[tilespmem:s24], [sflag:$0x2] =	stream.indirect_vreg.gather [hbm4b:s4+s1], $0x80, v4, vm0, $0xb8;
	[tilespmem:$0x1E200] =	vst v63  }
0x106: {  	s24 =	simm.s32 $0x15A00  }
0x107: {  	[tilespmem:s24], [sflag:$0x2] =	stream.indirect_vreg.gather [hbm4b:s11+s1], $0x80, v4, vm1, $0xb8;
	[tilespmem:$0x1E200] =	vst v63  }
0x108: {  	s24 =	simm.s32 $0x15E00  }
0x109: {  	[tilespmem:s24], [sflag:$0x2] =	stream.indirect_vreg.gather [hbm4b:s4+s1], $0x80, v3, vm0, $0xb8;
	[tilespmem:$0x1E200] =	vst v63  }
0x10a: {  	s24 =	simm.s32 $0x16600  }
0x10b: {  	[tilespmem:s24], [sflag:$0x2] =	stream.indirect_vreg.gather [hbm4b:s11+s1], $0x80, v3, vm1, $0xb8;
	[tilespmem:$0x1E200] =	vst v63  }
0x10c: {  	v3 =	vld [tilespmem:$0x150];
	_ =	sdelay $0x4  }
0x10d: {  	v59 =	vshrl.u32 v3, $0x3  }
0x10e: {  	v4 =	vmul.u32 $0x18, v59  }
0x10f: {  	v3 =	vand.u32 $0x7, v3  }
0x110: {  	v3 =	vor.u32 v3, v4  }
0x111: {  	v4 =	vperm.xlane v3, v0;
	_ =	sdelay $0x1  }
0x112: {  	v4 =	vadd.s32 v1, v4;
	_ =	sdelay $0x1  }
0x113: {  	v3 =	vperm.xlane v3, v2;
	_ =	sdelay $0x1  }
0x114: {  	s24 =	simm.s32 $0x16A00;
	v3 =	vadd.s32 v1, v3  }
0x115: {  	[tilespmem:s24], [sflag:$0x2] =	stream.indirect_vreg.gather [hbm4b:s4+s1], $0x80, v4, vm0, $0xb8;
	[tilespmem:$0x1E200] =	vst v63  }
0x116: {  	s24 =	simm.s32 $0x17200  }
0x117: {  	[tilespmem:s24], [sflag:$0x2] =	stream.indirect_vreg.gather [hbm4b:s11+s1], $0x80, v4, vm1, $0xb8;
	[tilespmem:$0x1E200] =	vst v63  }
0x118: {  	s24 =	simm.s32 $0x17600  }
0x119: {  	[tilespmem:s24], [sflag:$0x2] =	stream.indirect_vreg.gather [hbm4b:s4+s1], $0x80, v3, vm0, $0xb8;
	[tilespmem:$0x1E200] =	vst v63  }
0x11a: {  	s24 =	simm.s32 $0x17E00  }
0x11b: {  	[tilespmem:s24], [sflag:$0x2] =	stream.indirect_vreg.gather [hbm4b:s11+s1], $0x80, v3, vm1, $0xb8;
	[tilespmem:$0x1E200] =	vst v63  }
0x11c: {  	v3 =	vld [tilespmem:$0x160];
	_ =	sdelay $0x4  }
0x11d: {  	v60 =	vshrl.u32 v3, $0x3  }
0x11e: {  	v4 =	vmul.u32 $0x18, v60  }
0x11f: {  	v3 =	vand.u32 $0x7, v3  }
0x120: {  	v3 =	vor.u32 v3, v4  }
0x121: {  	v4 =	vperm.xlane v3, v0;
	_ =	sdelay $0x1  }
0x122: {  	v4 =	vadd.s32 v1, v4;
	_ =	sdelay $0x1  }
0x123: {  	v3 =	vperm.xlane v3, v2;
	_ =	sdelay $0x1  }
0x124: {  	s24 =	simm.s32 $0x18200;
	v3 =	vadd.s32 v1, v3  }
0x125: {  	[tilespmem:s24], [sflag:$0x2] =	stream.indirect_vreg.gather [hbm4b:s4+s1], $0x80, v4, vm0, $0xb8;
	[tilespmem:$0x1E200] =	vst v63  }
0x126: {  	s24 =	simm.s32 $0x18A00  }
0x127: {  	[tilespmem:s24], [sflag:$0x2] =	stream.indirect_vreg.gather [hbm4b:s11+s1], $0x80, v4, vm1, $0xb8;
	[tilespmem:$0x1E200] =	vst v63  }
0x128: {  	s24 =	simm.s32 $0x18E00  }
0x129: {  	[tilespmem:s24], [sflag:$0x2] =	stream.indirect_vreg.gather [hbm4b:s4+s1], $0x80, v3, vm0, $0xb8;
	[tilespmem:$0x1E200] =	vst v63  }
0x12a: {  	_ = 	snop  }
0x12b: {  	[tilespmem:s16], [sflag:$0x2] =	stream.indirect_vreg.gather [hbm4b:s11+s1], $0x80, v3, vm1, $0xb8;
	[tilespmem:$0x1E200] =	vst v63  }
0x12c: {  	v3 =	vld [tilespmem:$0x170];
	_ =	sdelay $0x4  }
0x12d: {  	v61 =	vshrl.u32 v3, $0x3  }
0x12e: {  	v4 =	vmul.u32 $0x18, v61  }
0x12f: {  	v3 =	vand.u32 $0x7, v3  }
0x130: {  	v3 =	vor.u32 v3, v4  }
0x131: {  	v4 =	vperm.xlane v3, v0;
	_ =	sdelay $0x1  }
0x132: {  	v4 =	vadd.s32 v1, v4;
	_ =	sdelay $0x1  }
0x133: {  	v3 =	vperm.xlane v3, v2;
	_ =	sdelay $0x1  }
0x134: {  	v3 =	vadd.s32 v1, v3  }
0x135: {  	[tilespmem:s18], [sflag:$0x2] =	stream.indirect_vreg.gather [hbm4b:s4+s1], $0x80, v4, vm0, $0xb8;
	[tilespmem:$0x1E200] =	vst v63  }
0x136: {  	_ = 	snop  }
0x137: {  	[tilespmem:s19], [sflag:$0x2] =	stream.indirect_vreg.gather [hbm4b:s11+s1], $0x80, v4, vm1, $0xb8;
	[tilespmem:$0x1E200] =	vst v63  }
0x138: {  	_ = 	snop  }
0x139: {  	[tilespmem:s20], [sflag:$0x2] =	stream.indirect_vreg.gather [hbm4b:s4+s1], $0x80, v3, vm0, $0xb8;
	[tilespmem:$0x1E200] =	vst v63  }
0x13a: {  	_ = 	snop  }
0x13b: {  	[tilespmem:s25], [sflag:$0x2] =	stream.indirect_vreg.gather [hbm4b:s11+s1], $0x80, v3, vm1, $0xb8;
	[tilespmem:$0x1E200] =	vst v63  }
0x13c: {  	v3 =	vld [tilespmem:$0x180];
	_ =	sdelay $0x4  }
0x13d: {  	v62 =	vshrl.u32 v3, $0x3  }
0x13e: {  	v4 =	vmul.u32 $0x18, v62  }
0x13f: {  	v3 =	vand.u32 $0x7, v3  }
0x140: {  	v3 =	vor.u32 v3, v4  }
0x141: {  	v4 =	vperm.xlane v3, v0;
	_ =	sdelay $0x1  }
0x142: {  	v4 =	vadd.s32 v1, v4;
	_ =	sdelay $0x1  }
0x143: {  	v3 =	vperm.xlane v3, v2;
	_ =	sdelay $0x1  }
0x144: {  	v3 =	vadd.s32 v1, v3  }
0x145: {  	[tilespmem:s26], [sflag:$0x2] =	stream.indirect_vreg.gather [hbm4b:s4+s1], $0x80, v4, vm0, $0xb8;
	[tilespmem:$0x1E200] =	vst v63  }
0x146: {  	_ = 	snop  }
0x147: {  	[tilespmem:s28], [sflag:$0x2] =	stream.indirect_vreg.gather [hbm4b:s11+s1], $0x80, v4, vm1, $0xb8;
	[tilespmem:$0x1E200] =	vst v63  }
0x148: {  	_ = 	snop  }
0x149: {  	[tilespmem:s29], [sflag:$0x2] =	stream.indirect_vreg.gather [hbm4b:s4+s1], $0x80, v3, vm0, $0xb8;
	[tilespmem:$0x1E200] =	vst v63  }
0x14a: {  	_ = 	snop  }
0x14b: {  	[tilespmem:s30], [sflag:$0x2] =	stream.indirect_vreg.gather [hbm4b:s11+s1], $0x80, v3, vm1, $0xb8;
	[tilespmem:$0x1E200] =	vst v63  }
0x14c: {  	v3 =	vld [tilespmem:$0x190];
	_ =	sdelay $0x4  }
0x14d: {  	v63 =	vshrl.u32 v3, $0x3  }
0x14e: {  	v4 =	vmul.u32 $0x18, v63  }
0x14f: {  	v3 =	vand.u32 $0x7, v3  }
0x150: {  	v3 =	vor.u32 v3, v4  }
0x151: {  	v4 =	vperm.xlane v3, v0;
	_ =	sdelay $0x1  }
0x152: {  	v4 =	vadd.s32 v1, v4;
	_ =	sdelay $0x1  }
0x153: {  	v3 =	vperm.xlane v3, v2;
	_ =	sdelay $0x1  }
0x154: {  	v3 =	vadd.s32 v1, v3  }
0x155: {  	[tilespmem:s31], [sflag:$0x2] =	stream.indirect_vreg.gather [hbm4b:s4+s1], $0x80, v4, vm0, $0xb8;
	[tilespmem:$0x1E200] =	vst v63  }
0x156: {  	_ = 	snop  }
0x157: {  	[tilespmem:s0], [sflag:$0x2] =	stream.indirect_vreg.gather [hbm4b:s11+s1], $0x80, v4, vm1, $0xb8;
	[tilespmem:$0x1E200] =	vst v63  }
0x158: {  	_ = 	snop  }
0x159: {  	[tilespmem:s3], [sflag:$0x2] =	stream.indirect_vreg.gather [hbm4b:s4+s1], $0x80, v3, vm0, $0xb8;
	[tilespmem:$0x1E200] =	vst v63  }
0x15a: {  	_ = 	snop  }
0x15b: {  	[tilespmem:s12], [sflag:$0x2] =	stream.indirect_vreg.gather [hbm4b:s11+s1], $0x80, v3, vm1, $0xb8;
	[tilespmem:$0x1E200] =	vst v63  }
0x15c: {  	_ =	swait.ge [sflag:s21], $0xF000  }
0x15d: {  	[sflag:s21] =	ssyncset.done $0x0  }
0x15e: {  	[sflag:s21] =	ssyncadd.s32 $0xFFFF1000  }
0x15f: {  	s23 =	smul.u32 $0x180, s23;
	_ =	swait.ge [sflag:s22], $0xF000  }
0x160: {  	[sflag:s22] =	ssyncset.done $0x0  }
0x161: {  	s14 =	sadd.s32 s7, s23;
	[sflag:s22] =	ssyncadd.s32 $0xFFFF1000  }
0x162: {  	[hbm4b:s14+s1] =	stream.linear.scatter [tilespmem:s15], [sflag:$0x3], $0xF000, $0x38;
	[tilespmem:$0x1E200] =	vst v63  }
0x163: {  	_ =	swait.ge [sflag:s13], $0xF000  }
0x164: {  	p1 =	por p0, p0;
	[sflag:s13] =	ssyncset.done $0x0  }
.Ltmp0:
0x165: {  	s23 =	sadd.s32 s8, s23;
	[sflag:s13] =	ssyncadd.s32 $0xFFFF1000;
	(pc) =	sbr.rel @p1 .LBB2_2-.Ltmp0, $4  }
0x166: {  	[hbm4b:s23+s1] =	stream.linear.scatter [tilespmem:s17], [sflag:$0x3], $0xF000, $0x38;
	[tilespmem:$0x1E200] =	vst v63  }
0x167: {  	_ =	swait.ge [sflag:s13], $0xF000  }
0x168: {  	[sflag:s13] =	ssyncset.done $0x0  }
0x169: {  	p0 =	por $0x0, $0x0;
	s23 =	simm.s32 $0xA0;
	[sflag:s13] =	ssyncadd.s32 $0xFFFF1000  }
0x16a: {  	s0 =	rddreg [dreg:$0x3]  }
0x16b: {  	s23 =	rddreg [dreg:$0x2];
	s0 =	sadd.s32 $0x1, s0  }
0x16c: {  	p0 =	sne.s32 s0, s23  }
.Ltmp1:
0x16d: {  	_ = 	snop;
	(pc) =	sbr.rel @p0 .LBB2_1-.Ltmp1, $1  }
0x16e: {  	_ =	sdelay $0x3  }
0x16f: {  	_ =	sfence.sel $0x180000  }
0x170: {  	[bflag:$0x0] =	sbarrier.arrive $0xFFFF  }
0x171: {  	_ =	strace $0x9000004A  }
0x172: {  	s0 =	stileid.u32;
	[bflag:$0x2] =	sbarrier.arrive $0xFFFF  }
0x173: {  	p0 =	sne.s32 s0, $0x0;
	s0 =	rddreg [dreg:$0x1]  }
0x174: {  	s0 =	sadd.s32 @!p0 $0x100000, s0  }
0x175: {  	[sflag:s0] =	ssyncadd.tile.s32 @!p0 $0x1;
	_ =	shalt  }
.Lfunc_end2:
_tile_overlayer_lowered:
.L_overlay_start_2:
0x176: {  	(tag) =	ssettag $0x2  }
0x177: {  	s0 =	rddreg [dreg:$0x0];
	s2 =	stileid.u32  }
0x178: {  	s1 =	rddreg [dreg:$0x1];
	p0 =	sne.s32 s2, $0x0  }
0x179: {  	s3 =	rddreg [dreg:$0x2];
	[bflag:$0x3] =	sbarrier.arrive $0xFFFF;
	s2 =	simm.s32 @!p0 $0x1C03  }
0x17a: {  	[timem:s3], [sflag:s2] =	dma.local @!p0 [hbm:s0], s1  }
0x17b: {  	s0 =	simm.s32 @!p0 $0x3  }
0x17c: {  	_ =	swait.ge @!p0 [sflag:s0], s1  }
0x17d: {  	s1 =	ssub.s32 @!p0 $0x0, s1;
	[sflag:s0] =	ssyncset.done @!p0 $0x0  }
0x17e: {  	[sflag:s0] =	ssyncadd.s32 @!p0 s1  }
0x17f: {  	[bflag:$0x3] =	sbarrier.arrive $0xFFFF  }
0x180: {  	_ =	shalt  }

// kernel: kernel.30.cloned.1.call-start
scs
__scs_entry_jumppad:
0x0: {  	(pc) =	sbr.rel $0x88, $3  }
0x1: {  	(tag) =	ssettag $0x0;
	lr =	simm.s32 $0x1  }
0x2: {  	[smem:$0x3F59] =	sst lr;
	_ =	strace $0xD0000000  }
0x3: {  	_ = 	snop  }
0x4: {  	_ = 	snop  }
0x5: {  	_ = 	snop  }
0x6: {  	_ = 	snop  }
0x7: {  	_ = 	snop  }
__scs_overlays_trampoline_lowered:
0x8: {  	[smem:$0x3F68] =	sst s0  }
0x9: {  	[smem:$0x3F69] =	sst s1  }
0xa: {  	[smem:$0x3F6A] =	sst s2  }
0xb: {  	[smem:$0x3F6B] =	sst s3  }
0xc: {  	[smem:$0x3F6C] =	sst s4  }
0xd: {  	[smem:$0x3F6D] =	sst s5  }
0xe: {  	[smem:$0x3F6E] =	sst s6  }
0xf: {  	[smem:$0x3F6F] =	sst s7  }
0x10: {  	[smem:$0x3F70] =	sst s8  }
0x11: {  	[smem:$0x3F71] =	sst s9;
	s0 =	simm.s32 @!p0 $0x0  }
0x12: {  	s1 =	sld [smem:$0x3F57];
	s0 =	simm.s32 @p0 $0x1  }
0x13: {  	[smem:$0x3F72] =	sst s0;
	s0 =	simm.s32 @!p1 $0x0  }
0x14: {  	s2 =	sld [smem:$0x3F56];
	s0 =	simm.s32 @p1 $0x1  }
0x15: {  	[smem:$0x3F73] =	sst s0;
	s0 =	simm.s32 @!p2 $0x0  }
0x16: {  	s3 =	sld [smem:$0x3FDB];
	s0 =	simm.s32 @p2 $0x1  }
0x17: {  	s4 =	simm.s32 $0x1BF5;
	[smem:$0x3F75] =	sst s0  }
0x18: {  	s0 =	sld [smem:$0x3F58];
	_ =	swait.ge [sflag:s4], $0x0  }
0x19: {  	s7 =	sld [smem:$0x3F59]  }
0x1a: {  	s8 =	sadd.s32 $0xFFFFE003, lr  }
0x1b: {  	s9 =	sadd.s32 $0xFFFFFEF7, lr;
	s5 =	simm.s32 $0xFFFFFFFF;
	p2 =	slt.u32 s8, $0xFFFFF086  }
0x1c: {  	p1 =	slt.u32 s9, $0xF7A;
	s5 =	simm.s32 @!p2 $0x0  }
0x1d: {  	s5 =	simm.s32 @p1 $0x1;
	p0 =	seq.s32 s7, s2  }
0x1e: {  	s7 =	smul.u32 @!p0 $0xF7A, s2;
	p2 =	seq.s32 @!p0 s5, $0x0  }
0x1f: {  	s9 =	smul.u32 $0xF7A, s1;
	s8 =	simm.s32 @!p0 $0x1BF5;
	p2 =	por !p2, p0  }
0x20: {  	[sflag:s8] =	ssyncset.s32 @!p0 $0xFFFFF086;
	s6 =	sadd.s32 @!p0 s3, s7;
	s7 =	simm.s32 @!p0 $0x108  }
0x21: {  	s3 =	sadd.s32 s3, s9;
	s6 =	sadd.s32 @!p0 $0x88, s6;
	s7 =	simm.s32 @p2 $0x1082  }
0x22: {  	[simem:s7], [sflag:s8] =	dma.local @!p0 [hbm:s6], $0xF7A  }
0x23: {  	s9 =	sor.u32 $0xD0000000, s2;
	s6 =	simm.s32 $0x108;
	_ =	swait.ge @!p0 [sflag:s8], $0x0  }
0x24: {  	s3 =	sadd.s32 $0x88, s3;
	s6 =	simm.s32 @!p1 $0x1082;
	[sflag:s4] =	ssyncset.s32 $0xFFFFF086  }
0x25: {  	[simem:s6], [sflag:s4] =	dma.local [hbm:s3], $0xF7A  }
0x26: {  	[smem:$0x3F59] =	sst s1;
	(tag) =	ssettag s2;
	_ =	strace s9  }
0x27: {  	s1 =	sld [smem:$0x3F69]  }
0x28: {  	s2 =	sld [smem:$0x3F6A]  }
0x29: {  	s4 =	sld [smem:$0x3F6C]  }
0x2a: {  	p0 =	seq.s32 s5, $0x0;
	s5 =	sld [smem:$0x3F6D]  }
0x2b: {  	s6 =	sld [smem:$0x3F6E]  }
0x2c: {  	s7 =	sld [smem:$0x3F6F]  }
0x2d: {  	s3 =	simm.s32 $0x108;
	s8 =	sld [smem:$0x3F70]  }
0x2e: {  	s3 =	simm.s32 @!p0 $0x1082;
	s9 =	sld [smem:$0x3F71]  }
0x2f: {  	lr =	sadd.s32 s0, s3;
	s0 =	sld [smem:$0x3F68]  }
0x30: {  	s3 =	sld [smem:$0x3F6B]  }
0x31: {  	[smem:$0x3F74] =	sst s10  }
0x32: {  	s10 =	sld [smem:$0x3F72];
	_ =	sdelay $0x3  }
0x33: {  	p0 =	seq.s32 s10, $0x1;
	s10 =	sld [smem:$0x3F74];
	_ =	sdelay $0x3  }
0x34: {  	[smem:$0x3F74] =	sst s10  }
0x35: {  	s10 =	sld [smem:$0x3F73];
	_ =	sdelay $0x3  }
0x36: {  	p1 =	seq.s32 s10, $0x1;
	s10 =	sld [smem:$0x3F74];
	_ =	sdelay $0x3  }
0x37: {  	[smem:$0x3F74] =	sst s10  }
0x38: {  	s10 =	sld [smem:$0x3F75]  }
0x39: {  	_ = 	snop;
	(pc) =	sbr.ind lr, $3  }
0x3a: {  	_ = 	snop  }
0x3b: {  	_ = 	snop  }
0x3c: {  	p2 =	seq.s32 s10, $0x1;
	s10 =	sld [smem:$0x3F74]  }
0x3d: {  	_ =	shalt  }
0x3e: {  	_ =	shalt  }
0x3f: {  	_ =	shalt  }
0x40: {  	_ =	shalt  }
0x41: {  	_ =	shalt  }
0x42: {  	_ =	shalt  }
0x43: {  	_ =	shalt  }
0x44: {  	_ =	shalt  }
0x45: {  	_ =	shalt  }
0x46: {  	_ =	shalt  }
0x47: {  	_ =	shalt  }
0x48: {  	_ =	shalt  }
0x49: {  	_ =	shalt  }
0x4a: {  	_ =	shalt  }
0x4b: {  	_ =	shalt  }
0x4c: {  	_ =	shalt  }
0x4d: {  	_ =	shalt  }
0x4e: {  	_ =	shalt  }
0x4f: {  	_ =	shalt  }
0x50: {  	_ =	shalt  }
0x51: {  	_ =	shalt  }
0x52: {  	_ =	shalt  }
0x53: {  	_ =	shalt  }
0x54: {  	_ =	shalt  }
0x55: {  	_ =	shalt  }
0x56: {  	_ =	shalt  }
0x57: {  	_ =	shalt  }
0x58: {  	_ =	shalt  }
0x59: {  	_ =	shalt  }
0x5a: {  	_ =	shalt  }
0x5b: {  	_ =	shalt  }
0x5c: {  	_ =	shalt  }
0x5d: {  	_ =	shalt  }
0x5e: {  	_ =	shalt  }
0x5f: {  	_ =	shalt  }
0x60: {  	_ =	shalt  }
0x61: {  	_ =	shalt  }
0x62: {  	_ =	shalt  }
0x63: {  	_ =	shalt  }
0x64: {  	_ =	shalt  }
0x65: {  	_ =	shalt  }
0x66: {  	_ =	shalt  }
0x67: {  	_ =	shalt  }
0x68: {  	_ =	shalt  }
0x69: {  	_ =	shalt  }
0x6a: {  	_ =	shalt  }
0x6b: {  	_ =	shalt  }
0x6c: {  	_ =	shalt  }
0x6d: {  	_ =	shalt  }
0x6e: {  	_ =	shalt  }
0x6f: {  	_ =	shalt  }
0x70: {  	_ =	shalt  }
0x71: {  	_ =	shalt  }
0x72: {  	_ =	shalt  }
0x73: {  	_ =	shalt  }
0x74: {  	_ =	shalt  }
0x75: {  	_ =	shalt  }
0x76: {  	_ =	shalt  }
0x77: {  	_ =	shalt  }
0x78: {  	_ =	shalt  }
0x79: {  	_ =	shalt  }
0x7a: {  	_ =	shalt  }
0x7b: {  	_ =	shalt  }
0x7c: {  	_ =	shalt  }
0x7d: {  	_ =	shalt  }
0x7e: {  	_ =	shalt  }
0x7f: {  	_ =	shalt  }
0x80: {  	_ =	shalt  }
0x81: {  	_ =	shalt  }
0x82: {  	_ =	shalt  }
0x83: {  	_ =	shalt  }
0x84: {  	_ =	shalt  }
0x85: {  	_ =	shalt  }
0x86: {  	_ =	shalt  }
0x87: {  	_ =	shalt  }
.Lfunc_end0:
.L_simem_size_0:
called_computation.2_lowered:
.L_overlay_start_0:
0x88: {  	s2 =	sld [smem:$0x3FD9]  }
0x89: {  	s3 =	sld [smem:$0x3FFE];
	_ =	sdelay $0x1  }
0x8a: {  	s1 =	srdreg.scid  }
0x8b: {  	s0 =	sand.u32 $0x1, s1  }
0x8c: {  	s16 =	sshll.u32 s0, $0xA;
	s2 =	sadd.s32 s3, s2  }
0x8d: {  	s2 =	sadd.s32 s2, s16  }
0x8e: {  	[smem:$0x3F80] =	sst s2  }
0x8f: {  	_ = 	snop  }
0x90: {  	(tm) =	ssettm $0x1  }
0x91: {  	s17 =	sld [smem:$0x3FFB];
	_ =	sdelay $0x3  }
0x92: {  	_ =	strace s17  }
0x93: {  	s2 =	sld [smem:$0x3FFC];
	_ =	sdelay $0x3  }
0x94: {  	_ =	strace s2  }
0x95: {  	s2 =	sld [smem:$0x3FFD];
	_ =	sdelay $0x3  }
0x96: {  	_ =	strace s2  }
0x97: {  	_ =	strace $0x8FFFFFFF  }
0x98: {  	s18 =	sld [smem:$0x3FDB];
	_ =	sdelay $0x1  }
0x99: {  	s19 =	simm.s32 $_scs_section_size  }
0x9a: {  	s4 =	simm.s32 $_size__tile_overlayer_lowered;
	s5 =	simm.s32 $_tile_overlayer_lowered  }
0x9b: {  	s22 =	simm.s32 $0x1BFF;
	s21 =	sshll.u32 s5, $0x1;
	s2 =	sadd.s32 s19, s18  }
0x9c: {  	s6 =	simm.s32 $0x0;
	s20 =	sshll.u32 s4, $0x1;
	s4 =	sadd.s32 s21, s2  }
0x9d: {  	[timem:s6], [sflag:s22] =	dma.local [hbm:s4], s20  }
0x9e: {  	_ =	swait.ge [sflag:s22], s20  }
0x9f: {  	s3 =	ssub.s32 $0x0, s20;
	[sflag:s22] =	ssyncset.done $0x0  }
0xa0: {  	[sflag:s22] =	ssyncadd.s32 s3;
	_ =	sdelay $0x1  }
0xa1: {  	s23 =	simm.s32 $0x1B8B  }
0xa2: {  	_ =	swait.ge [sflag:s23], $0x1  }
0xa3: {  	[sflag:s23] =	ssyncset.done $0x0  }
0xa4: {  	s25 =	simm.s32 $0x1B8E;
	s24 =	sld [smem:$0x3FFE];
	[sflag:s23] =	ssyncadd.s32 $0xFFFFFFFF  }
0xa5: {  	s26 =	simm.s32 $execute0_lowered;
	[smem:$0x3FD2] =	sst s25  }
0xa6: {  	s4 =	sshll.u32 s26, $0x1;
	_ =	strace $0x8000004C;
	[dreg:$0x1] =	wrdreg $0xFFFFFFFF  }
0xa7: {  	s28 =	simm.s32 $_size_execute0_lowered;
	s2 =	sadd.s32 s2, s4;
	[dreg:$0x0] =	wrdreg $0x0  }
0xa8: {  	s4 =	sshll.u32 s28, $0x1;
	[dreg:$0x2] =	wrdreg s2  }
0xa9: {  	[dreg:$0x3] =	wrdreg s4  }
0xaa: {  	[dreg:$0x4] =	wrdreg $0xC0  }
0xab: {  	_ =	task [dreg:s6], $0x5FFFF  }
0xac: {  	[dreg:$0x1] =	wrdreg $0xFFFFFFFF  }
0xad: {  	[dreg:$0x0] =	wrdreg $0x60  }
0xae: {  	[dreg:$0x2] =	wrdreg s24  }
0xaf: {  	[dreg:$0x3] =	wrdreg $0x9  }
0xb0: {  	_ =	task.clear_ibuf [dreg:s6], $0x4FFFF;
	_ =	strace $0x9000004C  }
0xb1: {  	s29 =	simm.s32 $0x9;
	_ =	strace $0x8000004E  }
0xb2: {  	_ =	swait.ge [sflag:s29], $0x1  }
0xb3: {  	[sflag:s29] =	ssyncadd.s32 $0xFFFFFFFF  }
0xb4: {  	_ =	strace $0x9000004E  }
0xb5: {  	_ =	sfence  }
0xb6: {  	s30 =	sld [smem:$0x0];
	_ =	sdelay $0x2  }
0xb7: {  	s31 =	sshll.u32 s1, $0xD;
	s1 =	sshrl.u32 s1, $0x2  }
0xb8: {  	s3 =	sand.u32 $0x4000, s31;
	s1 =	sadd.s32 s1, s30  }
0xb9: {  	s0 =	sor.u32 s3, s0;
	s1 =	sshll.u32 s1, $0x11  }
0xba: {  	s0 =	sor.u32 s1, s0  }
0xbb: {  	s0 =	sadd.s32 $0x8F2B, s0  }
0xbc: {  	[sflag:s0] =	ssyncadd.remote.s32 $0x1  }
0xbd: {  	_ =	sfence.sel $0xFFFF  }
0xbe: {  	[dreg:$0x0] =	wrdreg $0xFFFFFFFF;
	(pc) =	sbr.abs _section_cstart, $3  }
0xbf: {  	[dreg:$0x1] =	wrdreg $0xFFFFFFFF  }
0xc0: {  	_ =	task.clear_ibuf [dreg:s6], $0x2FFFF;
	_ =	strace $0x9FFFFFFF  }
0xc1: {  	(tm) =	ssettm $0x7FFFFFFF  }
tec
execute0_lowered:
.L_overlay_start_1:
0x0: {  	(tag) =	ssettag $0x1  }
0x1: {  	s0 =	rddreg [dreg:$0x0];
	s1 =	simm.s32 $0x0  }
0x2: {  	s3 =	srdreg.scid;
	s8 =	stileid.u32;
	s13 =	simm.s32 $0x3  }
0x3: {  	s15 =	simm.s32 $0x200;
	s17 =	simm.s32 $0xF200;
	s21 =	simm.s32 $0x1  }
0x4: {  	s22 =	simm.s32 $0x2;
	s16 =	simm.s32 $0x19600;
	s18 =	simm.s32 $0x19A00  }
0x5: {  	s19 =	simm.s32 $0x1A200;
	s20 =	simm.s32 $0x1A600;
	s25 =	simm.s32 $0x1AE00  }
0x6: {  	s28 =	simm.s32 $0x1BA00;
	s29 =	simm.s32 $0x1BE00;
	s30 =	simm.s32 $0x1C600  }
0x7: {  	s31 =	simm.s32 $0x1CA00;
	[smem:$0x7FF] =	sst s1;
	s2 =	sadd.s32 $0xE600, s0  }
0x8: {  	s4 =	sadd.s32 $0xFE00, s0;
	s5 =	sadd.s32 $0xDA00, s0;
	s6 =	sadd.s32 $0xE000, s0  }
0x9: {  	s3 =	sand.u32 $0x1, s3;
	s7 =	sadd.s32 $0x11600, s0;
	s10 =	sshll.u32 s8, $0x1  }
0xa: {  	s8 =	sadd.s32 $0x89600, s0;
	_ =	strace $0x8000004D;
	s9 =	ssub.s32 $0x2, s3  }
0xb: {  	s3 =	sor.u32 s3, s10;
	s10 =	sadd.s32 $0xE700, s0;
	s11 =	sshrl.u32 s9, $0x1  }
0xc: {  	v2 =	vlaneseq.u32;
	s12 =	ssub.s32 s9, s11;
	s9 =	smul.u32 $0x140, s3;
	s11 =	sadd.s32 $0xFF00, s0  }
0xd: {  	vm0 =	vmmov $0xffff;
	vm1 =	vmmov $0xff;
	v1 =	vshrl.u32 v2, $0x3;
	s0 =	simm.s32 $0x0;
	s3 =	simm.s32 $0x1D600;
	s26 =	smax.u32 s12, $0x1  }
0xe: {  	v0 =	vand.u32 $0x7, v2;
	v2 =	vor.u32 $0x8, v2;
	v1 =	vmul.u32 $0x8, v1;
	s12 =	simm.s32 $0x1DE00;
	[dreg:$0x2] =	wrdreg s26;
	s26 =	simm.s32 $0x1B200  }
.LBB2_1:
0xf: {  	[dreg:$0x3] =	wrdreg s0  }
0x10: {  	p0 =	por $0x1, $0x1;
	s23 =	simm.s32 $0x0;
	s0 =	simm.s32 $0x1D200  }
.LBB2_2:
0x11: {  	s23 =	sadd.s32 s9, s23  }
0x12: {  	s23 =	sshrl.u32 s23, $0x3  }
0x13: {  	s24 =	sadd.s32 s5, s23  }
0x14: {  	[tilespmem:s1], [sflag:$0x3] =	stream.linear.gather [hbm4b:s24+s1], $0xA0, $0x38;
	[tilespmem:$0x1E200] =	vst v63  }
0x15: {  	_ =	swait.ge [sflag:s13], $0xA0  }
0x16: {  	[sflag:s13] =	ssyncset.done $0x0  }
0x17: {  	s14 =	simm.s32 $0x100;
	s24 =	sadd.s32 s6, s23;
	[sflag:s13] =	ssyncadd.s32 $0xFFFFFF60  }
0x18: {  	[tilespmem:s14], [sflag:$0x3] =	stream.linear.gather [hbm4b:s24+s1], $0xA0, $0x38;
	[tilespmem:$0x1E200] =	vst v63  }
0x19: {  	_ =	swait.ge [sflag:s13], $0xA0  }
0x1a: {  	[sflag:s13] =	ssyncset.done $0x0  }
0x1b: {  	[sflag:s13] =	ssyncadd.s32 $0xFFFFFF60  }
0x1c: {  	v3 =	vld [tilespmem:$0x0];
	_ =	sdelay $0x4  }
0x1d: {  	v4 =	vshrl.u32 v3, $0x3  }
0x1e: {  	v4 =	vmul.u32 $0x18, v4  }
0x1f: {  	v3 =	vand.u32 $0x7, v3  }
0x20: {  	v3 =	vor.u32 v3, v4  }
0x21: {  	v4 =	vperm.xlane v3, v0;
	_ =	sdelay $0x1  }
0x22: {  	v4 =	vadd.s32 v1, v4;
	_ =	sdelay $0x1  }
0x23: {  	v3 =	vperm.xlane v3, v2;
	_ =	sdelay $0x1  }
0x24: {  	v3 =	vadd.s32 v1, v3  }
0x25: {  	[tilespmem:s15], [sflag:$0x1] =	stream.indirect_vreg.gather [hbm4b:s2+s1], $0x80, v4, vm0, $0xb8;
	[tilespmem:$0x1E200] =	vst v63  }
0x26: {  	s24 =	simm.s32 $0xA00  }
0x27: {  	[tilespmem:s24], [sflag:$0x1] =	stream.indirect_vreg.gather [hbm4b:s10+s1], $0x80, v4, vm1, $0xb8;
	[tilespmem:$0x1E200] =	vst v63  }
0x28: {  	s24 =	simm.s32 $0xE00  }
0x29: {  	[tilespmem:s24], [sflag:$0x1] =	stream.indirect_vreg.gather [hbm4b:s2+s1], $0x80, v3, vm0, $0xb8;
	[tilespmem:$0x1E200] =	vst v63  }
0x2a: {  	s24 =	simm.s32 $0x1600  }
0x2b: {  	[tilespmem:s24], [sflag:$0x1] =	stream.indirect_vreg.gather [hbm4b:s10+s1], $0x80, v3, vm1, $0xb8;
	[tilespmem:$0x1E200] =	vst v63  }
0x2c: {  	v3 =	vld [tilespmem:$0x10];
	_ =	sdelay $0x4  }
0x2d: {  	v45 =	vshrl.u32 v3, $0x3  }
0x2e: {  	v4 =	vmul.u32 $0x18, v45  }
0x2f: {  	v3 =	vand.u32 $0x7, v3  }
0x30: {  	v3 =	vor.u32 v3, v4  }
0x31: {  	v4 =	vperm.xlane v3, v0;
	_ =	sdelay $0x1  }
0x32: {  	v4 =	vadd.s32 v1, v4;
	_ =	sdelay $0x1  }
0x33: {  	v3 =	vperm.xlane v3, v2;
	_ =	sdelay $0x1  }
0x34: {  	s24 =	simm.s32 $0x1A00;
	v3 =	vadd.s32 v1, v3  }
0x35: {  	[tilespmem:s24], [sflag:$0x1] =	stream.indirect_vreg.gather [hbm4b:s2+s1], $0x80, v4, vm0, $0xb8;
	[tilespmem:$0x1E200] =	vst v63  }
0x36: {  	s24 =	simm.s32 $0x2200  }
0x37: {  	[tilespmem:s24], [sflag:$0x1] =	stream.indirect_vreg.gather [hbm4b:s10+s1], $0x80, v4, vm1, $0xb8;
	[tilespmem:$0x1E200] =	vst v63  }
0x38: {  	s24 =	simm.s32 $0x2600  }
0x39: {  	[tilespmem:s24], [sflag:$0x1] =	stream.indirect_vreg.gather [hbm4b:s2+s1], $0x80, v3, vm0, $0xb8;
	[tilespmem:$0x1E200] =	vst v63  }
0x3a: {  	s24 =	simm.s32 $0x2E00  }
0x3b: {  	[tilespmem:s24], [sflag:$0x1] =	stream.indirect_vreg.gather [hbm4b:s10+s1], $0x80, v3, vm1, $0xb8;
	[tilespmem:$0x1E200] =	vst v63  }
0x3c: {  	v3 =	vld [tilespmem:$0x20];
	_ =	sdelay $0x4  }
0x3d: {  	v46 =	vshrl.u32 v3, $0x3  }
0x3e: {  	v4 =	vmul.u32 $0x18, v46  }
0x3f: {  	v3 =	vand.u32 $0x7, v3  }
0x40: {  	v3 =	vor.u32 v3, v4  }
0x41: {  	v4 =	vperm.xlane v3, v0;
	_ =	sdelay $0x1  }
0x42: {  	v4 =	vadd.s32 v1, v4;
	_ =	sdelay $0x1  }
0x43: {  	v3 =	vperm.xlane v3, v2;
	_ =	sdelay $0x1  }
0x44: {  	s24 =	simm.s32 $0x3200;
	v3 =	vadd.s32 v1, v3  }
0x45: {  	[tilespmem:s24], [sflag:$0x1] =	stream.indirect_vreg.gather [hbm4b:s2+s1], $0x80, v4, vm0, $0xb8;
	[tilespmem:$0x1E200] =	vst v63  }
0x46: {  	s24 =	simm.s32 $0x3A00  }
0x47: {  	[tilespmem:s24], [sflag:$0x1] =	stream.indirect_vreg.gather [hbm4b:s10+s1], $0x80, v4, vm1, $0xb8;
	[tilespmem:$0x1E200] =	vst v63  }
0x48: {  	s24 =	simm.s32 $0x3E00  }
0x49: {  	[tilespmem:s24], [sflag:$0x1] =	stream.indirect_vreg.gather [hbm4b:s2+s1], $0x80, v3, vm0, $0xb8;
	[tilespmem:$0x1E200] =	vst v63  }
0x4a: {  	s24 =	simm.s32 $0x4600  }
0x4b: {  	[tilespmem:s24], [sflag:$0x1] =	stream.indirect_vreg.gather [hbm4b:s10+s1], $0x80, v3, vm1, $0xb8;
	[tilespmem:$0x1E200] =	vst v63  }
0x4c: {  	v3 =	vld [tilespmem:$0x30];
	_ =	sdelay $0x4  }
0x4d: {  	v47 =	vshrl.u32 v3, $0x3  }
0x4e: {  	v4 =	vmul.u32 $0x18, v47  }
0x4f: {  	v3 =	vand.u32 $0x7, v3  }
0x50: {  	v3 =	vor.u32 v3, v4  }
0x51: {  	v4 =	vperm.xlane v3, v0;
	_ =	sdelay $0x1  }
0x52: {  	v4 =	vadd.s32 v1, v4;
	_ =	sdelay $0x1  }
0x53: {  	v3 =	vperm.xlane v3, v2;
	_ =	sdelay $0x1  }
0x54: {  	s24 =	simm.s32 $0x4A00;
	v3 =	vadd.s32 v1, v3  }
0x55: {  	[tilespmem:s24], [sflag:$0x1] =	stream.indirect_vreg.gather [hbm4b:s2+s1], $0x80, v4, vm0, $0xb8;
	[tilespmem:$0x1E200] =	vst v63  }
0x56: {  	s24 =	simm.s32 $0x5200  }
0x57: {  	[tilespmem:s24], [sflag:$0x1] =	stream.indirect_vreg.gather [hbm4b:s10+s1], $0x80, v4, vm1, $0xb8;
	[tilespmem:$0x1E200] =	vst v63  }
0x58: {  	s24 =	simm.s32 $0x5600  }
0x59: {  	[tilespmem:s24], [sflag:$0x1] =	stream.indirect_vreg.gather [hbm4b:s2+s1], $0x80, v3, vm0, $0xb8;
	[tilespmem:$0x1E200] =	vst v63  }
0x5a: {  	s24 =	simm.s32 $0x5E00  }
0x5b: {  	[tilespmem:s24], [sflag:$0x1] =	stream.indirect_vreg.gather [hbm4b:s10+s1], $0x80, v3, vm1, $0xb8;
	[tilespmem:$0x1E200] =	vst v63  }
0x5c: {  	v3 =	vld [tilespmem:$0x40];
	_ =	sdelay $0x4  }
0x5d: {  	v48 =	vshrl.u32 v3, $0x3  }
0x5e: {  	v4 =	vmul.u32 $0x18, v48  }
0x5f: {  	v3 =	vand.u32 $0x7, v3  }
0x60: {  	v3 =	vor.u32 v3, v4  }
0x61: {  	v4 =	vperm.xlane v3, v0;
	_ =	sdelay $0x1  }
0x62: {  	v4 =	vadd.s32 v1, v4;
	_ =	sdelay $0x1  }
0x63: {  	v3 =	vperm.xlane v3, v2;
	_ =	sdelay $0x1  }
0x64: {  	s24 =	simm.s32 $0x6200;
	v3 =	vadd.s32 v1, v3  }
0x65: {  	[tilespmem:s24], [sflag:$0x1] =	stream.indirect_vreg.gather [hbm4b:s2+s1], $0x80, v4, vm0, $0xb8;
	[tilespmem:$0x1E200] =	vst v63  }
0x66: {  	s24 =	simm.s32 $0x6A00  }
0x67: {  	[tilespmem:s24], [sflag:$0x1] =	stream.indirect_vreg.gather [hbm4b:s10+s1], $0x80, v4, vm1, $0xb8;
	[tilespmem:$0x1E200] =	vst v63  }
0x68: {  	s24 =	simm.s32 $0x6E00  }
0x69: {  	[tilespmem:s24], [sflag:$0x1] =	stream.indirect_vreg.gather [hbm4b:s2+s1], $0x80, v3, vm0, $0xb8;
	[tilespmem:$0x1E200] =	vst v63  }
0x6a: {  	s24 =	simm.s32 $0x7600  }
0x6b: {  	[tilespmem:s24], [sflag:$0x1] =	stream.indirect_vreg.gather [hbm4b:s10+s1], $0x80, v3, vm1, $0xb8;
	[tilespmem:$0x1E200] =	vst v63  }
0x6c: {  	v3 =	vld [tilespmem:$0x50];
	_ =	sdelay $0x4  }
0x6d: {  	v49 =	vshrl.u32 v3, $0x3  }
0x6e: {  	v4 =	vmul.u32 $0x18, v49  }
0x6f: {  	v3 =	vand.u32 $0x7, v3  }
0x70: {  	v3 =	vor.u32 v3, v4  }
0x71: {  	v4 =	vperm.xlane v3, v0;
	_ =	sdelay $0x1  }
0x72: {  	v4 =	vadd.s32 v1, v4;
	_ =	sdelay $0x1  }
0x73: {  	v3 =	vperm.xlane v3, v2;
	_ =	sdelay $0x1  }
0x74: {  	s24 =	simm.s32 $0x7A00;
	v3 =	vadd.s32 v1, v3  }
0x75: {  	[tilespmem:s24], [sflag:$0x1] =	stream.indirect_vreg.gather [hbm4b:s2+s1], $0x80, v4, vm0, $0xb8;
	[tilespmem:$0x1E200] =	vst v63  }
0x76: {  	s24 =	simm.s32 $0x8200  }
0x77: {  	[tilespmem:s24], [sflag:$0x1] =	stream.indirect_vreg.gather [hbm4b:s10+s1], $0x80, v4, vm1, $0xb8;
	[tilespmem:$0x1E200] =	vst v63  }
0x78: {  	s24 =	simm.s32 $0x8600  }
0x79: {  	[tilespmem:s24], [sflag:$0x1] =	stream.indirect_vreg.gather [hbm4b:s2+s1], $0x80, v3, vm0, $0xb8;
	[tilespmem:$0x1E200] =	vst v63  }
0x7a: {  	s24 =	simm.s32 $0x8E00  }
0x7b: {  	[tilespmem:s24], [sflag:$0x1] =	stream.indirect_vreg.gather [hbm4b:s10+s1], $0x80, v3, vm1, $0xb8;
	[tilespmem:$0x1E200] =	vst v63  }
0x7c: {  	v3 =	vld [tilespmem:$0x60];
	_ =	sdelay $0x4  }
0x7d: {  	v50 =	vshrl.u32 v3, $0x3  }
0x7e: {  	v4 =	vmul.u32 $0x18, v50  }
0x7f: {  	v3 =	vand.u32 $0x7, v3  }
0x80: {  	v3 =	vor.u32 v3, v4  }
0x81: {  	v4 =	vperm.xlane v3, v0;
	_ =	sdelay $0x1  }
0x82: {  	v4 =	vadd.s32 v1, v4;
	_ =	sdelay $0x1  }
0x83: {  	v3 =	vperm.xlane v3, v2;
	_ =	sdelay $0x1  }
0x84: {  	s24 =	simm.s32 $0x9200;
	v3 =	vadd.s32 v1, v3  }
0x85: {  	[tilespmem:s24], [sflag:$0x1] =	stream.indirect_vreg.gather [hbm4b:s2+s1], $0x80, v4, vm0, $0xb8;
	[tilespmem:$0x1E200] =	vst v63  }
0x86: {  	s24 =	simm.s32 $0x9A00  }
0x87: {  	[tilespmem:s24], [sflag:$0x1] =	stream.indirect_vreg.gather [hbm4b:s10+s1], $0x80, v4, vm1, $0xb8;
	[tilespmem:$0x1E200] =	vst v63  }
0x88: {  	s24 =	simm.s32 $0x9E00  }
0x89: {  	[tilespmem:s24], [sflag:$0x1] =	stream.indirect_vreg.gather [hbm4b:s2+s1], $0x80, v3, vm0, $0xb8;
	[tilespmem:$0x1E200] =	vst v63  }
0x8a: {  	s24 =	simm.s32 $0xA600  }
0x8b: {  	[tilespmem:s24], [sflag:$0x1] =	stream.indirect_vreg.gather [hbm4b:s10+s1], $0x80, v3, vm1, $0xb8;
	[tilespmem:$0x1E200] =	vst v63  }
0x8c: {  	v3 =	vld [tilespmem:$0x70];
	_ =	sdelay $0x4  }
0x8d: {  	v51 =	vshrl.u32 v3, $0x3  }
0x8e: {  	v4 =	vmul.u32 $0x18, v51  }
0x8f: {  	v3 =	vand.u32 $0x7, v3  }
0x90: {  	v3 =	vor.u32 v3, v4  }
0x91: {  	v4 =	vperm.xlane v3, v0;
	_ =	sdelay $0x1  }
0x92: {  	v4 =	vadd.s32 v1, v4;
	_ =	sdelay $0x1  }
0x93: {  	v3 =	vperm.xlane v3, v2;
	_ =	sdelay $0x1  }
0x94: {  	s24 =	simm.s32 $0xAA00;
	v3 =	vadd.s32 v1, v3  }
0x95: {  	[tilespmem:s24], [sflag:$0x1] =	stream.indirect_vreg.gather [hbm4b:s2+s1], $0x80, v4, vm0, $0xb8;
	[tilespmem:$0x1E200] =	vst v63  }
0x96: {  	s24 =	simm.s32 $0xB200  }
0x97: {  	[tilespmem:s24], [sflag:$0x1] =	stream.indirect_vreg.gather [hbm4b:s10+s1], $0x80, v4, vm1, $0xb8;
	[tilespmem:$0x1E200] =	vst v63  }
0x98: {  	s24 =	simm.s32 $0xB600  }
0x99: {  	[tilespmem:s24], [sflag:$0x1] =	stream.indirect_vreg.gather [hbm4b:s2+s1], $0x80, v3, vm0, $0xb8;
	[tilespmem:$0x1E200] =	vst v63  }
0x9a: {  	s24 =	simm.s32 $0xBE00  }
0x9b: {  	[tilespmem:s24], [sflag:$0x1] =	stream.indirect_vreg.gather [hbm4b:s10+s1], $0x80, v3, vm1, $0xb8;
	[tilespmem:$0x1E200] =	vst v63  }
0x9c: {  	v3 =	vld [tilespmem:$0x80];
	_ =	sdelay $0x4  }
0x9d: {  	v52 =	vshrl.u32 v3, $0x3  }
0x9e: {  	v4 =	vmul.u32 $0x18, v52  }
0x9f: {  	v3 =	vand.u32 $0x7, v3  }
0xa0: {  	v3 =	vor.u32 v3, v4  }
0xa1: {  	v4 =	vperm.xlane v3, v0;
	_ =	sdelay $0x1  }
0xa2: {  	v4 =	vadd.s32 v1, v4;
	_ =	sdelay $0x1  }
0xa3: {  	v3 =	vperm.xlane v3, v2;
	_ =	sdelay $0x1  }
0xa4: {  	s24 =	simm.s32 $0xC200;
	v3 =	vadd.s32 v1, v3  }
0xa5: {  	[tilespmem:s24], [sflag:$0x1] =	stream.indirect_vreg.gather [hbm4b:s2+s1], $0x80, v4, vm0, $0xb8;
	[tilespmem:$0x1E200] =	vst v63  }
0xa6: {  	s24 =	simm.s32 $0xCA00  }
0xa7: {  	[tilespmem:s24], [sflag:$0x1] =	stream.indirect_vreg.gather [hbm4b:s10+s1], $0x80, v4, vm1, $0xb8;
	[tilespmem:$0x1E200] =	vst v63  }
0xa8: {  	s24 =	simm.s32 $0xCE00  }
0xa9: {  	[tilespmem:s24], [sflag:$0x1] =	stream.indirect_vreg.gather [hbm4b:s2+s1], $0x80, v3, vm0, $0xb8;
	[tilespmem:$0x1E200] =	vst v63  }
0xaa: {  	s24 =	simm.s32 $0xD600  }
0xab: {  	[tilespmem:s24], [sflag:$0x1] =	stream.indirect_vreg.gather [hbm4b:s10+s1], $0x80, v3, vm1, $0xb8;
	[tilespmem:$0x1E200] =	vst v63  }
0xac: {  	v3 =	vld [tilespmem:$0x90];
	_ =	sdelay $0x4  }
0xad: {  	v53 =	vshrl.u32 v3, $0x3  }
0xae: {  	v4 =	vmul.u32 $0x18, v53  }
0xaf: {  	v3 =	vand.u32 $0x7, v3  }
0xb0: {  	v3 =	vor.u32 v3, v4  }
0xb1: {  	v4 =	vperm.xlane v3, v0;
	_ =	sdelay $0x1  }
0xb2: {  	v4 =	vadd.s32 v1, v4;
	_ =	sdelay $0x1  }
0xb3: {  	v3 =	vperm.xlane v3, v2;
	_ =	sdelay $0x1  }
0xb4: {  	s24 =	simm.s32 $0xDA00;
	v3 =	vadd.s32 v1, v3  }
0xb5: {  	[tilespmem:s24], [sflag:$0x1] =	stream.indirect_vreg.gather [hbm4b:s2+s1], $0x80, v4, vm0, $0xb8;
	[tilespmem:$0x1E200] =	vst v63  }
0xb6: {  	s24 =	simm.s32 $0xE200  }
0xb7: {  	[tilespmem:s24], [sflag:$0x1] =	stream.indirect_vreg.gather [hbm4b:s10+s1], $0x80, v4, vm1, $0xb8;
	[tilespmem:$0x1E200] =	vst v63  }
0xb8: {  	s24 =	simm.s32 $0xE600  }
0xb9: {  	[tilespmem:s24], [sflag:$0x1] =	stream.indirect_vreg.gather [hbm4b:s2+s1], $0x80, v3, vm0, $0xb8;
	[tilespmem:$0x1E200] =	vst v63  }
0xba: {  	s24 =	simm.s32 $0xEE00  }
0xbb: {  	[tilespmem:s24], [sflag:$0x1] =	stream.indirect_vreg.gather [hbm4b:s10+s1], $0x80, v3, vm1, $0xb8;
	[tilespmem:$0x1E200] =	vst v63  }
0xbc: {  	v3 =	vld [tilespmem:$0x100];
	_ =	sdelay $0x4  }
0xbd: {  	v54 =	vshrl.u32 v3, $0x3  }
0xbe: {  	v4 =	vmul.u32 $0x18, v54  }
0xbf: {  	v3 =	vand.u32 $0x7, v3  }
0xc0: {  	v3 =	vor.u32 v3, v4  }
0xc1: {  	v4 =	vperm.xlane v3, v0;
	_ =	sdelay $0x1  }
0xc2: {  	v4 =	vadd.s32 v1, v4;
	_ =	sdelay $0x1  }
0xc3: {  	v3 =	vperm.xlane v3, v2;
	_ =	sdelay $0x1  }
0xc4: {  	v3 =	vadd.s32 v1, v3  }
0xc5: {  	[tilespmem:s17], [sflag:$0x2] =	stream.indirect_vreg.gather [hbm4b:s4+s1], $0x80, v4, vm0, $0xb8;
	[tilespmem:$0x1E200] =	vst v63  }
0xc6: {  	s24 =	simm.s32 $0xFA00  }
0xc7: {  	[tilespmem:s24], [sflag:$0x2] =	stream.indirect_vreg.gather [hbm4b:s11+s1], $0x80, v4, vm1, $0xb8;
	[tilespmem:$0x1E200] =	vst v63  }
0xc8: {  	s24 =	simm.s32 $0xFE00  }
0xc9: {  	[tilespmem:s24], [sflag:$0x2] =	stream.indirect_vreg.gather [hbm4b:s4+s1], $0x80, v3, vm0, $0xb8;
	[tilespmem:$0x1E200] =	vst v63  }
0xca: {  	s24 =	simm.s32 $0x10600  }
0xcb: {  	[tilespmem:s24], [sflag:$0x2] =	stream.indirect_vreg.gather [hbm4b:s11+s1], $0x80, v3, vm1, $0xb8;
	[tilespmem:$0x1E200] =	vst v63  }
0xcc: {  	v3 =	vld [tilespmem:$0x110];
	_ =	sdelay $0x4  }
0xcd: {  	v55 =	vshrl.u32 v3, $0x3  }
0xce: {  	v4 =	vmul.u32 $0x18, v55  }
0xcf: {  	v3 =	vand.u32 $0x7, v3  }
0xd0: {  	v3 =	vor.u32 v3, v4  }
0xd1: {  	v4 =	vperm.xlane v3, v0;
	_ =	sdelay $0x1  }
0xd2: {  	v4 =	vadd.s32 v1, v4;
	_ =	sdelay $0x1  }
0xd3: {  	v3 =	vperm.xlane v3, v2;
	_ =	sdelay $0x1  }
0xd4: {  	s24 =	simm.s32 $0x10A00;
	v3 =	vadd.s32 v1, v3  }
0xd5: {  	[tilespmem:s24], [sflag:$0x2] =	stream.indirect_vreg.gather [hbm4b:s4+s1], $0x80, v4, vm0, $0xb8;
	[tilespmem:$0x1E200] =	vst v63  }
0xd6: {  	s24 =	simm.s32 $0x11200  }
0xd7: {  	[tilespmem:s24], [sflag:$0x2] =	stream.indirect_vreg.gather [hbm4b:s11+s1], $0x80, v4, vm1, $0xb8;
	[tilespmem:$0x1E200] =	vst v63  }
0xd8: {  	s24 =	simm.s32 $0x11600  }
0xd9: {  	[tilespmem:s24], [sflag:$0x2] =	stream.indirect_vreg.gather [hbm4b:s4+s1], $0x80, v3, vm0, $0xb8;
	[tilespmem:$0x1E200] =	vst v63  }
0xda: {  	s24 =	simm.s32 $0x11E00  }
0xdb: {  	[tilespmem:s24], [sflag:$0x2] =	stream.indirect_vreg.gather [hbm4b:s11+s1], $0x80, v3, vm1, $0xb8;
	[tilespmem:$0x1E200] =	vst v63  }
0xdc: {  	v3 =	vld [tilespmem:$0x120];
	_ =	sdelay $0x4  }
0xdd: {  	v56 =	vshrl.u32 v3, $0x3  }
0xde: {  	v4 =	vmul.u32 $0x18, v56  }
0xdf: {  	v3 =	vand.u32 $0x7, v3  }
0xe0: {  	v3 =	vor.u32 v3, v4  }
0xe1: {  	v4 =	vperm.xlane v3, v0;
	_ =	sdelay $0x1  }
0xe2: {  	v4 =	vadd.s32 v1, v4;
	_ =	sdelay $0x1  }
0xe3: {  	v3 =	vperm.xlane v3, v2;
	_ =	sdelay $0x1  }
0xe4: {  	s24 =	simm.s32 $0x12200;
	v3 =	vadd.s32 v1, v3  }
0xe5: {  	[tilespmem:s24], [sflag:$0x2] =	stream.indirect_vreg.gather [hbm4b:s4+s1], $0x80, v4, vm0, $0xb8;
	[tilespmem:$0x1E200] =	vst v63  }
0xe6: {  	s24 =	simm.s32 $0x12A00  }
0xe7: {  	[tilespmem:s24], [sflag:$0x2] =	stream.indirect_vreg.gather [hbm4b:s11+s1], $0x80, v4, vm1, $0xb8;
	[tilespmem:$0x1E200] =	vst v63  }
0xe8: {  	s24 =	simm.s32 $0x12E00  }
0xe9: {  	[tilespmem:s24], [sflag:$0x2] =	stream.indirect_vreg.gather [hbm4b:s4+s1], $0x80, v3, vm0, $0xb8;
	[tilespmem:$0x1E200] =	vst v63  }
0xea: {  	s24 =	simm.s32 $0x13600  }
0xeb: {  	[tilespmem:s24], [sflag:$0x2] =	stream.indirect_vreg.gather [hbm4b:s11+s1], $0x80, v3, vm1, $0xb8;
	[tilespmem:$0x1E200] =	vst v63  }
0xec: {  	v3 =	vld [tilespmem:$0x130];
	_ =	sdelay $0x4  }
0xed: {  	v57 =	vshrl.u32 v3, $0x3  }
0xee: {  	v4 =	vmul.u32 $0x18, v57  }
0xef: {  	v3 =	vand.u32 $0x7, v3  }
0xf0: {  	v3 =	vor.u32 v3, v4  }
0xf1: {  	v4 =	vperm.xlane v3, v0;
	_ =	sdelay $0x1  }
0xf2: {  	v4 =	vadd.s32 v1, v4;
	_ =	sdelay $0x1  }
0xf3: {  	v3 =	vperm.xlane v3, v2;
	_ =	sdelay $0x1  }
0xf4: {  	s24 =	simm.s32 $0x13A00;
	v3 =	vadd.s32 v1, v3  }
0xf5: {  	[tilespmem:s24], [sflag:$0x2] =	stream.indirect_vreg.gather [hbm4b:s4+s1], $0x80, v4, vm0, $0xb8;
	[tilespmem:$0x1E200] =	vst v63  }
0xf6: {  	s24 =	simm.s32 $0x14200  }
0xf7: {  	[tilespmem:s24], [sflag:$0x2] =	stream.indirect_vreg.gather [hbm4b:s11+s1], $0x80, v4, vm1, $0xb8;
	[tilespmem:$0x1E200] =	vst v63  }
0xf8: {  	s24 =	simm.s32 $0x14600  }
0xf9: {  	[tilespmem:s24], [sflag:$0x2] =	stream.indirect_vreg.gather [hbm4b:s4+s1], $0x80, v3, vm0, $0xb8;
	[tilespmem:$0x1E200] =	vst v63  }
0xfa: {  	s24 =	simm.s32 $0x14E00  }
0xfb: {  	[tilespmem:s24], [sflag:$0x2] =	stream.indirect_vreg.gather [hbm4b:s11+s1], $0x80, v3, vm1, $0xb8;
	[tilespmem:$0x1E200] =	vst v63  }
0xfc: {  	v3 =	vld [tilespmem:$0x140];
	_ =	sdelay $0x4  }
0xfd: {  	v58 =	vshrl.u32 v3, $0x3  }
0xfe: {  	v4 =	vmul.u32 $0x18, v58  }
0xff: {  	v3 =	vand.u32 $0x7, v3  }
0x100: {  	v3 =	vor.u32 v3, v4  }
0x101: {  	v4 =	vperm.xlane v3, v0;
	_ =	sdelay $0x1  }
0x102: {  	v4 =	vadd.s32 v1, v4;
	_ =	sdelay $0x1  }
0x103: {  	v3 =	vperm.xlane v3, v2;
	_ =	sdelay $0x1  }
0x104: {  	s24 =	simm.s32 $0x15200;
	v3 =	vadd.s32 v1, v3  }
0x105: {  	[tilespmem:s24], [sflag:$0x2] =	stream.indirect_vreg.gather [hbm4b:s4+s1], $0x80, v4, vm0, $0xb8;
	[tilespmem:$0x1E200] =	vst v63  }
0x106: {  	s24 =	simm.s32 $0x15A00  }
0x107: {  	[tilespmem:s24], [sflag:$0x2] =	stream.indirect_vreg.gather [hbm4b:s11+s1], $0x80, v4, vm1, $0xb8;
	[tilespmem:$0x1E200] =	vst v63  }
0x108: {  	s24 =	simm.s32 $0x15E00  }
0x109: {  	[tilespmem:s24], [sflag:$0x2] =	stream.indirect_vreg.gather [hbm4b:s4+s1], $0x80, v3, vm0, $0xb8;
	[tilespmem:$0x1E200] =	vst v63  }
0x10a: {  	s24 =	simm.s32 $0x16600  }
0x10b: {  	[tilespmem:s24], [sflag:$0x2] =	stream.indirect_vreg.gather [hbm4b:s11+s1], $0x80, v3, vm1, $0xb8;
	[tilespmem:$0x1E200] =	vst v63  }
0x10c: {  	v3 =	vld [tilespmem:$0x150];
	_ =	sdelay $0x4  }
0x10d: {  	v59 =	vshrl.u32 v3, $0x3  }
0x10e: {  	v4 =	vmul.u32 $0x18, v59  }
0x10f: {  	v3 =	vand.u32 $0x7, v3  }
0x110: {  	v3 =	vor.u32 v3, v4  }
0x111: {  	v4 =	vperm.xlane v3, v0;
	_ =	sdelay $0x1  }
0x112: {  	v4 =	vadd.s32 v1, v4;
	_ =	sdelay $0x1  }
0x113: {  	v3 =	vperm.xlane v3, v2;
	_ =	sdelay $0x1  }
0x114: {  	s24 =	simm.s32 $0x16A00;
	v3 =	vadd.s32 v1, v3  }
0x115: {  	[tilespmem:s24], [sflag:$0x2] =	stream.indirect_vreg.gather [hbm4b:s4+s1], $0x80, v4, vm0, $0xb8;
	[tilespmem:$0x1E200] =	vst v63  }
0x116: {  	s24 =	simm.s32 $0x17200  }
0x117: {  	[tilespmem:s24], [sflag:$0x2] =	stream.indirect_vreg.gather [hbm4b:s11+s1], $0x80, v4, vm1, $0xb8;
	[tilespmem:$0x1E200] =	vst v63  }
0x118: {  	s24 =	simm.s32 $0x17600  }
0x119: {  	[tilespmem:s24], [sflag:$0x2] =	stream.indirect_vreg.gather [hbm4b:s4+s1], $0x80, v3, vm0, $0xb8;
	[tilespmem:$0x1E200] =	vst v63  }
0x11a: {  	s24 =	simm.s32 $0x17E00  }
0x11b: {  	[tilespmem:s24], [sflag:$0x2] =	stream.indirect_vreg.gather [hbm4b:s11+s1], $0x80, v3, vm1, $0xb8;
	[tilespmem:$0x1E200] =	vst v63  }
0x11c: {  	v3 =	vld [tilespmem:$0x160];
	_ =	sdelay $0x4  }
0x11d: {  	v60 =	vshrl.u32 v3, $0x3  }
0x11e: {  	v4 =	vmul.u32 $0x18, v60  }
0x11f: {  	v3 =	vand.u32 $0x7, v3  }
0x120: {  	v3 =	vor.u32 v3, v4  }
0x121: {  	v4 =	vperm.xlane v3, v0;
	_ =	sdelay $0x1  }
0x122: {  	v4 =	vadd.s32 v1, v4;
	_ =	sdelay $0x1  }
0x123: {  	v3 =	vperm.xlane v3, v2;
	_ =	sdelay $0x1  }
0x124: {  	s24 =	simm.s32 $0x18200;
	v3 =	vadd.s32 v1, v3  }
0x125: {  	[tilespmem:s24], [sflag:$0x2] =	stream.indirect_vreg.gather [hbm4b:s4+s1], $0x80, v4, vm0, $0xb8;
	[tilespmem:$0x1E200] =	vst v63  }
0x126: {  	s24 =	simm.s32 $0x18A00  }
0x127: {  	[tilespmem:s24], [sflag:$0x2] =	stream.indirect_vreg.gather [hbm4b:s11+s1], $0x80, v4, vm1, $0xb8;
	[tilespmem:$0x1E200] =	vst v63  }
0x128: {  	s24 =	simm.s32 $0x18E00  }
0x129: {  	[tilespmem:s24], [sflag:$0x2] =	stream.indirect_vreg.gather [hbm4b:s4+s1], $0x80, v3, vm0, $0xb8;
	[tilespmem:$0x1E200] =	vst v63  }
0x12a: {  	_ = 	snop  }
0x12b: {  	[tilespmem:s16], [sflag:$0x2] =	stream.indirect_vreg.gather [hbm4b:s11+s1], $0x80, v3, vm1, $0xb8;
	[tilespmem:$0x1E200] =	vst v63  }
0x12c: {  	v3 =	vld [tilespmem:$0x170];
	_ =	sdelay $0x4  }
0x12d: {  	v61 =	vshrl.u32 v3, $0x3  }
0x12e: {  	v4 =	vmul.u32 $0x18, v61  }
0x12f: {  	v3 =	vand.u32 $0x7, v3  }
0x130: {  	v3 =	vor.u32 v3, v4  }
0x131: {  	v4 =	vperm.xlane v3, v0;
	_ =	sdelay $0x1  }
0x132: {  	v4 =	vadd.s32 v1, v4;
	_ =	sdelay $0x1  }
0x133: {  	v3 =	vperm.xlane v3, v2;
	_ =	sdelay $0x1  }
0x134: {  	v3 =	vadd.s32 v1, v3  }
0x135: {  	[tilespmem:s18], [sflag:$0x2] =	stream.indirect_vreg.gather [hbm4b:s4+s1], $0x80, v4, vm0, $0xb8;
	[tilespmem:$0x1E200] =	vst v63  }
0x136: {  	_ = 	snop  }
0x137: {  	[tilespmem:s19], [sflag:$0x2] =	stream.indirect_vreg.gather [hbm4b:s11+s1], $0x80, v4, vm1, $0xb8;
	[tilespmem:$0x1E200] =	vst v63  }
0x138: {  	_ = 	snop  }
0x139: {  	[tilespmem:s20], [sflag:$0x2] =	stream.indirect_vreg.gather [hbm4b:s4+s1], $0x80, v3, vm0, $0xb8;
	[tilespmem:$0x1E200] =	vst v63  }
0x13a: {  	_ = 	snop  }
0x13b: {  	[tilespmem:s25], [sflag:$0x2] =	stream.indirect_vreg.gather [hbm4b:s11+s1], $0x80, v3, vm1, $0xb8;
	[tilespmem:$0x1E200] =	vst v63  }
0x13c: {  	v3 =	vld [tilespmem:$0x180];
	_ =	sdelay $0x4  }
0x13d: {  	v62 =	vshrl.u32 v3, $0x3  }
0x13e: {  	v4 =	vmul.u32 $0x18, v62  }
0x13f: {  	v3 =	vand.u32 $0x7, v3  }
0x140: {  	v3 =	vor.u32 v3, v4  }
0x141: {  	v4 =	vperm.xlane v3, v0;
	_ =	sdelay $0x1  }
0x142: {  	v4 =	vadd.s32 v1, v4;
	_ =	sdelay $0x1  }
0x143: {  	v3 =	vperm.xlane v3, v2;
	_ =	sdelay $0x1  }
0x144: {  	v3 =	vadd.s32 v1, v3  }
0x145: {  	[tilespmem:s26], [sflag:$0x2] =	stream.indirect_vreg.gather [hbm4b:s4+s1], $0x80, v4, vm0, $0xb8;
	[tilespmem:$0x1E200] =	vst v63  }
0x146: {  	_ = 	snop  }
0x147: {  	[tilespmem:s28], [sflag:$0x2] =	stream.indirect_vreg.gather [hbm4b:s11+s1], $0x80, v4, vm1, $0xb8;
	[tilespmem:$0x1E200] =	vst v63  }
0x148: {  	_ = 	snop  }
0x149: {  	[tilespmem:s29], [sflag:$0x2] =	stream.indirect_vreg.gather [hbm4b:s4+s1], $0x80, v3, vm0, $0xb8;
	[tilespmem:$0x1E200] =	vst v63  }
0x14a: {  	_ = 	snop  }
0x14b: {  	[tilespmem:s30], [sflag:$0x2] =	stream.indirect_vreg.gather [hbm4b:s11+s1], $0x80, v3, vm1, $0xb8;
	[tilespmem:$0x1E200] =	vst v63  }
0x14c: {  	v3 =	vld [tilespmem:$0x190];
	_ =	sdelay $0x4  }
0x14d: {  	v63 =	vshrl.u32 v3, $0x3  }
0x14e: {  	v4 =	vmul.u32 $0x18, v63  }
0x14f: {  	v3 =	vand.u32 $0x7, v3  }
0x150: {  	v3 =	vor.u32 v3, v4  }
0x151: {  	v4 =	vperm.xlane v3, v0;
	_ =	sdelay $0x1  }
0x152: {  	v4 =	vadd.s32 v1, v4;
	_ =	sdelay $0x1  }
0x153: {  	v3 =	vperm.xlane v3, v2;
	_ =	sdelay $0x1  }
0x154: {  	v3 =	vadd.s32 v1, v3  }
0x155: {  	[tilespmem:s31], [sflag:$0x2] =	stream.indirect_vreg.gather [hbm4b:s4+s1], $0x80, v4, vm0, $0xb8;
	[tilespmem:$0x1E200] =	vst v63  }
0x156: {  	_ = 	snop  }
0x157: {  	[tilespmem:s0], [sflag:$0x2] =	stream.indirect_vreg.gather [hbm4b:s11+s1], $0x80, v4, vm1, $0xb8;
	[tilespmem:$0x1E200] =	vst v63  }
0x158: {  	_ = 	snop  }
0x159: {  	[tilespmem:s3], [sflag:$0x2] =	stream.indirect_vreg.gather [hbm4b:s4+s1], $0x80, v3, vm0, $0xb8;
	[tilespmem:$0x1E200] =	vst v63  }
0x15a: {  	_ = 	snop  }
0x15b: {  	[tilespmem:s12], [sflag:$0x2] =	stream.indirect_vreg.gather [hbm4b:s11+s1], $0x80, v3, vm1, $0xb8;
	[tilespmem:$0x1E200] =	vst v63  }
0x15c: {  	_ =	swait.ge [sflag:s21], $0xF000  }
0x15d: {  	[sflag:s21] =	ssyncset.done $0x0  }
0x15e: {  	[sflag:s21] =	ssyncadd.s32 $0xFFFF1000  }
0x15f: {  	s23 =	smul.u32 $0x180, s23;
	_ =	swait.ge [sflag:s22], $0xF000  }
0x160: {  	[sflag:s22] =	ssyncset.done $0x0  }
0x161: {  	s14 =	sadd.s32 s7, s23;
	[sflag:s22] =	ssyncadd.s32 $0xFFFF1000  }
0x162: {  	[hbm4b:s14+s1] =	stream.linear.scatter [tilespmem:s15], [sflag:$0x3], $0xF000, $0x38;
	[tilespmem:$0x1E200] =	vst v63  }
0x163: {  	_ =	swait.ge [sflag:s13], $0xF000  }
0x164: {  	p1 =	por p0, p0;
	[sflag:s13] =	ssyncset.done $0x0  }
.Ltmp0:
0x165: {  	s23 =	sadd.s32 s8, s23;
	[sflag:s13] =	ssyncadd.s32 $0xFFFF1000;
	(pc) =	sbr.rel @p1 .LBB2_2-.Ltmp0, $4  }
0x166: {  	[hbm4b:s23+s1] =	stream.linear.scatter [tilespmem:s17], [sflag:$0x3], $0xF000, $0x38;
	[tilespmem:$0x1E200] =	vst v63  }
0x167: {  	_ =	swait.ge [sflag:s13], $0xF000  }
0x168: {  	[sflag:s13] =	ssyncset.done $0x0  }
0x169: {  	p0 =	por $0x0, $0x0;
	s23 =	simm.s32 $0xA0;
	[sflag:s13] =	ssyncadd.s32 $0xFFFF1000  }
0x16a: {  	s0 =	rddreg [dreg:$0x3]  }
0x16b: {  	s23 =	rddreg [dreg:$0x2];
	s0 =	sadd.s32 $0x1, s0  }
0x16c: {  	p0 =	sne.s32 s0, s23  }
.Ltmp1:
0x16d: {  	_ = 	snop;
	(pc) =	sbr.rel @p0 .LBB2_1-.Ltmp1, $1  }
0x16e: {  	_ =	sdelay $0x3  }
0x16f: {  	_ =	sfence.sel $0x180000  }
0x170: {  	[bflag:$0x0] =	sbarrier.arrive $0xFFFF  }
0x171: {  	_ =	strace $0x9000004D  }
0x172: {  	s0 =	stileid.u32;
	[bflag:$0x2] =	sbarrier.arrive $0xFFFF  }
0x173: {  	p0 =	sne.s32 s0, $0x0;
	s0 =	rddreg [dreg:$0x1]  }
0x174: {  	s0 =	sadd.s32 @!p0 $0x100000, s0  }
0x175: {  	[sflag:s0] =	ssyncadd.tile.s32 @!p0 $0x1;
	_ =	shalt  }
.Lfunc_end2:
_tile_overlayer_lowered:
.L_overlay_start_2:
0x176: {  	(tag) =	ssettag $0x2  }
0x177: {  	s0 =	rddreg [dreg:$0x0];
	s2 =	stileid.u32  }
0x178: {  	s1 =	rddreg [dreg:$0x1];
	p0 =	sne.s32 s2, $0x0  }
0x179: {  	s3 =	rddreg [dreg:$0x2];
	[bflag:$0x3] =	sbarrier.arrive $0xFFFF;
	s2 =	simm.s32 @!p0 $0x1C03  }
0x17a: {  	[timem:s3], [sflag:s2] =	dma.local @!p0 [hbm:s0], s1  }
0x17b: {  	s0 =	simm.s32 @!p0 $0x3  }
0x17c: {  	_ =	swait.ge @!p0 [sflag:s0], s1  }
0x17d: {  	s1 =	ssub.s32 @!p0 $0x0, s1;
	[sflag:s0] =	ssyncset.done @!p0 $0x0  }
0x17e: {  	[sflag:s0] =	ssyncadd.s32 @!p0 s1  }
0x17f: {  	[bflag:$0x3] =	sbarrier.arrive $0xFFFF  }
0x180: {  	_ =	shalt  }

// kernel: kernel.33.cloned.1.call-start
scs
__scs_entry_jumppad:
0x0: {  	(pc) =	sbr.rel $0x88, $3  }
0x1: {  	(tag) =	ssettag $0x0;
	lr =	simm.s32 $0x1  }
0x2: {  	[smem:$0x3F59] =	sst lr;
	_ =	strace $0xD0000000  }
0x3: {  	_ = 	snop  }
0x4: {  	_ = 	snop  }
0x5: {  	_ = 	snop  }
0x6: {  	_ = 	snop  }
0x7: {  	_ = 	snop  }
__scs_overlays_trampoline_lowered:
0x8: {  	[smem:$0x3F68] =	sst s0  }
0x9: {  	[smem:$0x3F69] =	sst s1  }
0xa: {  	[smem:$0x3F6A] =	sst s2  }
0xb: {  	[smem:$0x3F6B] =	sst s3  }
0xc: {  	[smem:$0x3F6C] =	sst s4  }
0xd: {  	[smem:$0x3F6D] =	sst s5  }
0xe: {  	[smem:$0x3F6E] =	sst s6  }
0xf: {  	[smem:$0x3F6F] =	sst s7  }
0x10: {  	[smem:$0x3F70] =	sst s8  }
0x11: {  	[smem:$0x3F71] =	sst s9;
	s0 =	simm.s32 @!p0 $0x0  }
0x12: {  	s1 =	sld [smem:$0x3F57];
	s0 =	simm.s32 @p0 $0x1  }
0x13: {  	[smem:$0x3F72] =	sst s0;
	s0 =	simm.s32 @!p1 $0x0  }
0x14: {  	s2 =	sld [smem:$0x3F56];
	s0 =	simm.s32 @p1 $0x1  }
0x15: {  	[smem:$0x3F73] =	sst s0;
	s0 =	simm.s32 @!p2 $0x0  }
0x16: {  	s3 =	sld [smem:$0x3FDB];
	s0 =	simm.s32 @p2 $0x1  }
0x17: {  	s4 =	simm.s32 $0x1BF5;
	[smem:$0x3F75] =	sst s0  }
0x18: {  	s0 =	sld [smem:$0x3F58];
	_ =	swait.ge [sflag:s4], $0x0  }
0x19: {  	s7 =	sld [smem:$0x3F59]  }
0x1a: {  	s8 =	sadd.s32 $0xFFFFE003, lr  }
0x1b: {  	s9 =	sadd.s32 $0xFFFFFEF7, lr;
	s5 =	simm.s32 $0xFFFFFFFF;
	p2 =	slt.u32 s8, $0xFFFFF086  }
0x1c: {  	p1 =	slt.u32 s9, $0xF7A;
	s5 =	simm.s32 @!p2 $0x0  }
0x1d: {  	s5 =	simm.s32 @p1 $0x1;
	p0 =	seq.s32 s7, s2  }
0x1e: {  	s7 =	smul.u32 @!p0 $0xF7A, s2;
	p2 =	seq.s32 @!p0 s5, $0x0  }
0x1f: {  	s9 =	smul.u32 $0xF7A, s1;
	s8 =	simm.s32 @!p0 $0x1BF5;
	p2 =	por !p2, p0  }
0x20: {  	[sflag:s8] =	ssyncset.s32 @!p0 $0xFFFFF086;
	s6 =	sadd.s32 @!p0 s3, s7;
	s7 =	simm.s32 @!p0 $0x108  }
0x21: {  	s3 =	sadd.s32 s3, s9;
	s6 =	sadd.s32 @!p0 $0x88, s6;
	s7 =	simm.s32 @p2 $0x1082  }
0x22: {  	[simem:s7], [sflag:s8] =	dma.local @!p0 [hbm:s6], $0xF7A  }
0x23: {  	s9 =	sor.u32 $0xD0000000, s2;
	s6 =	simm.s32 $0x108;
	_ =	swait.ge @!p0 [sflag:s8], $0x0  }
0x24: {  	s3 =	sadd.s32 $0x88, s3;
	s6 =	simm.s32 @!p1 $0x1082;
	[sflag:s4] =	ssyncset.s32 $0xFFFFF086  }
0x25: {  	[simem:s6], [sflag:s4] =	dma.local [hbm:s3], $0xF7A  }
0x26: {  	[smem:$0x3F59] =	sst s1;
	(tag) =	ssettag s2;
	_ =	strace s9  }
0x27: {  	s1 =	sld [smem:$0x3F69]  }
0x28: {  	s2 =	sld [smem:$0x3F6A]  }
0x29: {  	s4 =	sld [smem:$0x3F6C]  }
0x2a: {  	p0 =	seq.s32 s5, $0x0;
	s5 =	sld [smem:$0x3F6D]  }
0x2b: {  	s6 =	sld [smem:$0x3F6E]  }
0x2c: {  	s7 =	sld [smem:$0x3F6F]  }
0x2d: {  	s3 =	simm.s32 $0x108;
	s8 =	sld [smem:$0x3F70]  }
0x2e: {  	s3 =	simm.s32 @!p0 $0x1082;
	s9 =	sld [smem:$0x3F71]  }
0x2f: {  	lr =	sadd.s32 s0, s3;
	s0 =	sld [smem:$0x3F68]  }
0x30: {  	s3 =	sld [smem:$0x3F6B]  }
0x31: {  	[smem:$0x3F74] =	sst s10  }
0x32: {  	s10 =	sld [smem:$0x3F72];
	_ =	sdelay $0x3  }
0x33: {  	p0 =	seq.s32 s10, $0x1;
	s10 =	sld [smem:$0x3F74];
	_ =	sdelay $0x3  }
0x34: {  	[smem:$0x3F74] =	sst s10  }
0x35: {  	s10 =	sld [smem:$0x3F73];
	_ =	sdelay $0x3  }
0x36: {  	p1 =	seq.s32 s10, $0x1;
	s10 =	sld [smem:$0x3F74];
	_ =	sdelay $0x3  }
0x37: {  	[smem:$0x3F74] =	sst s10  }
0x38: {  	s10 =	sld [smem:$0x3F75]  }
0x39: {  	_ = 	snop;
	(pc) =	sbr.ind lr, $3  }
0x3a: {  	_ = 	snop  }
0x3b: {  	_ = 	snop  }
0x3c: {  	p2 =	seq.s32 s10, $0x1;
	s10 =	sld [smem:$0x3F74]  }
0x3d: {  	_ =	shalt  }
0x3e: {  	_ =	shalt  }
0x3f: {  	_ =	shalt  }
0x40: {  	_ =	shalt  }
0x41: {  	_ =	shalt  }
0x42: {  	_ =	shalt  }
0x43: {  	_ =	shalt  }
0x44: {  	_ =	shalt  }
0x45: {  	_ =	shalt  }
0x46: {  	_ =	shalt  }
0x47: {  	_ =	shalt  }
0x48: {  	_ =	shalt  }
0x49: {  	_ =	shalt  }
0x4a: {  	_ =	shalt  }
0x4b: {  	_ =	shalt  }
0x4c: {  	_ =	shalt  }
0x4d: {  	_ =	shalt  }
0x4e: {  	_ =	shalt  }
0x4f: {  	_ =	shalt  }
0x50: {  	_ =	shalt  }
0x51: {  	_ =	shalt  }
0x52: {  	_ =	shalt  }
0x53: {  	_ =	shalt  }
0x54: {  	_ =	shalt  }
0x55: {  	_ =	shalt  }
0x56: {  	_ =	shalt  }
0x57: {  	_ =	shalt  }
0x58: {  	_ =	shalt  }
0x59: {  	_ =	shalt  }
0x5a: {  	_ =	shalt  }
0x5b: {  	_ =	shalt  }
0x5c: {  	_ =	shalt  }
0x5d: {  	_ =	shalt  }
0x5e: {  	_ =	shalt  }
0x5f: {  	_ =	shalt  }
0x60: {  	_ =	shalt  }
0x61: {  	_ =	shalt  }
0x62: {  	_ =	shalt  }
0x63: {  	_ =	shalt  }
0x64: {  	_ =	shalt  }
0x65: {  	_ =	shalt  }
0x66: {  	_ =	shalt  }
0x67: {  	_ =	shalt  }
0x68: {  	_ =	shalt  }
0x69: {  	_ =	shalt  }
0x6a: {  	_ =	shalt  }
0x6b: {  	_ =	shalt  }
0x6c: {  	_ =	shalt  }
0x6d: {  	_ =	shalt  }
0x6e: {  	_ =	shalt  }
0x6f: {  	_ =	shalt  }
0x70: {  	_ =	shalt  }
0x71: {  	_ =	shalt  }
0x72: {  	_ =	shalt  }
0x73: {  	_ =	shalt  }
0x74: {  	_ =	shalt  }
0x75: {  	_ =	shalt  }
0x76: {  	_ =	shalt  }
0x77: {  	_ =	shalt  }
0x78: {  	_ =	shalt  }
0x79: {  	_ =	shalt  }
0x7a: {  	_ =	shalt  }
0x7b: {  	_ =	shalt  }
0x7c: {  	_ =	shalt  }
0x7d: {  	_ =	shalt  }
0x7e: {  	_ =	shalt  }
0x7f: {  	_ =	shalt  }
0x80: {  	_ =	shalt  }
0x81: {  	_ =	shalt  }
0x82: {  	_ =	shalt  }
0x83: {  	_ =	shalt  }
0x84: {  	_ =	shalt  }
0x85: {  	_ =	shalt  }
0x86: {  	_ =	shalt  }
0x87: {  	_ =	shalt  }
.Lfunc_end0:
.L_simem_size_0:
called_computation.3_lowered:
.L_overlay_start_0:
0x88: {  	s2 =	sld [smem:$0x3FD9]  }
0x89: {  	s3 =	sld [smem:$0x3FFE];
	_ =	sdelay $0x1  }
0x8a: {  	s1 =	srdreg.scid  }
0x8b: {  	s0 =	sand.u32 $0x1, s1  }
0x8c: {  	s16 =	sshll.u32 s0, $0xA;
	s2 =	sadd.s32 s3, s2  }
0x8d: {  	s2 =	sadd.s32 s2, s16  }
0x8e: {  	[smem:$0x3F80] =	sst s2  }
0x8f: {  	_ = 	snop  }
0x90: {  	(tm) =	ssettm $0x1  }
0x91: {  	s17 =	sld [smem:$0x3FFB];
	_ =	sdelay $0x3  }
0x92: {  	_ =	strace s17  }
0x93: {  	s2 =	sld [smem:$0x3FFC];
	_ =	sdelay $0x3  }
0x94: {  	_ =	strace s2  }
0x95: {  	s2 =	sld [smem:$0x3FFD];
	_ =	sdelay $0x3  }
0x96: {  	_ =	strace s2  }
0x97: {  	_ =	strace $0x8FFFFFFF  }
0x98: {  	s18 =	sld [smem:$0x3FDB];
	_ =	sdelay $0x1  }
0x99: {  	s19 =	simm.s32 $_scs_section_size  }
0x9a: {  	s4 =	simm.s32 $_size__tile_overlayer_lowered;
	s5 =	simm.s32 $_tile_overlayer_lowered  }
0x9b: {  	s22 =	simm.s32 $0x1BFF;
	s21 =	sshll.u32 s5, $0x1;
	s2 =	sadd.s32 s19, s18  }
0x9c: {  	s6 =	simm.s32 $0x0;
	s20 =	sshll.u32 s4, $0x1;
	s4 =	sadd.s32 s21, s2  }
0x9d: {  	[timem:s6], [sflag:s22] =	dma.local [hbm:s4], s20  }
0x9e: {  	_ =	swait.ge [sflag:s22], s20  }
0x9f: {  	s3 =	ssub.s32 $0x0, s20;
	[sflag:s22] =	ssyncset.done $0x0  }
0xa0: {  	[sflag:s22] =	ssyncadd.s32 s3;
	_ =	sdelay $0x1  }
0xa1: {  	s23 =	simm.s32 $0x1B8B  }
0xa2: {  	_ =	swait.ge [sflag:s23], $0x1  }
0xa3: {  	[sflag:s23] =	ssyncset.done $0x0  }
0xa4: {  	s25 =	simm.s32 $0x1B8E;
	s24 =	sld [smem:$0x3FFE];
	[sflag:s23] =	ssyncadd.s32 $0xFFFFFFFF  }
0xa5: {  	s26 =	simm.s32 $execute0_lowered;
	[smem:$0x3FD2] =	sst s25  }
0xa6: {  	s4 =	sshll.u32 s26, $0x1;
	_ =	strace $0x8000004F;
	[dreg:$0x1] =	wrdreg $0xFFFFFFFF  }
0xa7: {  	s28 =	simm.s32 $_size_execute0_lowered;
	s2 =	sadd.s32 s2, s4;
	[dreg:$0x0] =	wrdreg $0x0  }
0xa8: {  	s4 =	sshll.u32 s28, $0x1;
	[dreg:$0x2] =	wrdreg s2  }
0xa9: {  	[dreg:$0x3] =	wrdreg s4  }
0xaa: {  	[dreg:$0x4] =	wrdreg $0xC0  }
0xab: {  	_ =	task [dreg:s6], $0x5FFFF  }
0xac: {  	[dreg:$0x1] =	wrdreg $0xFFFFFFFF  }
0xad: {  	[dreg:$0x0] =	wrdreg $0x60  }
0xae: {  	[dreg:$0x2] =	wrdreg s24  }
0xaf: {  	[dreg:$0x3] =	wrdreg $0x9  }
0xb0: {  	_ =	task.clear_ibuf [dreg:s6], $0x4FFFF;
	_ =	strace $0x9000004F  }
0xb1: {  	s29 =	simm.s32 $0x9;
	_ =	strace $0x80000051  }
0xb2: {  	_ =	swait.ge [sflag:s29], $0x1  }
0xb3: {  	[sflag:s29] =	ssyncadd.s32 $0xFFFFFFFF  }
0xb4: {  	_ =	strace $0x90000051  }
0xb5: {  	_ =	sfence  }
0xb6: {  	s30 =	sld [smem:$0x0];
	_ =	sdelay $0x2  }
0xb7: {  	s31 =	sshll.u32 s1, $0xD;
	s1 =	sshrl.u32 s1, $0x2  }
0xb8: {  	s3 =	sand.u32 $0x4000, s31;
	s1 =	sadd.s32 s1, s30  }
0xb9: {  	s0 =	sor.u32 s3, s0;
	s1 =	sshll.u32 s1, $0x11  }
0xba: {  	s0 =	sor.u32 s1, s0  }
0xbb: {  	s0 =	sadd.s32 $0x8F2B, s0  }
0xbc: {  	[sflag:s0] =	ssyncadd.remote.s32 $0x1  }
0xbd: {  	_ =	sfence.sel $0xFFFF  }
0xbe: {  	[dreg:$0x0] =	wrdreg $0xFFFFFFFF;
	(pc) =	sbr.abs _section_cstart, $3  }
0xbf: {  	[dreg:$0x1] =	wrdreg $0xFFFFFFFF  }
0xc0: {  	_ =	task.clear_ibuf [dreg:s6], $0x2FFFF;
	_ =	strace $0x9FFFFFFF  }
0xc1: {  	(tm) =	ssettm $0x7FFFFFFF  }
tec
execute0_lowered:
.L_overlay_start_1:
0x0: {  	(tag) =	ssettag $0x1  }
0x1: {  	s0 =	rddreg [dreg:$0x0];
	s1 =	simm.s32 $0x0  }
0x2: {  	s3 =	srdreg.scid;
	s8 =	stileid.u32;
	s13 =	simm.s32 $0x3  }
0x3: {  	s15 =	simm.s32 $0x200;
	s17 =	simm.s32 $0xF200;
	s21 =	simm.s32 $0x1  }
0x4: {  	s22 =	simm.s32 $0x2;
	s16 =	simm.s32 $0x19600;
	s18 =	simm.s32 $0x19A00  }
0x5: {  	s19 =	simm.s32 $0x1A200;
	s20 =	simm.s32 $0x1A600;
	s25 =	simm.s32 $0x1AE00  }
0x6: {  	s28 =	simm.s32 $0x1BA00;
	s29 =	simm.s32 $0x1BE00;
	s30 =	simm.s32 $0x1C600  }
0x7: {  	s31 =	simm.s32 $0x1CA00;
	[smem:$0x7FF] =	sst s1;
	s2 =	sadd.s32 $0xE600, s0  }
0x8: {  	s4 =	sadd.s32 $0xFE00, s0;
	s5 =	sadd.s32 $0xDA00, s0;
	s6 =	sadd.s32 $0xE000, s0  }
0x9: {  	s3 =	sand.u32 $0x1, s3;
	s7 =	sadd.s32 $0x11600, s0;
	s10 =	sshll.u32 s8, $0x1  }
0xa: {  	s8 =	sadd.s32 $0x89600, s0;
	_ =	strace $0x80000050;
	s9 =	ssub.s32 $0x2, s3  }
0xb: {  	s3 =	sor.u32 s3, s10;
	s10 =	sadd.s32 $0xE700, s0;
	s11 =	sshrl.u32 s9, $0x1  }
0xc: {  	v2 =	vlaneseq.u32;
	s12 =	ssub.s32 s9, s11;
	s9 =	smul.u32 $0x140, s3;
	s11 =	sadd.s32 $0xFF00, s0  }
0xd: {  	vm0 =	vmmov $0xffff;
	vm1 =	vmmov $0xff;
	v1 =	vshrl.u32 v2, $0x3;
	s0 =	simm.s32 $0x0;
	s3 =	simm.s32 $0x1D600;
	s26 =	smax.u32 s12, $0x1  }
0xe: {  	v0 =	vand.u32 $0x7, v2;
	v2 =	vor.u32 $0x8, v2;
	v1 =	vmul.u32 $0x8, v1;
	s12 =	simm.s32 $0x1DE00;
	[dreg:$0x2] =	wrdreg s26;
	s26 =	simm.s32 $0x1B200  }
.LBB2_1:
0xf: {  	[dreg:$0x3] =	wrdreg s0  }
0x10: {  	p0 =	por $0x1, $0x1;
	s23 =	simm.s32 $0x0;
	s0 =	simm.s32 $0x1D200  }
.LBB2_2:
0x11: {  	s23 =	sadd.s32 s9, s23  }
0x12: {  	s23 =	sshrl.u32 s23, $0x3  }
0x13: {  	s24 =	sadd.s32 s5, s23  }
0x14: {  	[tilespmem:s1], [sflag:$0x3] =	stream.linear.gather [hbm4b:s24+s1], $0xA0, $0x38;
	[tilespmem:$0x1E200] =	vst v63  }
0x15: {  	_ =	swait.ge [sflag:s13], $0xA0  }
0x16: {  	[sflag:s13] =	ssyncset.done $0x0  }
0x17: {  	s14 =	simm.s32 $0x100;
	s24 =	sadd.s32 s6, s23;
	[sflag:s13] =	ssyncadd.s32 $0xFFFFFF60  }
0x18: {  	[tilespmem:s14], [sflag:$0x3] =	stream.linear.gather [hbm4b:s24+s1], $0xA0, $0x38;
	[tilespmem:$0x1E200] =	vst v63  }
0x19: {  	_ =	swait.ge [sflag:s13], $0xA0  }
0x1a: {  	[sflag:s13] =	ssyncset.done $0x0  }
0x1b: {  	[sflag:s13] =	ssyncadd.s32 $0xFFFFFF60  }
0x1c: {  	v3 =	vld [tilespmem:$0x0];
	_ =	sdelay $0x4  }
0x1d: {  	v4 =	vshrl.u32 v3, $0x3  }
0x1e: {  	v4 =	vmul.u32 $0x18, v4  }
0x1f: {  	v3 =	vand.u32 $0x7, v3  }
0x20: {  	v3 =	vor.u32 v3, v4  }
0x21: {  	v4 =	vperm.xlane v3, v0;
	_ =	sdelay $0x1  }
0x22: {  	v4 =	vadd.s32 v1, v4;
	_ =	sdelay $0x1  }
0x23: {  	v3 =	vperm.xlane v3, v2;
	_ =	sdelay $0x1  }
0x24: {  	v3 =	vadd.s32 v1, v3  }
0x25: {  	[tilespmem:s15], [sflag:$0x1] =	stream.indirect_vreg.gather [hbm4b:s2+s1], $0x80, v4, vm0, $0xb8;
	[tilespmem:$0x1E200] =	vst v63  }
0x26: {  	s24 =	simm.s32 $0xA00  }
0x27: {  	[tilespmem:s24], [sflag:$0x1] =	stream.indirect_vreg.gather [hbm4b:s10+s1], $0x80, v4, vm1, $0xb8;
	[tilespmem:$0x1E200] =	vst v63  }
0x28: {  	s24 =	simm.s32 $0xE00  }
0x29: {  	[tilespmem:s24], [sflag:$0x1] =	stream.indirect_vreg.gather [hbm4b:s2+s1], $0x80, v3, vm0, $0xb8;
	[tilespmem:$0x1E200] =	vst v63  }
0x2a: {  	s24 =	simm.s32 $0x1600  }
0x2b: {  	[tilespmem:s24], [sflag:$0x1] =	stream.indirect_vreg.gather [hbm4b:s10+s1], $0x80, v3, vm1, $0xb8;
	[tilespmem:$0x1E200] =	vst v63  }
0x2c: {  	v3 =	vld [tilespmem:$0x10];
	_ =	sdelay $0x4  }
0x2d: {  	v45 =	vshrl.u32 v3, $0x3  }
0x2e: {  	v4 =	vmul.u32 $0x18, v45  }
0x2f: {  	v3 =	vand.u32 $0x7, v3  }
0x30: {  	v3 =	vor.u32 v3, v4  }
0x31: {  	v4 =	vperm.xlane v3, v0;
	_ =	sdelay $0x1  }
0x32: {  	v4 =	vadd.s32 v1, v4;
	_ =	sdelay $0x1  }
0x33: {  	v3 =	vperm.xlane v3, v2;
	_ =	sdelay $0x1  }
0x34: {  	s24 =	simm.s32 $0x1A00;
	v3 =	vadd.s32 v1, v3  }
0x35: {  	[tilespmem:s24], [sflag:$0x1] =	stream.indirect_vreg.gather [hbm4b:s2+s1], $0x80, v4, vm0, $0xb8;
	[tilespmem:$0x1E200] =	vst v63  }
0x36: {  	s24 =	simm.s32 $0x2200  }
0x37: {  	[tilespmem:s24], [sflag:$0x1] =	stream.indirect_vreg.gather [hbm4b:s10+s1], $0x80, v4, vm1, $0xb8;
	[tilespmem:$0x1E200] =	vst v63  }
0x38: {  	s24 =	simm.s32 $0x2600  }
0x39: {  	[tilespmem:s24], [sflag:$0x1] =	stream.indirect_vreg.gather [hbm4b:s2+s1], $0x80, v3, vm0, $0xb8;
	[tilespmem:$0x1E200] =	vst v63  }
0x3a: {  	s24 =	simm.s32 $0x2E00  }
0x3b: {  	[tilespmem:s24], [sflag:$0x1] =	stream.indirect_vreg.gather [hbm4b:s10+s1], $0x80, v3, vm1, $0xb8;
	[tilespmem:$0x1E200] =	vst v63  }
0x3c: {  	v3 =	vld [tilespmem:$0x20];
	_ =	sdelay $0x4  }
0x3d: {  	v46 =	vshrl.u32 v3, $0x3  }
0x3e: {  	v4 =	vmul.u32 $0x18, v46  }
0x3f: {  	v3 =	vand.u32 $0x7, v3  }
0x40: {  	v3 =	vor.u32 v3, v4  }
0x41: {  	v4 =	vperm.xlane v3, v0;
	_ =	sdelay $0x1  }
0x42: {  	v4 =	vadd.s32 v1, v4;
	_ =	sdelay $0x1  }
0x43: {  	v3 =	vperm.xlane v3, v2;
	_ =	sdelay $0x1  }
0x44: {  	s24 =	simm.s32 $0x3200;
	v3 =	vadd.s32 v1, v3  }
0x45: {  	[tilespmem:s24], [sflag:$0x1] =	stream.indirect_vreg.gather [hbm4b:s2+s1], $0x80, v4, vm0, $0xb8;
	[tilespmem:$0x1E200] =	vst v63  }
0x46: {  	s24 =	simm.s32 $0x3A00  }
0x47: {  	[tilespmem:s24], [sflag:$0x1] =	stream.indirect_vreg.gather [hbm4b:s10+s1], $0x80, v4, vm1, $0xb8;
	[tilespmem:$0x1E200] =	vst v63  }
0x48: {  	s24 =	simm.s32 $0x3E00  }
0x49: {  	[tilespmem:s24], [sflag:$0x1] =	stream.indirect_vreg.gather [hbm4b:s2+s1], $0x80, v3, vm0, $0xb8;
	[tilespmem:$0x1E200] =	vst v63  }
0x4a: {  	s24 =	simm.s32 $0x4600  }
0x4b: {  	[tilespmem:s24], [sflag:$0x1] =	stream.indirect_vreg.gather [hbm4b:s10+s1], $0x80, v3, vm1, $0xb8;
	[tilespmem:$0x1E200] =	vst v63  }
0x4c: {  	v3 =	vld [tilespmem:$0x30];
	_ =	sdelay $0x4  }
0x4d: {  	v47 =	vshrl.u32 v3, $0x3  }
0x4e: {  	v4 =	vmul.u32 $0x18, v47  }
0x4f: {  	v3 =	vand.u32 $0x7, v3  }
0x50: {  	v3 =	vor.u32 v3, v4  }
0x51: {  	v4 =	vperm.xlane v3, v0;
	_ =	sdelay $0x1  }
0x52: {  	v4 =	vadd.s32 v1, v4;
	_ =	sdelay $0x1  }
0x53: {  	v3 =	vperm.xlane v3, v2;
	_ =	sdelay $0x1  }
0x54: {  	s24 =	simm.s32 $0x4A00;
	v3 =	vadd.s32 v1, v3  }
0x55: {  	[tilespmem:s24], [sflag:$0x1] =	stream.indirect_vreg.gather [hbm4b:s2+s1], $0x80, v4, vm0, $0xb8;
	[tilespmem:$0x1E200] =	vst v63  }
0x56: {  	s24 =	simm.s32 $0x5200  }
0x57: {  	[tilespmem:s24], [sflag:$0x1] =	stream.indirect_vreg.gather [hbm4b:s10+s1], $0x80, v4, vm1, $0xb8;
	[tilespmem:$0x1E200] =	vst v63  }
0x58: {  	s24 =	simm.s32 $0x5600  }
0x59: {  	[tilespmem:s24], [sflag:$0x1] =	stream.indirect_vreg.gather [hbm4b:s2+s1], $0x80, v3, vm0, $0xb8;
	[tilespmem:$0x1E200] =	vst v63  }
0x5a: {  	s24 =	simm.s32 $0x5E00  }
0x5b: {  	[tilespmem:s24], [sflag:$0x1] =	stream.indirect_vreg.gather [hbm4b:s10+s1], $0x80, v3, vm1, $0xb8;
	[tilespmem:$0x1E200] =	vst v63  }
0x5c: {  	v3 =	vld [tilespmem:$0x40];
	_ =	sdelay $0x4  }
0x5d: {  	v48 =	vshrl.u32 v3, $0x3  }
0x5e: {  	v4 =	vmul.u32 $0x18, v48  }
0x5f: {  	v3 =	vand.u32 $0x7, v3  }
0x60: {  	v3 =	vor.u32 v3, v4  }
0x61: {  	v4 =	vperm.xlane v3, v0;
	_ =	sdelay $0x1  }
0x62: {  	v4 =	vadd.s32 v1, v4;
	_ =	sdelay $0x1  }
0x63: {  	v3 =	vperm.xlane v3, v2;
	_ =	sdelay $0x1  }
0x64: {  	s24 =	simm.s32 $0x6200;
	v3 =	vadd.s32 v1, v3  }
0x65: {  	[tilespmem:s24], [sflag:$0x1] =	stream.indirect_vreg.gather [hbm4b:s2+s1], $0x80, v4, vm0, $0xb8;
	[tilespmem:$0x1E200] =	vst v63  }
0x66: {  	s24 =	simm.s32 $0x6A00  }
0x67: {  	[tilespmem:s24], [sflag:$0x1] =	stream.indirect_vreg.gather [hbm4b:s10+s1], $0x80, v4, vm1, $0xb8;
	[tilespmem:$0x1E200] =	vst v63  }
0x68: {  	s24 =	simm.s32 $0x6E00  }
0x69: {  	[tilespmem:s24], [sflag:$0x1] =	stream.indirect_vreg.gather [hbm4b:s2+s1], $0x80, v3, vm0, $0xb8;
	[tilespmem:$0x1E200] =	vst v63  }
0x6a: {  	s24 =	simm.s32 $0x7600  }
0x6b: {  	[tilespmem:s24], [sflag:$0x1] =	stream.indirect_vreg.gather [hbm4b:s10+s1], $0x80, v3, vm1, $0xb8;
	[tilespmem:$0x1E200] =	vst v63  }
0x6c: {  	v3 =	vld [tilespmem:$0x50];
	_ =	sdelay $0x4  }
0x6d: {  	v49 =	vshrl.u32 v3, $0x3  }
0x6e: {  	v4 =	vmul.u32 $0x18, v49  }
0x6f: {  	v3 =	vand.u32 $0x7, v3  }
0x70: {  	v3 =	vor.u32 v3, v4  }
0x71: {  	v4 =	vperm.xlane v3, v0;
	_ =	sdelay $0x1  }
0x72: {  	v4 =	vadd.s32 v1, v4;
	_ =	sdelay $0x1  }
0x73: {  	v3 =	vperm.xlane v3, v2;
	_ =	sdelay $0x1  }
0x74: {  	s24 =	simm.s32 $0x7A00;
	v3 =	vadd.s32 v1, v3  }
0x75: {  	[tilespmem:s24], [sflag:$0x1] =	stream.indirect_vreg.gather [hbm4b:s2+s1], $0x80, v4, vm0, $0xb8;
	[tilespmem:$0x1E200] =	vst v63  }
0x76: {  	s24 =	simm.s32 $0x8200  }
0x77: {  	[tilespmem:s24], [sflag:$0x1] =	stream.indirect_vreg.gather [hbm4b:s10+s1], $0x80, v4, vm1, $0xb8;
	[tilespmem:$0x1E200] =	vst v63  }
0x78: {  	s24 =	simm.s32 $0x8600  }
0x79: {  	[tilespmem:s24], [sflag:$0x1] =	stream.indirect_vreg.gather [hbm4b:s2+s1], $0x80, v3, vm0, $0xb8;
	[tilespmem:$0x1E200] =	vst v63  }
0x7a: {  	s24 =	simm.s32 $0x8E00  }
0x7b: {  	[tilespmem:s24], [sflag:$0x1] =	stream.indirect_vreg.gather [hbm4b:s10+s1], $0x80, v3, vm1, $0xb8;
	[tilespmem:$0x1E200] =	vst v63  }
0x7c: {  	v3 =	vld [tilespmem:$0x60];
	_ =	sdelay $0x4  }
0x7d: {  	v50 =	vshrl.u32 v3, $0x3  }
0x7e: {  	v4 =	vmul.u32 $0x18, v50  }
0x7f: {  	v3 =	vand.u32 $0x7, v3  }
0x80: {  	v3 =	vor.u32 v3, v4  }
0x81: {  	v4 =	vperm.xlane v3, v0;
	_ =	sdelay $0x1  }
0x82: {  	v4 =	vadd.s32 v1, v4;
	_ =	sdelay $0x1  }
0x83: {  	v3 =	vperm.xlane v3, v2;
	_ =	sdelay $0x1  }
0x84: {  	s24 =	simm.s32 $0x9200;
	v3 =	vadd.s32 v1, v3  }
0x85: {  	[tilespmem:s24], [sflag:$0x1] =	stream.indirect_vreg.gather [hbm4b:s2+s1], $0x80, v4, vm0, $0xb8;
	[tilespmem:$0x1E200] =	vst v63  }
0x86: {  	s24 =	simm.s32 $0x9A00  }
0x87: {  	[tilespmem:s24], [sflag:$0x1] =	stream.indirect_vreg.gather [hbm4b:s10+s1], $0x80, v4, vm1, $0xb8;
	[tilespmem:$0x1E200] =	vst v63  }
0x88: {  	s24 =	simm.s32 $0x9E00  }
0x89: {  	[tilespmem:s24], [sflag:$0x1] =	stream.indirect_vreg.gather [hbm4b:s2+s1], $0x80, v3, vm0, $0xb8;
	[tilespmem:$0x1E200] =	vst v63  }
0x8a: {  	s24 =	simm.s32 $0xA600  }
0x8b: {  	[tilespmem:s24], [sflag:$0x1] =	stream.indirect_vreg.gather [hbm4b:s10+s1], $0x80, v3, vm1, $0xb8;
	[tilespmem:$0x1E200] =	vst v63  }
0x8c: {  	v3 =	vld [tilespmem:$0x70];
	_ =	sdelay $0x4  }
0x8d: {  	v51 =	vshrl.u32 v3, $0x3  }
0x8e: {  	v4 =	vmul.u32 $0x18, v51  }
0x8f: {  	v3 =	vand.u32 $0x7, v3  }
0x90: {  	v3 =	vor.u32 v3, v4  }
0x91: {  	v4 =	vperm.xlane v3, v0;
	_ =	sdelay $0x1  }
0x92: {  	v4 =	vadd.s32 v1, v4;
	_ =	sdelay $0x1  }
0x93: {  	v3 =	vperm.xlane v3, v2;
	_ =	sdelay $0x1  }
0x94: {  	s24 =	simm.s32 $0xAA00;
	v3 =	vadd.s32 v1, v3  }
0x95: {  	[tilespmem:s24], [sflag:$0x1] =	stream.indirect_vreg.gather [hbm4b:s2+s1], $0x80, v4, vm0, $0xb8;
	[tilespmem:$0x1E200] =	vst v63  }
0x96: {  	s24 =	simm.s32 $0xB200  }
0x97: {  	[tilespmem:s24], [sflag:$0x1] =	stream.indirect_vreg.gather [hbm4b:s10+s1], $0x80, v4, vm1, $0xb8;
	[tilespmem:$0x1E200] =	vst v63  }
0x98: {  	s24 =	simm.s32 $0xB600  }
0x99: {  	[tilespmem:s24], [sflag:$0x1] =	stream.indirect_vreg.gather [hbm4b:s2+s1], $0x80, v3, vm0, $0xb8;
	[tilespmem:$0x1E200] =	vst v63  }
0x9a: {  	s24 =	simm.s32 $0xBE00  }
0x9b: {  	[tilespmem:s24], [sflag:$0x1] =	stream.indirect_vreg.gather [hbm4b:s10+s1], $0x80, v3, vm1, $0xb8;
	[tilespmem:$0x1E200] =	vst v63  }
0x9c: {  	v3 =	vld [tilespmem:$0x80];
	_ =	sdelay $0x4  }
0x9d: {  	v52 =	vshrl.u32 v3, $0x3  }
0x9e: {  	v4 =	vmul.u32 $0x18, v52  }
0x9f: {  	v3 =	vand.u32 $0x7, v3  }
0xa0: {  	v3 =	vor.u32 v3, v4  }
0xa1: {  	v4 =	vperm.xlane v3, v0;
	_ =	sdelay $0x1  }
0xa2: {  	v4 =	vadd.s32 v1, v4;
	_ =	sdelay $0x1  }
0xa3: {  	v3 =	vperm.xlane v3, v2;
	_ =	sdelay $0x1  }
0xa4: {  	s24 =	simm.s32 $0xC200;
	v3 =	vadd.s32 v1, v3  }
0xa5: {  	[tilespmem:s24], [sflag:$0x1] =	stream.indirect_vreg.gather [hbm4b:s2+s1], $0x80, v4, vm0, $0xb8;
	[tilespmem:$0x1E200] =	vst v63  }
0xa6: {  	s24 =	simm.s32 $0xCA00  }
0xa7: {  	[tilespmem:s24], [sflag:$0x1] =	stream.indirect_vreg.gather [hbm4b:s10+s1], $0x80, v4, vm1, $0xb8;
	[tilespmem:$0x1E200] =	vst v63  }
0xa8: {  	s24 =	simm.s32 $0xCE00  }
0xa9: {  	[tilespmem:s24], [sflag:$0x1] =	stream.indirect_vreg.gather [hbm4b:s2+s1], $0x80, v3, vm0, $0xb8;
	[tilespmem:$0x1E200] =	vst v63  }
0xaa: {  	s24 =	simm.s32 $0xD600  }
0xab: {  	[tilespmem:s24], [sflag:$0x1] =	stream.indirect_vreg.gather [hbm4b:s10+s1], $0x80, v3, vm1, $0xb8;
	[tilespmem:$0x1E200] =	vst v63  }
0xac: {  	v3 =	vld [tilespmem:$0x90];
	_ =	sdelay $0x4  }
0xad: {  	v53 =	vshrl.u32 v3, $0x3  }
0xae: {  	v4 =	vmul.u32 $0x18, v53  }
0xaf: {  	v3 =	vand.u32 $0x7, v3  }
0xb0: {  	v3 =	vor.u32 v3, v4  }
0xb1: {  	v4 =	vperm.xlane v3, v0;
	_ =	sdelay $0x1  }
0xb2: {  	v4 =	vadd.s32 v1, v4;
	_ =	sdelay $0x1  }
0xb3: {  	v3 =	vperm.xlane v3, v2;
	_ =	sdelay $0x1  }
0xb4: {  	s24 =	simm.s32 $0xDA00;
	v3 =	vadd.s32 v1, v3  }
0xb5: {  	[tilespmem:s24], [sflag:$0x1] =	stream.indirect_vreg.gather [hbm4b:s2+s1], $0x80, v4, vm0, $0xb8;
	[tilespmem:$0x1E200] =	vst v63  }
0xb6: {  	s24 =	simm.s32 $0xE200  }
0xb7: {  	[tilespmem:s24], [sflag:$0x1] =	stream.indirect_vreg.gather [hbm4b:s10+s1], $0x80, v4, vm1, $0xb8;
	[tilespmem:$0x1E200] =	vst v63  }
0xb8: {  	s24 =	simm.s32 $0xE600  }
0xb9: {  	[tilespmem:s24], [sflag:$0x1] =	stream.indirect_vreg.gather [hbm4b:s2+s1], $0x80, v3, vm0, $0xb8;
	[tilespmem:$0x1E200] =	vst v63  }
0xba: {  	s24 =	simm.s32 $0xEE00  }
0xbb: {  	[tilespmem:s24], [sflag:$0x1] =	stream.indirect_vreg.gather [hbm4b:s10+s1], $0x80, v3, vm1, $0xb8;
	[tilespmem:$0x1E200] =	vst v63  }
0xbc: {  	v3 =	vld [tilespmem:$0x100];
	_ =	sdelay $0x4  }
0xbd: {  	v54 =	vshrl.u32 v3, $0x3  }
0xbe: {  	v4 =	vmul.u32 $0x18, v54  }
0xbf: {  	v3 =	vand.u32 $0x7, v3  }
0xc0: {  	v3 =	vor.u32 v3, v4  }
0xc1: {  	v4 =	vperm.xlane v3, v0;
	_ =	sdelay $0x1  }
0xc2: {  	v4 =	vadd.s32 v1, v4;
	_ =	sdelay $0x1  }
0xc3: {  	v3 =	vperm.xlane v3, v2;
	_ =	sdelay $0x1  }
0xc4: {  	v3 =	vadd.s32 v1, v3  }
0xc5: {  	[tilespmem:s17], [sflag:$0x2] =	stream.indirect_vreg.gather [hbm4b:s4+s1], $0x80, v4, vm0, $0xb8;
	[tilespmem:$0x1E200] =	vst v63  }
0xc6: {  	s24 =	simm.s32 $0xFA00  }
0xc7: {  	[tilespmem:s24], [sflag:$0x2] =	stream.indirect_vreg.gather [hbm4b:s11+s1], $0x80, v4, vm1, $0xb8;
	[tilespmem:$0x1E200] =	vst v63  }
0xc8: {  	s24 =	simm.s32 $0xFE00  }
0xc9: {  	[tilespmem:s24], [sflag:$0x2] =	stream.indirect_vreg.gather [hbm4b:s4+s1], $0x80, v3, vm0, $0xb8;
	[tilespmem:$0x1E200] =	vst v63  }
0xca: {  	s24 =	simm.s32 $0x10600  }
0xcb: {  	[tilespmem:s24], [sflag:$0x2] =	stream.indirect_vreg.gather [hbm4b:s11+s1], $0x80, v3, vm1, $0xb8;
	[tilespmem:$0x1E200] =	vst v63  }
0xcc: {  	v3 =	vld [tilespmem:$0x110];
	_ =	sdelay $0x4  }
0xcd: {  	v55 =	vshrl.u32 v3, $0x3  }
0xce: {  	v4 =	vmul.u32 $0x18, v55  }
0xcf: {  	v3 =	vand.u32 $0x7, v3  }
0xd0: {  	v3 =	vor.u32 v3, v4  }
0xd1: {  	v4 =	vperm.xlane v3, v0;
	_ =	sdelay $0x1  }
0xd2: {  	v4 =	vadd.s32 v1, v4;
	_ =	sdelay $0x1  }
0xd3: {  	v3 =	vperm.xlane v3, v2;
	_ =	sdelay $0x1  }
0xd4: {  	s24 =	simm.s32 $0x10A00;
	v3 =	vadd.s32 v1, v3  }
0xd5: {  	[tilespmem:s24], [sflag:$0x2] =	stream.indirect_vreg.gather [hbm4b:s4+s1], $0x80, v4, vm0, $0xb8;
	[tilespmem:$0x1E200] =	vst v63  }
0xd6: {  	s24 =	simm.s32 $0x11200  }
0xd7: {  	[tilespmem:s24], [sflag:$0x2] =	stream.indirect_vreg.gather [hbm4b:s11+s1], $0x80, v4, vm1, $0xb8;
	[tilespmem:$0x1E200] =	vst v63  }
0xd8: {  	s24 =	simm.s32 $0x11600  }
0xd9: {  	[tilespmem:s24], [sflag:$0x2] =	stream.indirect_vreg.gather [hbm4b:s4+s1], $0x80, v3, vm0, $0xb8;
	[tilespmem:$0x1E200] =	vst v63  }
0xda: {  	s24 =	simm.s32 $0x11E00  }
0xdb: {  	[tilespmem:s24], [sflag:$0x2] =	stream.indirect_vreg.gather [hbm4b:s11+s1], $0x80, v3, vm1, $0xb8;
	[tilespmem:$0x1E200] =	vst v63  }
0xdc: {  	v3 =	vld [tilespmem:$0x120];
	_ =	sdelay $0x4  }
0xdd: {  	v56 =	vshrl.u32 v3, $0x3  }
0xde: {  	v4 =	vmul.u32 $0x18, v56  }
0xdf: {  	v3 =	vand.u32 $0x7, v3  }
0xe0: {  	v3 =	vor.u32 v3, v4  }
0xe1: {  	v4 =	vperm.xlane v3, v0;
	_ =	sdelay $0x1  }
0xe2: {  	v4 =	vadd.s32 v1, v4;
	_ =	sdelay $0x1  }
0xe3: {  	v3 =	vperm.xlane v3, v2;
	_ =	sdelay $0x1  }
0xe4: {  	s24 =	simm.s32 $0x12200;
	v3 =	vadd.s32 v1, v3  }
0xe5: {  	[tilespmem:s24], [sflag:$0x2] =	stream.indirect_vreg.gather [hbm4b:s4+s1], $0x80, v4, vm0, $0xb8;
	[tilespmem:$0x1E200] =	vst v63  }
0xe6: {  	s24 =	simm.s32 $0x12A00  }
0xe7: {  	[tilespmem:s24], [sflag:$0x2] =	stream.indirect_vreg.gather [hbm4b:s11+s1], $0x80, v4, vm1, $0xb8;
	[tilespmem:$0x1E200] =	vst v63  }
0xe8: {  	s24 =	simm.s32 $0x12E00  }
0xe9: {  	[tilespmem:s24], [sflag:$0x2] =	stream.indirect_vreg.gather [hbm4b:s4+s1], $0x80, v3, vm0, $0xb8;
	[tilespmem:$0x1E200] =	vst v63  }
0xea: {  	s24 =	simm.s32 $0x13600  }
0xeb: {  	[tilespmem:s24], [sflag:$0x2] =	stream.indirect_vreg.gather [hbm4b:s11+s1], $0x80, v3, vm1, $0xb8;
	[tilespmem:$0x1E200] =	vst v63  }
0xec: {  	v3 =	vld [tilespmem:$0x130];
	_ =	sdelay $0x4  }
0xed: {  	v57 =	vshrl.u32 v3, $0x3  }
0xee: {  	v4 =	vmul.u32 $0x18, v57  }
0xef: {  	v3 =	vand.u32 $0x7, v3  }
0xf0: {  	v3 =	vor.u32 v3, v4  }
0xf1: {  	v4 =	vperm.xlane v3, v0;
	_ =	sdelay $0x1  }
0xf2: {  	v4 =	vadd.s32 v1, v4;
	_ =	sdelay $0x1  }
0xf3: {  	v3 =	vperm.xlane v3, v2;
	_ =	sdelay $0x1  }
0xf4: {  	s24 =	simm.s32 $0x13A00;
	v3 =	vadd.s32 v1, v3  }
0xf5: {  	[tilespmem:s24], [sflag:$0x2] =	stream.indirect_vreg.gather [hbm4b:s4+s1], $0x80, v4, vm0, $0xb8;
	[tilespmem:$0x1E200] =	vst v63  }
0xf6: {  	s24 =	simm.s32 $0x14200  }
0xf7: {  	[tilespmem:s24], [sflag:$0x2] =	stream.indirect_vreg.gather [hbm4b:s11+s1], $0x80, v4, vm1, $0xb8;
	[tilespmem:$0x1E200] =	vst v63  }
0xf8: {  	s24 =	simm.s32 $0x14600  }
0xf9: {  	[tilespmem:s24], [sflag:$0x2] =	stream.indirect_vreg.gather [hbm4b:s4+s1], $0x80, v3, vm0, $0xb8;
	[tilespmem:$0x1E200] =	vst v63  }
0xfa: {  	s24 =	simm.s32 $0x14E00  }
0xfb: {  	[tilespmem:s24], [sflag:$0x2] =	stream.indirect_vreg.gather [hbm4b:s11+s1], $0x80, v3, vm1, $0xb8;
	[tilespmem:$0x1E200] =	vst v63  }
0xfc: {  	v3 =	vld [tilespmem:$0x140];
	_ =	sdelay $0x4  }
0xfd: {  	v58 =	vshrl.u32 v3, $0x3  }
0xfe: {  	v4 =	vmul.u32 $0x18, v58  }
0xff: {  	v3 =	vand.u32 $0x7, v3  }
0x100: {  	v3 =	vor.u32 v3, v4  }
0x101: {  	v4 =	vperm.xlane v3, v0;
	_ =	sdelay $0x1  }
0x102: {  	v4 =	vadd.s32 v1, v4;
	_ =	sdelay $0x1  }
0x103: {  	v3 =	vperm.xlane v3, v2;
	_ =	sdelay $0x1  }
0x104: {  	s24 =	simm.s32 $0x15200;
	v3 =	vadd.s32 v1, v3  }
0x105: {  	[tilespmem:s24], [sflag:$0x2] =	stream.indirect_vreg.gather [hbm4b:s4+s1], $0x80, v4, vm0, $0xb8;
	[tilespmem:$0x1E200] =	vst v63  }
0x106: {  	s24 =	simm.s32 $0x15A00  }
0x107: {  	[tilespmem:s24], [sflag:$0x2] =	stream.indirect_vreg.gather [hbm4b:s11+s1], $0x80, v4, vm1, $0xb8;
	[tilespmem:$0x1E200] =	vst v63  }
0x108: {  	s24 =	simm.s32 $0x15E00  }
0x109: {  	[tilespmem:s24], [sflag:$0x2] =	stream.indirect_vreg.gather [hbm4b:s4+s1], $0x80, v3, vm0, $0xb8;
	[tilespmem:$0x1E200] =	vst v63  }
0x10a: {  	s24 =	simm.s32 $0x16600  }
0x10b: {  	[tilespmem:s24], [sflag:$0x2] =	stream.indirect_vreg.gather [hbm4b:s11+s1], $0x80, v3, vm1, $0xb8;
	[tilespmem:$0x1E200] =	vst v63  }
0x10c: {  	v3 =	vld [tilespmem:$0x150];
	_ =	sdelay $0x4  }
0x10d: {  	v59 =	vshrl.u32 v3, $0x3  }
0x10e: {  	v4 =	vmul.u32 $0x18, v59  }
0x10f: {  	v3 =	vand.u32 $0x7, v3  }
0x110: {  	v3 =	vor.u32 v3, v4  }
0x111: {  	v4 =	vperm.xlane v3, v0;
	_ =	sdelay $0x1  }
0x112: {  	v4 =	vadd.s32 v1, v4;
	_ =	sdelay $0x1  }
0x113: {  	v3 =	vperm.xlane v3, v2;
	_ =	sdelay $0x1  }
0x114: {  	s24 =	simm.s32 $0x16A00;
	v3 =	vadd.s32 v1, v3  }
0x115: {  	[tilespmem:s24], [sflag:$0x2] =	stream.indirect_vreg.gather [hbm4b:s4+s1], $0x80, v4, vm0, $0xb8;
	[tilespmem:$0x1E200] =	vst v63  }
0x116: {  	s24 =	simm.s32 $0x17200  }
0x117: {  	[tilespmem:s24], [sflag:$0x2] =	stream.indirect_vreg.gather [hbm4b:s11+s1], $0x80, v4, vm1, $0xb8;
	[tilespmem:$0x1E200] =	vst v63  }
0x118: {  	s24 =	simm.s32 $0x17600  }
0x119: {  	[tilespmem:s24], [sflag:$0x2] =	stream.indirect_vreg.gather [hbm4b:s4+s1], $0x80, v3, vm0, $0xb8;
	[tilespmem:$0x1E200] =	vst v63  }
0x11a: {  	s24 =	simm.s32 $0x17E00  }
0x11b: {  	[tilespmem:s24], [sflag:$0x2] =	stream.indirect_vreg.gather [hbm4b:s11+s1], $0x80, v3, vm1, $0xb8;
	[tilespmem:$0x1E200] =	vst v63  }
0x11c: {  	v3 =	vld [tilespmem:$0x160];
	_ =	sdelay $0x4  }
0x11d: {  	v60 =	vshrl.u32 v3, $0x3  }
0x11e: {  	v4 =	vmul.u32 $0x18, v60  }
0x11f: {  	v3 =	vand.u32 $0x7, v3  }
0x120: {  	v3 =	vor.u32 v3, v4  }
0x121: {  	v4 =	vperm.xlane v3, v0;
	_ =	sdelay $0x1  }
0x122: {  	v4 =	vadd.s32 v1, v4;
	_ =	sdelay $0x1  }
0x123: {  	v3 =	vperm.xlane v3, v2;
	_ =	sdelay $0x1  }
0x124: {  	s24 =	simm.s32 $0x18200;
	v3 =	vadd.s32 v1, v3  }
0x125: {  	[tilespmem:s24], [sflag:$0x2] =	stream.indirect_vreg.gather [hbm4b:s4+s1], $0x80, v4, vm0, $0xb8;
	[tilespmem:$0x1E200] =	vst v63  }
0x126: {  	s24 =	simm.s32 $0x18A00  }
0x127: {  	[tilespmem:s24], [sflag:$0x2] =	stream.indirect_vreg.gather [hbm4b:s11+s1], $0x80, v4, vm1, $0xb8;
	[tilespmem:$0x1E200] =	vst v63  }
0x128: {  	s24 =	simm.s32 $0x18E00  }
0x129: {  	[tilespmem:s24], [sflag:$0x2] =	stream.indirect_vreg.gather [hbm4b:s4+s1], $0x80, v3, vm0, $0xb8;
	[tilespmem:$0x1E200] =	vst v63  }
0x12a: {  	_ = 	snop  }
0x12b: {  	[tilespmem:s16], [sflag:$0x2] =	stream.indirect_vreg.gather [hbm4b:s11+s1], $0x80, v3, vm1, $0xb8;
	[tilespmem:$0x1E200] =	vst v63  }
0x12c: {  	v3 =	vld [tilespmem:$0x170];
	_ =	sdelay $0x4  }
0x12d: {  	v61 =	vshrl.u32 v3, $0x3  }
0x12e: {  	v4 =	vmul.u32 $0x18, v61  }
0x12f: {  	v3 =	vand.u32 $0x7, v3  }
0x130: {  	v3 =	vor.u32 v3, v4  }
0x131: {  	v4 =	vperm.xlane v3, v0;
	_ =	sdelay $0x1  }
0x132: {  	v4 =	vadd.s32 v1, v4;
	_ =	sdelay $0x1  }
0x133: {  	v3 =	vperm.xlane v3, v2;
	_ =	sdelay $0x1  }
0x134: {  	v3 =	vadd.s32 v1, v3  }
0x135: {  	[tilespmem:s18], [sflag:$0x2] =	stream.indirect_vreg.gather [hbm4b:s4+s1], $0x80, v4, vm0, $0xb8;
	[tilespmem:$0x1E200] =	vst v63  }
0x136: {  	_ = 	snop  }
0x137: {  	[tilespmem:s19], [sflag:$0x2] =	stream.indirect_vreg.gather [hbm4b:s11+s1], $0x80, v4, vm1, $0xb8;
	[tilespmem:$0x1E200] =	vst v63  }
0x138: {  	_ = 	snop  }
0x139: {  	[tilespmem:s20], [sflag:$0x2] =	stream.indirect_vreg.gather [hbm4b:s4+s1], $0x80, v3, vm0, $0xb8;
	[tilespmem:$0x1E200] =	vst v63  }
0x13a: {  	_ = 	snop  }
0x13b: {  	[tilespmem:s25], [sflag:$0x2] =	stream.indirect_vreg.gather [hbm4b:s11+s1], $0x80, v3, vm1, $0xb8;
	[tilespmem:$0x1E200] =	vst v63  }
0x13c: {  	v3 =	vld [tilespmem:$0x180];
	_ =	sdelay $0x4  }
0x13d: {  	v62 =	vshrl.u32 v3, $0x3  }
0x13e: {  	v4 =	vmul.u32 $0x18, v62  }
0x13f: {  	v3 =	vand.u32 $0x7, v3  }
0x140: {  	v3 =	vor.u32 v3, v4  }
0x141: {  	v4 =	vperm.xlane v3, v0;
	_ =	sdelay $0x1  }
0x142: {  	v4 =	vadd.s32 v1, v4;
	_ =	sdelay $0x1  }
0x143: {  	v3 =	vperm.xlane v3, v2;
	_ =	sdelay $0x1  }
0x144: {  	v3 =	vadd.s32 v1, v3  }
0x145: {  	[tilespmem:s26], [sflag:$0x2] =	stream.indirect_vreg.gather [hbm4b:s4+s1], $0x80, v4, vm0, $0xb8;
	[tilespmem:$0x1E200] =	vst v63  }
0x146: {  	_ = 	snop  }
0x147: {  	[tilespmem:s28], [sflag:$0x2] =	stream.indirect_vreg.gather [hbm4b:s11+s1], $0x80, v4, vm1, $0xb8;
	[tilespmem:$0x1E200] =	vst v63  }
0x148: {  	_ = 	snop  }
0x149: {  	[tilespmem:s29], [sflag:$0x2] =	stream.indirect_vreg.gather [hbm4b:s4+s1], $0x80, v3, vm0, $0xb8;
	[tilespmem:$0x1E200] =	vst v63  }
0x14a: {  	_ = 	snop  }
0x14b: {  	[tilespmem:s30], [sflag:$0x2] =	stream.indirect_vreg.gather [hbm4b:s11+s1], $0x80, v3, vm1, $0xb8;
	[tilespmem:$0x1E200] =	vst v63  }
0x14c: {  	v3 =	vld [tilespmem:$0x190];
	_ =	sdelay $0x4  }
0x14d: {  	v63 =	vshrl.u32 v3, $0x3  }
0x14e: {  	v4 =	vmul.u32 $0x18, v63  }
0x14f: {  	v3 =	vand.u32 $0x7, v3  }
0x150: {  	v3 =	vor.u32 v3, v4  }
0x151: {  	v4 =	vperm.xlane v3, v0;
	_ =	sdelay $0x1  }
0x152: {  	v4 =	vadd.s32 v1, v4;
	_ =	sdelay $0x1  }
0x153: {  	v3 =	vperm.xlane v3, v2;
	_ =	sdelay $0x1  }
0x154: {  	v3 =	vadd.s32 v1, v3  }
0x155: {  	[tilespmem:s31], [sflag:$0x2] =	stream.indirect_vreg.gather [hbm4b:s4+s1], $0x80, v4, vm0, $0xb8;
	[tilespmem:$0x1E200] =	vst v63  }
0x156: {  	_ = 	snop  }
0x157: {  	[tilespmem:s0], [sflag:$0x2] =	stream.indirect_vreg.gather [hbm4b:s11+s1], $0x80, v4, vm1, $0xb8;
	[tilespmem:$0x1E200] =	vst v63  }
0x158: {  	_ = 	snop  }
0x159: {  	[tilespmem:s3], [sflag:$0x2] =	stream.indirect_vreg.gather [hbm4b:s4+s1], $0x80, v3, vm0, $0xb8;
	[tilespmem:$0x1E200] =	vst v63  }
0x15a: {  	_ = 	snop  }
0x15b: {  	[tilespmem:s12], [sflag:$0x2] =	stream.indirect_vreg.gather [hbm4b:s11+s1], $0x80, v3, vm1, $0xb8;
	[tilespmem:$0x1E200] =	vst v63  }
0x15c: {  	_ =	swait.ge [sflag:s21], $0xF000  }
0x15d: {  	[sflag:s21] =	ssyncset.done $0x0  }
0x15e: {  	[sflag:s21] =	ssyncadd.s32 $0xFFFF1000  }
0x15f: {  	s23 =	smul.u32 $0x180, s23;
	_ =	swait.ge [sflag:s22], $0xF000  }
0x160: {  	[sflag:s22] =	ssyncset.done $0x0  }
0x161: {  	s14 =	sadd.s32 s7, s23;
	[sflag:s22] =	ssyncadd.s32 $0xFFFF1000  }
0x162: {  	[hbm4b:s14+s1] =	stream.linear.scatter [tilespmem:s15], [sflag:$0x3], $0xF000, $0x38;
	[tilespmem:$0x1E200] =	vst v63  }
0x163: {  	_ =	swait.ge [sflag:s13], $0xF000  }
0x164: {  	p1 =	por p0, p0;
	[sflag:s13] =	ssyncset.done $0x0  }
.Ltmp0:
0x165: {  	s23 =	sadd.s32 s8, s23;
	[sflag:s13] =	ssyncadd.s32 $0xFFFF1000;
	(pc) =	sbr.rel @p1 .LBB2_2-.Ltmp0, $4  }
0x166: {  	[hbm4b:s23+s1] =	stream.linear.scatter [tilespmem:s17], [sflag:$0x3], $0xF000, $0x38;
	[tilespmem:$0x1E200] =	vst v63  }
0x167: {  	_ =	swait.ge [sflag:s13], $0xF000  }
0x168: {  	[sflag:s13] =	ssyncset.done $0x0  }
0x169: {  	p0 =	por $0x0, $0x0;
	s23 =	simm.s32 $0xA0;
	[sflag:s13] =	ssyncadd.s32 $0xFFFF1000  }
0x16a: {  	s0 =	rddreg [dreg:$0x3]  }
0x16b: {  	s23 =	rddreg [dreg:$0x2];
	s0 =	sadd.s32 $0x1, s0  }
0x16c: {  	p0 =	sne.s32 s0, s23  }
.Ltmp1:
0x16d: {  	_ = 	snop;
	(pc) =	sbr.rel @p0 .LBB2_1-.Ltmp1, $1  }
0x16e: {  	_ =	sdelay $0x3  }
0x16f: {  	_ =	sfence.sel $0x180000  }
0x170: {  	[bflag:$0x0] =	sbarrier.arrive $0xFFFF  }
0x171: {  	_ =	strace $0x90000050  }
0x172: {  	s0 =	stileid.u32;
	[bflag:$0x2] =	sbarrier.arrive $0xFFFF  }
0x173: {  	p0 =	sne.s32 s0, $0x0;
	s0 =	rddreg [dreg:$0x1]  }
0x174: {  	s0 =	sadd.s32 @!p0 $0x100000, s0  }
0x175: {  	[sflag:s0] =	ssyncadd.tile.s32 @!p0 $0x1;
	_ =	shalt  }
.Lfunc_end2:
_tile_overlayer_lowered:
.L_overlay_start_2:
0x176: {  	(tag) =	ssettag $0x2  }
0x177: {  	s0 =	rddreg [dreg:$0x0];
	s2 =	stileid.u32  }
0x178: {  	s1 =	rddreg [dreg:$0x1];
	p0 =	sne.s32 s2, $0x0  }
0x179: {  	s3 =	rddreg [dreg:$0x2];
	[bflag:$0x3] =	sbarrier.arrive $0xFFFF;
	s2 =	simm.s32 @!p0 $0x1C03  }
0x17a: {  	[timem:s3], [sflag:s2] =	dma.local @!p0 [hbm:s0], s1  }
0x17b: {  	s0 =	simm.s32 @!p0 $0x3  }
0x17c: {  	_ =	swait.ge @!p0 [sflag:s0], s1  }
0x17d: {  	s1 =	ssub.s32 @!p0 $0x0, s1;
	[sflag:s0] =	ssyncset.done @!p0 $0x0  }
0x17e: {  	[sflag:s0] =	ssyncadd.s32 @!p0 s1  }
0x17f: {  	[bflag:$0x3] =	sbarrier.arrive $0xFFFF  }
0x180: {  	_ =	shalt  }

// kernel: kernel.36.cloned.1.call-start
scs
__scs_entry_jumppad:
0x0: {  	(pc) =	sbr.rel $0x88, $3  }
0x1: {  	(tag) =	ssettag $0x0;
	lr =	simm.s32 $0x1  }
0x2: {  	[smem:$0x3F59] =	sst lr;
	_ =	strace $0xD0000000  }
0x3: {  	_ = 	snop  }
0x4: {  	_ = 	snop  }
0x5: {  	_ = 	snop  }
0x6: {  	_ = 	snop  }
0x7: {  	_ = 	snop  }
__scs_overlays_trampoline_lowered:
0x8: {  	[smem:$0x3F68] =	sst s0  }
0x9: {  	[smem:$0x3F69] =	sst s1  }
0xa: {  	[smem:$0x3F6A] =	sst s2  }
0xb: {  	[smem:$0x3F6B] =	sst s3  }
0xc: {  	[smem:$0x3F6C] =	sst s4  }
0xd: {  	[smem:$0x3F6D] =	sst s5  }
0xe: {  	[smem:$0x3F6E] =	sst s6  }
0xf: {  	[smem:$0x3F6F] =	sst s7  }
0x10: {  	[smem:$0x3F70] =	sst s8  }
0x11: {  	[smem:$0x3F71] =	sst s9;
	s0 =	simm.s32 @!p0 $0x0  }
0x12: {  	s1 =	sld [smem:$0x3F57];
	s0 =	simm.s32 @p0 $0x1  }
0x13: {  	[smem:$0x3F72] =	sst s0;
	s0 =	simm.s32 @!p1 $0x0  }
0x14: {  	s2 =	sld [smem:$0x3F56];
	s0 =	simm.s32 @p1 $0x1  }
0x15: {  	[smem:$0x3F73] =	sst s0;
	s0 =	simm.s32 @!p2 $0x0  }
0x16: {  	s3 =	sld [smem:$0x3FDB];
	s0 =	simm.s32 @p2 $0x1  }
0x17: {  	s4 =	simm.s32 $0x1BF5;
	[smem:$0x3F75] =	sst s0  }
0x18: {  	s0 =	sld [smem:$0x3F58];
	_ =	swait.ge [sflag:s4], $0x0  }
0x19: {  	s7 =	sld [smem:$0x3F59]  }
0x1a: {  	s8 =	sadd.s32 $0xFFFFE003, lr  }
0x1b: {  	s9 =	sadd.s32 $0xFFFFFEF7, lr;
	s5 =	simm.s32 $0xFFFFFFFF;
	p2 =	slt.u32 s8, $0xFFFFF086  }
0x1c: {  	p1 =	slt.u32 s9, $0xF7A;
	s5 =	simm.s32 @!p2 $0x0  }
0x1d: {  	s5 =	simm.s32 @p1 $0x1;
	p0 =	seq.s32 s7, s2  }
0x1e: {  	s7 =	smul.u32 @!p0 $0xF7A, s2;
	p2 =	seq.s32 @!p0 s5, $0x0  }
0x1f: {  	s9 =	smul.u32 $0xF7A, s1;
	s8 =	simm.s32 @!p0 $0x1BF5;
	p2 =	por !p2, p0  }
0x20: {  	[sflag:s8] =	ssyncset.s32 @!p0 $0xFFFFF086;
	s6 =	sadd.s32 @!p0 s3, s7;
	s7 =	simm.s32 @!p0 $0x108  }
0x21: {  	s3 =	sadd.s32 s3, s9;
	s6 =	sadd.s32 @!p0 $0x88, s6;
	s7 =	simm.s32 @p2 $0x1082  }
0x22: {  	[simem:s7], [sflag:s8] =	dma.local @!p0 [hbm:s6], $0xF7A  }
0x23: {  	s9 =	sor.u32 $0xD0000000, s2;
	s6 =	simm.s32 $0x108;
	_ =	swait.ge @!p0 [sflag:s8], $0x0  }
0x24: {  	s3 =	sadd.s32 $0x88, s3;
	s6 =	simm.s32 @!p1 $0x1082;
	[sflag:s4] =	ssyncset.s32 $0xFFFFF086  }
0x25: {  	[simem:s6], [sflag:s4] =	dma.local [hbm:s3], $0xF7A  }
0x26: {  	[smem:$0x3F59] =	sst s1;
	(tag) =	ssettag s2;
	_ =	strace s9  }
0x27: {  	s1 =	sld [smem:$0x3F69]  }
0x28: {  	s2 =	sld [smem:$0x3F6A]  }
0x29: {  	s4 =	sld [smem:$0x3F6C]  }
0x2a: {  	p0 =	seq.s32 s5, $0x0;
	s5 =	sld [smem:$0x3F6D]  }
0x2b: {  	s6 =	sld [smem:$0x3F6E]  }
0x2c: {  	s7 =	sld [smem:$0x3F6F]  }
0x2d: {  	s3 =	simm.s32 $0x108;
	s8 =	sld [smem:$0x3F70]  }
0x2e: {  	s3 =	simm.s32 @!p0 $0x1082;
	s9 =	sld [smem:$0x3F71]  }
0x2f: {  	lr =	sadd.s32 s0, s3;
	s0 =	sld [smem:$0x3F68]  }
0x30: {  	s3 =	sld [smem:$0x3F6B]  }
0x31: {  	[smem:$0x3F74] =	sst s10  }
0x32: {  	s10 =	sld [smem:$0x3F72];
	_ =	sdelay $0x3  }
0x33: {  	p0 =	seq.s32 s10, $0x1;
	s10 =	sld [smem:$0x3F74];
	_ =	sdelay $0x3  }
0x34: {  	[smem:$0x3F74] =	sst s10  }
0x35: {  	s10 =	sld [smem:$0x3F73];
	_ =	sdelay $0x3  }
0x36: {  	p1 =	seq.s32 s10, $0x1;
	s10 =	sld [smem:$0x3F74];
	_ =	sdelay $0x3  }
0x37: {  	[smem:$0x3F74] =	sst s10  }
0x38: {  	s10 =	sld [smem:$0x3F75]  }
0x39: {  	_ = 	snop;
	(pc) =	sbr.ind lr, $3  }
0x3a: {  	_ = 	snop  }
0x3b: {  	_ = 	snop  }
0x3c: {  	p2 =	seq.s32 s10, $0x1;
	s10 =	sld [smem:$0x3F74]  }
0x3d: {  	_ =	shalt  }
0x3e: {  	_ =	shalt  }
0x3f: {  	_ =	shalt  }
0x40: {  	_ =	shalt  }
0x41: {  	_ =	shalt  }
0x42: {  	_ =	shalt  }
0x43: {  	_ =	shalt  }
0x44: {  	_ =	shalt  }
0x45: {  	_ =	shalt  }
0x46: {  	_ =	shalt  }
0x47: {  	_ =	shalt  }
0x48: {  	_ =	shalt  }
0x49: {  	_ =	shalt  }
0x4a: {  	_ =	shalt  }
0x4b: {  	_ =	shalt  }
0x4c: {  	_ =	shalt  }
0x4d: {  	_ =	shalt  }
0x4e: {  	_ =	shalt  }
0x4f: {  	_ =	shalt  }
0x50: {  	_ =	shalt  }
0x51: {  	_ =	shalt  }
0x52: {  	_ =	shalt  }
0x53: {  	_ =	shalt  }
0x54: {  	_ =	shalt  }
0x55: {  	_ =	shalt  }
0x56: {  	_ =	shalt  }
0x57: {  	_ =	shalt  }
0x58: {  	_ =	shalt  }
0x59: {  	_ =	shalt  }
0x5a: {  	_ =	shalt  }
0x5b: {  	_ =	shalt  }
0x5c: {  	_ =	shalt  }
0x5d: {  	_ =	shalt  }
0x5e: {  	_ =	shalt  }
0x5f: {  	_ =	shalt  }
0x60: {  	_ =	shalt  }
0x61: {  	_ =	shalt  }
0x62: {  	_ =	shalt  }
0x63: {  	_ =	shalt  }
0x64: {  	_ =	shalt  }
0x65: {  	_ =	shalt  }
0x66: {  	_ =	shalt  }
0x67: {  	_ =	shalt  }
0x68: {  	_ =	shalt  }
0x69: {  	_ =	shalt  }
0x6a: {  	_ =	shalt  }
0x6b: {  	_ =	shalt  }
0x6c: {  	_ =	shalt  }
0x6d: {  	_ =	shalt  }
0x6e: {  	_ =	shalt  }
0x6f: {  	_ =	shalt  }
0x70: {  	_ =	shalt  }
0x71: {  	_ =	shalt  }
0x72: {  	_ =	shalt  }
0x73: {  	_ =	shalt  }
0x74: {  	_ =	shalt  }
0x75: {  	_ =	shalt  }
0x76: {  	_ =	shalt  }
0x77: {  	_ =	shalt  }
0x78: {  	_ =	shalt  }
0x79: {  	_ =	shalt  }
0x7a: {  	_ =	shalt  }
0x7b: {  	_ =	shalt  }
0x7c: {  	_ =	shalt  }
0x7d: {  	_ =	shalt  }
0x7e: {  	_ =	shalt  }
0x7f: {  	_ =	shalt  }
0x80: {  	_ =	shalt  }
0x81: {  	_ =	shalt  }
0x82: {  	_ =	shalt  }
0x83: {  	_ =	shalt  }
0x84: {  	_ =	shalt  }
0x85: {  	_ =	shalt  }
0x86: {  	_ =	shalt  }
0x87: {  	_ =	shalt  }
.Lfunc_end0:
.L_simem_size_0:
called_computation.4_lowered:
.L_overlay_start_0:
0x88: {  	s2 =	sld [smem:$0x3FD9]  }
0x89: {  	s3 =	sld [smem:$0x3FFE];
	_ =	sdelay $0x1  }
0x8a: {  	s1 =	srdreg.scid  }
0x8b: {  	s0 =	sand.u32 $0x1, s1  }
0x8c: {  	s16 =	sshll.u32 s0, $0xA;
	s2 =	sadd.s32 s3, s2  }
0x8d: {  	s2 =	sadd.s32 s2, s16  }
0x8e: {  	[smem:$0x3F80] =	sst s2  }
0x8f: {  	_ = 	snop  }
0x90: {  	(tm) =	ssettm $0x1  }
0x91: {  	s17 =	sld [smem:$0x3FFB];
	_ =	sdelay $0x3  }
0x92: {  	_ =	strace s17  }
0x93: {  	s2 =	sld [smem:$0x3FFC];
	_ =	sdelay $0x3  }
0x94: {  	_ =	strace s2  }
0x95: {  	s2 =	sld [smem:$0x3FFD];
	_ =	sdelay $0x3  }
0x96: {  	_ =	strace s2  }
0x97: {  	_ =	strace $0x8FFFFFFF  }
0x98: {  	s18 =	sld [smem:$0x3FDB];
	_ =	sdelay $0x1  }
0x99: {  	s19 =	simm.s32 $_scs_section_size  }
0x9a: {  	s4 =	simm.s32 $_size__tile_overlayer_lowered;
	s5 =	simm.s32 $_tile_overlayer_lowered  }
0x9b: {  	s22 =	simm.s32 $0x1BFF;
	s21 =	sshll.u32 s5, $0x1;
	s2 =	sadd.s32 s19, s18  }
0x9c: {  	s6 =	simm.s32 $0x0;
	s20 =	sshll.u32 s4, $0x1;
	s4 =	sadd.s32 s21, s2  }
0x9d: {  	[timem:s6], [sflag:s22] =	dma.local [hbm:s4], s20  }
0x9e: {  	_ =	swait.ge [sflag:s22], s20  }
0x9f: {  	s3 =	ssub.s32 $0x0, s20;
	[sflag:s22] =	ssyncset.done $0x0  }
0xa0: {  	[sflag:s22] =	ssyncadd.s32 s3;
	_ =	sdelay $0x1  }
0xa1: {  	s23 =	simm.s32 $0x1B8B  }
0xa2: {  	_ =	swait.ge [sflag:s23], $0x1  }
0xa3: {  	[sflag:s23] =	ssyncset.done $0x0  }
0xa4: {  	s25 =	simm.s32 $0x1B8E;
	s24 =	sld [smem:$0x3FFE];
	[sflag:s23] =	ssyncadd.s32 $0xFFFFFFFF  }
0xa5: {  	s26 =	simm.s32 $execute0_lowered;
	[smem:$0x3FD2] =	sst s25  }
0xa6: {  	s4 =	sshll.u32 s26, $0x1;
	_ =	strace $0x80000052;
	[dreg:$0x1] =	wrdreg $0xFFFFFFFF  }
0xa7: {  	s28 =	simm.s32 $_size_execute0_lowered;
	s2 =	sadd.s32 s2, s4;
	[dreg:$0x0] =	wrdreg $0x0  }
0xa8: {  	s4 =	sshll.u32 s28, $0x1;
	[dreg:$0x2] =	wrdreg s2  }
0xa9: {  	[dreg:$0x3] =	wrdreg s4  }
0xaa: {  	[dreg:$0x4] =	wrdreg $0xC0  }
0xab: {  	_ =	task [dreg:s6], $0x5FFFF  }
0xac: {  	[dreg:$0x1] =	wrdreg $0xFFFFFFFF  }
0xad: {  	[dreg:$0x0] =	wrdreg $0x60  }
0xae: {  	[dreg:$0x2] =	wrdreg s24  }
0xaf: {  	[dreg:$0x3] =	wrdreg $0x9  }
0xb0: {  	_ =	task.clear_ibuf [dreg:s6], $0x4FFFF;
	_ =	strace $0x90000052  }
0xb1: {  	s29 =	simm.s32 $0x9;
	_ =	strace $0x80000054  }
0xb2: {  	_ =	swait.ge [sflag:s29], $0x1  }
0xb3: {  	[sflag:s29] =	ssyncadd.s32 $0xFFFFFFFF  }
0xb4: {  	_ =	strace $0x90000054  }
0xb5: {  	_ =	sfence  }
0xb6: {  	s30 =	sld [smem:$0x0];
	_ =	sdelay $0x2  }
0xb7: {  	s31 =	sshll.u32 s1, $0xD;
	s1 =	sshrl.u32 s1, $0x2  }
0xb8: {  	s3 =	sand.u32 $0x4000, s31;
	s1 =	sadd.s32 s1, s30  }
0xb9: {  	s0 =	sor.u32 s3, s0;
	s1 =	sshll.u32 s1, $0x11  }
0xba: {  	s0 =	sor.u32 s1, s0  }
0xbb: {  	s0 =	sadd.s32 $0x8F2B, s0  }
0xbc: {  	[sflag:s0] =	ssyncadd.remote.s32 $0x1  }
0xbd: {  	_ =	sfence.sel $0xFFFF  }
0xbe: {  	[dreg:$0x0] =	wrdreg $0xFFFFFFFF;
	(pc) =	sbr.abs _section_cstart, $3  }
0xbf: {  	[dreg:$0x1] =	wrdreg $0xFFFFFFFF  }
0xc0: {  	_ =	task.clear_ibuf [dreg:s6], $0x2FFFF;
	_ =	strace $0x9FFFFFFF  }
0xc1: {  	(tm) =	ssettm $0x7FFFFFFF  }
tec
execute0_lowered:
.L_overlay_start_1:
0x0: {  	(tag) =	ssettag $0x1  }
0x1: {  	s0 =	rddreg [dreg:$0x0];
	s1 =	simm.s32 $0x0  }
0x2: {  	s3 =	srdreg.scid;
	s8 =	stileid.u32;
	s13 =	simm.s32 $0x3  }
0x3: {  	s15 =	simm.s32 $0x200;
	s17 =	simm.s32 $0xF200;
	s21 =	simm.s32 $0x1  }
0x4: {  	s22 =	simm.s32 $0x2;
	s16 =	simm.s32 $0x19600;
	s18 =	simm.s32 $0x19A00  }
0x5: {  	s19 =	simm.s32 $0x1A200;
	s20 =	simm.s32 $0x1A600;
	s25 =	simm.s32 $0x1AE00  }
0x6: {  	s28 =	simm.s32 $0x1BA00;
	s29 =	simm.s32 $0x1BE00;
	s30 =	simm.s32 $0x1C600  }
0x7: {  	s31 =	simm.s32 $0x1CA00;
	[smem:$0x7FF] =	sst s1;
	s2 =	sadd.s32 $0xE600, s0  }
0x8: {  	s4 =	sadd.s32 $0xFE00, s0;
	s5 =	sadd.s32 $0xDA00, s0;
	s6 =	sadd.s32 $0xE000, s0  }
0x9: {  	s3 =	sand.u32 $0x1, s3;
	s7 =	sadd.s32 $0x11600, s0;
	s10 =	sshll.u32 s8, $0x1  }
0xa: {  	s8 =	sadd.s32 $0x89600, s0;
	_ =	strace $0x80000053;
	s9 =	ssub.s32 $0x2, s3  }
0xb: {  	s3 =	sor.u32 s3, s10;
	s10 =	sadd.s32 $0xE700, s0;
	s11 =	sshrl.u32 s9, $0x1  }
0xc: {  	v2 =	vlaneseq.u32;
	s12 =	ssub.s32 s9, s11;
	s9 =	smul.u32 $0x140, s3;
	s11 =	sadd.s32 $0xFF00, s0  }
0xd: {  	vm0 =	vmmov $0xffff;
	vm1 =	vmmov $0xff;
	v1 =	vshrl.u32 v2, $0x3;
	s0 =	simm.s32 $0x0;
	s3 =	simm.s32 $0x1D600;
	s26 =	smax.u32 s12, $0x1  }
0xe: {  	v0 =	vand.u32 $0x7, v2;
	v2 =	vor.u32 $0x8, v2;
	v1 =	vmul.u32 $0x8, v1;
	s12 =	simm.s32 $0x1DE00;
	[dreg:$0x2] =	wrdreg s26;
	s26 =	simm.s32 $0x1B200  }
.LBB2_1:
0xf: {  	[dreg:$0x3] =	wrdreg s0  }
0x10: {  	p0 =	por $0x1, $0x1;
	s23 =	simm.s32 $0x0;
	s0 =	simm.s32 $0x1D200  }
.LBB2_2:
0x11: {  	s23 =	sadd.s32 s9, s23  }
0x12: {  	s23 =	sshrl.u32 s23, $0x3  }
0x13: {  	s24 =	sadd.s32 s5, s23  }
0x14: {  	[tilespmem:s1], [sflag:$0x3] =	stream.linear.gather [hbm4b:s24+s1], $0xA0, $0x38;
	[tilespmem:$0x1E200] =	vst v63  }
0x15: {  	_ =	swait.ge [sflag:s13], $0xA0  }
0x16: {  	[sflag:s13] =	ssyncset.done $0x0  }
0x17: {  	s14 =	simm.s32 $0x100;
	s24 =	sadd.s32 s6, s23;
	[sflag:s13] =	ssyncadd.s32 $0xFFFFFF60  }
0x18: {  	[tilespmem:s14], [sflag:$0x3] =	stream.linear.gather [hbm4b:s24+s1], $0xA0, $0x38;
	[tilespmem:$0x1E200] =	vst v63  }
0x19: {  	_ =	swait.ge [sflag:s13], $0xA0  }
0x1a: {  	[sflag:s13] =	ssyncset.done $0x0  }
0x1b: {  	[sflag:s13] =	ssyncadd.s32 $0xFFFFFF60  }
0x1c: {  	v3 =	vld [tilespmem:$0x0];
	_ =	sdelay $0x4  }
0x1d: {  	v4 =	vshrl.u32 v3, $0x3  }
0x1e: {  	v4 =	vmul.u32 $0x18, v4  }
0x1f: {  	v3 =	vand.u32 $0x7, v3  }
0x20: {  	v3 =	vor.u32 v3, v4  }
0x21: {  	v4 =	vperm.xlane v3, v0;
	_ =	sdelay $0x1  }
0x22: {  	v4 =	vadd.s32 v1, v4;
	_ =	sdelay $0x1  }
0x23: {  	v3 =	vperm.xlane v3, v2;
	_ =	sdelay $0x1  }
0x24: {  	v3 =	vadd.s32 v1, v3  }
0x25: {  	[tilespmem:s15], [sflag:$0x1] =	stream.indirect_vreg.gather [hbm4b:s2+s1], $0x80, v4, vm0, $0xb8;
	[tilespmem:$0x1E200] =	vst v63  }
0x26: {  	s24 =	simm.s32 $0xA00  }
0x27: {  	[tilespmem:s24], [sflag:$0x1] =	stream.indirect_vreg.gather [hbm4b:s10+s1], $0x80, v4, vm1, $0xb8;
	[tilespmem:$0x1E200] =	vst v63  }
0x28: {  	s24 =	simm.s32 $0xE00  }
0x29: {  	[tilespmem:s24], [sflag:$0x1] =	stream.indirect_vreg.gather [hbm4b:s2+s1], $0x80, v3, vm0, $0xb8;
	[tilespmem:$0x1E200] =	vst v63  }
0x2a: {  	s24 =	simm.s32 $0x1600  }
0x2b: {  	[tilespmem:s24], [sflag:$0x1] =	stream.indirect_vreg.gather [hbm4b:s10+s1], $0x80, v3, vm1, $0xb8;
	[tilespmem:$0x1E200] =	vst v63  }
0x2c: {  	v3 =	vld [tilespmem:$0x10];
	_ =	sdelay $0x4  }
0x2d: {  	v45 =	vshrl.u32 v3, $0x3  }
0x2e: {  	v4 =	vmul.u32 $0x18, v45  }
0x2f: {  	v3 =	vand.u32 $0x7, v3  }
0x30: {  	v3 =	vor.u32 v3, v4  }
0x31: {  	v4 =	vperm.xlane v3, v0;
	_ =	sdelay $0x1  }
0x32: {  	v4 =	vadd.s32 v1, v4;
	_ =	sdelay $0x1  }
0x33: {  	v3 =	vperm.xlane v3, v2;
	_ =	sdelay $0x1  }
0x34: {  	s24 =	simm.s32 $0x1A00;
	v3 =	vadd.s32 v1, v3  }
0x35: {  	[tilespmem:s24], [sflag:$0x1] =	stream.indirect_vreg.gather [hbm4b:s2+s1], $0x80, v4, vm0, $0xb8;
	[tilespmem:$0x1E200] =	vst v63  }
0x36: {  	s24 =	simm.s32 $0x2200  }
0x37: {  	[tilespmem:s24], [sflag:$0x1] =	stream.indirect_vreg.gather [hbm4b:s10+s1], $0x80, v4, vm1, $0xb8;
	[tilespmem:$0x1E200] =	vst v63  }
0x38: {  	s24 =	simm.s32 $0x2600  }
0x39: {  	[tilespmem:s24], [sflag:$0x1] =	stream.indirect_vreg.gather [hbm4b:s2+s1], $0x80, v3, vm0, $0xb8;
	[tilespmem:$0x1E200] =	vst v63  }
0x3a: {  	s24 =	simm.s32 $0x2E00  }
0x3b: {  	[tilespmem:s24], [sflag:$0x1] =	stream.indirect_vreg.gather [hbm4b:s10+s1], $0x80, v3, vm1, $0xb8;
	[tilespmem:$0x1E200] =	vst v63  }
0x3c: {  	v3 =	vld [tilespmem:$0x20];
	_ =	sdelay $0x4  }
0x3d: {  	v46 =	vshrl.u32 v3, $0x3  }
0x3e: {  	v4 =	vmul.u32 $0x18, v46  }
0x3f: {  	v3 =	vand.u32 $0x7, v3  }
0x40: {  	v3 =	vor.u32 v3, v4  }
0x41: {  	v4 =	vperm.xlane v3, v0;
	_ =	sdelay $0x1  }
0x42: {  	v4 =	vadd.s32 v1, v4;
	_ =	sdelay $0x1  }
0x43: {  	v3 =	vperm.xlane v3, v2;
	_ =	sdelay $0x1  }
0x44: {  	s24 =	simm.s32 $0x3200;
	v3 =	vadd.s32 v1, v3  }
0x45: {  	[tilespmem:s24], [sflag:$0x1] =	stream.indirect_vreg.gather [hbm4b:s2+s1], $0x80, v4, vm0, $0xb8;
	[tilespmem:$0x1E200] =	vst v63  }
0x46: {  	s24 =	simm.s32 $0x3A00  }
0x47: {  	[tilespmem:s24], [sflag:$0x1] =	stream.indirect_vreg.gather [hbm4b:s10+s1], $0x80, v4, vm1, $0xb8;
	[tilespmem:$0x1E200] =	vst v63  }
0x48: {  	s24 =	simm.s32 $0x3E00  }
0x49: {  	[tilespmem:s24], [sflag:$0x1] =	stream.indirect_vreg.gather [hbm4b:s2+s1], $0x80, v3, vm0, $0xb8;
	[tilespmem:$0x1E200] =	vst v63  }
0x4a: {  	s24 =	simm.s32 $0x4600  }
0x4b: {  	[tilespmem:s24], [sflag:$0x1] =	stream.indirect_vreg.gather [hbm4b:s10+s1], $0x80, v3, vm1, $0xb8;
	[tilespmem:$0x1E200] =	vst v63  }
0x4c: {  	v3 =	vld [tilespmem:$0x30];
	_ =	sdelay $0x4  }
0x4d: {  	v47 =	vshrl.u32 v3, $0x3  }
0x4e: {  	v4 =	vmul.u32 $0x18, v47  }
0x4f: {  	v3 =	vand.u32 $0x7, v3  }
0x50: {  	v3 =	vor.u32 v3, v4  }
0x51: {  	v4 =	vperm.xlane v3, v0;
	_ =	sdelay $0x1  }
0x52: {  	v4 =	vadd.s32 v1, v4;
	_ =	sdelay $0x1  }
0x53: {  	v3 =	vperm.xlane v3, v2;
	_ =	sdelay $0x1  }
0x54: {  	s24 =	simm.s32 $0x4A00;
	v3 =	vadd.s32 v1, v3  }
0x55: {  	[tilespmem:s24], [sflag:$0x1] =	stream.indirect_vreg.gather [hbm4b:s2+s1], $0x80, v4, vm0, $0xb8;
	[tilespmem:$0x1E200] =	vst v63  }
0x56: {  	s24 =	simm.s32 $0x5200  }
0x57: {  	[tilespmem:s24], [sflag:$0x1] =	stream.indirect_vreg.gather [hbm4b:s10+s1], $0x80, v4, vm1, $0xb8;
	[tilespmem:$0x1E200] =	vst v63  }
0x58: {  	s24 =	simm.s32 $0x5600  }
0x59: {  	[tilespmem:s24], [sflag:$0x1] =	stream.indirect_vreg.gather [hbm4b:s2+s1], $0x80, v3, vm0, $0xb8;
	[tilespmem:$0x1E200] =	vst v63  }
0x5a: {  	s24 =	simm.s32 $0x5E00  }
0x5b: {  	[tilespmem:s24], [sflag:$0x1] =	stream.indirect_vreg.gather [hbm4b:s10+s1], $0x80, v3, vm1, $0xb8;
	[tilespmem:$0x1E200] =	vst v63  }
0x5c: {  	v3 =	vld [tilespmem:$0x40];
	_ =	sdelay $0x4  }
0x5d: {  	v48 =	vshrl.u32 v3, $0x3  }
0x5e: {  	v4 =	vmul.u32 $0x18, v48  }
0x5f: {  	v3 =	vand.u32 $0x7, v3  }
0x60: {  	v3 =	vor.u32 v3, v4  }
0x61: {  	v4 =	vperm.xlane v3, v0;
	_ =	sdelay $0x1  }
0x62: {  	v4 =	vadd.s32 v1, v4;
	_ =	sdelay $0x1  }
0x63: {  	v3 =	vperm.xlane v3, v2;
	_ =	sdelay $0x1  }
0x64: {  	s24 =	simm.s32 $0x6200;
	v3 =	vadd.s32 v1, v3  }
0x65: {  	[tilespmem:s24], [sflag:$0x1] =	stream.indirect_vreg.gather [hbm4b:s2+s1], $0x80, v4, vm0, $0xb8;
	[tilespmem:$0x1E200] =	vst v63  }
0x66: {  	s24 =	simm.s32 $0x6A00  }
0x67: {  	[tilespmem:s24], [sflag:$0x1] =	stream.indirect_vreg.gather [hbm4b:s10+s1], $0x80, v4, vm1, $0xb8;
	[tilespmem:$0x1E200] =	vst v63  }
0x68: {  	s24 =	simm.s32 $0x6E00  }
0x69: {  	[tilespmem:s24], [sflag:$0x1] =	stream.indirect_vreg.gather [hbm4b:s2+s1], $0x80, v3, vm0, $0xb8;
	[tilespmem:$0x1E200] =	vst v63  }
0x6a: {  	s24 =	simm.s32 $0x7600  }
0x6b: {  	[tilespmem:s24], [sflag:$0x1] =	stream.indirect_vreg.gather [hbm4b:s10+s1], $0x80, v3, vm1, $0xb8;
	[tilespmem:$0x1E200] =	vst v63  }
0x6c: {  	v3 =	vld [tilespmem:$0x50];
	_ =	sdelay $0x4  }
0x6d: {  	v49 =	vshrl.u32 v3, $0x3  }
0x6e: {  	v4 =	vmul.u32 $0x18, v49  }
0x6f: {  	v3 =	vand.u32 $0x7, v3  }
0x70: {  	v3 =	vor.u32 v3, v4  }
0x71: {  	v4 =	vperm.xlane v3, v0;
	_ =	sdelay $0x1  }
0x72: {  	v4 =	vadd.s32 v1, v4;
	_ =	sdelay $0x1  }
0x73: {  	v3 =	vperm.xlane v3, v2;
	_ =	sdelay $0x1  }
0x74: {  	s24 =	simm.s32 $0x7A00;
	v3 =	vadd.s32 v1, v3  }
0x75: {  	[tilespmem:s24], [sflag:$0x1] =	stream.indirect_vreg.gather [hbm4b:s2+s1], $0x80, v4, vm0, $0xb8;
	[tilespmem:$0x1E200] =	vst v63  }
0x76: {  	s24 =	simm.s32 $0x8200  }
0x77: {  	[tilespmem:s24], [sflag:$0x1] =	stream.indirect_vreg.gather [hbm4b:s10+s1], $0x80, v4, vm1, $0xb8;
	[tilespmem:$0x1E200] =	vst v63  }
0x78: {  	s24 =	simm.s32 $0x8600  }
0x79: {  	[tilespmem:s24], [sflag:$0x1] =	stream.indirect_vreg.gather [hbm4b:s2+s1], $0x80, v3, vm0, $0xb8;
	[tilespmem:$0x1E200] =	vst v63  }
0x7a: {  	s24 =	simm.s32 $0x8E00  }
0x7b: {  	[tilespmem:s24], [sflag:$0x1] =	stream.indirect_vreg.gather [hbm4b:s10+s1], $0x80, v3, vm1, $0xb8;
	[tilespmem:$0x1E200] =	vst v63  }
0x7c: {  	v3 =	vld [tilespmem:$0x60];
	_ =	sdelay $0x4  }
0x7d: {  	v50 =	vshrl.u32 v3, $0x3  }
0x7e: {  	v4 =	vmul.u32 $0x18, v50  }
0x7f: {  	v3 =	vand.u32 $0x7, v3  }
0x80: {  	v3 =	vor.u32 v3, v4  }
0x81: {  	v4 =	vperm.xlane v3, v0;
	_ =	sdelay $0x1  }
0x82: {  	v4 =	vadd.s32 v1, v4;
	_ =	sdelay $0x1  }
0x83: {  	v3 =	vperm.xlane v3, v2;
	_ =	sdelay $0x1  }
0x84: {  	s24 =	simm.s32 $0x9200;
	v3 =	vadd.s32 v1, v3  }
0x85: {  	[tilespmem:s24], [sflag:$0x1] =	stream.indirect_vreg.gather [hbm4b:s2+s1], $0x80, v4, vm0, $0xb8;
	[tilespmem:$0x1E200] =	vst v63  }
0x86: {  	s24 =	simm.s32 $0x9A00  }
0x87: {  	[tilespmem:s24], [sflag:$0x1] =	stream.indirect_vreg.gather [hbm4b:s10+s1], $0x80, v4, vm1, $0xb8;
	[tilespmem:$0x1E200] =	vst v63  }
0x88: {  	s24 =	simm.s32 $0x9E00  }
0x89: {  	[tilespmem:s24], [sflag:$0x1] =	stream.indirect_vreg.gather [hbm4b:s2+s1], $0x80, v3, vm0, $0xb8;
	[tilespmem:$0x1E200] =	vst v63  }
0x8a: {  	s24 =	simm.s32 $0xA600  }
0x8b: {  	[tilespmem:s24], [sflag:$0x1] =	stream.indirect_vreg.gather [hbm4b:s10+s1], $0x80, v3, vm1, $0xb8;
	[tilespmem:$0x1E200] =	vst v63  }
0x8c: {  	v3 =	vld [tilespmem:$0x70];
	_ =	sdelay $0x4  }
0x8d: {  	v51 =	vshrl.u32 v3, $0x3  }
0x8e: {  	v4 =	vmul.u32 $0x18, v51  }
0x8f: {  	v3 =	vand.u32 $0x7, v3  }
0x90: {  	v3 =	vor.u32 v3, v4  }
0x91: {  	v4 =	vperm.xlane v3, v0;
	_ =	sdelay $0x1  }
0x92: {  	v4 =	vadd.s32 v1, v4;
	_ =	sdelay $0x1  }
0x93: {  	v3 =	vperm.xlane v3, v2;
	_ =	sdelay $0x1  }
0x94: {  	s24 =	simm.s32 $0xAA00;
	v3 =	vadd.s32 v1, v3  }
0x95: {  	[tilespmem:s24], [sflag:$0x1] =	stream.indirect_vreg.gather [hbm4b:s2+s1], $0x80, v4, vm0, $0xb8;
	[tilespmem:$0x1E200] =	vst v63  }
0x96: {  	s24 =	simm.s32 $0xB200  }
0x97: {  	[tilespmem:s24], [sflag:$0x1] =	stream.indirect_vreg.gather [hbm4b:s10+s1], $0x80, v4, vm1, $0xb8;
	[tilespmem:$0x1E200] =	vst v63  }
0x98: {  	s24 =	simm.s32 $0xB600  }
0x99: {  	[tilespmem:s24], [sflag:$0x1] =	stream.indirect_vreg.gather [hbm4b:s2+s1], $0x80, v3, vm0, $0xb8;
	[tilespmem:$0x1E200] =	vst v63  }
0x9a: {  	s24 =	simm.s32 $0xBE00  }
0x9b: {  	[tilespmem:s24], [sflag:$0x1] =	stream.indirect_vreg.gather [hbm4b:s10+s1], $0x80, v3, vm1, $0xb8;
	[tilespmem:$0x1E200] =	vst v63  }
0x9c: {  	v3 =	vld [tilespmem:$0x80];
	_ =	sdelay $0x4  }
0x9d: {  	v52 =	vshrl.u32 v3, $0x3  }
0x9e: {  	v4 =	vmul.u32 $0x18, v52  }
0x9f: {  	v3 =	vand.u32 $0x7, v3  }
0xa0: {  	v3 =	vor.u32 v3, v4  }
0xa1: {  	v4 =	vperm.xlane v3, v0;
	_ =	sdelay $0x1  }
0xa2: {  	v4 =	vadd.s32 v1, v4;
	_ =	sdelay $0x1  }
0xa3: {  	v3 =	vperm.xlane v3, v2;
	_ =	sdelay $0x1  }
0xa4: {  	s24 =	simm.s32 $0xC200;
	v3 =	vadd.s32 v1, v3  }
0xa5: {  	[tilespmem:s24], [sflag:$0x1] =	stream.indirect_vreg.gather [hbm4b:s2+s1], $0x80, v4, vm0, $0xb8;
	[tilespmem:$0x1E200] =	vst v63  }
0xa6: {  	s24 =	simm.s32 $0xCA00  }
0xa7: {  	[tilespmem:s24], [sflag:$0x1] =	stream.indirect_vreg.gather [hbm4b:s10+s1], $0x80, v4, vm1, $0xb8;
	[tilespmem:$0x1E200] =	vst v63  }
0xa8: {  	s24 =	simm.s32 $0xCE00  }
0xa9: {  	[tilespmem:s24], [sflag:$0x1] =	stream.indirect_vreg.gather [hbm4b:s2+s1], $0x80, v3, vm0, $0xb8;
	[tilespmem:$0x1E200] =	vst v63  }
0xaa: {  	s24 =	simm.s32 $0xD600  }
0xab: {  	[tilespmem:s24], [sflag:$0x1] =	stream.indirect_vreg.gather [hbm4b:s10+s1], $0x80, v3, vm1, $0xb8;
	[tilespmem:$0x1E200] =	vst v63  }
0xac: {  	v3 =	vld [tilespmem:$0x90];
	_ =	sdelay $0x4  }
0xad: {  	v53 =	vshrl.u32 v3, $0x3  }
0xae: {  	v4 =	vmul.u32 $0x18, v53  }
0xaf: {  	v3 =	vand.u32 $0x7, v3  }
0xb0: {  	v3 =	vor.u32 v3, v4  }
0xb1: {  	v4 =	vperm.xlane v3, v0;
	_ =	sdelay $0x1  }
0xb2: {  	v4 =	vadd.s32 v1, v4;
	_ =	sdelay $0x1  }
0xb3: {  	v3 =	vperm.xlane v3, v2;
	_ =	sdelay $0x1  }
0xb4: {  	s24 =	simm.s32 $0xDA00;
	v3 =	vadd.s32 v1, v3  }
0xb5: {  	[tilespmem:s24], [sflag:$0x1] =	stream.indirect_vreg.gather [hbm4b:s2+s1], $0x80, v4, vm0, $0xb8;
	[tilespmem:$0x1E200] =	vst v63  }
0xb6: {  	s24 =	simm.s32 $0xE200  }
0xb7: {  	[tilespmem:s24], [sflag:$0x1] =	stream.indirect_vreg.gather [hbm4b:s10+s1], $0x80, v4, vm1, $0xb8;
	[tilespmem:$0x1E200] =	vst v63  }
0xb8: {  	s24 =	simm.s32 $0xE600  }
0xb9: {  	[tilespmem:s24], [sflag:$0x1] =	stream.indirect_vreg.gather [hbm4b:s2+s1], $0x80, v3, vm0, $0xb8;
	[tilespmem:$0x1E200] =	vst v63  }
0xba: {  	s24 =	simm.s32 $0xEE00  }
0xbb: {  	[tilespmem:s24], [sflag:$0x1] =	stream.indirect_vreg.gather [hbm4b:s10+s1], $0x80, v3, vm1, $0xb8;
	[tilespmem:$0x1E200] =	vst v63  }
0xbc: {  	v3 =	vld [tilespmem:$0x100];
	_ =	sdelay $0x4  }
0xbd: {  	v54 =	vshrl.u32 v3, $0x3  }
0xbe: {  	v4 =	vmul.u32 $0x18, v54  }
0xbf: {  	v3 =	vand.u32 $0x7, v3  }
0xc0: {  	v3 =	vor.u32 v3, v4  }
0xc1: {  	v4 =	vperm.xlane v3, v0;
	_ =	sdelay $0x1  }
0xc2: {  	v4 =	vadd.s32 v1, v4;
	_ =	sdelay $0x1  }
0xc3: {  	v3 =	vperm.xlane v3, v2;
	_ =	sdelay $0x1  }
0xc4: {  	v3 =	vadd.s32 v1, v3  }
0xc5: {  	[tilespmem:s17], [sflag:$0x2] =	stream.indirect_vreg.gather [hbm4b:s4+s1], $0x80, v4, vm0, $0xb8;
	[tilespmem:$0x1E200] =	vst v63  }
0xc6: {  	s24 =	simm.s32 $0xFA00  }
0xc7: {  	[tilespmem:s24], [sflag:$0x2] =	stream.indirect_vreg.gather [hbm4b:s11+s1], $0x80, v4, vm1, $0xb8;
	[tilespmem:$0x1E200] =	vst v63  }
0xc8: {  	s24 =	simm.s32 $0xFE00  }
0xc9: {  	[tilespmem:s24], [sflag:$0x2] =	stream.indirect_vreg.gather [hbm4b:s4+s1], $0x80, v3, vm0, $0xb8;
	[tilespmem:$0x1E200] =	vst v63  }
0xca: {  	s24 =	simm.s32 $0x10600  }
0xcb: {  	[tilespmem:s24], [sflag:$0x2] =	stream.indirect_vreg.gather [hbm4b:s11+s1], $0x80, v3, vm1, $0xb8;
	[tilespmem:$0x1E200] =	vst v63  }
0xcc: {  	v3 =	vld [tilespmem:$0x110];
	_ =	sdelay $0x4  }
0xcd: {  	v55 =	vshrl.u32 v3, $0x3  }
0xce: {  	v4 =	vmul.u32 $0x18, v55  }
0xcf: {  	v3 =	vand.u32 $0x7, v3  }
0xd0: {  	v3 =	vor.u32 v3, v4  }
0xd1: {  	v4 =	vperm.xlane v3, v0;
	_ =	sdelay $0x1  }
0xd2: {  	v4 =	vadd.s32 v1, v4;
	_ =	sdelay $0x1  }
0xd3: {  	v3 =	vperm.xlane v3, v2;
	_ =	sdelay $0x1  }
0xd4: {  	s24 =	simm.s32 $0x10A00;
	v3 =	vadd.s32 v1, v3  }
0xd5: {  	[tilespmem:s24], [sflag:$0x2] =	stream.indirect_vreg.gather [hbm4b:s4+s1], $0x80, v4, vm0, $0xb8;
	[tilespmem:$0x1E200] =	vst v63  }
0xd6: {  	s24 =	simm.s32 $0x11200  }
0xd7: {  	[tilespmem:s24], [sflag:$0x2] =	stream.indirect_vreg.gather [hbm4b:s11+s1], $0x80, v4, vm1, $0xb8;
	[tilespmem:$0x1E200] =	vst v63  }
0xd8: {  	s24 =	simm.s32 $0x11600  }
0xd9: {  	[tilespmem:s24], [sflag:$0x2] =	stream.indirect_vreg.gather [hbm4b:s4+s1], $0x80, v3, vm0, $0xb8;
	[tilespmem:$0x1E200] =	vst v63  }
0xda: {  	s24 =	simm.s32 $0x11E00  }
0xdb: {  	[tilespmem:s24], [sflag:$0x2] =	stream.indirect_vreg.gather [hbm4b:s11+s1], $0x80, v3, vm1, $0xb8;
	[tilespmem:$0x1E200] =	vst v63  }
0xdc: {  	v3 =	vld [tilespmem:$0x120];
	_ =	sdelay $0x4  }
0xdd: {  	v56 =	vshrl.u32 v3, $0x3  }
0xde: {  	v4 =	vmul.u32 $0x18, v56  }
0xdf: {  	v3 =	vand.u32 $0x7, v3  }
0xe0: {  	v3 =	vor.u32 v3, v4  }
0xe1: {  	v4 =	vperm.xlane v3, v0;
	_ =	sdelay $0x1  }
0xe2: {  	v4 =	vadd.s32 v1, v4;
	_ =	sdelay $0x1  }
0xe3: {  	v3 =	vperm.xlane v3, v2;
	_ =	sdelay $0x1  }
0xe4: {  	s24 =	simm.s32 $0x12200;
	v3 =	vadd.s32 v1, v3  }
0xe5: {  	[tilespmem:s24], [sflag:$0x2] =	stream.indirect_vreg.gather [hbm4b:s4+s1], $0x80, v4, vm0, $0xb8;
	[tilespmem:$0x1E200] =	vst v63  }
0xe6: {  	s24 =	simm.s32 $0x12A00  }
0xe7: {  	[tilespmem:s24], [sflag:$0x2] =	stream.indirect_vreg.gather [hbm4b:s11+s1], $0x80, v4, vm1, $0xb8;
	[tilespmem:$0x1E200] =	vst v63  }
0xe8: {  	s24 =	simm.s32 $0x12E00  }
0xe9: {  	[tilespmem:s24], [sflag:$0x2] =	stream.indirect_vreg.gather [hbm4b:s4+s1], $0x80, v3, vm0, $0xb8;
	[tilespmem:$0x1E200] =	vst v63  }
0xea: {  	s24 =	simm.s32 $0x13600  }
0xeb: {  	[tilespmem:s24], [sflag:$0x2] =	stream.indirect_vreg.gather [hbm4b:s11+s1], $0x80, v3, vm1, $0xb8;
	[tilespmem:$0x1E200] =	vst v63  }
0xec: {  	v3 =	vld [tilespmem:$0x130];
	_ =	sdelay $0x4  }
0xed: {  	v57 =	vshrl.u32 v3, $0x3  }
0xee: {  	v4 =	vmul.u32 $0x18, v57  }
0xef: {  	v3 =	vand.u32 $0x7, v3  }
0xf0: {  	v3 =	vor.u32 v3, v4  }
0xf1: {  	v4 =	vperm.xlane v3, v0;
	_ =	sdelay $0x1  }
0xf2: {  	v4 =	vadd.s32 v1, v4;
	_ =	sdelay $0x1  }
0xf3: {  	v3 =	vperm.xlane v3, v2;
	_ =	sdelay $0x1  }
0xf4: {  	s24 =	simm.s32 $0x13A00;
	v3 =	vadd.s32 v1, v3  }
0xf5: {  	[tilespmem:s24], [sflag:$0x2] =	stream.indirect_vreg.gather [hbm4b:s4+s1], $0x80, v4, vm0, $0xb8;
	[tilespmem:$0x1E200] =	vst v63  }
0xf6: {  	s24 =	simm.s32 $0x14200  }
0xf7: {  	[tilespmem:s24], [sflag:$0x2] =	stream.indirect_vreg.gather [hbm4b:s11+s1], $0x80, v4, vm1, $0xb8;
	[tilespmem:$0x1E200] =	vst v63  }
0xf8: {  	s24 =	simm.s32 $0x14600  }
0xf9: {  	[tilespmem:s24], [sflag:$0x2] =	stream.indirect_vreg.gather [hbm4b:s4+s1], $0x80, v3, vm0, $0xb8;
	[tilespmem:$0x1E200] =	vst v63  }
0xfa: {  	s24 =	simm.s32 $0x14E00  }
0xfb: {  	[tilespmem:s24], [sflag:$0x2] =	stream.indirect_vreg.gather [hbm4b:s11+s1], $0x80, v3, vm1, $0xb8;
	[tilespmem:$0x1E200] =	vst v63  }
0xfc: {  	v3 =	vld [tilespmem:$0x140];
	_ =	sdelay $0x4  }
0xfd: {  	v58 =	vshrl.u32 v3, $0x3  }
0xfe: {  	v4 =	vmul.u32 $0x18, v58  }
0xff: {  	v3 =	vand.u32 $0x7, v3  }
0x100: {  	v3 =	vor.u32 v3, v4  }
0x101: {  	v4 =	vperm.xlane v3, v0;
	_ =	sdelay $0x1  }
0x102: {  	v4 =	vadd.s32 v1, v4;
	_ =	sdelay $0x1  }
0x103: {  	v3 =	vperm.xlane v3, v2;
	_ =	sdelay $0x1  }
0x104: {  	s24 =	simm.s32 $0x15200;
	v3 =	vadd.s32 v1, v3  }
0x105: {  	[tilespmem:s24], [sflag:$0x2] =	stream.indirect_vreg.gather [hbm4b:s4+s1], $0x80, v4, vm0, $0xb8;
	[tilespmem:$0x1E200] =	vst v63  }
0x106: {  	s24 =	simm.s32 $0x15A00  }
0x107: {  	[tilespmem:s24], [sflag:$0x2] =	stream.indirect_vreg.gather [hbm4b:s11+s1], $0x80, v4, vm1, $0xb8;
	[tilespmem:$0x1E200] =	vst v63  }
0x108: {  	s24 =	simm.s32 $0x15E00  }
0x109: {  	[tilespmem:s24], [sflag:$0x2] =	stream.indirect_vreg.gather [hbm4b:s4+s1], $0x80, v3, vm0, $0xb8;
	[tilespmem:$0x1E200] =	vst v63  }
0x10a: {  	s24 =	simm.s32 $0x16600  }
0x10b: {  	[tilespmem:s24], [sflag:$0x2] =	stream.indirect_vreg.gather [hbm4b:s11+s1], $0x80, v3, vm1, $0xb8;
	[tilespmem:$0x1E200] =	vst v63  }
0x10c: {  	v3 =	vld [tilespmem:$0x150];
	_ =	sdelay $0x4  }
0x10d: {  	v59 =	vshrl.u32 v3, $0x3  }
0x10e: {  	v4 =	vmul.u32 $0x18, v59  }
0x10f: {  	v3 =	vand.u32 $0x7, v3  }
0x110: {  	v3 =	vor.u32 v3, v4  }
0x111: {  	v4 =	vperm.xlane v3, v0;
	_ =	sdelay $0x1  }
0x112: {  	v4 =	vadd.s32 v1, v4;
	_ =	sdelay $0x1  }
0x113: {  	v3 =	vperm.xlane v3, v2;
	_ =	sdelay $0x1  }
0x114: {  	s24 =	simm.s32 $0x16A00;
	v3 =	vadd.s32 v1, v3  }
0x115: {  	[tilespmem:s24], [sflag:$0x2] =	stream.indirect_vreg.gather [hbm4b:s4+s1], $0x80, v4, vm0, $0xb8;
	[tilespmem:$0x1E200] =	vst v63  }
0x116: {  	s24 =	simm.s32 $0x17200  }
0x117: {  	[tilespmem:s24], [sflag:$0x2] =	stream.indirect_vreg.gather [hbm4b:s11+s1], $0x80, v4, vm1, $0xb8;
	[tilespmem:$0x1E200] =	vst v63  }
0x118: {  	s24 =	simm.s32 $0x17600  }
0x119: {  	[tilespmem:s24], [sflag:$0x2] =	stream.indirect_vreg.gather [hbm4b:s4+s1], $0x80, v3, vm0, $0xb8;
	[tilespmem:$0x1E200] =	vst v63  }
0x11a: {  	s24 =	simm.s32 $0x17E00  }
0x11b: {  	[tilespmem:s24], [sflag:$0x2] =	stream.indirect_vreg.gather [hbm4b:s11+s1], $0x80, v3, vm1, $0xb8;
	[tilespmem:$0x1E200] =	vst v63  }
0x11c: {  	v3 =	vld [tilespmem:$0x160];
	_ =	sdelay $0x4  }
0x11d: {  	v60 =	vshrl.u32 v3, $0x3  }
0x11e: {  	v4 =	vmul.u32 $0x18, v60  }
0x11f: {  	v3 =	vand.u32 $0x7, v3  }
0x120: {  	v3 =	vor.u32 v3, v4  }
0x121: {  	v4 =	vperm.xlane v3, v0;
	_ =	sdelay $0x1  }
0x122: {  	v4 =	vadd.s32 v1, v4;
	_ =	sdelay $0x1  }
0x123: {  	v3 =	vperm.xlane v3, v2;
	_ =	sdelay $0x1  }
0x124: {  	s24 =	simm.s32 $0x18200;
	v3 =	vadd.s32 v1, v3  }
0x125: {  	[tilespmem:s24], [sflag:$0x2] =	stream.indirect_vreg.gather [hbm4b:s4+s1], $0x80, v4, vm0, $0xb8;
	[tilespmem:$0x1E200] =	vst v63  }
0x126: {  	s24 =	simm.s32 $0x18A00  }
0x127: {  	[tilespmem:s24], [sflag:$0x2] =	stream.indirect_vreg.gather [hbm4b:s11+s1], $0x80, v4, vm1, $0xb8;
	[tilespmem:$0x1E200] =	vst v63  }
0x128: {  	s24 =	simm.s32 $0x18E00  }
0x129: {  	[tilespmem:s24], [sflag:$0x2] =	stream.indirect_vreg.gather [hbm4b:s4+s1], $0x80, v3, vm0, $0xb8;
	[tilespmem:$0x1E200] =	vst v63  }
0x12a: {  	_ = 	snop  }
0x12b: {  	[tilespmem:s16], [sflag:$0x2] =	stream.indirect_vreg.gather [hbm4b:s11+s1], $0x80, v3, vm1, $0xb8;
	[tilespmem:$0x1E200] =	vst v63  }
0x12c: {  	v3 =	vld [tilespmem:$0x170];
	_ =	sdelay $0x4  }
0x12d: {  	v61 =	vshrl.u32 v3, $0x3  }
0x12e: {  	v4 =	vmul.u32 $0x18, v61  }
0x12f: {  	v3 =	vand.u32 $0x7, v3  }
0x130: {  	v3 =	vor.u32 v3, v4  }
0x131: {  	v4 =	vperm.xlane v3, v0;
	_ =	sdelay $0x1  }
0x132: {  	v4 =	vadd.s32 v1, v4;
	_ =	sdelay $0x1  }
0x133: {  	v3 =	vperm.xlane v3, v2;
	_ =	sdelay $0x1  }
0x134: {  	v3 =	vadd.s32 v1, v3  }
0x135: {  	[tilespmem:s18], [sflag:$0x2] =	stream.indirect_vreg.gather [hbm4b:s4+s1], $0x80, v4, vm0, $0xb8;
	[tilespmem:$0x1E200] =	vst v63  }
0x136: {  	_ = 	snop  }
0x137: {  	[tilespmem:s19], [sflag:$0x2] =	stream.indirect_vreg.gather [hbm4b:s11+s1], $0x80, v4, vm1, $0xb8;
	[tilespmem:$0x1E200] =	vst v63  }
0x138: {  	_ = 	snop  }
0x139: {  	[tilespmem:s20], [sflag:$0x2] =	stream.indirect_vreg.gather [hbm4b:s4+s1], $0x80, v3, vm0, $0xb8;
	[tilespmem:$0x1E200] =	vst v63  }
0x13a: {  	_ = 	snop  }
0x13b: {  	[tilespmem:s25], [sflag:$0x2] =	stream.indirect_vreg.gather [hbm4b:s11+s1], $0x80, v3, vm1, $0xb8;
	[tilespmem:$0x1E200] =	vst v63  }
0x13c: {  	v3 =	vld [tilespmem:$0x180];
	_ =	sdelay $0x4  }
0x13d: {  	v62 =	vshrl.u32 v3, $0x3  }
0x13e: {  	v4 =	vmul.u32 $0x18, v62  }
0x13f: {  	v3 =	vand.u32 $0x7, v3  }
0x140: {  	v3 =	vor.u32 v3, v4  }
0x141: {  	v4 =	vperm.xlane v3, v0;
	_ =	sdelay $0x1  }
0x142: {  	v4 =	vadd.s32 v1, v4;
	_ =	sdelay $0x1  }
0x143: {  	v3 =	vperm.xlane v3, v2;
	_ =	sdelay $0x1  }
0x144: {  	v3 =	vadd.s32 v1, v3  }
0x145: {  	[tilespmem:s26], [sflag:$0x2] =	stream.indirect_vreg.gather [hbm4b:s4+s1], $0x80, v4, vm0, $0xb8;
	[tilespmem:$0x1E200] =	vst v63  }
0x146: {  	_ = 	snop  }
0x147: {  	[tilespmem:s28], [sflag:$0x2] =	stream.indirect_vreg.gather [hbm4b:s11+s1], $0x80, v4, vm1, $0xb8;
	[tilespmem:$0x1E200] =	vst v63  }
0x148: {  	_ = 	snop  }
0x149: {  	[tilespmem:s29], [sflag:$0x2] =	stream.indirect_vreg.gather [hbm4b:s4+s1], $0x80, v3, vm0, $0xb8;
	[tilespmem:$0x1E200] =	vst v63  }
0x14a: {  	_ = 	snop  }
0x14b: {  	[tilespmem:s30], [sflag:$0x2] =	stream.indirect_vreg.gather [hbm4b:s11+s1], $0x80, v3, vm1, $0xb8;
	[tilespmem:$0x1E200] =	vst v63  }
0x14c: {  	v3 =	vld [tilespmem:$0x190];
	_ =	sdelay $0x4  }
0x14d: {  	v63 =	vshrl.u32 v3, $0x3  }
0x14e: {  	v4 =	vmul.u32 $0x18, v63  }
0x14f: {  	v3 =	vand.u32 $0x7, v3  }
0x150: {  	v3 =	vor.u32 v3, v4  }
0x151: {  	v4 =	vperm.xlane v3, v0;
	_ =	sdelay $0x1  }
0x152: {  	v4 =	vadd.s32 v1, v4;
	_ =	sdelay $0x1  }
0x153: {  	v3 =	vperm.xlane v3, v2;
	_ =	sdelay $0x1  }
0x154: {  	v3 =	vadd.s32 v1, v3  }
0x155: {  	[tilespmem:s31], [sflag:$0x2] =	stream.indirect_vreg.gather [hbm4b:s4+s1], $0x80, v4, vm0, $0xb8;
	[tilespmem:$0x1E200] =	vst v63  }
0x156: {  	_ = 	snop  }
0x157: {  	[tilespmem:s0], [sflag:$0x2] =	stream.indirect_vreg.gather [hbm4b:s11+s1], $0x80, v4, vm1, $0xb8;
	[tilespmem:$0x1E200] =	vst v63  }
0x158: {  	_ = 	snop  }
0x159: {  	[tilespmem:s3], [sflag:$0x2] =	stream.indirect_vreg.gather [hbm4b:s4+s1], $0x80, v3, vm0, $0xb8;
	[tilespmem:$0x1E200] =	vst v63  }
0x15a: {  	_ = 	snop  }
0x15b: {  	[tilespmem:s12], [sflag:$0x2] =	stream.indirect_vreg.gather [hbm4b:s11+s1], $0x80, v3, vm1, $0xb8;
	[tilespmem:$0x1E200] =	vst v63  }
0x15c: {  	_ =	swait.ge [sflag:s21], $0xF000  }
0x15d: {  	[sflag:s21] =	ssyncset.done $0x0  }
0x15e: {  	[sflag:s21] =	ssyncadd.s32 $0xFFFF1000  }
0x15f: {  	s23 =	smul.u32 $0x180, s23;
	_ =	swait.ge [sflag:s22], $0xF000  }
0x160: {  	[sflag:s22] =	ssyncset.done $0x0  }
0x161: {  	s14 =	sadd.s32 s7, s23;
	[sflag:s22] =	ssyncadd.s32 $0xFFFF1000  }
0x162: {  	[hbm4b:s14+s1] =	stream.linear.scatter [tilespmem:s15], [sflag:$0x3], $0xF000, $0x38;
	[tilespmem:$0x1E200] =	vst v63  }
0x163: {  	_ =	swait.ge [sflag:s13], $0xF000  }
0x164: {  	p1 =	por p0, p0;
	[sflag:s13] =	ssyncset.done $0x0  }
.Ltmp0:
0x165: {  	s23 =	sadd.s32 s8, s23;
	[sflag:s13] =	ssyncadd.s32 $0xFFFF1000;
	(pc) =	sbr.rel @p1 .LBB2_2-.Ltmp0, $4  }
0x166: {  	[hbm4b:s23+s1] =	stream.linear.scatter [tilespmem:s17], [sflag:$0x3], $0xF000, $0x38;
	[tilespmem:$0x1E200] =	vst v63  }
0x167: {  	_ =	swait.ge [sflag:s13], $0xF000  }
0x168: {  	[sflag:s13] =	ssyncset.done $0x0  }
0x169: {  	p0 =	por $0x0, $0x0;
	s23 =	simm.s32 $0xA0;
	[sflag:s13] =	ssyncadd.s32 $0xFFFF1000  }
0x16a: {  	s0 =	rddreg [dreg:$0x3]  }
0x16b: {  	s23 =	rddreg [dreg:$0x2];
	s0 =	sadd.s32 $0x1, s0  }
0x16c: {  	p0 =	sne.s32 s0, s23  }
.Ltmp1:
0x16d: {  	_ = 	snop;
	(pc) =	sbr.rel @p0 .LBB2_1-.Ltmp1, $1  }
0x16e: {  	_ =	sdelay $0x3  }
0x16f: {  	_ =	sfence.sel $0x180000  }
0x170: {  	[bflag:$0x0] =	sbarrier.arrive $0xFFFF  }
0x171: {  	_ =	strace $0x90000053  }
0x172: {  	s0 =	stileid.u32;
	[bflag:$0x2] =	sbarrier.arrive $0xFFFF  }
0x173: {  	p0 =	sne.s32 s0, $0x0;
	s0 =	rddreg [dreg:$0x1]  }
0x174: {  	s0 =	sadd.s32 @!p0 $0x100000, s0  }
0x175: {  	[sflag:s0] =	ssyncadd.tile.s32 @!p0 $0x1;
	_ =	shalt  }
.Lfunc_end2:
_tile_overlayer_lowered:
.L_overlay_start_2:
0x176: {  	(tag) =	ssettag $0x2  }
0x177: {  	s0 =	rddreg [dreg:$0x0];
	s2 =	stileid.u32  }
0x178: {  	s1 =	rddreg [dreg:$0x1];
	p0 =	sne.s32 s2, $0x0  }
0x179: {  	s3 =	rddreg [dreg:$0x2];
	[bflag:$0x3] =	sbarrier.arrive $0xFFFF;
	s2 =	simm.s32 @!p0 $0x1C03  }
0x17a: {  	[timem:s3], [sflag:s2] =	dma.local @!p0 [hbm:s0], s1  }
0x17b: {  	s0 =	simm.s32 @!p0 $0x3  }
0x17c: {  	_ =	swait.ge @!p0 [sflag:s0], s1  }
0x17d: {  	s1 =	ssub.s32 @!p0 $0x0, s1;
	[sflag:s0] =	ssyncset.done @!p0 $0x0  }
0x17e: {  	[sflag:s0] =	ssyncadd.s32 @!p0 s1  }
0x17f: {  	[bflag:$0x3] =	sbarrier.arrive $0xFFFF  }
0x180: {  	_ =	shalt  }

</sc_bundles>
